<compile_context>
chip_gen: v7x
topology: tpu7x:2x2x1
jax: 0.10.2.dev20260603
libtpu: 0.0.44.dev20260713+nightly
codegen_flags: <defaults>
</compile_context>

<pallas_src>
import functools

import jax
import jax.numpy as jnp
from jax import lax
from jax.experimental import pallas as pl
from jax.experimental.pallas import tpu as pltpu
from jax.experimental.pallas import tpu_sc as plsc

_N = 10000
_E = 320000
_G = 64

_NC = 2
_NS = 16
_NPAD = 10112
_RPT = _NPAD // _NS
_CHUNK = 128
_NCHUNKS = _E // _CHUNK

_mesh = plsc.VectorSubcoreMesh(core_axis_name="c", subcore_axis_name="s")

_TMAX = 79
_DEG_GRP = 4



_DEGW = 16


@functools.partial(
    pl.kernel,
    out_type=jax.ShapeDtypeStruct((_NC, _NPAD, _DEGW), jnp.float32),
    mesh=_mesh,
    scratch_types=[
        pltpu.VMEM_SHARED((_NPAD, _DEGW), jnp.float32),
        pltpu.VMEM((_CHUNK, _DEGW), jnp.float32),
        pltpu.VMEM((_TMAX, _CHUNK), jnp.int32),
        pltpu.SemaphoreType.DMA,
    ],
    name="gcn_deg",
    compiler_params=pltpu.CompilerParams(use_tc_tiling_on_sc=False),
)
def _deg_sc(dst2d_hbm, ones_hbm, zeros_hbm, out_hbm, acc, ones_v, didx2d, sem):
    c = lax.axis_index("c")
    s = lax.axis_index("s")
    w = c * _NS + s
    r0 = s * _RPT
    z0 = pltpu.async_copy(zeros_hbm.at[pl.ds(r0, _RPT)], acc.at[pl.ds(r0, _RPT)], sem)
    o0 = pltpu.async_copy(ones_hbm, ones_v, sem)
    d0 = pltpu.async_copy(dst2d_hbm.at[pl.ds(78 * w, 78)], didx2d.at[pl.ds(0, 78)], sem)

    @pl.when(w < 4)
    def _():
        pltpu.sync_copy(dst2d_hbm.at[pl.ds(2496 + w, 1)], didx2d.at[pl.ds(78, 1)])

    cnt = jnp.where(w < 4, 79, 78)
    z0.wait()
    o0.wait()
    d0.wait()
    plsc.subcore_barrier()

    def body(grp, carry):
        for b in range(_DEG_GRP):
            t = grp * _DEG_GRP + b

            @pl.when(t < cnt)
            def _():
                pltpu.async_copy(ones_v, acc.at[didx2d.at[t]], sem, add=True)

        for b in range(_DEG_GRP):
            t = grp * _DEG_GRP + b

            @pl.when(t < cnt)
            def _():
                pltpu.make_async_copy(ones_v, acc.at[didx2d.at[0]], sem).wait()

        return carry

    lax.fori_loop(0, -(-_TMAX // _DEG_GRP), body, 0)
    plsc.subcore_barrier()
    pltpu.sync_copy(acc.at[pl.ds(r0, _RPT)], out_hbm.at[c, pl.ds(r0, _RPT)])


def _ring(g_hbm, acc, rows, gsem, ssem, sidx2d, didx2d, cnt, nb):

    def issue_gather(b, t):
        pltpu.async_copy(g_hbm.at[sidx2d.at[t]], rows[b], gsem[b])

    def wait_gather(b):
        pltpu.make_async_copy(g_hbm.at[sidx2d.at[0]], rows[b], gsem[b]).wait()

    def issue_scat(b, t):
        pltpu.async_copy(rows[b], acc.at[didx2d.at[t]], ssem[b], add=True)

    def wait_scat(b):
        pltpu.make_async_copy(rows[b], acc.at[didx2d.at[0]], ssem[b]).wait()

    for b in range(nb):
        issue_gather(b, b)

    def body(grp, carry):
        for b in range(nb):
            t = grp * nb + b

            @pl.when(t < cnt)
            def _():
                wait_gather(b)
                issue_scat(b, t)

        for b in range(nb):
            t = grp * nb + b

            @pl.when(t + nb < cnt)
            def _():
                wait_scat(b)
                issue_gather(b, t + nb)

        return carry

    lax.fori_loop(0, -(-_TMAX // nb), body, 0)
    for b in range(nb):
        wait_scat(b)


def _load_idx_slabs(src2d_hbm, dst2d_hbm, sidx2d, didx2d, w, sem0, sem1):
    base = 78 * w
    c0 = pltpu.async_copy(src2d_hbm.at[pl.ds(base, 78)], sidx2d.at[pl.ds(0, 78)], sem0)
    c1 = pltpu.async_copy(dst2d_hbm.at[pl.ds(base, 78)], didx2d.at[pl.ds(0, 78)], sem1)

    @pl.when(w < 4)
    def _():
        pltpu.sync_copy(src2d_hbm.at[pl.ds(2496 + w, 1)], sidx2d.at[pl.ds(78, 1)])
        pltpu.sync_copy(dst2d_hbm.at[pl.ds(2496 + w, 1)], didx2d.at[pl.ds(78, 1)])

    return jnp.where(w < 4, 79, 78), c0, c1


_NB1 = 8


@functools.partial(
    pl.kernel,
    out_type=jax.ShapeDtypeStruct((_NC, _NPAD, 64), jnp.float32),
    mesh=_mesh,
    scratch_types=(
        [pltpu.VMEM_SHARED((_NPAD, 64), jnp.float32)]
        + [pltpu.VMEM((_CHUNK, 64), jnp.float32) for _ in range(_NB1)]
        + [pltpu.VMEM((_TMAX, _CHUNK), jnp.int32),
           pltpu.VMEM((_TMAX, _CHUNK), jnp.int32)]
        + [pltpu.SemaphoreType.DMA for _ in range(2 * _NB1)]
    ),
    name="gcn_agg_f64",
    compiler_params=pltpu.CompilerParams(use_tc_tiling_on_sc=False),
)
def _agg64(g_hbm, src2d_hbm, dst2d_hbm, zeros_hbm, out_hbm, acc, *sc):
    rows = list(sc[:_NB1])
    sidx2d, didx2d = sc[_NB1], sc[_NB1 + 1]
    gsem = list(sc[_NB1 + 2:2 * _NB1 + 2])
    ssem = list(sc[2 * _NB1 + 2:])
    c = lax.axis_index("c")
    s = lax.axis_index("s")
    r0 = s * _RPT
    z0 = pltpu.async_copy(zeros_hbm.at[pl.ds(r0, _RPT)], acc.at[pl.ds(r0, _RPT)], ssem[0])
    cnt, c0, c1 = _load_idx_slabs(src2d_hbm, dst2d_hbm, sidx2d, didx2d,
                                  c * _NS + s, gsem[0], gsem[1])
    z0.wait()
    c0.wait()
    c1.wait()
    plsc.subcore_barrier()
    _ring(g_hbm, acc, rows, gsem, ssem, sidx2d, didx2d, cnt, _NB1)
    plsc.subcore_barrier()
    pltpu.sync_copy(acc.at[pl.ds(r0, _RPT)], out_hbm.at[c, pl.ds(r0, _RPT)])


_NB2 = 3


@functools.partial(
    pl.kernel,
    out_type=[jax.ShapeDtypeStruct((_NC, _NPAD, 64), jnp.float32),
              jax.ShapeDtypeStruct((_NC, _NPAD, 64), jnp.float32)],
    mesh=_mesh,
    scratch_types=(
        [pltpu.VMEM_SHARED((_NPAD, 64), jnp.float32),
         pltpu.VMEM_SHARED((_NPAD, 64), jnp.float32)]
        + [pltpu.VMEM((_CHUNK, 64), jnp.float32) for _ in range(_NB2)]
        + [pltpu.VMEM((_TMAX, _CHUNK), jnp.int32),
           pltpu.VMEM((_TMAX, _CHUNK), jnp.int32)]
        + [pltpu.SemaphoreType.DMA for _ in range(2 * _NB2)]
    ),
    name="gcn_agg_l1",
    compiler_params=pltpu.CompilerParams(use_tc_tiling_on_sc=False),
)
def _agg_l1(gl_hbm, gr_hbm, src2d_hbm, dst2d_hbm, zeros_hbm,
            outl_hbm, outr_hbm, accl, accr, *sc):
    rows = list(sc[:_NB2])
    sidx2d, didx2d = sc[_NB2], sc[_NB2 + 1]
    gsem = list(sc[_NB2 + 2:2 * _NB2 + 2])
    ssem = list(sc[2 * _NB2 + 2:])
    c = lax.axis_index("c")
    s = lax.axis_index("s")
    r0 = s * _RPT
    z0 = pltpu.async_copy(zeros_hbm.at[pl.ds(r0, _RPT)], accl.at[pl.ds(r0, _RPT)], ssem[0])
    z1 = pltpu.async_copy(zeros_hbm.at[pl.ds(r0, _RPT)], accr.at[pl.ds(r0, _RPT)], ssem[1])
    cnt, c0, c1 = _load_idx_slabs(src2d_hbm, dst2d_hbm, sidx2d, didx2d,
                                  c * _NS + s, gsem[0], gsem[1])
    z0.wait()
    z1.wait()
    c0.wait()
    c1.wait()
    plsc.subcore_barrier()
    _ring(gl_hbm, accl, rows, gsem, ssem, sidx2d, didx2d, cnt, _NB2)
    _ring(gr_hbm, accr, rows, gsem, ssem, sidx2d, didx2d, cnt, _NB2)
    plsc.subcore_barrier()
    w0 = pltpu.async_copy(accl.at[pl.ds(r0, _RPT)], outl_hbm.at[c, pl.ds(r0, _RPT)], gsem[0])
    w1 = pltpu.async_copy(accr.at[pl.ds(r0, _RPT)], outr_hbm.at[c, pl.ds(r0, _RPT)], gsem[1])
    w0.wait()
    w1.wait()



_BR = 2000
_DBR = 1000


def _b1_body(x_ref, w_ref, d0_ref, d1_ref, gl_ref, gr_ref, dinv_ref):
    deg = d0_ref[0, :, 0:1] + d1_ref[0, :, 0:1] + 1.0
    dinv = lax.rsqrt(deg)
    h = jnp.dot(x_ref[...], w_ref[...], preferred_element_type=jnp.float32)
    g = h * dinv
    gl_ref[...] = g[:, :64]
    gr_ref[...] = g[:, 64:]
    dinv_ref[...] = dinv


def _b1(x, w1, degp):
    nb = _N // _BR
    row = pl.BlockSpec((_BR, 64), lambda i: (i, 0))
    dcol = pl.BlockSpec((1, _BR, _DEGW), lambda i: (0, i, 0))
    dcol1 = pl.BlockSpec((1, _BR, _DEGW), lambda i: (1, i, 0))
    return pl.pallas_call(
        _b1_body,
        grid=(nb,),
        in_specs=[
            pl.BlockSpec((_BR, 128), lambda i: (i, 0)),
            pl.BlockSpec((128, 128), lambda i: (0, 0)),
            dcol, dcol1,
        ],
        out_specs=[
            row, row,
            pl.BlockSpec((_BR, 1), lambda i: (i, 0)),
        ],
        out_shape=[
            jax.ShapeDtypeStruct((_N, 64), jnp.float32),
            jax.ShapeDtypeStruct((_N, 64), jnp.float32),
            jax.ShapeDtypeStruct((_N, 1), jnp.float32),
        ],
    )(x, w1, degp, degp)


def _b2_body(a0l_ref, a1l_ref, a0r_ref, a1r_ref, gl_ref, gr_ref, dinv_ref,
             bl_ref, br_ref, wl_ref, wr_ref, out_ref):
    dinv = dinv_ref[...]
    hl = jnp.maximum((a0l_ref[0] + a1l_ref[0] + gl_ref[...]) * dinv + bl_ref[...], 0.0)
    hr = jnp.maximum((a0r_ref[0] + a1r_ref[0] + gr_ref[...]) * dinv + br_ref[...], 0.0)
    h = (jnp.dot(hl, wl_ref[...], preferred_element_type=jnp.float32)
         + jnp.dot(hr, wr_ref[...], preferred_element_type=jnp.float32))
    out_ref[...] = h * dinv


def _b2(a1l, a1r, gl, gr, dinv, b1v, w2):
    nb = _N // _BR
    row = pl.BlockSpec((_BR, 64), lambda i: (i, 0))
    p0 = pl.BlockSpec((1, _BR, 64), lambda i: (0, i, 0))
    p1 = pl.BlockSpec((1, _BR, 64), lambda i: (1, i, 0))
    return pl.pallas_call(
        _b2_body,
        grid=(nb,),
        in_specs=[
            p0, p1, p0, p1, row, row,
            pl.BlockSpec((_BR, 1), lambda i: (i, 0)),
            pl.BlockSpec((1, 64), lambda i: (0, 0)),
            pl.BlockSpec((1, 64), lambda i: (0, 0)),
            pl.BlockSpec((64, 64), lambda i: (0, 0)),
            pl.BlockSpec((64, 64), lambda i: (0, 0)),
        ],
        out_specs=row,
        out_shape=jax.ShapeDtypeStruct((_N, 64), jnp.float32),
    )(a1l, a1l, a1r, a1r, gl, gr, dinv,
      b1v[:64].reshape(1, 64), b1v[64:].reshape(1, 64),
      w2[:64], w2[64:])


def _b3_body(a0_ref, a1_ref, g_ref, dinv_ref, b_ref, w_ref, out_ref):
    pre = (a0_ref[0] + a1_ref[0] + g_ref[...]) * dinv_ref[...] + b_ref[...]
    h = jnp.maximum(pre, 0.0)
    out_ref[...] = jnp.dot(h, w_ref[...], preferred_element_type=jnp.float32) * dinv_ref[...]


def _b3(a2, g, dinv, b, w):
    nb = _N // _BR
    row = pl.BlockSpec((_BR, 64), lambda i: (i, 0))
    p0 = pl.BlockSpec((1, _BR, 64), lambda i: (0, i, 0))
    p1 = pl.BlockSpec((1, _BR, 64), lambda i: (1, i, 0))
    return pl.pallas_call(
        _b3_body,
        grid=(nb,),
        in_specs=[
            p0, p1, row,
            pl.BlockSpec((_BR, 1), lambda i: (i, 0)),
            pl.BlockSpec((1, 64), lambda i: (0, 0)),
            pl.BlockSpec((64, 64), lambda i: (0, 0)),
        ],
        out_specs=row,
        out_shape=jax.ShapeDtypeStruct((_N, 64), jnp.float32),
    )(a2, a2, g, dinv, b, w)


def _pool_body(a0_ref, a1_ref, g_ref, dinv_ref, b_ref, batch_ref, wf_ref, bf_ref,
               out_ref, sums, cnt):
    i = pl.program_id(0)
    nb = pl.num_programs(0)
    h = (a0_ref[0] + a1_ref[0] + g_ref[...]) * dinv_ref[...] + b_ref[...]
    m = (batch_ref[...] == lax.broadcasted_iota(jnp.int32, (_DBR, _G), 1)
         ).astype(jnp.float32)
    ssum = lax.dot_general(m, h, (((0,), (0,)), ((), ())),
                           preferred_element_type=jnp.float32)
    csum = lax.dot_general(m, jnp.ones((_DBR, 1), jnp.float32),
                           (((0,), (0,)), ((), ())),
                           preferred_element_type=jnp.float32)

    @pl.when(i == 0)
    def _():
        sums[...] = jnp.zeros_like(sums)
        cnt[...] = jnp.zeros_like(cnt)

    sums[...] += ssum
    cnt[...] += csum

    @pl.when(i == nb - 1)
    def _():
        pooled = sums[...] / jnp.maximum(cnt[...], 1.0)
        sg = jax.nn.sigmoid(pooled)
        out_ref[...] = jnp.dot(sg, wf_ref[...],
                               preferred_element_type=jnp.float32) + bf_ref[...]


def _pool(a3, g, dinv, b, batch2d, wf, bf2d):
    nb = _N // _DBR
    return pl.pallas_call(
        _pool_body,
        grid=(nb,),
        in_specs=[
            pl.BlockSpec((1, _DBR, 64), lambda i: (0, i, 0)),
            pl.BlockSpec((1, _DBR, 64), lambda i: (1, i, 0)),
            pl.BlockSpec((_DBR, 64), lambda i: (i, 0)),
            pl.BlockSpec((_DBR, 1), lambda i: (i, 0)),
            pl.BlockSpec((1, 64), lambda i: (0, 0)),
            pl.BlockSpec((_DBR, 1), lambda i: (i, 0)),
            pl.BlockSpec((64, 1), lambda i: (0, 0)),
            pl.BlockSpec((1, 1), lambda i: (0, 0)),
        ],
        out_specs=pl.BlockSpec((_G, 1), lambda i: (0, 0)),
        out_shape=jax.ShapeDtypeStruct((_G, 1), jnp.float32),
        scratch_shapes=[
            pltpu.VMEM((_G, 64), jnp.float32),
            pltpu.VMEM((_G, 1), jnp.float32),
        ],
    )(a3, a3, g, dinv, b, batch2d, wf, bf2d)



def kernel(x, edge_index, batch, W1, b1, W2, b2, W3, b3, Wf, bf):
    src2d = edge_index[0].reshape(_NCHUNKS, _CHUNK)
    dst2d = edge_index[1].reshape(_NCHUNKS, _CHUNK)

    zeros64 = jnp.zeros((_NPAD, 64), jnp.float32)
    zerosw = jnp.zeros((_NPAD, _DEGW), jnp.float32)
    ones_chunk = jnp.ones((_CHUNK, _DEGW), jnp.float32)

    degp = _deg_sc(dst2d, ones_chunk, zerosw)
    gl, gr, dinv = _b1(x, W1, degp)
    a1l, a1r = _agg_l1(gl, gr, src2d, dst2d, zeros64)
    g2 = _b2(a1l, a1r, gl, gr, dinv, b1, W2)
    a2 = _agg64(g2, src2d, dst2d, zeros64)
    g3 = _b3(a2, g2, dinv, b2.reshape(1, 64), W3)
    a3 = _agg64(g3, src2d, dst2d, zeros64)
    out = _pool(a3, g3, dinv, b3.reshape(1, 64),
                batch.reshape(_N, 1), Wf, bf.reshape(1, 1))
    return out

# --- scband reference (transcript-rebuilt; emitter-appended) ---
"""Pipeline reference for scband-gcn-10642928959813 (READ-ONLY COPY).

The authoritative reference and input builder live on the scoring server;
editing this copy changes nothing except your own understanding.
"""

import jax, jax.numpy as jnp
import numpy as np

N = 10000
E = 320000
F_IN = 128
H = 128
G = 64


def _glorot(key, shape):
    fan_in, fan_out = shape[0], shape[1]
    lim = np.sqrt(6.0 / (fan_in + fan_out))
    return jax.random.uniform(key, shape, jnp.float32, -lim, lim)


def setup_inputs(seed: int = 0) -> dict:
    key = jax.random.key(seed)
    ks = jax.random.split(key, 12)
    x = jax.random.normal(ks[0], (N, F_IN), jnp.float32)
    edge_index = jax.random.randint(ks[1], (2, E), 0, N, jnp.int32)
    batch = jnp.sort(jax.random.randint(ks[2], (N,), 0, G, jnp.int32))
    W1 = _glorot(ks[3], (F_IN, H))
    b1 = jnp.zeros((H,), jnp.float32)
    W2 = _glorot(ks[4], (H, H // 2))
    b2 = jnp.zeros((H // 2,), jnp.float32)
    W3 = _glorot(ks[5], (H // 2, H // 2))
    b3 = jnp.zeros((H // 2,), jnp.float32)
    Wf = _glorot(ks[6], (H // 2, 1))
    bf = jnp.zeros((1,), jnp.float32)
    return {"x": x, "edge_index": edge_index, "batch": batch,
            "W1": W1, "b1": b1, "W2": W2, "b2": b2,
            "W3": W3, "b3": b3, "Wf": Wf, "bf": bf}


def _gcn_conv(x, src, dst, W, b, n_nodes):
    # PyG GCNConv: add self-loops, symmetric normalization, scatter-add aggregate
    loop = jnp.arange(n_nodes, dtype=src.dtype)
    s = jnp.concatenate([src, loop])
    d = jnp.concatenate([dst, loop])
    ew = jnp.ones(s.shape[0], x.dtype)
    deg = jnp.zeros((n_nodes,), x.dtype).at[d].add(ew)
    dinv = jnp.where(deg > 0, jax.lax.rsqrt(deg), 0.0)
    norm = dinv[s] * dinv[d]
    h = x @ W
    msg = h[s] * norm[:, None]
    out = jnp.zeros((n_nodes, h.shape[1]), x.dtype).at[d].add(msg)
    return out + b


def reference(x, edge_index, batch, W1, b1, W2, b2, W3, b3, Wf, bf):
    src = edge_index[0]
    dst = edge_index[1]
    h = _gcn_conv(x, src, dst, W1, b1, N)
    h = jax.nn.relu(h)
    h = _gcn_conv(h, src, dst, W2, b2, N)
    h = jax.nn.relu(h)
    h = _gcn_conv(h, src, dst, W3, b3, N)
    # global_mean_pool over batch ids
    sums = jax.ops.segment_sum(h, batch, num_segments=G)
    cnt = jax.ops.segment_sum(jnp.ones((N,), h.dtype), batch, num_segments=G)
    pooled = sums / jnp.clip(cnt, 1.0)[:, None]
    # dropout in eval mode is identity
    s = jax.nn.sigmoid(pooled)
    out = s @ Wf + bf
    return out

if __name__ == "__main__":
    import jax
    _d = setup_inputs()
    print(jax.jit(kernel)(*tuple(_d.values())))

</pallas_src>

<mosaic_0001>
#map = affine_map<(d0, d1) -> (0, 0)>
#map1 = affine_map<(d0, d1) -> (0, 0, 0)>
module attributes {stable_mosaic.version = 14 : i64} {
  func.func @gcn_deg(%arg0: i32, %arg1: i32, %arg2: memref<2500x128xi32, #tpu.memory_space<hbm>>, %arg3: memref<128x16xf32, #tpu.memory_space<hbm>>, %arg4: memref<10112x16xf32, #tpu.memory_space<hbm>>, %arg5: memref<2x10112x16xf32, #tpu.memory_space<hbm>>, %arg6: memref<10112x16xf32, #tpu.memory_space<vmem_shared>>, %arg7: memref<128x16xf32, #tpu.memory_space<vmem>>, %arg8: memref<79x128xi32, #tpu.memory_space<vmem>>, %arg9: memref<!tpu.dma_semaphore, #tpu.memory_space<semaphore_mem>>) attributes {dimension_semantics = [#tpu.dimension_semantics<core_parallel>, #tpu.dimension_semantics<subcore_parallel>], iteration_bounds = array<i64: 2, 16>, scalar_prefetch = 0 : i64, scratch_operands = 4 : i64, tpu.core_type = #tpu.core_type<sc_vector_subcore>, window_params = [{transform_indices = #map}, {transform_indices = #map}, {transform_indices = #map}, {transform_indices = #map1}]} {
    %mul3A = arith.constant 16 : i32
    %mul3A_0 = arith.muli %arg0, %mul3A : i32
    %add3A = arith.addi %mul3A_0, %arg1 : i32
    %mul3A_1 = arith.constant 632 : i32
    %mul3A_2 = arith.muli %arg1, %mul3A_1 : i32
    %dma_start3A = arith.constant 0 : i32
    %dma_start3A_3 = tpu.memref_slice %arg6[%mul3A_2, %dma_start3A] : memref<10112x16xf32, #tpu.memory_space<vmem_shared>> -> memref<632x16xf32, #tpu.memory_space<vmem_shared>>
    %dma_start3A_4 = arith.constant 0 : i32
    %dma_start3A_5 = tpu.memref_slice %arg4[%mul3A_2, %dma_start3A_4] : memref<10112x16xf32, #tpu.memory_space<hbm>> -> memref<632x16xf32, #tpu.memory_space<hbm>>
    tpu.enqueue_dma source(%dma_start3A_5 : memref<632x16xf32, #tpu.memory_space<hbm>>) target(%dma_start3A_3 : memref<632x16xf32, #tpu.memory_space<vmem_shared>>) target_semaphore(%arg9 : memref<!tpu.dma_semaphore, #tpu.memory_space<semaphore_mem>>)
    tpu.enqueue_dma source(%arg3 : memref<128x16xf32, #tpu.memory_space<hbm>>) target(%arg7 : memref<128x16xf32, #tpu.memory_space<vmem>>) target_semaphore(%arg9 : memref<!tpu.dma_semaphore, #tpu.memory_space<semaphore_mem>>)
    %mul3A_6 = arith.constant 78 : i32
    %mul3A_7 = arith.muli %mul3A_6, %add3A : i32
    %dma_start3A_8 = arith.constant 0 : i32
    %dma_start3A_9 = arith.constant 0 : i32
    %dma_start3A_10 = tpu.memref_slice %arg8[%dma_start3A_8, %dma_start3A_9] : memref<79x128xi32, #tpu.memory_space<vmem>> -> memref<78x128xi32, #tpu.memory_space<vmem>>
    %dma_start3A_11 = arith.constant 0 : i32
    %dma_start3A_12 = tpu.memref_slice %arg2[%mul3A_7, %dma_start3A_11] : memref<2500x128xi32, #tpu.memory_space<hbm>> -> memref<78x128xi32, #tpu.memory_space<hbm>>
    %dma_start3A_13 = arith.constant 0 : i32
    %dma_start3A_14 = arith.constant 0 : i32
    %dma_start3A_15 = tpu.memref_slice %arg8[%dma_start3A_13, %dma_start3A_14] : memref<79x128xi32, #tpu.memory_space<vmem>> -> memref<78x128xi32, #tpu.memory_space<vmem>>
    %dma_start3A_16 = arith.constant 0 : i32
    %dma_start3A_17 = tpu.memref_slice %arg2[%mul3A_7, %dma_start3A_16] : memref<2500x128xi32, #tpu.memory_space<hbm>> -> memref<78x128xi32, #tpu.memory_space<hbm>>
    tpu.enqueue_dma source(%dma_start3A_17 : memref<78x128xi32, #tpu.memory_space<hbm>>) target(%dma_start3A_15 : memref<78x128xi32, #tpu.memory_space<vmem>>) target_semaphore(%arg9 : memref<!tpu.dma_semaphore, #tpu.memory_space<semaphore_mem>>)
    %lt3A = arith.constant 4 : i32
    %lt3A_18 = arith.cmpi slt, %add3A, %lt3A : i32
    %convert_element_type3A = arith.extui %lt3A_18 : i1 to i32
    %cond3A = arith.constant 0 : i32
    %cond3A_19 = arith.cmpi ne, %convert_element_type3A, %cond3A : i32
    scf.if %cond3A_19 {
      %add3A_42 = arith.constant 2496 : i32
      %add3A_43 = arith.addi %add3A_42, %add3A : i32
      "tpu.region"() ({
        %run_scoped3A = tpu.sem_alloc : memref<!tpu.dma_semaphore, #tpu.memory_space<semaphore_mem>>
        %dma_start3A_44 = arith.constant 78 : i32
        %dma_start3A_45 = arith.constant 0 : i32
        %dma_start3A_46 = tpu.memref_slice %arg8[%dma_start3A_44, %dma_start3A_45] : memref<79x128xi32, #tpu.memory_space<vmem>> -> memref<1x128xi32, #tpu.memory_space<vmem>>
        %dma_start3A_47 = arith.constant 0 : i32
        %dma_start3A_48 = tpu.memref_slice %arg2[%add3A_43, %dma_start3A_47] : memref<2500x128xi32, #tpu.memory_space<hbm>> -> memref<1x128xi32, #tpu.memory_space<hbm>>
        %dma_start3A_49 = arith.constant 78 : i32
        %dma_start3A_50 = arith.constant 0 : i32
        %dma_start3A_51 = tpu.memref_slice %arg8[%dma_start3A_49, %dma_start3A_50] : memref<79x128xi32, #tpu.memory_space<vmem>> -> memref<1x128xi32, #tpu.memory_space<vmem>>
        %dma_start3A_52 = arith.constant 0 : i32
        %dma_start3A_53 = tpu.memref_slice %arg2[%add3A_43, %dma_start3A_52] : memref<2500x128xi32, #tpu.memory_space<hbm>> -> memref<1x128xi32, #tpu.memory_space<hbm>>
        tpu.enqueue_dma source(%dma_start3A_53 : memref<1x128xi32, #tpu.memory_space<hbm>>) target(%dma_start3A_51 : memref<1x128xi32, #tpu.memory_space<vmem>>) target_semaphore(%run_scoped3A : memref<!tpu.dma_semaphore, #tpu.memory_space<semaphore_mem>>)
        %dma_wait3A_54 = arith.constant 78 : i32
        %dma_wait3A_55 = arith.constant 0 : i32
        %dma_wait3A_56 = tpu.memref_slice %arg8[%dma_wait3A_54, %dma_wait3A_55] : memref<79x128xi32, #tpu.memory_space<vmem>> -> memref<1x128xi32, #tpu.memory_space<vmem>>
        %dma_wait3A_57 = arith.constant 0 : i32
        %dma_wait3A_58 = tpu.memref_slice %arg2[%add3A_43, %dma_wait3A_57] : memref<2500x128xi32, #tpu.memory_space<hbm>> -> memref<1x128xi32, #tpu.memory_space<hbm>>
        %dma_wait3A_59 = arith.constant 78 : i32
        %dma_wait3A_60 = arith.constant 0 : i32
        %dma_wait3A_61 = tpu.memref_slice %arg8[%dma_wait3A_59, %dma_wait3A_60] : memref<79x128xi32, #tpu.memory_space<vmem>> -> memref<1x128xi32, #tpu.memory_space<vmem>>
        %dma_wait3A_62 = arith.constant 0 : i32
        %dma_wait3A_63 = tpu.memref_slice %arg2[%add3A_43, %dma_wait3A_62] : memref<2500x128xi32, #tpu.memory_space<hbm>> -> memref<1x128xi32, #tpu.memory_space<hbm>>
        tpu.wait_dma2 semaphore(%run_scoped3A : memref<!tpu.dma_semaphore, #tpu.memory_space<semaphore_mem>>) src(%dma_wait3A_63 : memref<1x128xi32, #tpu.memory_space<hbm>>) dst(%dma_wait3A_61 : memref<1x128xi32, #tpu.memory_space<vmem>>)
        tpu.yield
      }) : () -> ()
    } else {
    }
    %lt3A_20 = arith.constant 4 : i32
    %lt3A_21 = arith.cmpi slt, %add3A, %lt3A_20 : i32
    %jit3A = arith.constant 79 : i32
    %jit3A_22 = arith.constant 78 : i32
    %select_n3A = arith.select %lt3A_21, %jit3A, %jit3A_22 : i32
    %dma_wait3A = arith.constant 0 : i32
    %dma_wait3A_23 = tpu.memref_slice %arg6[%mul3A_2, %dma_wait3A] : memref<10112x16xf32, #tpu.memory_space<vmem_shared>> -> memref<632x16xf32, #tpu.memory_space<vmem_shared>>
    %dma_wait3A_24 = arith.constant 0 : i32
    %dma_wait3A_25 = tpu.memref_slice %arg4[%mul3A_2, %dma_wait3A_24] : memref<10112x16xf32, #tpu.memory_space<hbm>> -> memref<632x16xf32, #tpu.memory_space<hbm>>
    tpu.wait_dma2 semaphore(%arg9 : memref<!tpu.dma_semaphore, #tpu.memory_space<semaphore_mem>>) src(%dma_wait3A_25 : memref<632x16xf32, #tpu.memory_space<hbm>>) dst(%dma_wait3A_23 : memref<632x16xf32, #tpu.memory_space<vmem_shared>>)
    tpu.wait_dma2 semaphore(%arg9 : memref<!tpu.dma_semaphore, #tpu.memory_space<semaphore_mem>>) src(%arg3 : memref<128x16xf32, #tpu.memory_space<hbm>>) dst(%arg7 : memref<128x16xf32, #tpu.memory_space<vmem>>)
    %dma_wait3A_26 = arith.constant 0 : i32
    %dma_wait3A_27 = arith.constant 0 : i32
    %dma_wait3A_28 = tpu.memref_slice %arg8[%dma_wait3A_26, %dma_wait3A_27] : memref<79x128xi32, #tpu.memory_space<vmem>> -> memref<78x128xi32, #tpu.memory_space<vmem>>
    %dma_wait3A_29 = arith.constant 0 : i32
    %dma_wait3A_30 = tpu.memref_slice %arg2[%mul3A_7, %dma_wait3A_29] : memref<2500x128xi32, #tpu.memory_space<hbm>> -> memref<78x128xi32, #tpu.memory_space<hbm>>
    %dma_wait3A_31 = arith.constant 0 : i32
    %dma_wait3A_32 = arith.constant 0 : i32
    %dma_wait3A_33 = tpu.memref_slice %arg8[%dma_wait3A_31, %dma_wait3A_32] : memref<79x128xi32, #tpu.memory_space<vmem>> -> memref<78x128xi32, #tpu.memory_space<vmem>>
    %dma_wait3A_34 = arith.constant 0 : i32
    %dma_wait3A_35 = tpu.memref_slice %arg2[%mul3A_7, %dma_wait3A_34] : memref<2500x128xi32, #tpu.memory_space<hbm>> -> memref<78x128xi32, #tpu.memory_space<hbm>>
    tpu.wait_dma2 semaphore(%arg9 : memref<!tpu.dma_semaphore, #tpu.memory_space<semaphore_mem>>) src(%dma_wait3A_35 : memref<78x128xi32, #tpu.memory_space<hbm>>) dst(%dma_wait3A_33 : memref<78x128xi32, #tpu.memory_space<vmem>>)
    %barrier3A = arith.constant 0 : index
    tpu.barrier barrier_id(%barrier3A)
    %scan3A = arith.constant 0 : i32
    %scan3A_36 = arith.constant 0 : i32
    %scan3A_37 = arith.constant 20 : i32
    %scan3A_38 = arith.addi %scan3A_36, %scan3A_37 : i32
    %scan3A_39 = arith.constant 1 : i32
    scf.for %scan3A_42 = %scan3A_36 to %scan3A_38 step %scan3A_39  : i32 {
      %mul3A_43 = arith.constant 4 : i32
      %mul3A_44 = arith.muli %scan3A_42, %mul3A_43 : i32
      %add3A_45 = arith.constant 0 : i32
      %add3A_46 = arith.addi %mul3A_44, %add3A_45 : i32
      %lt3A_47 = arith.cmpi slt, %add3A_46, %select_n3A : i32
      %convert_element_type3A_48 = arith.extui %lt3A_47 : i1 to i32
      %cond3A_49 = arith.constant 0 : i32
      %cond3A_50 = arith.cmpi ne, %convert_element_type3A_48, %cond3A_49 : i32
      scf.if %cond3A_50 {
        %dma_start3A_107 = arith.constant 0 : i32
        %dma_start3A_108 = tpu.memref_slice %arg8[%add3A_46, %dma_start3A_107] : memref<79x128xi32, #tpu.memory_space<vmem>> -> memref<1x128xi32, #tpu.memory_space<vmem>>
        %dma_start3A_109 = tpu.memref_squeeze %dma_start3A_108 : memref<1x128xi32, #tpu.memory_space<vmem>> -> memref<128xi32, #tpu.memory_space<vmem>>
        %dma_start3A_110 = arith.constant 0 : i32
        %dma_start3A_111 = arith.constant 0 : i32
        %dma_start3A_112 = tpu.memref_slice %arg6[%dma_start3A_110, %dma_start3A_111] : memref<10112x16xf32, #tpu.memory_space<vmem_shared>> -> memref<10112x16xf32, #tpu.memory_space<vmem_shared>>
        tpu.enqueue_indirect_dma source(%arg7 : memref<128x16xf32, #tpu.memory_space<vmem>>) target(%dma_start3A_112 : memref<10112x16xf32, #tpu.memory_space<vmem_shared>>) offsets(%dma_start3A_109 : memref<128xi32, #tpu.memory_space<vmem>>) semaphore(%arg9 : memref<!tpu.dma_semaphore, #tpu.memory_space<semaphore_mem>>) {add = true}
      } else {
      }
      %mul3A_51 = arith.constant 4 : i32
      %mul3A_52 = arith.muli %scan3A_42, %mul3A_51 : i32
      %add3A_53 = arith.constant 1 : i32
      %add3A_54 = arith.addi %mul3A_52, %add3A_53 : i32
      %lt3A_55 = arith.cmpi slt, %add3A_54, %select_n3A : i32
      %convert_element_type3A_56 = arith.extui %lt3A_55 : i1 to i32
      %cond3A_57 = arith.constant 0 : i32
      %cond3A_58 = arith.cmpi ne, %convert_element_type3A_56, %cond3A_57 : i32
      scf.if %cond3A_58 {
        %dma_start3A_107 = arith.constant 0 : i32
        %dma_start3A_108 = tpu.memref_slice %arg8[%add3A_54, %dma_start3A_107] : memref<79x128xi32, #tpu.memory_space<vmem>> -> memref<1x128xi32, #tpu.memory_space<vmem>>
        %dma_start3A_109 = tpu.memref_squeeze %dma_start3A_108 : memref<1x128xi32, #tpu.memory_space<vmem>> -> memref<128xi32, #tpu.memory_space<vmem>>
        %dma_start3A_110 = arith.constant 0 : i32
        %dma_start3A_111 = arith.constant 0 : i32
        %dma_start3A_112 = tpu.memref_slice %arg6[%dma_start3A_110, %dma_start3A_111] : memref<10112x16xf32, #tpu.memory_space<vmem_shared>> -> memref<10112x16xf32, #tpu.memory_space<vmem_shared>>
        tpu.enqueue_indirect_dma source(%arg7 : memref<128x16xf32, #tpu.memory_space<vmem>>) target(%dma_start3A_112 : memref<10112x16xf32, #tpu.memory_space<vmem_shared>>) offsets(%dma_start3A_109 : memref<128xi32, #tpu.memory_space<vmem>>) semaphore(%arg9 : memref<!tpu.dma_semaphore, #tpu.memory_space<semaphore_mem>>) {add = true}
      } else {
      }
      %mul3A_59 = arith.constant 4 : i32
      %mul3A_60 = arith.muli %scan3A_42, %mul3A_59 : i32
      %add3A_61 = arith.constant 2 : i32
      %add3A_62 = arith.addi %mul3A_60, %add3A_61 : i32
      %lt3A_63 = arith.cmpi slt, %add3A_62, %select_n3A : i32
      %convert_element_type3A_64 = arith.extui %lt3A_63 : i1 to i32
      %cond3A_65 = arith.constant 0 : i32
      %cond3A_66 = arith.cmpi ne, %convert_element_type3A_64, %cond3A_65 : i32
      scf.if %cond3A_66 {
        %dma_start3A_107 = arith.constant 0 : i32
        %dma_start3A_108 = tpu.memref_slice %arg8[%add3A_62, %dma_start3A_107] : memref<79x128xi32, #tpu.memory_space<vmem>> -> memref<1x128xi32, #tpu.memory_space<vmem>>
        %dma_start3A_109 = tpu.memref_squeeze %dma_start3A_108 : memref<1x128xi32, #tpu.memory_space<vmem>> -> memref<128xi32, #tpu.memory_space<vmem>>
        %dma_start3A_110 = arith.constant 0 : i32
        %dma_start3A_111 = arith.constant 0 : i32
        %dma_start3A_112 = tpu.memref_slice %arg6[%dma_start3A_110, %dma_start3A_111] : memref<10112x16xf32, #tpu.memory_space<vmem_shared>> -> memref<10112x16xf32, #tpu.memory_space<vmem_shared>>
        tpu.enqueue_indirect_dma source(%arg7 : memref<128x16xf32, #tpu.memory_space<vmem>>) target(%dma_start3A_112 : memref<10112x16xf32, #tpu.memory_space<vmem_shared>>) offsets(%dma_start3A_109 : memref<128xi32, #tpu.memory_space<vmem>>) semaphore(%arg9 : memref<!tpu.dma_semaphore, #tpu.memory_space<semaphore_mem>>) {add = true}
      } else {
      }
      %mul3A_67 = arith.constant 4 : i32
      %mul3A_68 = arith.muli %scan3A_42, %mul3A_67 : i32
      %add3A_69 = arith.constant 3 : i32
      %add3A_70 = arith.addi %mul3A_68, %add3A_69 : i32
      %lt3A_71 = arith.cmpi slt, %add3A_70, %select_n3A : i32
      %convert_element_type3A_72 = arith.extui %lt3A_71 : i1 to i32
      %cond3A_73 = arith.constant 0 : i32
      %cond3A_74 = arith.cmpi ne, %convert_element_type3A_72, %cond3A_73 : i32
      scf.if %cond3A_74 {
        %dma_start3A_107 = arith.constant 0 : i32
        %dma_start3A_108 = tpu.memref_slice %arg8[%add3A_70, %dma_start3A_107] : memref<79x128xi32, #tpu.memory_space<vmem>> -> memref<1x128xi32, #tpu.memory_space<vmem>>
        %dma_start3A_109 = tpu.memref_squeeze %dma_start3A_108 : memref<1x128xi32, #tpu.memory_space<vmem>> -> memref<128xi32, #tpu.memory_space<vmem>>
        %dma_start3A_110 = arith.constant 0 : i32
        %dma_start3A_111 = arith.constant 0 : i32
        %dma_start3A_112 = tpu.memref_slice %arg6[%dma_start3A_110, %dma_start3A_111] : memref<10112x16xf32, #tpu.memory_space<vmem_shared>> -> memref<10112x16xf32, #tpu.memory_space<vmem_shared>>
        tpu.enqueue_indirect_dma source(%arg7 : memref<128x16xf32, #tpu.memory_space<vmem>>) target(%dma_start3A_112 : memref<10112x16xf32, #tpu.memory_space<vmem_shared>>) offsets(%dma_start3A_109 : memref<128xi32, #tpu.memory_space<vmem>>) semaphore(%arg9 : memref<!tpu.dma_semaphore, #tpu.memory_space<semaphore_mem>>) {add = true}
      } else {
      }
      %mul3A_75 = arith.constant 4 : i32
      %mul3A_76 = arith.muli %scan3A_42, %mul3A_75 : i32
      %add3A_77 = arith.constant 0 : i32
      %add3A_78 = arith.addi %mul3A_76, %add3A_77 : i32
      %lt3A_79 = arith.cmpi slt, %add3A_78, %select_n3A : i32
      %convert_element_type3A_80 = arith.extui %lt3A_79 : i1 to i32
      %cond3A_81 = arith.constant 0 : i32
      %cond3A_82 = arith.cmpi ne, %convert_element_type3A_80, %cond3A_81 : i32
      scf.if %cond3A_82 {
        %dma_wait3A_107 = arith.constant 0 : i32
        %dma_wait3A_108 = arith.constant 0 : i32
        %dma_wait3A_109 = tpu.memref_slice %arg8[%dma_wait3A_107, %dma_wait3A_108] : memref<79x128xi32, #tpu.memory_space<vmem>> -> memref<1x128xi32, #tpu.memory_space<vmem>>
        %dma_wait3A_110 = tpu.memref_squeeze %dma_wait3A_109 : memref<1x128xi32, #tpu.memory_space<vmem>> -> memref<128xi32, #tpu.memory_space<vmem>>
        %dma_wait3A_111 = arith.constant 0 : i32
        %dma_wait3A_112 = arith.constant 0 : i32
        %dma_wait3A_113 = tpu.memref_slice %arg6[%dma_wait3A_111, %dma_wait3A_112] : memref<10112x16xf32, #tpu.memory_space<vmem_shared>> -> memref<10112x16xf32, #tpu.memory_space<vmem_shared>>
        tpu.wait_indirect_dma semaphore(%arg9 : memref<!tpu.dma_semaphore, #tpu.memory_space<semaphore_mem>>) src(%arg7 : memref<128x16xf32, #tpu.memory_space<vmem>>) dst(%dma_wait3A_113 : memref<10112x16xf32, #tpu.memory_space<vmem_shared>>)
      } else {
      }
      %mul3A_83 = arith.constant 4 : i32
      %mul3A_84 = arith.muli %scan3A_42, %mul3A_83 : i32
      %add3A_85 = arith.constant 1 : i32
      %add3A_86 = arith.addi %mul3A_84, %add3A_85 : i32
      %lt3A_87 = arith.cmpi slt, %add3A_86, %select_n3A : i32
      %convert_element_type3A_88 = arith.extui %lt3A_87 : i1 to i32
      %cond3A_89 = arith.constant 0 : i32
      %cond3A_90 = arith.cmpi ne, %convert_element_type3A_88, %cond3A_89 : i32
      scf.if %cond3A_90 {
        %dma_wait3A_107 = arith.constant 0 : i32
        %dma_wait3A_108 = arith.constant 0 : i32
        %dma_wait3A_109 = tpu.memref_slice %arg8[%dma_wait3A_107, %dma_wait3A_108] : memref<79x128xi32, #tpu.memory_space<vmem>> -> memref<1x128xi32, #tpu.memory_space<vmem>>
        %dma_wait3A_110 = tpu.memref_squeeze %dma_wait3A_109 : memref<1x128xi32, #tpu.memory_space<vmem>> -> memref<128xi32, #tpu.memory_space<vmem>>
        %dma_wait3A_111 = arith.constant 0 : i32
        %dma_wait3A_112 = arith.constant 0 : i32
        %dma_wait3A_113 = tpu.memref_slice %arg6[%dma_wait3A_111, %dma_wait3A_112] : memref<10112x16xf32, #tpu.memory_space<vmem_shared>> -> memref<10112x16xf32, #tpu.memory_space<vmem_shared>>
        tpu.wait_indirect_dma semaphore(%arg9 : memref<!tpu.dma_semaphore, #tpu.memory_space<semaphore_mem>>) src(%arg7 : memref<128x16xf32, #tpu.memory_space<vmem>>) dst(%dma_wait3A_113 : memref<10112x16xf32, #tpu.memory_space<vmem_shared>>)
      } else {
      }
      %mul3A_91 = arith.constant 4 : i32
      %mul3A_92 = arith.muli %scan3A_42, %mul3A_91 : i32
      %add3A_93 = arith.constant 2 : i32
      %add3A_94 = arith.addi %mul3A_92, %add3A_93 : i32
      %lt3A_95 = arith.cmpi slt, %add3A_94, %select_n3A : i32
      %convert_element_type3A_96 = arith.extui %lt3A_95 : i1 to i32
      %cond3A_97 = arith.constant 0 : i32
      %cond3A_98 = arith.cmpi ne, %convert_element_type3A_96, %cond3A_97 : i32
      scf.if %cond3A_98 {
        %dma_wait3A_107 = arith.constant 0 : i32
        %dma_wait3A_108 = arith.constant 0 : i32
        %dma_wait3A_109 = tpu.memref_slice %arg8[%dma_wait3A_107, %dma_wait3A_108] : memref<79x128xi32, #tpu.memory_space<vmem>> -> memref<1x128xi32, #tpu.memory_space<vmem>>
        %dma_wait3A_110 = tpu.memref_squeeze %dma_wait3A_109 : memref<1x128xi32, #tpu.memory_space<vmem>> -> memref<128xi32, #tpu.memory_space<vmem>>
        %dma_wait3A_111 = arith.constant 0 : i32
        %dma_wait3A_112 = arith.constant 0 : i32
        %dma_wait3A_113 = tpu.memref_slice %arg6[%dma_wait3A_111, %dma_wait3A_112] : memref<10112x16xf32, #tpu.memory_space<vmem_shared>> -> memref<10112x16xf32, #tpu.memory_space<vmem_shared>>
        tpu.wait_indirect_dma semaphore(%arg9 : memref<!tpu.dma_semaphore, #tpu.memory_space<semaphore_mem>>) src(%arg7 : memref<128x16xf32, #tpu.memory_space<vmem>>) dst(%dma_wait3A_113 : memref<10112x16xf32, #tpu.memory_space<vmem_shared>>)
      } else {
      }
      %mul3A_99 = arith.constant 4 : i32
      %mul3A_100 = arith.muli %scan3A_42, %mul3A_99 : i32
      %add3A_101 = arith.constant 3 : i32
      %add3A_102 = arith.addi %mul3A_100, %add3A_101 : i32
      %lt3A_103 = arith.cmpi slt, %add3A_102, %select_n3A : i32
      %convert_element_type3A_104 = arith.extui %lt3A_103 : i1 to i32
      %cond3A_105 = arith.constant 0 : i32
      %cond3A_106 = arith.cmpi ne, %convert_element_type3A_104, %cond3A_105 : i32
      scf.if %cond3A_106 {
        %dma_wait3A_107 = arith.constant 0 : i32
        %dma_wait3A_108 = arith.constant 0 : i32
        %dma_wait3A_109 = tpu.memref_slice %arg8[%dma_wait3A_107, %dma_wait3A_108] : memref<79x128xi32, #tpu.memory_space<vmem>> -> memref<1x128xi32, #tpu.memory_space<vmem>>
        %dma_wait3A_110 = tpu.memref_squeeze %dma_wait3A_109 : memref<1x128xi32, #tpu.memory_space<vmem>> -> memref<128xi32, #tpu.memory_space<vmem>>
        %dma_wait3A_111 = arith.constant 0 : i32
        %dma_wait3A_112 = arith.constant 0 : i32
        %dma_wait3A_113 = tpu.memref_slice %arg6[%dma_wait3A_111, %dma_wait3A_112] : memref<10112x16xf32, #tpu.memory_space<vmem_shared>> -> memref<10112x16xf32, #tpu.memory_space<vmem_shared>>
        tpu.wait_indirect_dma semaphore(%arg9 : memref<!tpu.dma_semaphore, #tpu.memory_space<semaphore_mem>>) src(%arg7 : memref<128x16xf32, #tpu.memory_space<vmem>>) dst(%dma_wait3A_113 : memref<10112x16xf32, #tpu.memory_space<vmem_shared>>)
      } else {
      }
    }
    %scan3A_40 = arith.constant 20 : i32
    %barrier3A_41 = arith.constant 0 : index
    tpu.barrier barrier_id(%barrier3A_41)
    "tpu.region"() ({
      %run_scoped3A = tpu.sem_alloc : memref<!tpu.dma_semaphore, #tpu.memory_space<semaphore_mem>>
      %dma_start3A_42 = arith.constant 0 : i32
      %dma_start3A_43 = tpu.memref_slice %arg5[%arg0, %mul3A_2, %dma_start3A_42] : memref<2x10112x16xf32, #tpu.memory_space<hbm>> -> memref<1x632x16xf32, #tpu.memory_space<hbm>>
      %dma_start3A_44 = tpu.memref_squeeze %dma_start3A_43 : memref<1x632x16xf32, #tpu.memory_space<hbm>> -> memref<632x16xf32, #tpu.memory_space<hbm>>
      %dma_start3A_45 = arith.constant 0 : i32
      %dma_start3A_46 = tpu.memref_slice %arg6[%mul3A_2, %dma_start3A_45] : memref<10112x16xf32, #tpu.memory_space<vmem_shared>> -> memref<632x16xf32, #tpu.memory_space<vmem_shared>>
      tpu.enqueue_dma source(%dma_start3A_46 : memref<632x16xf32, #tpu.memory_space<vmem_shared>>) target(%dma_start3A_44 : memref<632x16xf32, #tpu.memory_space<hbm>>) target_semaphore(%run_scoped3A : memref<!tpu.dma_semaphore, #tpu.memory_space<semaphore_mem>>)
      %dma_wait3A_47 = arith.constant 0 : i32
      %dma_wait3A_48 = tpu.memref_slice %arg5[%arg0, %mul3A_2, %dma_wait3A_47] : memref<2x10112x16xf32, #tpu.memory_space<hbm>> -> memref<1x632x16xf32, #tpu.memory_space<hbm>>
      %dma_wait3A_49 = tpu.memref_squeeze %dma_wait3A_48 : memref<1x632x16xf32, #tpu.memory_space<hbm>> -> memref<632x16xf32, #tpu.memory_space<hbm>>
      %dma_wait3A_50 = arith.constant 0 : i32
      %dma_wait3A_51 = tpu.memref_slice %arg6[%mul3A_2, %dma_wait3A_50] : memref<10112x16xf32, #tpu.memory_space<vmem_shared>> -> memref<632x16xf32, #tpu.memory_space<vmem_shared>>
      tpu.wait_dma2 semaphore(%run_scoped3A : memref<!tpu.dma_semaphore, #tpu.memory_space<semaphore_mem>>) src(%dma_wait3A_51 : memref<632x16xf32, #tpu.memory_space<vmem_shared>>) dst(%dma_wait3A_49 : memref<632x16xf32, #tpu.memory_space<hbm>>)
      tpu.yield
    }) : () -> ()
    return
  }
}

#map = affine_map<(d0, d1) -> (0, 0)>
#map1 = affine_map<(d0, d1) -> (0, 0, 0)>
module attributes {stable_mosaic.version = 14 : i64} {
  func.func @gcn_agg_f64(%arg0: i32, %arg1: i32, %arg2: memref<10000x64xf32, #tpu.memory_space<hbm>>, %arg3: memref<2500x128xi32, #tpu.memory_space<hbm>>, %arg4: memref<2500x128xi32, #tpu.memory_space<hbm>>, %arg5: memref<10112x64xf32, #tpu.memory_space<hbm>>, %arg6: memref<2x10112x64xf32, #tpu.memory_space<hbm>>, %arg7: memref<10112x64xf32, #tpu.memory_space<vmem_shared>>, %arg8: memref<128x64xf32, #tpu.memory_space<vmem>>, %arg9: memref<128x64xf32, #tpu.memory_space<vmem>>, %arg10: memref<128x64xf32, #tpu.memory_space<vmem>>, %arg11: memref<128x64xf32, #tpu.memory_space<vmem>>, %arg12: memref<128x64xf32, #tpu.memory_space<vmem>>, %arg13: memref<128x64xf32, #tpu.memory_space<vmem>>, %arg14: memref<128x64xf32, #tpu.memory_space<vmem>>, %arg15: memref<128x64xf32, #tpu.memory_space<vmem>>, %arg16: memref<79x128xi32, #tpu.memory_space<vmem>>, %arg17: memref<79x128xi32, #tpu.memory_space<vmem>>, %arg18: memref<!tpu.dma_semaphore, #tpu.memory_space<semaphore_mem>>, %arg19: memref<!tpu.dma_semaphore, #tpu.memory_space<semaphore_mem>>, %arg20: memref<!tpu.dma_semaphore, #tpu.memory_space<semaphore_mem>>, %arg21: memref<!tpu.dma_semaphore, #tpu.memory_space<semaphore_mem>>, %arg22: memref<!tpu.dma_semaphore, #tpu.memory_space<semaphore_mem>>, %arg23: memref<!tpu.dma_semaphore, #tpu.memory_space<semaphore_mem>>, %arg24: memref<!tpu.dma_semaphore, #tpu.memory_space<semaphore_mem>>, %arg25: memref<!tpu.dma_semaphore, #tpu.memory_space<semaphore_mem>>, %arg26: memref<!tpu.dma_semaphore, #tpu.memory_space<semaphore_mem>>, %arg27: memref<!tpu.dma_semaphore, #tpu.memory_space<semaphore_mem>>, %arg28: memref<!tpu.dma_semaphore, #tpu.memory_space<semaphore_mem>>, %arg29: memref<!tpu.dma_semaphore, #tpu.memory_space<semaphore_mem>>, %arg30: memref<!tpu.dma_semaphore, #tpu.memory_space<semaphore_mem>>, %arg31: memref<!tpu.dma_semaphore, #tpu.memory_space<semaphore_mem>>, %arg32: memref<!tpu.dma_semaphore, #tpu.memory_space<semaphore_mem>>, %arg33: memref<!tpu.dma_semaphore, #tpu.memory_space<semaphore_mem>>) attributes {dimension_semantics = [#tpu.dimension_semantics<core_parallel>, #tpu.dimension_semantics<subcore_parallel>], iteration_bounds = array<i64: 2, 16>, scalar_prefetch = 0 : i64, scratch_operands = 27 : i64, tpu.core_type = #tpu.core_type<sc_vector_subcore>, window_params = [{transform_indices = #map}, {transform_indices = #map}, {transform_indices = #map}, {transform_indices = #map}, {transform_indices = #map1}]} {
    %mul3A = arith.constant 632 : i32
    %mul3A_0 = arith.muli %arg1, %mul3A : i32
    %dma_start3A = arith.constant 0 : i32
    %dma_start3A_1 = tpu.memref_slice %arg7[%mul3A_0, %dma_start3A] : memref<10112x64xf32, #tpu.memory_space<vmem_shared>> -> memref<632x64xf32, #tpu.memory_space<vmem_shared>>
    %dma_start3A_2 = arith.constant 0 : i32
    %dma_start3A_3 = tpu.memref_slice %arg5[%mul3A_0, %dma_start3A_2] : memref<10112x64xf32, #tpu.memory_space<hbm>> -> memref<632x64xf32, #tpu.memory_space<hbm>>
    tpu.enqueue_dma source(%dma_start3A_3 : memref<632x64xf32, #tpu.memory_space<hbm>>) target(%dma_start3A_1 : memref<632x64xf32, #tpu.memory_space<vmem_shared>>) target_semaphore(%arg26 : memref<!tpu.dma_semaphore, #tpu.memory_space<semaphore_mem>>)
    %mul3A_4 = arith.constant 16 : i32
    %mul3A_5 = arith.muli %arg0, %mul3A_4 : i32
    %add3A = arith.addi %mul3A_5, %arg1 : i32
    %mul3A_6 = arith.constant 78 : i32
    %mul3A_7 = arith.muli %mul3A_6, %add3A : i32
    %dma_start3A_8 = arith.constant 0 : i32
    %dma_start3A_9 = arith.constant 0 : i32
    %dma_start3A_10 = tpu.memref_slice %arg16[%dma_start3A_8, %dma_start3A_9] : memref<79x128xi32, #tpu.memory_space<vmem>> -> memref<78x128xi32, #tpu.memory_space<vmem>>
    %dma_start3A_11 = arith.constant 0 : i32
    %dma_start3A_12 = tpu.memref_slice %arg3[%mul3A_7, %dma_start3A_11] : memref<2500x128xi32, #tpu.memory_space<hbm>> -> memref<78x128xi32, #tpu.memory_space<hbm>>
    %dma_start3A_13 = arith.constant 0 : i32
    %dma_start3A_14 = arith.constant 0 : i32
    %dma_start3A_15 = tpu.memref_slice %arg16[%dma_start3A_13, %dma_start3A_14] : memref<79x128xi32, #tpu.memory_space<vmem>> -> memref<78x128xi32, #tpu.memory_space<vmem>>
    %dma_start3A_16 = arith.constant 0 : i32
    %dma_start3A_17 = tpu.memref_slice %arg3[%mul3A_7, %dma_start3A_16] : memref<2500x128xi32, #tpu.memory_space<hbm>> -> memref<78x128xi32, #tpu.memory_space<hbm>>
    tpu.enqueue_dma source(%dma_start3A_17 : memref<78x128xi32, #tpu.memory_space<hbm>>) target(%dma_start3A_15 : memref<78x128xi32, #tpu.memory_space<vmem>>) target_semaphore(%arg18 : memref<!tpu.dma_semaphore, #tpu.memory_space<semaphore_mem>>)
    %dma_start3A_18 = arith.constant 0 : i32
    %dma_start3A_19 = arith.constant 0 : i32
    %dma_start3A_20 = tpu.memref_slice %arg17[%dma_start3A_18, %dma_start3A_19] : memref<79x128xi32, #tpu.memory_space<vmem>> -> memref<78x128xi32, #tpu.memory_space<vmem>>
    %dma_start3A_21 = arith.constant 0 : i32
    %dma_start3A_22 = tpu.memref_slice %arg4[%mul3A_7, %dma_start3A_21] : memref<2500x128xi32, #tpu.memory_space<hbm>> -> memref<78x128xi32, #tpu.memory_space<hbm>>
    %dma_start3A_23 = arith.constant 0 : i32
    %dma_start3A_24 = arith.constant 0 : i32
    %dma_start3A_25 = tpu.memref_slice %arg17[%dma_start3A_23, %dma_start3A_24] : memref<79x128xi32, #tpu.memory_space<vmem>> -> memref<78x128xi32, #tpu.memory_space<vmem>>
    %dma_start3A_26 = arith.constant 0 : i32
    %dma_start3A_27 = tpu.memref_slice %arg4[%mul3A_7, %dma_start3A_26] : memref<2500x128xi32, #tpu.memory_space<hbm>> -> memref<78x128xi32, #tpu.memory_space<hbm>>
    tpu.enqueue_dma source(%dma_start3A_27 : memref<78x128xi32, #tpu.memory_space<hbm>>) target(%dma_start3A_25 : memref<78x128xi32, #tpu.memory_space<vmem>>) target_semaphore(%arg19 : memref<!tpu.dma_semaphore, #tpu.memory_space<semaphore_mem>>)
    %lt3A = arith.constant 4 : i32
    %lt3A_28 = arith.cmpi slt, %add3A, %lt3A : i32
    %convert_element_type3A = arith.extui %lt3A_28 : i1 to i32
    %cond3A = arith.constant 0 : i32
    %cond3A_29 = arith.cmpi ne, %convert_element_type3A, %cond3A : i32
    scf.if %cond3A_29 {
      %add3A_174 = arith.constant 2496 : i32
      %add3A_175 = arith.addi %add3A_174, %add3A : i32
      "tpu.region"() ({
        %run_scoped3A = tpu.sem_alloc : memref<!tpu.dma_semaphore, #tpu.memory_space<semaphore_mem>>
        %dma_start3A_178 = arith.constant 78 : i32
        %dma_start3A_179 = arith.constant 0 : i32
        %dma_start3A_180 = tpu.memref_slice %arg16[%dma_start3A_178, %dma_start3A_179] : memref<79x128xi32, #tpu.memory_space<vmem>> -> memref<1x128xi32, #tpu.memory_space<vmem>>
        %dma_start3A_181 = arith.constant 0 : i32
        %dma_start3A_182 = tpu.memref_slice %arg3[%add3A_175, %dma_start3A_181] : memref<2500x128xi32, #tpu.memory_space<hbm>> -> memref<1x128xi32, #tpu.memory_space<hbm>>
        %dma_start3A_183 = arith.constant 78 : i32
        %dma_start3A_184 = arith.constant 0 : i32
        %dma_start3A_185 = tpu.memref_slice %arg16[%dma_start3A_183, %dma_start3A_184] : memref<79x128xi32, #tpu.memory_space<vmem>> -> memref<1x128xi32, #tpu.memory_space<vmem>>
        %dma_start3A_186 = arith.constant 0 : i32
        %dma_start3A_187 = tpu.memref_slice %arg3[%add3A_175, %dma_start3A_186] : memref<2500x128xi32, #tpu.memory_space<hbm>> -> memref<1x128xi32, #tpu.memory_space<hbm>>
        tpu.enqueue_dma source(%dma_start3A_187 : memref<1x128xi32, #tpu.memory_space<hbm>>) target(%dma_start3A_185 : memref<1x128xi32, #tpu.memory_space<vmem>>) target_semaphore(%run_scoped3A : memref<!tpu.dma_semaphore, #tpu.memory_space<semaphore_mem>>)
        %dma_wait3A_188 = arith.constant 78 : i32
        %dma_wait3A_189 = arith.constant 0 : i32
        %dma_wait3A_190 = tpu.memref_slice %arg16[%dma_wait3A_188, %dma_wait3A_189] : memref<79x128xi32, #tpu.memory_space<vmem>> -> memref<1x128xi32, #tpu.memory_space<vmem>>
        %dma_wait3A_191 = arith.constant 0 : i32
        %dma_wait3A_192 = tpu.memref_slice %arg3[%add3A_175, %dma_wait3A_191] : memref<2500x128xi32, #tpu.memory_space<hbm>> -> memref<1x128xi32, #tpu.memory_space<hbm>>
        %dma_wait3A_193 = arith.constant 78 : i32
        %dma_wait3A_194 = arith.constant 0 : i32
        %dma_wait3A_195 = tpu.memref_slice %arg16[%dma_wait3A_193, %dma_wait3A_194] : memref<79x128xi32, #tpu.memory_space<vmem>> -> memref<1x128xi32, #tpu.memory_space<vmem>>
        %dma_wait3A_196 = arith.constant 0 : i32
        %dma_wait3A_197 = tpu.memref_slice %arg3[%add3A_175, %dma_wait3A_196] : memref<2500x128xi32, #tpu.memory_space<hbm>> -> memref<1x128xi32, #tpu.memory_space<hbm>>
        tpu.wait_dma2 semaphore(%run_scoped3A : memref<!tpu.dma_semaphore, #tpu.memory_space<semaphore_mem>>) src(%dma_wait3A_197 : memref<1x128xi32, #tpu.memory_space<hbm>>) dst(%dma_wait3A_195 : memref<1x128xi32, #tpu.memory_space<vmem>>)
        tpu.yield
      }) : () -> ()
      %add3A_176 = arith.constant 2496 : i32
      %add3A_177 = arith.addi %add3A_176, %add3A : i32
      "tpu.region"() ({
        %run_scoped3A = tpu.sem_alloc : memref<!tpu.dma_semaphore, #tpu.memory_space<semaphore_mem>>
        %dma_start3A_178 = arith.constant 78 : i32
        %dma_start3A_179 = arith.constant 0 : i32
        %dma_start3A_180 = tpu.memref_slice %arg17[%dma_start3A_178, %dma_start3A_179] : memref<79x128xi32, #tpu.memory_space<vmem>> -> memref<1x128xi32, #tpu.memory_space<vmem>>
        %dma_start3A_181 = arith.constant 0 : i32
        %dma_start3A_182 = tpu.memref_slice %arg4[%add3A_177, %dma_start3A_181] : memref<2500x128xi32, #tpu.memory_space<hbm>> -> memref<1x128xi32, #tpu.memory_space<hbm>>
        %dma_start3A_183 = arith.constant 78 : i32
        %dma_start3A_184 = arith.constant 0 : i32
        %dma_start3A_185 = tpu.memref_slice %arg17[%dma_start3A_183, %dma_start3A_184] : memref<79x128xi32, #tpu.memory_space<vmem>> -> memref<1x128xi32, #tpu.memory_space<vmem>>
        %dma_start3A_186 = arith.constant 0 : i32
        %dma_start3A_187 = tpu.memref_slice %arg4[%add3A_177, %dma_start3A_186] : memref<2500x128xi32, #tpu.memory_space<hbm>> -> memref<1x128xi32, #tpu.memory_space<hbm>>
        tpu.enqueue_dma source(%dma_start3A_187 : memref<1x128xi32, #tpu.memory_space<hbm>>) target(%dma_start3A_185 : memref<1x128xi32, #tpu.memory_space<vmem>>) target_semaphore(%run_scoped3A : memref<!tpu.dma_semaphore, #tpu.memory_space<semaphore_mem>>)
        %dma_wait3A_188 = arith.constant 78 : i32
        %dma_wait3A_189 = arith.constant 0 : i32
        %dma_wait3A_190 = tpu.memref_slice %arg17[%dma_wait3A_188, %dma_wait3A_189] : memref<79x128xi32, #tpu.memory_space<vmem>> -> memref<1x128xi32, #tpu.memory_space<vmem>>
        %dma_wait3A_191 = arith.constant 0 : i32
        %dma_wait3A_192 = tpu.memref_slice %arg4[%add3A_177, %dma_wait3A_191] : memref<2500x128xi32, #tpu.memory_space<hbm>> -> memref<1x128xi32, #tpu.memory_space<hbm>>
        %dma_wait3A_193 = arith.constant 78 : i32
        %dma_wait3A_194 = arith.constant 0 : i32
        %dma_wait3A_195 = tpu.memref_slice %arg17[%dma_wait3A_193, %dma_wait3A_194] : memref<79x128xi32, #tpu.memory_space<vmem>> -> memref<1x128xi32, #tpu.memory_space<vmem>>
        %dma_wait3A_196 = arith.constant 0 : i32
        %dma_wait3A_197 = tpu.memref_slice %arg4[%add3A_177, %dma_wait3A_196] : memref<2500x128xi32, #tpu.memory_space<hbm>> -> memref<1x128xi32, #tpu.memory_space<hbm>>
        tpu.wait_dma2 semaphore(%run_scoped3A : memref<!tpu.dma_semaphore, #tpu.memory_space<semaphore_mem>>) src(%dma_wait3A_197 : memref<1x128xi32, #tpu.memory_space<hbm>>) dst(%dma_wait3A_195 : memref<1x128xi32, #tpu.memory_space<vmem>>)
        tpu.yield
      }) : () -> ()
    } else {
    }
    %lt3A_30 = arith.constant 4 : i32
    %lt3A_31 = arith.cmpi slt, %add3A, %lt3A_30 : i32
    %jit3A = arith.constant 79 : i32
    %jit3A_32 = arith.constant 78 : i32
    %select_n3A = arith.select %lt3A_31, %jit3A, %jit3A_32 : i32
    %dma_wait3A = arith.constant 0 : i32
    %dma_wait3A_33 = tpu.memref_slice %arg7[%mul3A_0, %dma_wait3A] : memref<10112x64xf32, #tpu.memory_space<vmem_shared>> -> memref<632x64xf32, #tpu.memory_space<vmem_shared>>
    %dma_wait3A_34 = arith.constant 0 : i32
    %dma_wait3A_35 = tpu.memref_slice %arg5[%mul3A_0, %dma_wait3A_34] : memref<10112x64xf32, #tpu.memory_space<hbm>> -> memref<632x64xf32, #tpu.memory_space<hbm>>
    tpu.wait_dma2 semaphore(%arg26 : memref<!tpu.dma_semaphore, #tpu.memory_space<semaphore_mem>>) src(%dma_wait3A_35 : memref<632x64xf32, #tpu.memory_space<hbm>>) dst(%dma_wait3A_33 : memref<632x64xf32, #tpu.memory_space<vmem_shared>>)
    %dma_wait3A_36 = arith.constant 0 : i32
    %dma_wait3A_37 = arith.constant 0 : i32
    %dma_wait3A_38 = tpu.memref_slice %arg16[%dma_wait3A_36, %dma_wait3A_37] : memref<79x128xi32, #tpu.memory_space<vmem>> -> memref<78x128xi32, #tpu.memory_space<vmem>>
    %dma_wait3A_39 = arith.constant 0 : i32
    %dma_wait3A_40 = tpu.memref_slice %arg3[%mul3A_7, %dma_wait3A_39] : memref<2500x128xi32, #tpu.memory_space<hbm>> -> memref<78x128xi32, #tpu.memory_space<hbm>>
    %dma_wait3A_41 = arith.constant 0 : i32
    %dma_wait3A_42 = arith.constant 0 : i32
    %dma_wait3A_43 = tpu.memref_slice %arg16[%dma_wait3A_41, %dma_wait3A_42] : memref<79x128xi32, #tpu.memory_space<vmem>> -> memref<78x128xi32, #tpu.memory_space<vmem>>
    %dma_wait3A_44 = arith.constant 0 : i32
    %dma_wait3A_45 = tpu.memref_slice %arg3[%mul3A_7, %dma_wait3A_44] : memref<2500x128xi32, #tpu.memory_space<hbm>> -> memref<78x128xi32, #tpu.memory_space<hbm>>
    tpu.wait_dma2 semaphore(%arg18 : memref<!tpu.dma_semaphore, #tpu.memory_space<semaphore_mem>>) src(%dma_wait3A_45 : memref<78x128xi32, #tpu.memory_space<hbm>>) dst(%dma_wait3A_43 : memref<78x128xi32, #tpu.memory_space<vmem>>)
    %dma_wait3A_46 = arith.constant 0 : i32
    %dma_wait3A_47 = arith.constant 0 : i32
    %dma_wait3A_48 = tpu.memref_slice %arg17[%dma_wait3A_46, %dma_wait3A_47] : memref<79x128xi32, #tpu.memory_space<vmem>> -> memref<78x128xi32, #tpu.memory_space<vmem>>
    %dma_wait3A_49 = arith.constant 0 : i32
    %dma_wait3A_50 = tpu.memref_slice %arg4[%mul3A_7, %dma_wait3A_49] : memref<2500x128xi32, #tpu.memory_space<hbm>> -> memref<78x128xi32, #tpu.memory_space<hbm>>
    %dma_wait3A_51 = arith.constant 0 : i32
    %dma_wait3A_52 = arith.constant 0 : i32
    %dma_wait3A_53 = tpu.memref_slice %arg17[%dma_wait3A_51, %dma_wait3A_52] : memref<79x128xi32, #tpu.memory_space<vmem>> -> memref<78x128xi32, #tpu.memory_space<vmem>>
    %dma_wait3A_54 = arith.constant 0 : i32
    %dma_wait3A_55 = tpu.memref_slice %arg4[%mul3A_7, %dma_wait3A_54] : memref<2500x128xi32, #tpu.memory_space<hbm>> -> memref<78x128xi32, #tpu.memory_space<hbm>>
    tpu.wait_dma2 semaphore(%arg19 : memref<!tpu.dma_semaphore, #tpu.memory_space<semaphore_mem>>) src(%dma_wait3A_55 : memref<78x128xi32, #tpu.memory_space<hbm>>) dst(%dma_wait3A_53 : memref<78x128xi32, #tpu.memory_space<vmem>>)
    %barrier3A = arith.constant 0 : index
    tpu.barrier barrier_id(%barrier3A)
    %dma_start3A_56 = arith.constant 0 : i32
    %dma_start3A_57 = arith.constant 0 : i32
    %dma_start3A_58 = tpu.memref_slice %arg16[%dma_start3A_56, %dma_start3A_57] : memref<79x128xi32, #tpu.memory_space<vmem>> -> memref<1x128xi32, #tpu.memory_space<vmem>>
    %dma_start3A_59 = tpu.memref_squeeze %dma_start3A_58 : memref<1x128xi32, #tpu.memory_space<vmem>> -> memref<128xi32, #tpu.memory_space<vmem>>
    %dma_start3A_60 = arith.constant 0 : i32
    %dma_start3A_61 = arith.constant 0 : i32
    %dma_start3A_62 = tpu.memref_slice %arg2[%dma_start3A_60, %dma_start3A_61] : memref<10000x64xf32, #tpu.memory_space<hbm>> -> memref<10000x64xf32, #tpu.memory_space<hbm>>
    tpu.enqueue_indirect_dma source(%dma_start3A_62 : memref<10000x64xf32, #tpu.memory_space<hbm>>) target(%arg8 : memref<128x64xf32, #tpu.memory_space<vmem>>) offsets(%dma_start3A_59 : memref<128xi32, #tpu.memory_space<vmem>>) semaphore(%arg18 : memref<!tpu.dma_semaphore, #tpu.memory_space<semaphore_mem>>)
    %dma_start3A_63 = arith.constant 1 : i32
    %dma_start3A_64 = arith.constant 0 : i32
    %dma_start3A_65 = tpu.memref_slice %arg16[%dma_start3A_63, %dma_start3A_64] : memref<79x128xi32, #tpu.memory_space<vmem>> -> memref<1x128xi32, #tpu.memory_space<vmem>>
    %dma_start3A_66 = tpu.memref_squeeze %dma_start3A_65 : memref<1x128xi32, #tpu.memory_space<vmem>> -> memref<128xi32, #tpu.memory_space<vmem>>
    %dma_start3A_67 = arith.constant 0 : i32
    %dma_start3A_68 = arith.constant 0 : i32
    %dma_start3A_69 = tpu.memref_slice %arg2[%dma_start3A_67, %dma_start3A_68] : memref<10000x64xf32, #tpu.memory_space<hbm>> -> memref<10000x64xf32, #tpu.memory_space<hbm>>
    tpu.enqueue_indirect_dma source(%dma_start3A_69 : memref<10000x64xf32, #tpu.memory_space<hbm>>) target(%arg9 : memref<128x64xf32, #tpu.memory_space<vmem>>) offsets(%dma_start3A_66 : memref<128xi32, #tpu.memory_space<vmem>>) semaphore(%arg19 : memref<!tpu.dma_semaphore, #tpu.memory_space<semaphore_mem>>)
    %dma_start3A_70 = arith.constant 2 : i32
    %dma_start3A_71 = arith.constant 0 : i32
    %dma_start3A_72 = tpu.memref_slice %arg16[%dma_start3A_70, %dma_start3A_71] : memref<79x128xi32, #tpu.memory_space<vmem>> -> memref<1x128xi32, #tpu.memory_space<vmem>>
    %dma_start3A_73 = tpu.memref_squeeze %dma_start3A_72 : memref<1x128xi32, #tpu.memory_space<vmem>> -> memref<128xi32, #tpu.memory_space<vmem>>
    %dma_start3A_74 = arith.constant 0 : i32
    %dma_start3A_75 = arith.constant 0 : i32
    %dma_start3A_76 = tpu.memref_slice %arg2[%dma_start3A_74, %dma_start3A_75] : memref<10000x64xf32, #tpu.memory_space<hbm>> -> memref<10000x64xf32, #tpu.memory_space<hbm>>
    tpu.enqueue_indirect_dma source(%dma_start3A_76 : memref<10000x64xf32, #tpu.memory_space<hbm>>) target(%arg10 : memref<128x64xf32, #tpu.memory_space<vmem>>) offsets(%dma_start3A_73 : memref<128xi32, #tpu.memory_space<vmem>>) semaphore(%arg20 : memref<!tpu.dma_semaphore, #tpu.memory_space<semaphore_mem>>)
    %dma_start3A_77 = arith.constant 3 : i32
    %dma_start3A_78 = arith.constant 0 : i32
    %dma_start3A_79 = tpu.memref_slice %arg16[%dma_start3A_77, %dma_start3A_78] : memref<79x128xi32, #tpu.memory_space<vmem>> -> memref<1x128xi32, #tpu.memory_space<vmem>>
    %dma_start3A_80 = tpu.memref_squeeze %dma_start3A_79 : memref<1x128xi32, #tpu.memory_space<vmem>> -> memref<128xi32, #tpu.memory_space<vmem>>
    %dma_start3A_81 = arith.constant 0 : i32
    %dma_start3A_82 = arith.constant 0 : i32
    %dma_start3A_83 = tpu.memref_slice %arg2[%dma_start3A_81, %dma_start3A_82] : memref<10000x64xf32, #tpu.memory_space<hbm>> -> memref<10000x64xf32, #tpu.memory_space<hbm>>
    tpu.enqueue_indirect_dma source(%dma_start3A_83 : memref<10000x64xf32, #tpu.memory_space<hbm>>) target(%arg11 : memref<128x64xf32, #tpu.memory_space<vmem>>) offsets(%dma_start3A_80 : memref<128xi32, #tpu.memory_space<vmem>>) semaphore(%arg21 : memref<!tpu.dma_semaphore, #tpu.memory_space<semaphore_mem>>)
    %dma_start3A_84 = arith.constant 4 : i32
    %dma_start3A_85 = arith.constant 0 : i32
    %dma_start3A_86 = tpu.memref_slice %arg16[%dma_start3A_84, %dma_start3A_85] : memref<79x128xi32, #tpu.memory_space<vmem>> -> memref<1x128xi32, #tpu.memory_space<vmem>>
    %dma_start3A_87 = tpu.memref_squeeze %dma_start3A_86 : memref<1x128xi32, #tpu.memory_space<vmem>> -> memref<128xi32, #tpu.memory_space<vmem>>
    %dma_start3A_88 = arith.constant 0 : i32
    %dma_start3A_89 = arith.constant 0 : i32
    %dma_start3A_90 = tpu.memref_slice %arg2[%dma_start3A_88, %dma_start3A_89] : memref<10000x64xf32, #tpu.memory_space<hbm>> -> memref<10000x64xf32, #tpu.memory_space<hbm>>
    tpu.enqueue_indirect_dma source(%dma_start3A_90 : memref<10000x64xf32, #tpu.memory_space<hbm>>) target(%arg12 : memref<128x64xf32, #tpu.memory_space<vmem>>) offsets(%dma_start3A_87 : memref<128xi32, #tpu.memory_space<vmem>>) semaphore(%arg22 : memref<!tpu.dma_semaphore, #tpu.memory_space<semaphore_mem>>)
    %dma_start3A_91 = arith.constant 5 : i32
    %dma_start3A_92 = arith.constant 0 : i32
    %dma_start3A_93 = tpu.memref_slice %arg16[%dma_start3A_91, %dma_start3A_92] : memref<79x128xi32, #tpu.memory_space<vmem>> -> memref<1x128xi32, #tpu.memory_space<vmem>>
    %dma_start3A_94 = tpu.memref_squeeze %dma_start3A_93 : memref<1x128xi32, #tpu.memory_space<vmem>> -> memref<128xi32, #tpu.memory_space<vmem>>
    %dma_start3A_95 = arith.constant 0 : i32
    %dma_start3A_96 = arith.constant 0 : i32
    %dma_start3A_97 = tpu.memref_slice %arg2[%dma_start3A_95, %dma_start3A_96] : memref<10000x64xf32, #tpu.memory_space<hbm>> -> memref<10000x64xf32, #tpu.memory_space<hbm>>
    tpu.enqueue_indirect_dma source(%dma_start3A_97 : memref<10000x64xf32, #tpu.memory_space<hbm>>) target(%arg13 : memref<128x64xf32, #tpu.memory_space<vmem>>) offsets(%dma_start3A_94 : memref<128xi32, #tpu.memory_space<vmem>>) semaphore(%arg23 : memref<!tpu.dma_semaphore, #tpu.memory_space<semaphore_mem>>)
    %dma_start3A_98 = arith.constant 6 : i32
    %dma_start3A_99 = arith.constant 0 : i32
    %dma_start3A_100 = tpu.memref_slice %arg16[%dma_start3A_98, %dma_start3A_99] : memref<79x128xi32, #tpu.memory_space<vmem>> -> memref<1x128xi32, #tpu.memory_space<vmem>>
    %dma_start3A_101 = tpu.memref_squeeze %dma_start3A_100 : memref<1x128xi32, #tpu.memory_space<vmem>> -> memref<128xi32, #tpu.memory_space<vmem>>
    %dma_start3A_102 = arith.constant 0 : i32
    %dma_start3A_103 = arith.constant 0 : i32
    %dma_start3A_104 = tpu.memref_slice %arg2[%dma_start3A_102, %dma_start3A_103] : memref<10000x64xf32, #tpu.memory_space<hbm>> -> memref<10000x64xf32, #tpu.memory_space<hbm>>
    tpu.enqueue_indirect_dma source(%dma_start3A_104 : memref<10000x64xf32, #tpu.memory_space<hbm>>) target(%arg14 : memref<128x64xf32, #tpu.memory_space<vmem>>) offsets(%dma_start3A_101 : memref<128xi32, #tpu.memory_space<vmem>>) semaphore(%arg24 : memref<!tpu.dma_semaphore, #tpu.memory_space<semaphore_mem>>)
    %dma_start3A_105 = arith.constant 7 : i32
    %dma_start3A_106 = arith.constant 0 : i32
    %dma_start3A_107 = tpu.memref_slice %arg16[%dma_start3A_105, %dma_start3A_106] : memref<79x128xi32, #tpu.memory_space<vmem>> -> memref<1x128xi32, #tpu.memory_space<vmem>>
    %dma_start3A_108 = tpu.memref_squeeze %dma_start3A_107 : memref<1x128xi32, #tpu.memory_space<vmem>> -> memref<128xi32, #tpu.memory_space<vmem>>
    %dma_start3A_109 = arith.constant 0 : i32
    %dma_start3A_110 = arith.constant 0 : i32
    %dma_start3A_111 = tpu.memref_slice %arg2[%dma_start3A_109, %dma_start3A_110] : memref<10000x64xf32, #tpu.memory_space<hbm>> -> memref<10000x64xf32, #tpu.memory_space<hbm>>
    tpu.enqueue_indirect_dma source(%dma_start3A_111 : memref<10000x64xf32, #tpu.memory_space<hbm>>) target(%arg15 : memref<128x64xf32, #tpu.memory_space<vmem>>) offsets(%dma_start3A_108 : memref<128xi32, #tpu.memory_space<vmem>>) semaphore(%arg25 : memref<!tpu.dma_semaphore, #tpu.memory_space<semaphore_mem>>)
    %scan3A = arith.constant 0 : i32
    %scan3A_112 = arith.constant 0 : i32
    %scan3A_113 = arith.constant 10 : i32
    %scan3A_114 = arith.addi %scan3A_112, %scan3A_113 : i32
    %scan3A_115 = arith.constant 1 : i32
    scf.for %scan3A_174 = %scan3A_112 to %scan3A_114 step %scan3A_115  : i32 {
      %mul3A_175 = arith.constant 8 : i32
      %mul3A_176 = arith.muli %scan3A_174, %mul3A_175 : i32
      %add3A_177 = arith.constant 0 : i32
      %add3A_178 = arith.addi %mul3A_176, %add3A_177 : i32
      %lt3A_179 = arith.cmpi slt, %add3A_178, %select_n3A : i32
      %convert_element_type3A_180 = arith.extui %lt3A_179 : i1 to i32
      %cond3A_181 = arith.constant 0 : i32
      %cond3A_182 = arith.cmpi ne, %convert_element_type3A_180, %cond3A_181 : i32
      scf.if %cond3A_182 {
        %dma_wait3A_319 = arith.constant 0 : i32
        %dma_wait3A_320 = arith.constant 0 : i32
        %dma_wait3A_321 = tpu.memref_slice %arg16[%dma_wait3A_319, %dma_wait3A_320] : memref<79x128xi32, #tpu.memory_space<vmem>> -> memref<1x128xi32, #tpu.memory_space<vmem>>
        %dma_wait3A_322 = tpu.memref_squeeze %dma_wait3A_321 : memref<1x128xi32, #tpu.memory_space<vmem>> -> memref<128xi32, #tpu.memory_space<vmem>>
        %dma_wait3A_323 = arith.constant 0 : i32
        %dma_wait3A_324 = arith.constant 0 : i32
        %dma_wait3A_325 = tpu.memref_slice %arg2[%dma_wait3A_323, %dma_wait3A_324] : memref<10000x64xf32, #tpu.memory_space<hbm>> -> memref<10000x64xf32, #tpu.memory_space<hbm>>
        tpu.wait_indirect_dma semaphore(%arg18 : memref<!tpu.dma_semaphore, #tpu.memory_space<semaphore_mem>>) src(%dma_wait3A_325 : memref<10000x64xf32, #tpu.memory_space<hbm>>) dst(%arg8 : memref<128x64xf32, #tpu.memory_space<vmem>>)
        %dma_start3A_326 = arith.constant 0 : i32
        %dma_start3A_327 = tpu.memref_slice %arg17[%add3A_178, %dma_start3A_326] : memref<79x128xi32, #tpu.memory_space<vmem>> -> memref<1x128xi32, #tpu.memory_space<vmem>>
        %dma_start3A_328 = tpu.memref_squeeze %dma_start3A_327 : memref<1x128xi32, #tpu.memory_space<vmem>> -> memref<128xi32, #tpu.memory_space<vmem>>
        %dma_start3A_329 = arith.constant 0 : i32
        %dma_start3A_330 = arith.constant 0 : i32
        %dma_start3A_331 = tpu.memref_slice %arg7[%dma_start3A_329, %dma_start3A_330] : memref<10112x64xf32, #tpu.memory_space<vmem_shared>> -> memref<10112x64xf32, #tpu.memory_space<vmem_shared>>
        tpu.enqueue_indirect_dma source(%arg8 : memref<128x64xf32, #tpu.memory_space<vmem>>) target(%dma_start3A_331 : memref<10112x64xf32, #tpu.memory_space<vmem_shared>>) offsets(%dma_start3A_328 : memref<128xi32, #tpu.memory_space<vmem>>) semaphore(%arg26 : memref<!tpu.dma_semaphore, #tpu.memory_space<semaphore_mem>>) {add = true}
      } else {
      }
      %mul3A_183 = arith.constant 8 : i32
      %mul3A_184 = arith.muli %scan3A_174, %mul3A_183 : i32
      %add3A_185 = arith.constant 1 : i32
      %add3A_186 = arith.addi %mul3A_184, %add3A_185 : i32
      %lt3A_187 = arith.cmpi slt, %add3A_186, %select_n3A : i32
      %convert_element_type3A_188 = arith.extui %lt3A_187 : i1 to i32
      %cond3A_189 = arith.constant 0 : i32
      %cond3A_190 = arith.cmpi ne, %convert_element_type3A_188, %cond3A_189 : i32
      scf.if %cond3A_190 {
        %dma_wait3A_319 = arith.constant 0 : i32
        %dma_wait3A_320 = arith.constant 0 : i32
        %dma_wait3A_321 = tpu.memref_slice %arg16[%dma_wait3A_319, %dma_wait3A_320] : memref<79x128xi32, #tpu.memory_space<vmem>> -> memref<1x128xi32, #tpu.memory_space<vmem>>
        %dma_wait3A_322 = tpu.memref_squeeze %dma_wait3A_321 : memref<1x128xi32, #tpu.memory_space<vmem>> -> memref<128xi32, #tpu.memory_space<vmem>>
        %dma_wait3A_323 = arith.constant 0 : i32
        %dma_wait3A_324 = arith.constant 0 : i32
        %dma_wait3A_325 = tpu.memref_slice %arg2[%dma_wait3A_323, %dma_wait3A_324] : memref<10000x64xf32, #tpu.memory_space<hbm>> -> memref<10000x64xf32, #tpu.memory_space<hbm>>
        tpu.wait_indirect_dma semaphore(%arg19 : memref<!tpu.dma_semaphore, #tpu.memory_space<semaphore_mem>>) src(%dma_wait3A_325 : memref<10000x64xf32, #tpu.memory_space<hbm>>) dst(%arg9 : memref<128x64xf32, #tpu.memory_space<vmem>>)
        %dma_start3A_326 = arith.constant 0 : i32
        %dma_start3A_327 = tpu.memref_slice %arg17[%add3A_186, %dma_start3A_326] : memref<79x128xi32, #tpu.memory_space<vmem>> -> memref<1x128xi32, #tpu.memory_space<vmem>>
        %dma_start3A_328 = tpu.memref_squeeze %dma_start3A_327 : memref<1x128xi32, #tpu.memory_space<vmem>> -> memref<128xi32, #tpu.memory_space<vmem>>
        %dma_start3A_329 = arith.constant 0 : i32
        %dma_start3A_330 = arith.constant 0 : i32
        %dma_start3A_331 = tpu.memref_slice %arg7[%dma_start3A_329, %dma_start3A_330] : memref<10112x64xf32, #tpu.memory_space<vmem_shared>> -> memref<10112x64xf32, #tpu.memory_space<vmem_shared>>
        tpu.enqueue_indirect_dma source(%arg9 : memref<128x64xf32, #tpu.memory_space<vmem>>) target(%dma_start3A_331 : memref<10112x64xf32, #tpu.memory_space<vmem_shared>>) offsets(%dma_start3A_328 : memref<128xi32, #tpu.memory_space<vmem>>) semaphore(%arg27 : memref<!tpu.dma_semaphore, #tpu.memory_space<semaphore_mem>>) {add = true}
      } else {
      }
      %mul3A_191 = arith.constant 8 : i32
      %mul3A_192 = arith.muli %scan3A_174, %mul3A_191 : i32
      %add3A_193 = arith.constant 2 : i32
      %add3A_194 = arith.addi %mul3A_192, %add3A_193 : i32
      %lt3A_195 = arith.cmpi slt, %add3A_194, %select_n3A : i32
      %convert_element_type3A_196 = arith.extui %lt3A_195 : i1 to i32
      %cond3A_197 = arith.constant 0 : i32
      %cond3A_198 = arith.cmpi ne, %convert_element_type3A_196, %cond3A_197 : i32
      scf.if %cond3A_198 {
        %dma_wait3A_319 = arith.constant 0 : i32
        %dma_wait3A_320 = arith.constant 0 : i32
        %dma_wait3A_321 = tpu.memref_slice %arg16[%dma_wait3A_319, %dma_wait3A_320] : memref<79x128xi32, #tpu.memory_space<vmem>> -> memref<1x128xi32, #tpu.memory_space<vmem>>
        %dma_wait3A_322 = tpu.memref_squeeze %dma_wait3A_321 : memref<1x128xi32, #tpu.memory_space<vmem>> -> memref<128xi32, #tpu.memory_space<vmem>>
        %dma_wait3A_323 = arith.constant 0 : i32
        %dma_wait3A_324 = arith.constant 0 : i32
        %dma_wait3A_325 = tpu.memref_slice %arg2[%dma_wait3A_323, %dma_wait3A_324] : memref<10000x64xf32, #tpu.memory_space<hbm>> -> memref<10000x64xf32, #tpu.memory_space<hbm>>
        tpu.wait_indirect_dma semaphore(%arg20 : memref<!tpu.dma_semaphore, #tpu.memory_space<semaphore_mem>>) src(%dma_wait3A_325 : memref<10000x64xf32, #tpu.memory_space<hbm>>) dst(%arg10 : memref<128x64xf32, #tpu.memory_space<vmem>>)
        %dma_start3A_326 = arith.constant 0 : i32
        %dma_start3A_327 = tpu.memref_slice %arg17[%add3A_194, %dma_start3A_326] : memref<79x128xi32, #tpu.memory_space<vmem>> -> memref<1x128xi32, #tpu.memory_space<vmem>>
        %dma_start3A_328 = tpu.memref_squeeze %dma_start3A_327 : memref<1x128xi32, #tpu.memory_space<vmem>> -> memref<128xi32, #tpu.memory_space<vmem>>
        %dma_start3A_329 = arith.constant 0 : i32
        %dma_start3A_330 = arith.constant 0 : i32
        %dma_start3A_331 = tpu.memref_slice %arg7[%dma_start3A_329, %dma_start3A_330] : memref<10112x64xf32, #tpu.memory_space<vmem_shared>> -> memref<10112x64xf32, #tpu.memory_space<vmem_shared>>
        tpu.enqueue_indirect_dma source(%arg10 : memref<128x64xf32, #tpu.memory_space<vmem>>) target(%dma_start3A_331 : memref<10112x64xf32, #tpu.memory_space<vmem_shared>>) offsets(%dma_start3A_328 : memref<128xi32, #tpu.memory_space<vmem>>) semaphore(%arg28 : memref<!tpu.dma_semaphore, #tpu.memory_space<semaphore_mem>>) {add = true}
      } else {
      }
      %mul3A_199 = arith.constant 8 : i32
      %mul3A_200 = arith.muli %scan3A_174, %mul3A_199 : i32
      %add3A_201 = arith.constant 3 : i32
      %add3A_202 = arith.addi %mul3A_200, %add3A_201 : i32
      %lt3A_203 = arith.cmpi slt, %add3A_202, %select_n3A : i32
      %convert_element_type3A_204 = arith.extui %lt3A_203 : i1 to i32
      %cond3A_205 = arith.constant 0 : i32
      %cond3A_206 = arith.cmpi ne, %convert_element_type3A_204, %cond3A_205 : i32
      scf.if %cond3A_206 {
        %dma_wait3A_319 = arith.constant 0 : i32
        %dma_wait3A_320 = arith.constant 0 : i32
        %dma_wait3A_321 = tpu.memref_slice %arg16[%dma_wait3A_319, %dma_wait3A_320] : memref<79x128xi32, #tpu.memory_space<vmem>> -> memref<1x128xi32, #tpu.memory_space<vmem>>
        %dma_wait3A_322 = tpu.memref_squeeze %dma_wait3A_321 : memref<1x128xi32, #tpu.memory_space<vmem>> -> memref<128xi32, #tpu.memory_space<vmem>>
        %dma_wait3A_323 = arith.constant 0 : i32
        %dma_wait3A_324 = arith.constant 0 : i32
        %dma_wait3A_325 = tpu.memref_slice %arg2[%dma_wait3A_323, %dma_wait3A_324] : memref<10000x64xf32, #tpu.memory_space<hbm>> -> memref<10000x64xf32, #tpu.memory_space<hbm>>
        tpu.wait_indirect_dma semaphore(%arg21 : memref<!tpu.dma_semaphore, #tpu.memory_space<semaphore_mem>>) src(%dma_wait3A_325 : memref<10000x64xf32, #tpu.memory_space<hbm>>) dst(%arg11 : memref<128x64xf32, #tpu.memory_space<vmem>>)
        %dma_start3A_326 = arith.constant 0 : i32
        %dma_start3A_327 = tpu.memref_slice %arg17[%add3A_202, %dma_start3A_326] : memref<79x128xi32, #tpu.memory_space<vmem>> -> memref<1x128xi32, #tpu.memory_space<vmem>>
        %dma_start3A_328 = tpu.memref_squeeze %dma_start3A_327 : memref<1x128xi32, #tpu.memory_space<vmem>> -> memref<128xi32, #tpu.memory_space<vmem>>
        %dma_start3A_329 = arith.constant 0 : i32
        %dma_start3A_330 = arith.constant 0 : i32
        %dma_start3A_331 = tpu.memref_slice %arg7[%dma_start3A_329, %dma_start3A_330] : memref<10112x64xf32, #tpu.memory_space<vmem_shared>> -> memref<10112x64xf32, #tpu.memory_space<vmem_shared>>
        tpu.enqueue_indirect_dma source(%arg11 : memref<128x64xf32, #tpu.memory_space<vmem>>) target(%dma_start3A_331 : memref<10112x64xf32, #tpu.memory_space<vmem_shared>>) offsets(%dma_start3A_328 : memref<128xi32, #tpu.memory_space<vmem>>) semaphore(%arg29 : memref<!tpu.dma_semaphore, #tpu.memory_space<semaphore_mem>>) {add = true}
      } else {
      }
      %mul3A_207 = arith.constant 8 : i32
      %mul3A_208 = arith.muli %scan3A_174, %mul3A_207 : i32
      %add3A_209 = arith.constant 4 : i32
      %add3A_210 = arith.addi %mul3A_208, %add3A_209 : i32
      %lt3A_211 = arith.cmpi slt, %add3A_210, %select_n3A : i32
      %convert_element_type3A_212 = arith.extui %lt3A_211 : i1 to i32
      %cond3A_213 = arith.constant 0 : i32
      %cond3A_214 = arith.cmpi ne, %convert_element_type3A_212, %cond3A_213 : i32
      scf.if %cond3A_214 {
        %dma_wait3A_319 = arith.constant 0 : i32
        %dma_wait3A_320 = arith.constant 0 : i32
        %dma_wait3A_321 = tpu.memref_slice %arg16[%dma_wait3A_319, %dma_wait3A_320] : memref<79x128xi32, #tpu.memory_space<vmem>> -> memref<1x128xi32, #tpu.memory_space<vmem>>
        %dma_wait3A_322 = tpu.memref_squeeze %dma_wait3A_321 : memref<1x128xi32, #tpu.memory_space<vmem>> -> memref<128xi32, #tpu.memory_space<vmem>>
        %dma_wait3A_323 = arith.constant 0 : i32
        %dma_wait3A_324 = arith.constant 0 : i32
        %dma_wait3A_325 = tpu.memref_slice %arg2[%dma_wait3A_323, %dma_wait3A_324] : memref<10000x64xf32, #tpu.memory_space<hbm>> -> memref<10000x64xf32, #tpu.memory_space<hbm>>
        tpu.wait_indirect_dma semaphore(%arg22 : memref<!tpu.dma_semaphore, #tpu.memory_space<semaphore_mem>>) src(%dma_wait3A_325 : memref<10000x64xf32, #tpu.memory_space<hbm>>) dst(%arg12 : memref<128x64xf32, #tpu.memory_space<vmem>>)
        %dma_start3A_326 = arith.constant 0 : i32
        %dma_start3A_327 = tpu.memref_slice %arg17[%add3A_210, %dma_start3A_326] : memref<79x128xi32, #tpu.memory_space<vmem>> -> memref<1x128xi32, #tpu.memory_space<vmem>>
        %dma_start3A_328 = tpu.memref_squeeze %dma_start3A_327 : memref<1x128xi32, #tpu.memory_space<vmem>> -> memref<128xi32, #tpu.memory_space<vmem>>
        %dma_start3A_329 = arith.constant 0 : i32
        %dma_start3A_330 = arith.constant 0 : i32
        %dma_start3A_331 = tpu.memref_slice %arg7[%dma_start3A_329, %dma_start3A_330] : memref<10112x64xf32, #tpu.memory_space<vmem_shared>> -> memref<10112x64xf32, #tpu.memory_space<vmem_shared>>
        tpu.enqueue_indirect_dma source(%arg12 : memref<128x64xf32, #tpu.memory_space<vmem>>) target(%dma_start3A_331 : memref<10112x64xf32, #tpu.memory_space<vmem_shared>>) offsets(%dma_start3A_328 : memref<128xi32, #tpu.memory_space<vmem>>) semaphore(%arg30 : memref<!tpu.dma_semaphore, #tpu.memory_space<semaphore_mem>>) {add = true}
      } else {
      }
      %mul3A_215 = arith.constant 8 : i32
      %mul3A_216 = arith.muli %scan3A_174, %mul3A_215 : i32
      %add3A_217 = arith.constant 5 : i32
      %add3A_218 = arith.addi %mul3A_216, %add3A_217 : i32
      %lt3A_219 = arith.cmpi slt, %add3A_218, %select_n3A : i32
      %convert_element_type3A_220 = arith.extui %lt3A_219 : i1 to i32
      %cond3A_221 = arith.constant 0 : i32
      %cond3A_222 = arith.cmpi ne, %convert_element_type3A_220, %cond3A_221 : i32
      scf.if %cond3A_222 {
        %dma_wait3A_319 = arith.constant 0 : i32
        %dma_wait3A_320 = arith.constant 0 : i32
        %dma_wait3A_321 = tpu.memref_slice %arg16[%dma_wait3A_319, %dma_wait3A_320] : memref<79x128xi32, #tpu.memory_space<vmem>> -> memref<1x128xi32, #tpu.memory_space<vmem>>
        %dma_wait3A_322 = tpu.memref_squeeze %dma_wait3A_321 : memref<1x128xi32, #tpu.memory_space<vmem>> -> memref<128xi32, #tpu.memory_space<vmem>>
        %dma_wait3A_323 = arith.constant 0 : i32
        %dma_wait3A_324 = arith.constant 0 : i32
        %dma_wait3A_325 = tpu.memref_slice %arg2[%dma_wait3A_323, %dma_wait3A_324] : memref<10000x64xf32, #tpu.memory_space<hbm>> -> memref<10000x64xf32, #tpu.memory_space<hbm>>
        tpu.wait_indirect_dma semaphore(%arg23 : memref<!tpu.dma_semaphore, #tpu.memory_space<semaphore_mem>>) src(%dma_wait3A_325 : memref<10000x64xf32, #tpu.memory_space<hbm>>) dst(%arg13 : memref<128x64xf32, #tpu.memory_space<vmem>>)
        %dma_start3A_326 = arith.constant 0 : i32
        %dma_start3A_327 = tpu.memref_slice %arg17[%add3A_218, %dma_start3A_326] : memref<79x128xi32, #tpu.memory_space<vmem>> -> memref<1x128xi32, #tpu.memory_space<vmem>>
        %dma_start3A_328 = tpu.memref_squeeze %dma_start3A_327 : memref<1x128xi32, #tpu.memory_space<vmem>> -> memref<128xi32, #tpu.memory_space<vmem>>
        %dma_start3A_329 = arith.constant 0 : i32
        %dma_start3A_330 = arith.constant 0 : i32
        %dma_start3A_331 = tpu.memref_slice %arg7[%dma_start3A_329, %dma_start3A_330] : memref<10112x64xf32, #tpu.memory_space<vmem_shared>> -> memref<10112x64xf32, #tpu.memory_space<vmem_shared>>
        tpu.enqueue_indirect_dma source(%arg13 : memref<128x64xf32, #tpu.memory_space<vmem>>) target(%dma_start3A_331 : memref<10112x64xf32, #tpu.memory_space<vmem_shared>>) offsets(%dma_start3A_328 : memref<128xi32, #tpu.memory_space<vmem>>) semaphore(%arg31 : memref<!tpu.dma_semaphore, #tpu.memory_space<semaphore_mem>>) {add = true}
      } else {
      }
      %mul3A_223 = arith.constant 8 : i32
      %mul3A_224 = arith.muli %scan3A_174, %mul3A_223 : i32
      %add3A_225 = arith.constant 6 : i32
      %add3A_226 = arith.addi %mul3A_224, %add3A_225 : i32
      %lt3A_227 = arith.cmpi slt, %add3A_226, %select_n3A : i32
      %convert_element_type3A_228 = arith.extui %lt3A_227 : i1 to i32
      %cond3A_229 = arith.constant 0 : i32
      %cond3A_230 = arith.cmpi ne, %convert_element_type3A_228, %cond3A_229 : i32
      scf.if %cond3A_230 {
        %dma_wait3A_319 = arith.constant 0 : i32
        %dma_wait3A_320 = arith.constant 0 : i32
        %dma_wait3A_321 = tpu.memref_slice %arg16[%dma_wait3A_319, %dma_wait3A_320] : memref<79x128xi32, #tpu.memory_space<vmem>> -> memref<1x128xi32, #tpu.memory_space<vmem>>
        %dma_wait3A_322 = tpu.memref_squeeze %dma_wait3A_321 : memref<1x128xi32, #tpu.memory_space<vmem>> -> memref<128xi32, #tpu.memory_space<vmem>>
        %dma_wait3A_323 = arith.constant 0 : i32
        %dma_wait3A_324 = arith.constant 0 : i32
        %dma_wait3A_325 = tpu.memref_slice %arg2[%dma_wait3A_323, %dma_wait3A_324] : memref<10000x64xf32, #tpu.memory_space<hbm>> -> memref<10000x64xf32, #tpu.memory_space<hbm>>
        tpu.wait_indirect_dma semaphore(%arg24 : memref<!tpu.dma_semaphore, #tpu.memory_space<semaphore_mem>>) src(%dma_wait3A_325 : memref<10000x64xf32, #tpu.memory_space<hbm>>) dst(%arg14 : memref<128x64xf32, #tpu.memory_space<vmem>>)
        %dma_start3A_326 = arith.constant 0 : i32
        %dma_start3A_327 = tpu.memref_slice %arg17[%add3A_226, %dma_start3A_326] : memref<79x128xi32, #tpu.memory_space<vmem>> -> memref<1x128xi32, #tpu.memory_space<vmem>>
        %dma_start3A_328 = tpu.memref_squeeze %dma_start3A_327 : memref<1x128xi32, #tpu.memory_space<vmem>> -> memref<128xi32, #tpu.memory_space<vmem>>
        %dma_start3A_329 = arith.constant 0 : i32
        %dma_start3A_330 = arith.constant 0 : i32
        %dma_start3A_331 = tpu.memref_slice %arg7[%dma_start3A_329, %dma_start3A_330] : memref<10112x64xf32, #tpu.memory_space<vmem_shared>> -> memref<10112x64xf32, #tpu.memory_space<vmem_shared>>
        tpu.enqueue_indirect_dma source(%arg14 : memref<128x64xf32, #tpu.memory_space<vmem>>) target(%dma_start3A_331 : memref<10112x64xf32, #tpu.memory_space<vmem_shared>>) offsets(%dma_start3A_328 : memref<128xi32, #tpu.memory_space<vmem>>) semaphore(%arg32 : memref<!tpu.dma_semaphore, #tpu.memory_space<semaphore_mem>>) {add = true}
      } else {
      }
      %mul3A_231 = arith.constant 8 : i32
      %mul3A_232 = arith.muli %scan3A_174, %mul3A_231 : i32
      %add3A_233 = arith.constant 7 : i32
      %add3A_234 = arith.addi %mul3A_232, %add3A_233 : i32
      %lt3A_235 = arith.cmpi slt, %add3A_234, %select_n3A : i32
      %convert_element_type3A_236 = arith.extui %lt3A_235 : i1 to i32
      %cond3A_237 = arith.constant 0 : i32
      %cond3A_238 = arith.cmpi ne, %convert_element_type3A_236, %cond3A_237 : i32
      scf.if %cond3A_238 {
        %dma_wait3A_319 = arith.constant 0 : i32
        %dma_wait3A_320 = arith.constant 0 : i32
        %dma_wait3A_321 = tpu.memref_slice %arg16[%dma_wait3A_319, %dma_wait3A_320] : memref<79x128xi32, #tpu.memory_space<vmem>> -> memref<1x128xi32, #tpu.memory_space<vmem>>
        %dma_wait3A_322 = tpu.memref_squeeze %dma_wait3A_321 : memref<1x128xi32, #tpu.memory_space<vmem>> -> memref<128xi32, #tpu.memory_space<vmem>>
        %dma_wait3A_323 = arith.constant 0 : i32
        %dma_wait3A_324 = arith.constant 0 : i32
        %dma_wait3A_325 = tpu.memref_slice %arg2[%dma_wait3A_323, %dma_wait3A_324] : memref<10000x64xf32, #tpu.memory_space<hbm>> -> memref<10000x64xf32, #tpu.memory_space<hbm>>
        tpu.wait_indirect_dma semaphore(%arg25 : memref<!tpu.dma_semaphore, #tpu.memory_space<semaphore_mem>>) src(%dma_wait3A_325 : memref<10000x64xf32, #tpu.memory_space<hbm>>) dst(%arg15 : memref<128x64xf32, #tpu.memory_space<vmem>>)
        %dma_start3A_326 = arith.constant 0 : i32
        %dma_start3A_327 = tpu.memref_slice %arg17[%add3A_234, %dma_start3A_326] : memref<79x128xi32, #tpu.memory_space<vmem>> -> memref<1x128xi32, #tpu.memory_space<vmem>>
        %dma_start3A_328 = tpu.memref_squeeze %dma_start3A_327 : memref<1x128xi32, #tpu.memory_space<vmem>> -> memref<128xi32, #tpu.memory_space<vmem>>
        %dma_start3A_329 = arith.constant 0 : i32
        %dma_start3A_330 = arith.constant 0 : i32
        %dma_start3A_331 = tpu.memref_slice %arg7[%dma_start3A_329, %dma_start3A_330] : memref<10112x64xf32, #tpu.memory_space<vmem_shared>> -> memref<10112x64xf32, #tpu.memory_space<vmem_shared>>
        tpu.enqueue_indirect_dma source(%arg15 : memref<128x64xf32, #tpu.memory_space<vmem>>) target(%dma_start3A_331 : memref<10112x64xf32, #tpu.memory_space<vmem_shared>>) offsets(%dma_start3A_328 : memref<128xi32, #tpu.memory_space<vmem>>) semaphore(%arg33 : memref<!tpu.dma_semaphore, #tpu.memory_space<semaphore_mem>>) {add = true}
      } else {
      }
      %mul3A_239 = arith.constant 8 : i32
      %mul3A_240 = arith.muli %scan3A_174, %mul3A_239 : i32
      %add3A_241 = arith.constant 0 : i32
      %add3A_242 = arith.addi %mul3A_240, %add3A_241 : i32
      %add3A_243 = arith.constant 8 : i32
      %add3A_244 = arith.addi %add3A_242, %add3A_243 : i32
      %lt3A_245 = arith.cmpi slt, %add3A_244, %select_n3A : i32
      %convert_element_type3A_246 = arith.extui %lt3A_245 : i1 to i32
      %cond3A_247 = arith.constant 0 : i32
      %cond3A_248 = arith.cmpi ne, %convert_element_type3A_246, %cond3A_247 : i32
      scf.if %cond3A_248 {
        %dma_wait3A_319 = arith.constant 0 : i32
        %dma_wait3A_320 = arith.constant 0 : i32
        %dma_wait3A_321 = tpu.memref_slice %arg17[%dma_wait3A_319, %dma_wait3A_320] : memref<79x128xi32, #tpu.memory_space<vmem>> -> memref<1x128xi32, #tpu.memory_space<vmem>>
        %dma_wait3A_322 = tpu.memref_squeeze %dma_wait3A_321 : memref<1x128xi32, #tpu.memory_space<vmem>> -> memref<128xi32, #tpu.memory_space<vmem>>
        %dma_wait3A_323 = arith.constant 0 : i32
        %dma_wait3A_324 = arith.constant 0 : i32
        %dma_wait3A_325 = tpu.memref_slice %arg7[%dma_wait3A_323, %dma_wait3A_324] : memref<10112x64xf32, #tpu.memory_space<vmem_shared>> -> memref<10112x64xf32, #tpu.memory_space<vmem_shared>>
        tpu.wait_indirect_dma semaphore(%arg26 : memref<!tpu.dma_semaphore, #tpu.memory_space<semaphore_mem>>) src(%arg8 : memref<128x64xf32, #tpu.memory_space<vmem>>) dst(%dma_wait3A_325 : memref<10112x64xf32, #tpu.memory_space<vmem_shared>>)
        %add3A_326 = arith.constant 8 : i32
        %add3A_327 = arith.addi %add3A_242, %add3A_326 : i32
        %dma_start3A_328 = arith.constant 0 : i32
        %dma_start3A_329 = tpu.memref_slice %arg16[%add3A_327, %dma_start3A_328] : memref<79x128xi32, #tpu.memory_space<vmem>> -> memref<1x128xi32, #tpu.memory_space<vmem>>
        %dma_start3A_330 = tpu.memref_squeeze %dma_start3A_329 : memref<1x128xi32, #tpu.memory_space<vmem>> -> memref<128xi32, #tpu.memory_space<vmem>>
        %dma_start3A_331 = arith.constant 0 : i32
        %dma_start3A_332 = arith.constant 0 : i32
        %dma_start3A_333 = tpu.memref_slice %arg2[%dma_start3A_331, %dma_start3A_332] : memref<10000x64xf32, #tpu.memory_space<hbm>> -> memref<10000x64xf32, #tpu.memory_space<hbm>>
        tpu.enqueue_indirect_dma source(%dma_start3A_333 : memref<10000x64xf32, #tpu.memory_space<hbm>>) target(%arg8 : memref<128x64xf32, #tpu.memory_space<vmem>>) offsets(%dma_start3A_330 : memref<128xi32, #tpu.memory_space<vmem>>) semaphore(%arg18 : memref<!tpu.dma_semaphore, #tpu.memory_space<semaphore_mem>>)
      } else {
      }
      %mul3A_249 = arith.constant 8 : i32
      %mul3A_250 = arith.muli %scan3A_174, %mul3A_249 : i32
      %add3A_251 = arith.constant 1 : i32
      %add3A_252 = arith.addi %mul3A_250, %add3A_251 : i32
      %add3A_253 = arith.constant 8 : i32
      %add3A_254 = arith.addi %add3A_252, %add3A_253 : i32
      %lt3A_255 = arith.cmpi slt, %add3A_254, %select_n3A : i32
      %convert_element_type3A_256 = arith.extui %lt3A_255 : i1 to i32
      %cond3A_257 = arith.constant 0 : i32
      %cond3A_258 = arith.cmpi ne, %convert_element_type3A_256, %cond3A_257 : i32
      scf.if %cond3A_258 {
        %dma_wait3A_319 = arith.constant 0 : i32
        %dma_wait3A_320 = arith.constant 0 : i32
        %dma_wait3A_321 = tpu.memref_slice %arg17[%dma_wait3A_319, %dma_wait3A_320] : memref<79x128xi32, #tpu.memory_space<vmem>> -> memref<1x128xi32, #tpu.memory_space<vmem>>
        %dma_wait3A_322 = tpu.memref_squeeze %dma_wait3A_321 : memref<1x128xi32, #tpu.memory_space<vmem>> -> memref<128xi32, #tpu.memory_space<vmem>>
        %dma_wait3A_323 = arith.constant 0 : i32
        %dma_wait3A_324 = arith.constant 0 : i32
        %dma_wait3A_325 = tpu.memref_slice %arg7[%dma_wait3A_323, %dma_wait3A_324] : memref<10112x64xf32, #tpu.memory_space<vmem_shared>> -> memref<10112x64xf32, #tpu.memory_space<vmem_shared>>
        tpu.wait_indirect_dma semaphore(%arg27 : memref<!tpu.dma_semaphore, #tpu.memory_space<semaphore_mem>>) src(%arg9 : memref<128x64xf32, #tpu.memory_space<vmem>>) dst(%dma_wait3A_325 : memref<10112x64xf32, #tpu.memory_space<vmem_shared>>)
        %add3A_326 = arith.constant 8 : i32
        %add3A_327 = arith.addi %add3A_252, %add3A_326 : i32
        %dma_start3A_328 = arith.constant 0 : i32
        %dma_start3A_329 = tpu.memref_slice %arg16[%add3A_327, %dma_start3A_328] : memref<79x128xi32, #tpu.memory_space<vmem>> -> memref<1x128xi32, #tpu.memory_space<vmem>>
        %dma_start3A_330 = tpu.memref_squeeze %dma_start3A_329 : memref<1x128xi32, #tpu.memory_space<vmem>> -> memref<128xi32, #tpu.memory_space<vmem>>
        %dma_start3A_331 = arith.constant 0 : i32
        %dma_start3A_332 = arith.constant 0 : i32
        %dma_start3A_333 = tpu.memref_slice %arg2[%dma_start3A_331, %dma_start3A_332] : memref<10000x64xf32, #tpu.memory_space<hbm>> -> memref<10000x64xf32, #tpu.memory_space<hbm>>
        tpu.enqueue_indirect_dma source(%dma_start3A_333 : memref<10000x64xf32, #tpu.memory_space<hbm>>) target(%arg9 : memref<128x64xf32, #tpu.memory_space<vmem>>) offsets(%dma_start3A_330 : memref<128xi32, #tpu.memory_space<vmem>>) semaphore(%arg19 : memref<!tpu.dma_semaphore, #tpu.memory_space<semaphore_mem>>)
      } else {
      }
      %mul3A_259 = arith.constant 8 : i32
      %mul3A_260 = arith.muli %scan3A_174, %mul3A_259 : i32
      %add3A_261 = arith.constant 2 : i32
      %add3A_262 = arith.addi %mul3A_260, %add3A_261 : i32
      %add3A_263 = arith.constant 8 : i32
      %add3A_264 = arith.addi %add3A_262, %add3A_263 : i32
      %lt3A_265 = arith.cmpi slt, %add3A_264, %select_n3A : i32
      %convert_element_type3A_266 = arith.extui %lt3A_265 : i1 to i32
      %cond3A_267 = arith.constant 0 : i32
      %cond3A_268 = arith.cmpi ne, %convert_element_type3A_266, %cond3A_267 : i32
      scf.if %cond3A_268 {
        %dma_wait3A_319 = arith.constant 0 : i32
        %dma_wait3A_320 = arith.constant 0 : i32
        %dma_wait3A_321 = tpu.memref_slice %arg17[%dma_wait3A_319, %dma_wait3A_320] : memref<79x128xi32, #tpu.memory_space<vmem>> -> memref<1x128xi32, #tpu.memory_space<vmem>>
        %dma_wait3A_322 = tpu.memref_squeeze %dma_wait3A_321 : memref<1x128xi32, #tpu.memory_space<vmem>> -> memref<128xi32, #tpu.memory_space<vmem>>
        %dma_wait3A_323 = arith.constant 0 : i32
        %dma_wait3A_324 = arith.constant 0 : i32
        %dma_wait3A_325 = tpu.memref_slice %arg7[%dma_wait3A_323, %dma_wait3A_324] : memref<10112x64xf32, #tpu.memory_space<vmem_shared>> -> memref<10112x64xf32, #tpu.memory_space<vmem_shared>>
        tpu.wait_indirect_dma semaphore(%arg28 : memref<!tpu.dma_semaphore, #tpu.memory_space<semaphore_mem>>) src(%arg10 : memref<128x64xf32, #tpu.memory_space<vmem>>) dst(%dma_wait3A_325 : memref<10112x64xf32, #tpu.memory_space<vmem_shared>>)
        %add3A_326 = arith.constant 8 : i32
        %add3A_327 = arith.addi %add3A_262, %add3A_326 : i32
        %dma_start3A_328 = arith.constant 0 : i32
        %dma_start3A_329 = tpu.memref_slice %arg16[%add3A_327, %dma_start3A_328] : memref<79x128xi32, #tpu.memory_space<vmem>> -> memref<1x128xi32, #tpu.memory_space<vmem>>
        %dma_start3A_330 = tpu.memref_squeeze %dma_start3A_329 : memref<1x128xi32, #tpu.memory_space<vmem>> -> memref<128xi32, #tpu.memory_space<vmem>>
        %dma_start3A_331 = arith.constant 0 : i32
        %dma_start3A_332 = arith.constant 0 : i32
        %dma_start3A_333 = tpu.memref_slice %arg2[%dma_start3A_331, %dma_start3A_332] : memref<10000x64xf32, #tpu.memory_space<hbm>> -> memref<10000x64xf32, #tpu.memory_space<hbm>>
        tpu.enqueue_indirect_dma source(%dma_start3A_333 : memref<10000x64xf32, #tpu.memory_space<hbm>>) target(%arg10 : memref<128x64xf32, #tpu.memory_space<vmem>>) offsets(%dma_start3A_330 : memref<128xi32, #tpu.memory_space<vmem>>) semaphore(%arg20 : memref<!tpu.dma_semaphore, #tpu.memory_space<semaphore_mem>>)
      } else {
      }
      %mul3A_269 = arith.constant 8 : i32
      %mul3A_270 = arith.muli %scan3A_174, %mul3A_269 : i32
      %add3A_271 = arith.constant 3 : i32
      %add3A_272 = arith.addi %mul3A_270, %add3A_271 : i32
      %add3A_273 = arith.constant 8 : i32
      %add3A_274 = arith.addi %add3A_272, %add3A_273 : i32
      %lt3A_275 = arith.cmpi slt, %add3A_274, %select_n3A : i32
      %convert_element_type3A_276 = arith.extui %lt3A_275 : i1 to i32
      %cond3A_277 = arith.constant 0 : i32
      %cond3A_278 = arith.cmpi ne, %convert_element_type3A_276, %cond3A_277 : i32
      scf.if %cond3A_278 {
        %dma_wait3A_319 = arith.constant 0 : i32
        %dma_wait3A_320 = arith.constant 0 : i32
        %dma_wait3A_321 = tpu.memref_slice %arg17[%dma_wait3A_319, %dma_wait3A_320] : memref<79x128xi32, #tpu.memory_space<vmem>> -> memref<1x128xi32, #tpu.memory_space<vmem>>
        %dma_wait3A_322 = tpu.memref_squeeze %dma_wait3A_321 : memref<1x128xi32, #tpu.memory_space<vmem>> -> memref<128xi32, #tpu.memory_space<vmem>>
        %dma_wait3A_323 = arith.constant 0 : i32
        %dma_wait3A_324 = arith.constant 0 : i32
        %dma_wait3A_325 = tpu.memref_slice %arg7[%dma_wait3A_323, %dma_wait3A_324] : memref<10112x64xf32, #tpu.memory_space<vmem_shared>> -> memref<10112x64xf32, #tpu.memory_space<vmem_shared>>
        tpu.wait_indirect_dma semaphore(%arg29 : memref<!tpu.dma_semaphore, #tpu.memory_space<semaphore_mem>>) src(%arg11 : memref<128x64xf32, #tpu.memory_space<vmem>>) dst(%dma_wait3A_325 : memref<10112x64xf32, #tpu.memory_space<vmem_shared>>)
        %add3A_326 = arith.constant 8 : i32
        %add3A_327 = arith.addi %add3A_272, %add3A_326 : i32
        %dma_start3A_328 = arith.constant 0 : i32
        %dma_start3A_329 = tpu.memref_slice %arg16[%add3A_327, %dma_start3A_328] : memref<79x128xi32, #tpu.memory_space<vmem>> -> memref<1x128xi32, #tpu.memory_space<vmem>>
        %dma_start3A_330 = tpu.memref_squeeze %dma_start3A_329 : memref<1x128xi32, #tpu.memory_space<vmem>> -> memref<128xi32, #tpu.memory_space<vmem>>
        %dma_start3A_331 = arith.constant 0 : i32
        %dma_start3A_332 = arith.constant 0 : i32
        %dma_start3A_333 = tpu.memref_slice %arg2[%dma_start3A_331, %dma_start3A_332] : memref<10000x64xf32, #tpu.memory_space<hbm>> -> memref<10000x64xf32, #tpu.memory_space<hbm>>
        tpu.enqueue_indirect_dma source(%dma_start3A_333 : memref<10000x64xf32, #tpu.memory_space<hbm>>) target(%arg11 : memref<128x64xf32, #tpu.memory_space<vmem>>) offsets(%dma_start3A_330 : memref<128xi32, #tpu.memory_space<vmem>>) semaphore(%arg21 : memref<!tpu.dma_semaphore, #tpu.memory_space<semaphore_mem>>)
      } else {
      }
      %mul3A_279 = arith.constant 8 : i32
      %mul3A_280 = arith.muli %scan3A_174, %mul3A_279 : i32
      %add3A_281 = arith.constant 4 : i32
      %add3A_282 = arith.addi %mul3A_280, %add3A_281 : i32
      %add3A_283 = arith.constant 8 : i32
      %add3A_284 = arith.addi %add3A_282, %add3A_283 : i32
      %lt3A_285 = arith.cmpi slt, %add3A_284, %select_n3A : i32
      %convert_element_type3A_286 = arith.extui %lt3A_285 : i1 to i32
      %cond3A_287 = arith.constant 0 : i32
      %cond3A_288 = arith.cmpi ne, %convert_element_type3A_286, %cond3A_287 : i32
      scf.if %cond3A_288 {
        %dma_wait3A_319 = arith.constant 0 : i32
        %dma_wait3A_320 = arith.constant 0 : i32
        %dma_wait3A_321 = tpu.memref_slice %arg17[%dma_wait3A_319, %dma_wait3A_320] : memref<79x128xi32, #tpu.memory_space<vmem>> -> memref<1x128xi32, #tpu.memory_space<vmem>>
        %dma_wait3A_322 = tpu.memref_squeeze %dma_wait3A_321 : memref<1x128xi32, #tpu.memory_space<vmem>> -> memref<128xi32, #tpu.memory_space<vmem>>
        %dma_wait3A_323 = arith.constant 0 : i32
        %dma_wait3A_324 = arith.constant 0 : i32
        %dma_wait3A_325 = tpu.memref_slice %arg7[%dma_wait3A_323, %dma_wait3A_324] : memref<10112x64xf32, #tpu.memory_space<vmem_shared>> -> memref<10112x64xf32, #tpu.memory_space<vmem_shared>>
        tpu.wait_indirect_dma semaphore(%arg30 : memref<!tpu.dma_semaphore, #tpu.memory_space<semaphore_mem>>) src(%arg12 : memref<128x64xf32, #tpu.memory_space<vmem>>) dst(%dma_wait3A_325 : memref<10112x64xf32, #tpu.memory_space<vmem_shared>>)
        %add3A_326 = arith.constant 8 : i32
        %add3A_327 = arith.addi %add3A_282, %add3A_326 : i32
        %dma_start3A_328 = arith.constant 0 : i32
        %dma_start3A_329 = tpu.memref_slice %arg16[%add3A_327, %dma_start3A_328] : memref<79x128xi32, #tpu.memory_space<vmem>> -> memref<1x128xi32, #tpu.memory_space<vmem>>
        %dma_start3A_330 = tpu.memref_squeeze %dma_start3A_329 : memref<1x128xi32, #tpu.memory_space<vmem>> -> memref<128xi32, #tpu.memory_space<vmem>>
        %dma_start3A_331 = arith.constant 0 : i32
        %dma_start3A_332 = arith.constant 0 : i32
        %dma_start3A_333 = tpu.memref_slice %arg2[%dma_start3A_331, %dma_start3A_332] : memref<10000x64xf32, #tpu.memory_space<hbm>> -> memref<10000x64xf32, #tpu.memory_space<hbm>>
        tpu.enqueue_indirect_dma source(%dma_start3A_333 : memref<10000x64xf32, #tpu.memory_space<hbm>>) target(%arg12 : memref<128x64xf32, #tpu.memory_space<vmem>>) offsets(%dma_start3A_330 : memref<128xi32, #tpu.memory_space<vmem>>) semaphore(%arg22 : memref<!tpu.dma_semaphore, #tpu.memory_space<semaphore_mem>>)
      } else {
      }
      %mul3A_289 = arith.constant 8 : i32
      %mul3A_290 = arith.muli %scan3A_174, %mul3A_289 : i32
      %add3A_291 = arith.constant 5 : i32
      %add3A_292 = arith.addi %mul3A_290, %add3A_291 : i32
      %add3A_293 = arith.constant 8 : i32
      %add3A_294 = arith.addi %add3A_292, %add3A_293 : i32
      %lt3A_295 = arith.cmpi slt, %add3A_294, %select_n3A : i32
      %convert_element_type3A_296 = arith.extui %lt3A_295 : i1 to i32
      %cond3A_297 = arith.constant 0 : i32
      %cond3A_298 = arith.cmpi ne, %convert_element_type3A_296, %cond3A_297 : i32
      scf.if %cond3A_298 {
        %dma_wait3A_319 = arith.constant 0 : i32
        %dma_wait3A_320 = arith.constant 0 : i32
        %dma_wait3A_321 = tpu.memref_slice %arg17[%dma_wait3A_319, %dma_wait3A_320] : memref<79x128xi32, #tpu.memory_space<vmem>> -> memref<1x128xi32, #tpu.memory_space<vmem>>
        %dma_wait3A_322 = tpu.memref_squeeze %dma_wait3A_321 : memref<1x128xi32, #tpu.memory_space<vmem>> -> memref<128xi32, #tpu.memory_space<vmem>>
        %dma_wait3A_323 = arith.constant 0 : i32
        %dma_wait3A_324 = arith.constant 0 : i32
        %dma_wait3A_325 = tpu.memref_slice %arg7[%dma_wait3A_323, %dma_wait3A_324] : memref<10112x64xf32, #tpu.memory_space<vmem_shared>> -> memref<10112x64xf32, #tpu.memory_space<vmem_shared>>
        tpu.wait_indirect_dma semaphore(%arg31 : memref<!tpu.dma_semaphore, #tpu.memory_space<semaphore_mem>>) src(%arg13 : memref<128x64xf32, #tpu.memory_space<vmem>>) dst(%dma_wait3A_325 : memref<10112x64xf32, #tpu.memory_space<vmem_shared>>)
        %add3A_326 = arith.constant 8 : i32
        %add3A_327 = arith.addi %add3A_292, %add3A_326 : i32
        %dma_start3A_328 = arith.constant 0 : i32
        %dma_start3A_329 = tpu.memref_slice %arg16[%add3A_327, %dma_start3A_328] : memref<79x128xi32, #tpu.memory_space<vmem>> -> memref<1x128xi32, #tpu.memory_space<vmem>>
        %dma_start3A_330 = tpu.memref_squeeze %dma_start3A_329 : memref<1x128xi32, #tpu.memory_space<vmem>> -> memref<128xi32, #tpu.memory_space<vmem>>
        %dma_start3A_331 = arith.constant 0 : i32
        %dma_start3A_332 = arith.constant 0 : i32
        %dma_start3A_333 = tpu.memref_slice %arg2[%dma_start3A_331, %dma_start3A_332] : memref<10000x64xf32, #tpu.memory_space<hbm>> -> memref<10000x64xf32, #tpu.memory_space<hbm>>
        tpu.enqueue_indirect_dma source(%dma_start3A_333 : memref<10000x64xf32, #tpu.memory_space<hbm>>) target(%arg13 : memref<128x64xf32, #tpu.memory_space<vmem>>) offsets(%dma_start3A_330 : memref<128xi32, #tpu.memory_space<vmem>>) semaphore(%arg23 : memref<!tpu.dma_semaphore, #tpu.memory_space<semaphore_mem>>)
      } else {
      }
      %mul3A_299 = arith.constant 8 : i32
      %mul3A_300 = arith.muli %scan3A_174, %mul3A_299 : i32
      %add3A_301 = arith.constant 6 : i32
      %add3A_302 = arith.addi %mul3A_300, %add3A_301 : i32
      %add3A_303 = arith.constant 8 : i32
      %add3A_304 = arith.addi %add3A_302, %add3A_303 : i32
      %lt3A_305 = arith.cmpi slt, %add3A_304, %select_n3A : i32
      %convert_element_type3A_306 = arith.extui %lt3A_305 : i1 to i32
      %cond3A_307 = arith.constant 0 : i32
      %cond3A_308 = arith.cmpi ne, %convert_element_type3A_306, %cond3A_307 : i32
      scf.if %cond3A_308 {
        %dma_wait3A_319 = arith.constant 0 : i32
        %dma_wait3A_320 = arith.constant 0 : i32
        %dma_wait3A_321 = tpu.memref_slice %arg17[%dma_wait3A_319, %dma_wait3A_320] : memref<79x128xi32, #tpu.memory_space<vmem>> -> memref<1x128xi32, #tpu.memory_space<vmem>>
        %dma_wait3A_322 = tpu.memref_squeeze %dma_wait3A_321 : memref<1x128xi32, #tpu.memory_space<vmem>> -> memref<128xi32, #tpu.memory_space<vmem>>
        %dma_wait3A_323 = arith.constant 0 : i32
        %dma_wait3A_324 = arith.constant 0 : i32
        %dma_wait3A_325 = tpu.memref_slice %arg7[%dma_wait3A_323, %dma_wait3A_324] : memref<10112x64xf32, #tpu.memory_space<vmem_shared>> -> memref<10112x64xf32, #tpu.memory_space<vmem_shared>>
        tpu.wait_indirect_dma semaphore(%arg32 : memref<!tpu.dma_semaphore, #tpu.memory_space<semaphore_mem>>) src(%arg14 : memref<128x64xf32, #tpu.memory_space<vmem>>) dst(%dma_wait3A_325 : memref<10112x64xf32, #tpu.memory_space<vmem_shared>>)
        %add3A_326 = arith.constant 8 : i32
        %add3A_327 = arith.addi %add3A_302, %add3A_326 : i32
        %dma_start3A_328 = arith.constant 0 : i32
        %dma_start3A_329 = tpu.memref_slice %arg16[%add3A_327, %dma_start3A_328] : memref<79x128xi32, #tpu.memory_space<vmem>> -> memref<1x128xi32, #tpu.memory_space<vmem>>
        %dma_start3A_330 = tpu.memref_squeeze %dma_start3A_329 : memref<1x128xi32, #tpu.memory_space<vmem>> -> memref<128xi32, #tpu.memory_space<vmem>>
        %dma_start3A_331 = arith.constant 0 : i32
        %dma_start3A_332 = arith.constant 0 : i32
        %dma_start3A_333 = tpu.memref_slice %arg2[%dma_start3A_331, %dma_start3A_332] : memref<10000x64xf32, #tpu.memory_space<hbm>> -> memref<10000x64xf32, #tpu.memory_space<hbm>>
        tpu.enqueue_indirect_dma source(%dma_start3A_333 : memref<10000x64xf32, #tpu.memory_space<hbm>>) target(%arg14 : memref<128x64xf32, #tpu.memory_space<vmem>>) offsets(%dma_start3A_330 : memref<128xi32, #tpu.memory_space<vmem>>) semaphore(%arg24 : memref<!tpu.dma_semaphore, #tpu.memory_space<semaphore_mem>>)
      } else {
      }
      %mul3A_309 = arith.constant 8 : i32
      %mul3A_310 = arith.muli %scan3A_174, %mul3A_309 : i32
      %add3A_311 = arith.constant 7 : i32
      %add3A_312 = arith.addi %mul3A_310, %add3A_311 : i32
      %add3A_313 = arith.constant 8 : i32
      %add3A_314 = arith.addi %add3A_312, %add3A_313 : i32
      %lt3A_315 = arith.cmpi slt, %add3A_314, %select_n3A : i32
      %convert_element_type3A_316 = arith.extui %lt3A_315 : i1 to i32
      %cond3A_317 = arith.constant 0 : i32
      %cond3A_318 = arith.cmpi ne, %convert_element_type3A_316, %cond3A_317 : i32
      scf.if %cond3A_318 {
        %dma_wait3A_319 = arith.constant 0 : i32
        %dma_wait3A_320 = arith.constant 0 : i32
        %dma_wait3A_321 = tpu.memref_slice %arg17[%dma_wait3A_319, %dma_wait3A_320] : memref<79x128xi32, #tpu.memory_space<vmem>> -> memref<1x128xi32, #tpu.memory_space<vmem>>
        %dma_wait3A_322 = tpu.memref_squeeze %dma_wait3A_321 : memref<1x128xi32, #tpu.memory_space<vmem>> -> memref<128xi32, #tpu.memory_space<vmem>>
        %dma_wait3A_323 = arith.constant 0 : i32
        %dma_wait3A_324 = arith.constant 0 : i32
        %dma_wait3A_325 = tpu.memref_slice %arg7[%dma_wait3A_323, %dma_wait3A_324] : memref<10112x64xf32, #tpu.memory_space<vmem_shared>> -> memref<10112x64xf32, #tpu.memory_space<vmem_shared>>
        tpu.wait_indirect_dma semaphore(%arg33 : memref<!tpu.dma_semaphore, #tpu.memory_space<semaphore_mem>>) src(%arg15 : memref<128x64xf32, #tpu.memory_space<vmem>>) dst(%dma_wait3A_325 : memref<10112x64xf32, #tpu.memory_space<vmem_shared>>)
        %add3A_326 = arith.constant 8 : i32
        %add3A_327 = arith.addi %add3A_312, %add3A_326 : i32
        %dma_start3A_328 = arith.constant 0 : i32
        %dma_start3A_329 = tpu.memref_slice %arg16[%add3A_327, %dma_start3A_328] : memref<79x128xi32, #tpu.memory_space<vmem>> -> memref<1x128xi32, #tpu.memory_space<vmem>>
        %dma_start3A_330 = tpu.memref_squeeze %dma_start3A_329 : memref<1x128xi32, #tpu.memory_space<vmem>> -> memref<128xi32, #tpu.memory_space<vmem>>
        %dma_start3A_331 = arith.constant 0 : i32
        %dma_start3A_332 = arith.constant 0 : i32
        %dma_start3A_333 = tpu.memref_slice %arg2[%dma_start3A_331, %dma_start3A_332] : memref<10000x64xf32, #tpu.memory_space<hbm>> -> memref<10000x64xf32, #tpu.memory_space<hbm>>
        tpu.enqueue_indirect_dma source(%dma_start3A_333 : memref<10000x64xf32, #tpu.memory_space<hbm>>) target(%arg15 : memref<128x64xf32, #tpu.memory_space<vmem>>) offsets(%dma_start3A_330 : memref<128xi32, #tpu.memory_space<vmem>>) semaphore(%arg25 : memref<!tpu.dma_semaphore, #tpu.memory_space<semaphore_mem>>)
      } else {
      }
    }
    %scan3A_116 = arith.constant 10 : i32
    %dma_wait3A_117 = arith.constant 0 : i32
    %dma_wait3A_118 = arith.constant 0 : i32
    %dma_wait3A_119 = tpu.memref_slice %arg17[%dma_wait3A_117, %dma_wait3A_118] : memref<79x128xi32, #tpu.memory_space<vmem>> -> memref<1x128xi32, #tpu.memory_space<vmem>>
    %dma_wait3A_120 = tpu.memref_squeeze %dma_wait3A_119 : memref<1x128xi32, #tpu.memory_space<vmem>> -> memref<128xi32, #tpu.memory_space<vmem>>
    %dma_wait3A_121 = arith.constant 0 : i32
    %dma_wait3A_122 = arith.constant 0 : i32
    %dma_wait3A_123 = tpu.memref_slice %arg7[%dma_wait3A_121, %dma_wait3A_122] : memref<10112x64xf32, #tpu.memory_space<vmem_shared>> -> memref<10112x64xf32, #tpu.memory_space<vmem_shared>>
    tpu.wait_indirect_dma semaphore(%arg26 : memref<!tpu.dma_semaphore, #tpu.memory_space<semaphore_mem>>) src(%arg8 : memref<128x64xf32, #tpu.memory_space<vmem>>) dst(%dma_wait3A_123 : memref<10112x64xf32, #tpu.memory_space<vmem_shared>>)
    %dma_wait3A_124 = arith.constant 0 : i32
    %dma_wait3A_125 = arith.constant 0 : i32
    %dma_wait3A_126 = tpu.memref_slice %arg17[%dma_wait3A_124, %dma_wait3A_125] : memref<79x128xi32, #tpu.memory_space<vmem>> -> memref<1x128xi32, #tpu.memory_space<vmem>>
    %dma_wait3A_127 = tpu.memref_squeeze %dma_wait3A_126 : memref<1x128xi32, #tpu.memory_space<vmem>> -> memref<128xi32, #tpu.memory_space<vmem>>
    %dma_wait3A_128 = arith.constant 0 : i32
    %dma_wait3A_129 = arith.constant 0 : i32
    %dma_wait3A_130 = tpu.memref_slice %arg7[%dma_wait3A_128, %dma_wait3A_129] : memref<10112x64xf32, #tpu.memory_space<vmem_shared>> -> memref<10112x64xf32, #tpu.memory_space<vmem_shared>>
    tpu.wait_indirect_dma semaphore(%arg27 : memref<!tpu.dma_semaphore, #tpu.memory_space<semaphore_mem>>) src(%arg9 : memref<128x64xf32, #tpu.memory_space<vmem>>) dst(%dma_wait3A_130 : memref<10112x64xf32, #tpu.memory_space<vmem_shared>>)
    %dma_wait3A_131 = arith.constant 0 : i32
    %dma_wait3A_132 = arith.constant 0 : i32
    %dma_wait3A_133 = tpu.memref_slice %arg17[%dma_wait3A_131, %dma_wait3A_132] : memref<79x128xi32, #tpu.memory_space<vmem>> -> memref<1x128xi32, #tpu.memory_space<vmem>>
    %dma_wait3A_134 = tpu.memref_squeeze %dma_wait3A_133 : memref<1x128xi32, #tpu.memory_space<vmem>> -> memref<128xi32, #tpu.memory_space<vmem>>
    %dma_wait3A_135 = arith.constant 0 : i32
    %dma_wait3A_136 = arith.constant 0 : i32
    %dma_wait3A_137 = tpu.memref_slice %arg7[%dma_wait3A_135, %dma_wait3A_136] : memref<10112x64xf32, #tpu.memory_space<vmem_shared>> -> memref<10112x64xf32, #tpu.memory_space<vmem_shared>>
    tpu.wait_indirect_dma semaphore(%arg28 : memref<!tpu.dma_semaphore, #tpu.memory_space<semaphore_mem>>) src(%arg10 : memref<128x64xf32, #tpu.memory_space<vmem>>) dst(%dma_wait3A_137 : memref<10112x64xf32, #tpu.memory_space<vmem_shared>>)
    %dma_wait3A_138 = arith.constant 0 : i32
    %dma_wait3A_139 = arith.constant 0 : i32
    %dma_wait3A_140 = tpu.memref_slice %arg17[%dma_wait3A_138, %dma_wait3A_139] : memref<79x128xi32, #tpu.memory_space<vmem>> -> memref<1x128xi32, #tpu.memory_space<vmem>>
    %dma_wait3A_141 = tpu.memref_squeeze %dma_wait3A_140 : memref<1x128xi32, #tpu.memory_space<vmem>> -> memref<128xi32, #tpu.memory_space<vmem>>
    %dma_wait3A_142 = arith.constant 0 : i32
    %dma_wait3A_143 = arith.constant 0 : i32
    %dma_wait3A_144 = tpu.memref_slice %arg7[%dma_wait3A_142, %dma_wait3A_143] : memref<10112x64xf32, #tpu.memory_space<vmem_shared>> -> memref<10112x64xf32, #tpu.memory_space<vmem_shared>>
    tpu.wait_indirect_dma semaphore(%arg29 : memref<!tpu.dma_semaphore, #tpu.memory_space<semaphore_mem>>) src(%arg11 : memref<128x64xf32, #tpu.memory_space<vmem>>) dst(%dma_wait3A_144 : memref<10112x64xf32, #tpu.memory_space<vmem_shared>>)
    %dma_wait3A_145 = arith.constant 0 : i32
    %dma_wait3A_146 = arith.constant 0 : i32
    %dma_wait3A_147 = tpu.memref_slice %arg17[%dma_wait3A_145, %dma_wait3A_146] : memref<79x128xi32, #tpu.memory_space<vmem>> -> memref<1x128xi32, #tpu.memory_space<vmem>>
    %dma_wait3A_148 = tpu.memref_squeeze %dma_wait3A_147 : memref<1x128xi32, #tpu.memory_space<vmem>> -> memref<128xi32, #tpu.memory_space<vmem>>
    %dma_wait3A_149 = arith.constant 0 : i32
    %dma_wait3A_150 = arith.constant 0 : i32
    %dma_wait3A_151 = tpu.memref_slice %arg7[%dma_wait3A_149, %dma_wait3A_150] : memref<10112x64xf32, #tpu.memory_space<vmem_shared>> -> memref<10112x64xf32, #tpu.memory_space<vmem_shared>>
    tpu.wait_indirect_dma semaphore(%arg30 : memref<!tpu.dma_semaphore, #tpu.memory_space<semaphore_mem>>) src(%arg12 : memref<128x64xf32, #tpu.memory_space<vmem>>) dst(%dma_wait3A_151 : memref<10112x64xf32, #tpu.memory_space<vmem_shared>>)
    %dma_wait3A_152 = arith.constant 0 : i32
    %dma_wait3A_153 = arith.constant 0 : i32
    %dma_wait3A_154 = tpu.memref_slice %arg17[%dma_wait3A_152, %dma_wait3A_153] : memref<79x128xi32, #tpu.memory_space<vmem>> -> memref<1x128xi32, #tpu.memory_space<vmem>>
    %dma_wait3A_155 = tpu.memref_squeeze %dma_wait3A_154 : memref<1x128xi32, #tpu.memory_space<vmem>> -> memref<128xi32, #tpu.memory_space<vmem>>
    %dma_wait3A_156 = arith.constant 0 : i32
    %dma_wait3A_157 = arith.constant 0 : i32
    %dma_wait3A_158 = tpu.memref_slice %arg7[%dma_wait3A_156, %dma_wait3A_157] : memref<10112x64xf32, #tpu.memory_space<vmem_shared>> -> memref<10112x64xf32, #tpu.memory_space<vmem_shared>>
    tpu.wait_indirect_dma semaphore(%arg31 : memref<!tpu.dma_semaphore, #tpu.memory_space<semaphore_mem>>) src(%arg13 : memref<128x64xf32, #tpu.memory_space<vmem>>) dst(%dma_wait3A_158 : memref<10112x64xf32, #tpu.memory_space<vmem_shared>>)
    %dma_wait3A_159 = arith.constant 0 : i32
    %dma_wait3A_160 = arith.constant 0 : i32
    %dma_wait3A_161 = tpu.memref_slice %arg17[%dma_wait3A_159, %dma_wait3A_160] : memref<79x128xi32, #tpu.memory_space<vmem>> -> memref<1x128xi32, #tpu.memory_space<vmem>>
    %dma_wait3A_162 = tpu.memref_squeeze %dma_wait3A_161 : memref<1x128xi32, #tpu.memory_space<vmem>> -> memref<128xi32, #tpu.memory_space<vmem>>
    %dma_wait3A_163 = arith.constant 0 : i32
    %dma_wait3A_164 = arith.constant 0 : i32
    %dma_wait3A_165 = tpu.memref_slice %arg7[%dma_wait3A_163, %dma_wait3A_164] : memref<10112x64xf32, #tpu.memory_space<vmem_shared>> -> memref<10112x64xf32, #tpu.memory_space<vmem_shared>>
    tpu.wait_indirect_dma semaphore(%arg32 : memref<!tpu.dma_semaphore, #tpu.memory_space<semaphore_mem>>) src(%arg14 : memref<128x64xf32, #tpu.memory_space<vmem>>) dst(%dma_wait3A_165 : memref<10112x64xf32, #tpu.memory_space<vmem_shared>>)
    %dma_wait3A_166 = arith.constant 0 : i32
    %dma_wait3A_167 = arith.constant 0 : i32
    %dma_wait3A_168 = tpu.memref_slice %arg17[%dma_wait3A_166, %dma_wait3A_167] : memref<79x128xi32, #tpu.memory_space<vmem>> -> memref<1x128xi32, #tpu.memory_space<vmem>>
    %dma_wait3A_169 = tpu.memref_squeeze %dma_wait3A_168 : memref<1x128xi32, #tpu.memory_space<vmem>> -> memref<128xi32, #tpu.memory_space<vmem>>
    %dma_wait3A_170 = arith.constant 0 : i32
    %dma_wait3A_171 = arith.constant 0 : i32
    %dma_wait3A_172 = tpu.memref_slice %arg7[%dma_wait3A_170, %dma_wait3A_171] : memref<10112x64xf32, #tpu.memory_space<vmem_shared>> -> memref<10112x64xf32, #tpu.memory_space<vmem_shared>>
    tpu.wait_indirect_dma semaphore(%arg33 : memref<!tpu.dma_semaphore, #tpu.memory_space<semaphore_mem>>) src(%arg15 : memref<128x64xf32, #tpu.memory_space<vmem>>) dst(%dma_wait3A_172 : memref<10112x64xf32, #tpu.memory_space<vmem_shared>>)
    %barrier3A_173 = arith.constant 0 : index
    tpu.barrier barrier_id(%barrier3A_173)
    "tpu.region"() ({
      %run_scoped3A = tpu.sem_alloc : memref<!tpu.dma_semaphore, #tpu.memory_space<semaphore_mem>>
      %dma_start3A_174 = arith.constant 0 : i32
      %dma_start3A_175 = tpu.memref_slice %arg6[%arg0, %mul3A_0, %dma_start3A_174] : memref<2x10112x64xf32, #tpu.memory_space<hbm>> -> memref<1x632x64xf32, #tpu.memory_space<hbm>>
      %dma_start3A_176 = tpu.memref_squeeze %dma_start3A_175 : memref<1x632x64xf32, #tpu.memory_space<hbm>> -> memref<632x64xf32, #tpu.memory_space<hbm>>
      %dma_start3A_177 = arith.constant 0 : i32
      %dma_start3A_178 = tpu.memref_slice %arg7[%mul3A_0, %dma_start3A_177] : memref<10112x64xf32, #tpu.memory_space<vmem_shared>> -> memref<632x64xf32, #tpu.memory_space<vmem_shared>>
      tpu.enqueue_dma source(%dma_start3A_178 : memref<632x64xf32, #tpu.memory_space<vmem_shared>>) target(%dma_start3A_176 : memref<632x64xf32, #tpu.memory_space<hbm>>) target_semaphore(%run_scoped3A : memref<!tpu.dma_semaphore, #tpu.memory_space<semaphore_mem>>)
      %dma_wait3A_179 = arith.constant 0 : i32
      %dma_wait3A_180 = tpu.memref_slice %arg6[%arg0, %mul3A_0, %dma_wait3A_179] : memref<2x10112x64xf32, #tpu.memory_space<hbm>> -> memref<1x632x64xf32, #tpu.memory_space<hbm>>
      %dma_wait3A_181 = tpu.memref_squeeze %dma_wait3A_180 : memref<1x632x64xf32, #tpu.memory_space<hbm>> -> memref<632x64xf32, #tpu.memory_space<hbm>>
      %dma_wait3A_182 = arith.constant 0 : i32
      %dma_wait3A_183 = tpu.memref_slice %arg7[%mul3A_0, %dma_wait3A_182] : memref<10112x64xf32, #tpu.memory_space<vmem_shared>> -> memref<632x64xf32, #tpu.memory_space<vmem_shared>>
      tpu.wait_dma2 semaphore(%run_scoped3A : memref<!tpu.dma_semaphore, #tpu.memory_space<semaphore_mem>>) src(%dma_wait3A_183 : memref<632x64xf32, #tpu.memory_space<vmem_shared>>) dst(%dma_wait3A_181 : memref<632x64xf32, #tpu.memory_space<hbm>>)
      tpu.yield
    }) : () -> ()
    return
  }
}

#map = affine_map<(d0, d1) -> (0, 0)>
#map1 = affine_map<(d0, d1) -> (0, 0, 0)>
module attributes {stable_mosaic.version = 14 : i64} {
  func.func @gcn_agg_l1(%arg0: i32, %arg1: i32, %arg2: memref<10000x64xf32, #tpu.memory_space<hbm>>, %arg3: memref<10000x64xf32, #tpu.memory_space<hbm>>, %arg4: memref<2500x128xi32, #tpu.memory_space<hbm>>, %arg5: memref<2500x128xi32, #tpu.memory_space<hbm>>, %arg6: memref<10112x64xf32, #tpu.memory_space<hbm>>, %arg7: memref<2x10112x64xf32, #tpu.memory_space<hbm>>, %arg8: memref<2x10112x64xf32, #tpu.memory_space<hbm>>, %arg9: memref<10112x64xf32, #tpu.memory_space<vmem_shared>>, %arg10: memref<10112x64xf32, #tpu.memory_space<vmem_shared>>, %arg11: memref<128x64xf32, #tpu.memory_space<vmem>>, %arg12: memref<128x64xf32, #tpu.memory_space<vmem>>, %arg13: memref<128x64xf32, #tpu.memory_space<vmem>>, %arg14: memref<79x128xi32, #tpu.memory_space<vmem>>, %arg15: memref<79x128xi32, #tpu.memory_space<vmem>>, %arg16: memref<!tpu.dma_semaphore, #tpu.memory_space<semaphore_mem>>, %arg17: memref<!tpu.dma_semaphore, #tpu.memory_space<semaphore_mem>>, %arg18: memref<!tpu.dma_semaphore, #tpu.memory_space<semaphore_mem>>, %arg19: memref<!tpu.dma_semaphore, #tpu.memory_space<semaphore_mem>>, %arg20: memref<!tpu.dma_semaphore, #tpu.memory_space<semaphore_mem>>, %arg21: memref<!tpu.dma_semaphore, #tpu.memory_space<semaphore_mem>>) attributes {dimension_semantics = [#tpu.dimension_semantics<core_parallel>, #tpu.dimension_semantics<subcore_parallel>], iteration_bounds = array<i64: 2, 16>, scalar_prefetch = 0 : i64, scratch_operands = 13 : i64, tpu.core_type = #tpu.core_type<sc_vector_subcore>, window_params = [{transform_indices = #map}, {transform_indices = #map}, {transform_indices = #map}, {transform_indices = #map}, {transform_indices = #map}, {transform_indices = #map1}, {transform_indices = #map1}]} {
    %mul3A = arith.constant 632 : i32
    %mul3A_0 = arith.muli %arg1, %mul3A : i32
    %dma_start3A = arith.constant 0 : i32
    %dma_start3A_1 = tpu.memref_slice %arg9[%mul3A_0, %dma_start3A] : memref<10112x64xf32, #tpu.memory_space<vmem_shared>> -> memref<632x64xf32, #tpu.memory_space<vmem_shared>>
    %dma_start3A_2 = arith.constant 0 : i32
    %dma_start3A_3 = tpu.memref_slice %arg6[%mul3A_0, %dma_start3A_2] : memref<10112x64xf32, #tpu.memory_space<hbm>> -> memref<632x64xf32, #tpu.memory_space<hbm>>
    tpu.enqueue_dma source(%dma_start3A_3 : memref<632x64xf32, #tpu.memory_space<hbm>>) target(%dma_start3A_1 : memref<632x64xf32, #tpu.memory_space<vmem_shared>>) target_semaphore(%arg19 : memref<!tpu.dma_semaphore, #tpu.memory_space<semaphore_mem>>)
    %dma_start3A_4 = arith.constant 0 : i32
    %dma_start3A_5 = tpu.memref_slice %arg10[%mul3A_0, %dma_start3A_4] : memref<10112x64xf32, #tpu.memory_space<vmem_shared>> -> memref<632x64xf32, #tpu.memory_space<vmem_shared>>
    %dma_start3A_6 = arith.constant 0 : i32
    %dma_start3A_7 = tpu.memref_slice %arg6[%mul3A_0, %dma_start3A_6] : memref<10112x64xf32, #tpu.memory_space<hbm>> -> memref<632x64xf32, #tpu.memory_space<hbm>>
    tpu.enqueue_dma source(%dma_start3A_7 : memref<632x64xf32, #tpu.memory_space<hbm>>) target(%dma_start3A_5 : memref<632x64xf32, #tpu.memory_space<vmem_shared>>) target_semaphore(%arg20 : memref<!tpu.dma_semaphore, #tpu.memory_space<semaphore_mem>>)
    %mul3A_8 = arith.constant 16 : i32
    %mul3A_9 = arith.muli %arg0, %mul3A_8 : i32
    %add3A = arith.addi %mul3A_9, %arg1 : i32
    %mul3A_10 = arith.constant 78 : i32
    %mul3A_11 = arith.muli %mul3A_10, %add3A : i32
    %dma_start3A_12 = arith.constant 0 : i32
    %dma_start3A_13 = arith.constant 0 : i32
    %dma_start3A_14 = tpu.memref_slice %arg14[%dma_start3A_12, %dma_start3A_13] : memref<79x128xi32, #tpu.memory_space<vmem>> -> memref<78x128xi32, #tpu.memory_space<vmem>>
    %dma_start3A_15 = arith.constant 0 : i32
    %dma_start3A_16 = tpu.memref_slice %arg4[%mul3A_11, %dma_start3A_15] : memref<2500x128xi32, #tpu.memory_space<hbm>> -> memref<78x128xi32, #tpu.memory_space<hbm>>
    %dma_start3A_17 = arith.constant 0 : i32
    %dma_start3A_18 = arith.constant 0 : i32
    %dma_start3A_19 = tpu.memref_slice %arg14[%dma_start3A_17, %dma_start3A_18] : memref<79x128xi32, #tpu.memory_space<vmem>> -> memref<78x128xi32, #tpu.memory_space<vmem>>
    %dma_start3A_20 = arith.constant 0 : i32
    %dma_start3A_21 = tpu.memref_slice %arg4[%mul3A_11, %dma_start3A_20] : memref<2500x128xi32, #tpu.memory_space<hbm>> -> memref<78x128xi32, #tpu.memory_space<hbm>>
    tpu.enqueue_dma source(%dma_start3A_21 : memref<78x128xi32, #tpu.memory_space<hbm>>) target(%dma_start3A_19 : memref<78x128xi32, #tpu.memory_space<vmem>>) target_semaphore(%arg16 : memref<!tpu.dma_semaphore, #tpu.memory_space<semaphore_mem>>)
    %dma_start3A_22 = arith.constant 0 : i32
    %dma_start3A_23 = arith.constant 0 : i32
    %dma_start3A_24 = tpu.memref_slice %arg15[%dma_start3A_22, %dma_start3A_23] : memref<79x128xi32, #tpu.memory_space<vmem>> -> memref<78x128xi32, #tpu.memory_space<vmem>>
    %dma_start3A_25 = arith.constant 0 : i32
    %dma_start3A_26 = tpu.memref_slice %arg5[%mul3A_11, %dma_start3A_25] : memref<2500x128xi32, #tpu.memory_space<hbm>> -> memref<78x128xi32, #tpu.memory_space<hbm>>
    %dma_start3A_27 = arith.constant 0 : i32
    %dma_start3A_28 = arith.constant 0 : i32
    %dma_start3A_29 = tpu.memref_slice %arg15[%dma_start3A_27, %dma_start3A_28] : memref<79x128xi32, #tpu.memory_space<vmem>> -> memref<78x128xi32, #tpu.memory_space<vmem>>
    %dma_start3A_30 = arith.constant 0 : i32
    %dma_start3A_31 = tpu.memref_slice %arg5[%mul3A_11, %dma_start3A_30] : memref<2500x128xi32, #tpu.memory_space<hbm>> -> memref<78x128xi32, #tpu.memory_space<hbm>>
    tpu.enqueue_dma source(%dma_start3A_31 : memref<78x128xi32, #tpu.memory_space<hbm>>) target(%dma_start3A_29 : memref<78x128xi32, #tpu.memory_space<vmem>>) target_semaphore(%arg17 : memref<!tpu.dma_semaphore, #tpu.memory_space<semaphore_mem>>)
    %lt3A = arith.constant 4 : i32
    %lt3A_32 = arith.cmpi slt, %add3A, %lt3A : i32
    %convert_element_type3A = arith.extui %lt3A_32 : i1 to i32
    %cond3A = arith.constant 0 : i32
    %cond3A_33 = arith.cmpi ne, %convert_element_type3A, %cond3A : i32
    scf.if %cond3A_33 {
      %add3A_180 = arith.constant 2496 : i32
      %add3A_181 = arith.addi %add3A_180, %add3A : i32
      "tpu.region"() ({
        %run_scoped3A = tpu.sem_alloc : memref<!tpu.dma_semaphore, #tpu.memory_space<semaphore_mem>>
        %dma_start3A_184 = arith.constant 78 : i32
        %dma_start3A_185 = arith.constant 0 : i32
        %dma_start3A_186 = tpu.memref_slice %arg14[%dma_start3A_184, %dma_start3A_185] : memref<79x128xi32, #tpu.memory_space<vmem>> -> memref<1x128xi32, #tpu.memory_space<vmem>>
        %dma_start3A_187 = arith.constant 0 : i32
        %dma_start3A_188 = tpu.memref_slice %arg4[%add3A_181, %dma_start3A_187] : memref<2500x128xi32, #tpu.memory_space<hbm>> -> memref<1x128xi32, #tpu.memory_space<hbm>>
        %dma_start3A_189 = arith.constant 78 : i32
        %dma_start3A_190 = arith.constant 0 : i32
        %dma_start3A_191 = tpu.memref_slice %arg14[%dma_start3A_189, %dma_start3A_190] : memref<79x128xi32, #tpu.memory_space<vmem>> -> memref<1x128xi32, #tpu.memory_space<vmem>>
        %dma_start3A_192 = arith.constant 0 : i32
        %dma_start3A_193 = tpu.memref_slice %arg4[%add3A_181, %dma_start3A_192] : memref<2500x128xi32, #tpu.memory_space<hbm>> -> memref<1x128xi32, #tpu.memory_space<hbm>>
        tpu.enqueue_dma source(%dma_start3A_193 : memref<1x128xi32, #tpu.memory_space<hbm>>) target(%dma_start3A_191 : memref<1x128xi32, #tpu.memory_space<vmem>>) target_semaphore(%run_scoped3A : memref<!tpu.dma_semaphore, #tpu.memory_space<semaphore_mem>>)
        %dma_wait3A_194 = arith.constant 78 : i32
        %dma_wait3A_195 = arith.constant 0 : i32
        %dma_wait3A_196 = tpu.memref_slice %arg14[%dma_wait3A_194, %dma_wait3A_195] : memref<79x128xi32, #tpu.memory_space<vmem>> -> memref<1x128xi32, #tpu.memory_space<vmem>>
        %dma_wait3A_197 = arith.constant 0 : i32
        %dma_wait3A_198 = tpu.memref_slice %arg4[%add3A_181, %dma_wait3A_197] : memref<2500x128xi32, #tpu.memory_space<hbm>> -> memref<1x128xi32, #tpu.memory_space<hbm>>
        %dma_wait3A_199 = arith.constant 78 : i32
        %dma_wait3A_200 = arith.constant 0 : i32
        %dma_wait3A_201 = tpu.memref_slice %arg14[%dma_wait3A_199, %dma_wait3A_200] : memref<79x128xi32, #tpu.memory_space<vmem>> -> memref<1x128xi32, #tpu.memory_space<vmem>>
        %dma_wait3A_202 = arith.constant 0 : i32
        %dma_wait3A_203 = tpu.memref_slice %arg4[%add3A_181, %dma_wait3A_202] : memref<2500x128xi32, #tpu.memory_space<hbm>> -> memref<1x128xi32, #tpu.memory_space<hbm>>
        tpu.wait_dma2 semaphore(%run_scoped3A : memref<!tpu.dma_semaphore, #tpu.memory_space<semaphore_mem>>) src(%dma_wait3A_203 : memref<1x128xi32, #tpu.memory_space<hbm>>) dst(%dma_wait3A_201 : memref<1x128xi32, #tpu.memory_space<vmem>>)
        tpu.yield
      }) : () -> ()
      %add3A_182 = arith.constant 2496 : i32
      %add3A_183 = arith.addi %add3A_182, %add3A : i32
      "tpu.region"() ({
        %run_scoped3A = tpu.sem_alloc : memref<!tpu.dma_semaphore, #tpu.memory_space<semaphore_mem>>
        %dma_start3A_184 = arith.constant 78 : i32
        %dma_start3A_185 = arith.constant 0 : i32
        %dma_start3A_186 = tpu.memref_slice %arg15[%dma_start3A_184, %dma_start3A_185] : memref<79x128xi32, #tpu.memory_space<vmem>> -> memref<1x128xi32, #tpu.memory_space<vmem>>
        %dma_start3A_187 = arith.constant 0 : i32
        %dma_start3A_188 = tpu.memref_slice %arg5[%add3A_183, %dma_start3A_187] : memref<2500x128xi32, #tpu.memory_space<hbm>> -> memref<1x128xi32, #tpu.memory_space<hbm>>
        %dma_start3A_189 = arith.constant 78 : i32
        %dma_start3A_190 = arith.constant 0 : i32
        %dma_start3A_191 = tpu.memref_slice %arg15[%dma_start3A_189, %dma_start3A_190] : memref<79x128xi32, #tpu.memory_space<vmem>> -> memref<1x128xi32, #tpu.memory_space<vmem>>
        %dma_start3A_192 = arith.constant 0 : i32
        %dma_start3A_193 = tpu.memref_slice %arg5[%add3A_183, %dma_start3A_192] : memref<2500x128xi32, #tpu.memory_space<hbm>> -> memref<1x128xi32, #tpu.memory_space<hbm>>
        tpu.enqueue_dma source(%dma_start3A_193 : memref<1x128xi32, #tpu.memory_space<hbm>>) target(%dma_start3A_191 : memref<1x128xi32, #tpu.memory_space<vmem>>) target_semaphore(%run_scoped3A : memref<!tpu.dma_semaphore, #tpu.memory_space<semaphore_mem>>)
        %dma_wait3A_194 = arith.constant 78 : i32
        %dma_wait3A_195 = arith.constant 0 : i32
        %dma_wait3A_196 = tpu.memref_slice %arg15[%dma_wait3A_194, %dma_wait3A_195] : memref<79x128xi32, #tpu.memory_space<vmem>> -> memref<1x128xi32, #tpu.memory_space<vmem>>
        %dma_wait3A_197 = arith.constant 0 : i32
        %dma_wait3A_198 = tpu.memref_slice %arg5[%add3A_183, %dma_wait3A_197] : memref<2500x128xi32, #tpu.memory_space<hbm>> -> memref<1x128xi32, #tpu.memory_space<hbm>>
        %dma_wait3A_199 = arith.constant 78 : i32
        %dma_wait3A_200 = arith.constant 0 : i32
        %dma_wait3A_201 = tpu.memref_slice %arg15[%dma_wait3A_199, %dma_wait3A_200] : memref<79x128xi32, #tpu.memory_space<vmem>> -> memref<1x128xi32, #tpu.memory_space<vmem>>
        %dma_wait3A_202 = arith.constant 0 : i32
        %dma_wait3A_203 = tpu.memref_slice %arg5[%add3A_183, %dma_wait3A_202] : memref<2500x128xi32, #tpu.memory_space<hbm>> -> memref<1x128xi32, #tpu.memory_space<hbm>>
        tpu.wait_dma2 semaphore(%run_scoped3A : memref<!tpu.dma_semaphore, #tpu.memory_space<semaphore_mem>>) src(%dma_wait3A_203 : memref<1x128xi32, #tpu.memory_space<hbm>>) dst(%dma_wait3A_201 : memref<1x128xi32, #tpu.memory_space<vmem>>)
        tpu.yield
      }) : () -> ()
    } else {
    }
    %lt3A_34 = arith.constant 4 : i32
    %lt3A_35 = arith.cmpi slt, %add3A, %lt3A_34 : i32
    %jit3A = arith.constant 79 : i32
    %jit3A_36 = arith.constant 78 : i32
    %select_n3A = arith.select %lt3A_35, %jit3A, %jit3A_36 : i32
    %dma_wait3A = arith.constant 0 : i32
    %dma_wait3A_37 = tpu.memref_slice %arg9[%mul3A_0, %dma_wait3A] : memref<10112x64xf32, #tpu.memory_space<vmem_shared>> -> memref<632x64xf32, #tpu.memory_space<vmem_shared>>
    %dma_wait3A_38 = arith.constant 0 : i32
    %dma_wait3A_39 = tpu.memref_slice %arg6[%mul3A_0, %dma_wait3A_38] : memref<10112x64xf32, #tpu.memory_space<hbm>> -> memref<632x64xf32, #tpu.memory_space<hbm>>
    tpu.wait_dma2 semaphore(%arg19 : memref<!tpu.dma_semaphore, #tpu.memory_space<semaphore_mem>>) src(%dma_wait3A_39 : memref<632x64xf32, #tpu.memory_space<hbm>>) dst(%dma_wait3A_37 : memref<632x64xf32, #tpu.memory_space<vmem_shared>>)
    %dma_wait3A_40 = arith.constant 0 : i32
    %dma_wait3A_41 = tpu.memref_slice %arg10[%mul3A_0, %dma_wait3A_40] : memref<10112x64xf32, #tpu.memory_space<vmem_shared>> -> memref<632x64xf32, #tpu.memory_space<vmem_shared>>
    %dma_wait3A_42 = arith.constant 0 : i32
    %dma_wait3A_43 = tpu.memref_slice %arg6[%mul3A_0, %dma_wait3A_42] : memref<10112x64xf32, #tpu.memory_space<hbm>> -> memref<632x64xf32, #tpu.memory_space<hbm>>
    tpu.wait_dma2 semaphore(%arg20 : memref<!tpu.dma_semaphore, #tpu.memory_space<semaphore_mem>>) src(%dma_wait3A_43 : memref<632x64xf32, #tpu.memory_space<hbm>>) dst(%dma_wait3A_41 : memref<632x64xf32, #tpu.memory_space<vmem_shared>>)
    %dma_wait3A_44 = arith.constant 0 : i32
    %dma_wait3A_45 = arith.constant 0 : i32
    %dma_wait3A_46 = tpu.memref_slice %arg14[%dma_wait3A_44, %dma_wait3A_45] : memref<79x128xi32, #tpu.memory_space<vmem>> -> memref<78x128xi32, #tpu.memory_space<vmem>>
    %dma_wait3A_47 = arith.constant 0 : i32
    %dma_wait3A_48 = tpu.memref_slice %arg4[%mul3A_11, %dma_wait3A_47] : memref<2500x128xi32, #tpu.memory_space<hbm>> -> memref<78x128xi32, #tpu.memory_space<hbm>>
    %dma_wait3A_49 = arith.constant 0 : i32
    %dma_wait3A_50 = arith.constant 0 : i32
    %dma_wait3A_51 = tpu.memref_slice %arg14[%dma_wait3A_49, %dma_wait3A_50] : memref<79x128xi32, #tpu.memory_space<vmem>> -> memref<78x128xi32, #tpu.memory_space<vmem>>
    %dma_wait3A_52 = arith.constant 0 : i32
    %dma_wait3A_53 = tpu.memref_slice %arg4[%mul3A_11, %dma_wait3A_52] : memref<2500x128xi32, #tpu.memory_space<hbm>> -> memref<78x128xi32, #tpu.memory_space<hbm>>
    tpu.wait_dma2 semaphore(%arg16 : memref<!tpu.dma_semaphore, #tpu.memory_space<semaphore_mem>>) src(%dma_wait3A_53 : memref<78x128xi32, #tpu.memory_space<hbm>>) dst(%dma_wait3A_51 : memref<78x128xi32, #tpu.memory_space<vmem>>)
    %dma_wait3A_54 = arith.constant 0 : i32
    %dma_wait3A_55 = arith.constant 0 : i32
    %dma_wait3A_56 = tpu.memref_slice %arg15[%dma_wait3A_54, %dma_wait3A_55] : memref<79x128xi32, #tpu.memory_space<vmem>> -> memref<78x128xi32, #tpu.memory_space<vmem>>
    %dma_wait3A_57 = arith.constant 0 : i32
    %dma_wait3A_58 = tpu.memref_slice %arg5[%mul3A_11, %dma_wait3A_57] : memref<2500x128xi32, #tpu.memory_space<hbm>> -> memref<78x128xi32, #tpu.memory_space<hbm>>
    %dma_wait3A_59 = arith.constant 0 : i32
    %dma_wait3A_60 = arith.constant 0 : i32
    %dma_wait3A_61 = tpu.memref_slice %arg15[%dma_wait3A_59, %dma_wait3A_60] : memref<79x128xi32, #tpu.memory_space<vmem>> -> memref<78x128xi32, #tpu.memory_space<vmem>>
    %dma_wait3A_62 = arith.constant 0 : i32
    %dma_wait3A_63 = tpu.memref_slice %arg5[%mul3A_11, %dma_wait3A_62] : memref<2500x128xi32, #tpu.memory_space<hbm>> -> memref<78x128xi32, #tpu.memory_space<hbm>>
    tpu.wait_dma2 semaphore(%arg17 : memref<!tpu.dma_semaphore, #tpu.memory_space<semaphore_mem>>) src(%dma_wait3A_63 : memref<78x128xi32, #tpu.memory_space<hbm>>) dst(%dma_wait3A_61 : memref<78x128xi32, #tpu.memory_space<vmem>>)
    %barrier3A = arith.constant 0 : index
    tpu.barrier barrier_id(%barrier3A)
    %dma_start3A_64 = arith.constant 0 : i32
    %dma_start3A_65 = arith.constant 0 : i32
    %dma_start3A_66 = tpu.memref_slice %arg14[%dma_start3A_64, %dma_start3A_65] : memref<79x128xi32, #tpu.memory_space<vmem>> -> memref<1x128xi32, #tpu.memory_space<vmem>>
    %dma_start3A_67 = tpu.memref_squeeze %dma_start3A_66 : memref<1x128xi32, #tpu.memory_space<vmem>> -> memref<128xi32, #tpu.memory_space<vmem>>
    %dma_start3A_68 = arith.constant 0 : i32
    %dma_start3A_69 = arith.constant 0 : i32
    %dma_start3A_70 = tpu.memref_slice %arg2[%dma_start3A_68, %dma_start3A_69] : memref<10000x64xf32, #tpu.memory_space<hbm>> -> memref<10000x64xf32, #tpu.memory_space<hbm>>
    tpu.enqueue_indirect_dma source(%dma_start3A_70 : memref<10000x64xf32, #tpu.memory_space<hbm>>) target(%arg11 : memref<128x64xf32, #tpu.memory_space<vmem>>) offsets(%dma_start3A_67 : memref<128xi32, #tpu.memory_space<vmem>>) semaphore(%arg16 : memref<!tpu.dma_semaphore, #tpu.memory_space<semaphore_mem>>)
    %dma_start3A_71 = arith.constant 1 : i32
    %dma_start3A_72 = arith.constant 0 : i32
    %dma_start3A_73 = tpu.memref_slice %arg14[%dma_start3A_71, %dma_start3A_72] : memref<79x128xi32, #tpu.memory_space<vmem>> -> memref<1x128xi32, #tpu.memory_space<vmem>>
    %dma_start3A_74 = tpu.memref_squeeze %dma_start3A_73 : memref<1x128xi32, #tpu.memory_space<vmem>> -> memref<128xi32, #tpu.memory_space<vmem>>
    %dma_start3A_75 = arith.constant 0 : i32
    %dma_start3A_76 = arith.constant 0 : i32
    %dma_start3A_77 = tpu.memref_slice %arg2[%dma_start3A_75, %dma_start3A_76] : memref<10000x64xf32, #tpu.memory_space<hbm>> -> memref<10000x64xf32, #tpu.memory_space<hbm>>
    tpu.enqueue_indirect_dma source(%dma_start3A_77 : memref<10000x64xf32, #tpu.memory_space<hbm>>) target(%arg12 : memref<128x64xf32, #tpu.memory_space<vmem>>) offsets(%dma_start3A_74 : memref<128xi32, #tpu.memory_space<vmem>>) semaphore(%arg17 : memref<!tpu.dma_semaphore, #tpu.memory_space<semaphore_mem>>)
    %dma_start3A_78 = arith.constant 2 : i32
    %dma_start3A_79 = arith.constant 0 : i32
    %dma_start3A_80 = tpu.memref_slice %arg14[%dma_start3A_78, %dma_start3A_79] : memref<79x128xi32, #tpu.memory_space<vmem>> -> memref<1x128xi32, #tpu.memory_space<vmem>>
    %dma_start3A_81 = tpu.memref_squeeze %dma_start3A_80 : memref<1x128xi32, #tpu.memory_space<vmem>> -> memref<128xi32, #tpu.memory_space<vmem>>
    %dma_start3A_82 = arith.constant 0 : i32
    %dma_start3A_83 = arith.constant 0 : i32
    %dma_start3A_84 = tpu.memref_slice %arg2[%dma_start3A_82, %dma_start3A_83] : memref<10000x64xf32, #tpu.memory_space<hbm>> -> memref<10000x64xf32, #tpu.memory_space<hbm>>
    tpu.enqueue_indirect_dma source(%dma_start3A_84 : memref<10000x64xf32, #tpu.memory_space<hbm>>) target(%arg13 : memref<128x64xf32, #tpu.memory_space<vmem>>) offsets(%dma_start3A_81 : memref<128xi32, #tpu.memory_space<vmem>>) semaphore(%arg18 : memref<!tpu.dma_semaphore, #tpu.memory_space<semaphore_mem>>)
    %scan3A = arith.constant 0 : i32
    %scan3A_85 = arith.constant 0 : i32
    %scan3A_86 = arith.constant 27 : i32
    %scan3A_87 = arith.addi %scan3A_85, %scan3A_86 : i32
    %scan3A_88 = arith.constant 1 : i32
    scf.for %scan3A_180 = %scan3A_85 to %scan3A_87 step %scan3A_88  : i32 {
      %mul3A_181 = arith.constant 3 : i32
      %mul3A_182 = arith.muli %scan3A_180, %mul3A_181 : i32
      %add3A_183 = arith.constant 0 : i32
      %add3A_184 = arith.addi %mul3A_182, %add3A_183 : i32
      %lt3A_185 = arith.cmpi slt, %add3A_184, %select_n3A : i32
      %convert_element_type3A_186 = arith.extui %lt3A_185 : i1 to i32
      %cond3A_187 = arith.constant 0 : i32
      %cond3A_188 = arith.cmpi ne, %convert_element_type3A_186, %cond3A_187 : i32
      scf.if %cond3A_188 {
        %dma_wait3A_235 = arith.constant 0 : i32
        %dma_wait3A_236 = arith.constant 0 : i32
        %dma_wait3A_237 = tpu.memref_slice %arg14[%dma_wait3A_235, %dma_wait3A_236] : memref<79x128xi32, #tpu.memory_space<vmem>> -> memref<1x128xi32, #tpu.memory_space<vmem>>
        %dma_wait3A_238 = tpu.memref_squeeze %dma_wait3A_237 : memref<1x128xi32, #tpu.memory_space<vmem>> -> memref<128xi32, #tpu.memory_space<vmem>>
        %dma_wait3A_239 = arith.constant 0 : i32
        %dma_wait3A_240 = arith.constant 0 : i32
        %dma_wait3A_241 = tpu.memref_slice %arg2[%dma_wait3A_239, %dma_wait3A_240] : memref<10000x64xf32, #tpu.memory_space<hbm>> -> memref<10000x64xf32, #tpu.memory_space<hbm>>
        tpu.wait_indirect_dma semaphore(%arg16 : memref<!tpu.dma_semaphore, #tpu.memory_space<semaphore_mem>>) src(%dma_wait3A_241 : memref<10000x64xf32, #tpu.memory_space<hbm>>) dst(%arg11 : memref<128x64xf32, #tpu.memory_space<vmem>>)
        %dma_start3A_242 = arith.constant 0 : i32
        %dma_start3A_243 = tpu.memref_slice %arg15[%add3A_184, %dma_start3A_242] : memref<79x128xi32, #tpu.memory_space<vmem>> -> memref<1x128xi32, #tpu.memory_space<vmem>>
        %dma_start3A_244 = tpu.memref_squeeze %dma_start3A_243 : memref<1x128xi32, #tpu.memory_space<vmem>> -> memref<128xi32, #tpu.memory_space<vmem>>
        %dma_start3A_245 = arith.constant 0 : i32
        %dma_start3A_246 = arith.constant 0 : i32
        %dma_start3A_247 = tpu.memref_slice %arg9[%dma_start3A_245, %dma_start3A_246] : memref<10112x64xf32, #tpu.memory_space<vmem_shared>> -> memref<10112x64xf32, #tpu.memory_space<vmem_shared>>
        tpu.enqueue_indirect_dma source(%arg11 : memref<128x64xf32, #tpu.memory_space<vmem>>) target(%dma_start3A_247 : memref<10112x64xf32, #tpu.memory_space<vmem_shared>>) offsets(%dma_start3A_244 : memref<128xi32, #tpu.memory_space<vmem>>) semaphore(%arg19 : memref<!tpu.dma_semaphore, #tpu.memory_space<semaphore_mem>>) {add = true}
      } else {
      }
      %mul3A_189 = arith.constant 3 : i32
      %mul3A_190 = arith.muli %scan3A_180, %mul3A_189 : i32
      %add3A_191 = arith.constant 1 : i32
      %add3A_192 = arith.addi %mul3A_190, %add3A_191 : i32
      %lt3A_193 = arith.cmpi slt, %add3A_192, %select_n3A : i32
      %convert_element_type3A_194 = arith.extui %lt3A_193 : i1 to i32
      %cond3A_195 = arith.constant 0 : i32
      %cond3A_196 = arith.cmpi ne, %convert_element_type3A_194, %cond3A_195 : i32
      scf.if %cond3A_196 {
        %dma_wait3A_235 = arith.constant 0 : i32
        %dma_wait3A_236 = arith.constant 0 : i32
        %dma_wait3A_237 = tpu.memref_slice %arg14[%dma_wait3A_235, %dma_wait3A_236] : memref<79x128xi32, #tpu.memory_space<vmem>> -> memref<1x128xi32, #tpu.memory_space<vmem>>
        %dma_wait3A_238 = tpu.memref_squeeze %dma_wait3A_237 : memref<1x128xi32, #tpu.memory_space<vmem>> -> memref<128xi32, #tpu.memory_space<vmem>>
        %dma_wait3A_239 = arith.constant 0 : i32
        %dma_wait3A_240 = arith.constant 0 : i32
        %dma_wait3A_241 = tpu.memref_slice %arg2[%dma_wait3A_239, %dma_wait3A_240] : memref<10000x64xf32, #tpu.memory_space<hbm>> -> memref<10000x64xf32, #tpu.memory_space<hbm>>
        tpu.wait_indirect_dma semaphore(%arg17 : memref<!tpu.dma_semaphore, #tpu.memory_space<semaphore_mem>>) src(%dma_wait3A_241 : memref<10000x64xf32, #tpu.memory_space<hbm>>) dst(%arg12 : memref<128x64xf32, #tpu.memory_space<vmem>>)
        %dma_start3A_242 = arith.constant 0 : i32
        %dma_start3A_243 = tpu.memref_slice %arg15[%add3A_192, %dma_start3A_242] : memref<79x128xi32, #tpu.memory_space<vmem>> -> memref<1x128xi32, #tpu.memory_space<vmem>>
        %dma_start3A_244 = tpu.memref_squeeze %dma_start3A_243 : memref<1x128xi32, #tpu.memory_space<vmem>> -> memref<128xi32, #tpu.memory_space<vmem>>
        %dma_start3A_245 = arith.constant 0 : i32
        %dma_start3A_246 = arith.constant 0 : i32
        %dma_start3A_247 = tpu.memref_slice %arg9[%dma_start3A_245, %dma_start3A_246] : memref<10112x64xf32, #tpu.memory_space<vmem_shared>> -> memref<10112x64xf32, #tpu.memory_space<vmem_shared>>
        tpu.enqueue_indirect_dma source(%arg12 : memref<128x64xf32, #tpu.memory_space<vmem>>) target(%dma_start3A_247 : memref<10112x64xf32, #tpu.memory_space<vmem_shared>>) offsets(%dma_start3A_244 : memref<128xi32, #tpu.memory_space<vmem>>) semaphore(%arg20 : memref<!tpu.dma_semaphore, #tpu.memory_space<semaphore_mem>>) {add = true}
      } else {
      }
      %mul3A_197 = arith.constant 3 : i32
      %mul3A_198 = arith.muli %scan3A_180, %mul3A_197 : i32
      %add3A_199 = arith.constant 2 : i32
      %add3A_200 = arith.addi %mul3A_198, %add3A_199 : i32
      %lt3A_201 = arith.cmpi slt, %add3A_200, %select_n3A : i32
      %convert_element_type3A_202 = arith.extui %lt3A_201 : i1 to i32
      %cond3A_203 = arith.constant 0 : i32
      %cond3A_204 = arith.cmpi ne, %convert_element_type3A_202, %cond3A_203 : i32
      scf.if %cond3A_204 {
        %dma_wait3A_235 = arith.constant 0 : i32
        %dma_wait3A_236 = arith.constant 0 : i32
        %dma_wait3A_237 = tpu.memref_slice %arg14[%dma_wait3A_235, %dma_wait3A_236] : memref<79x128xi32, #tpu.memory_space<vmem>> -> memref<1x128xi32, #tpu.memory_space<vmem>>
        %dma_wait3A_238 = tpu.memref_squeeze %dma_wait3A_237 : memref<1x128xi32, #tpu.memory_space<vmem>> -> memref<128xi32, #tpu.memory_space<vmem>>
        %dma_wait3A_239 = arith.constant 0 : i32
        %dma_wait3A_240 = arith.constant 0 : i32
        %dma_wait3A_241 = tpu.memref_slice %arg2[%dma_wait3A_239, %dma_wait3A_240] : memref<10000x64xf32, #tpu.memory_space<hbm>> -> memref<10000x64xf32, #tpu.memory_space<hbm>>
        tpu.wait_indirect_dma semaphore(%arg18 : memref<!tpu.dma_semaphore, #tpu.memory_space<semaphore_mem>>) src(%dma_wait3A_241 : memref<10000x64xf32, #tpu.memory_space<hbm>>) dst(%arg13 : memref<128x64xf32, #tpu.memory_space<vmem>>)
        %dma_start3A_242 = arith.constant 0 : i32
        %dma_start3A_243 = tpu.memref_slice %arg15[%add3A_200, %dma_start3A_242] : memref<79x128xi32, #tpu.memory_space<vmem>> -> memref<1x128xi32, #tpu.memory_space<vmem>>
        %dma_start3A_244 = tpu.memref_squeeze %dma_start3A_243 : memref<1x128xi32, #tpu.memory_space<vmem>> -> memref<128xi32, #tpu.memory_space<vmem>>
        %dma_start3A_245 = arith.constant 0 : i32
        %dma_start3A_246 = arith.constant 0 : i32
        %dma_start3A_247 = tpu.memref_slice %arg9[%dma_start3A_245, %dma_start3A_246] : memref<10112x64xf32, #tpu.memory_space<vmem_shared>> -> memref<10112x64xf32, #tpu.memory_space<vmem_shared>>
        tpu.enqueue_indirect_dma source(%arg13 : memref<128x64xf32, #tpu.memory_space<vmem>>) target(%dma_start3A_247 : memref<10112x64xf32, #tpu.memory_space<vmem_shared>>) offsets(%dma_start3A_244 : memref<128xi32, #tpu.memory_space<vmem>>) semaphore(%arg21 : memref<!tpu.dma_semaphore, #tpu.memory_space<semaphore_mem>>) {add = true}
      } else {
      }
      %mul3A_205 = arith.constant 3 : i32
      %mul3A_206 = arith.muli %scan3A_180, %mul3A_205 : i32
      %add3A_207 = arith.constant 0 : i32
      %add3A_208 = arith.addi %mul3A_206, %add3A_207 : i32
      %add3A_209 = arith.constant 3 : i32
      %add3A_210 = arith.addi %add3A_208, %add3A_209 : i32
      %lt3A_211 = arith.cmpi slt, %add3A_210, %select_n3A : i32
      %convert_element_type3A_212 = arith.extui %lt3A_211 : i1 to i32
      %cond3A_213 = arith.constant 0 : i32
      %cond3A_214 = arith.cmpi ne, %convert_element_type3A_212, %cond3A_213 : i32
      scf.if %cond3A_214 {
        %dma_wait3A_235 = arith.constant 0 : i32
        %dma_wait3A_236 = arith.constant 0 : i32
        %dma_wait3A_237 = tpu.memref_slice %arg15[%dma_wait3A_235, %dma_wait3A_236] : memref<79x128xi32, #tpu.memory_space<vmem>> -> memref<1x128xi32, #tpu.memory_space<vmem>>
        %dma_wait3A_238 = tpu.memref_squeeze %dma_wait3A_237 : memref<1x128xi32, #tpu.memory_space<vmem>> -> memref<128xi32, #tpu.memory_space<vmem>>
        %dma_wait3A_239 = arith.constant 0 : i32
        %dma_wait3A_240 = arith.constant 0 : i32
        %dma_wait3A_241 = tpu.memref_slice %arg9[%dma_wait3A_239, %dma_wait3A_240] : memref<10112x64xf32, #tpu.memory_space<vmem_shared>> -> memref<10112x64xf32, #tpu.memory_space<vmem_shared>>
        tpu.wait_indirect_dma semaphore(%arg19 : memref<!tpu.dma_semaphore, #tpu.memory_space<semaphore_mem>>) src(%arg11 : memref<128x64xf32, #tpu.memory_space<vmem>>) dst(%dma_wait3A_241 : memref<10112x64xf32, #tpu.memory_space<vmem_shared>>)
        %add3A_242 = arith.constant 3 : i32
        %add3A_243 = arith.addi %add3A_208, %add3A_242 : i32
        %dma_start3A_244 = arith.constant 0 : i32
        %dma_start3A_245 = tpu.memref_slice %arg14[%add3A_243, %dma_start3A_244] : memref<79x128xi32, #tpu.memory_space<vmem>> -> memref<1x128xi32, #tpu.memory_space<vmem>>
        %dma_start3A_246 = tpu.memref_squeeze %dma_start3A_245 : memref<1x128xi32, #tpu.memory_space<vmem>> -> memref<128xi32, #tpu.memory_space<vmem>>
        %dma_start3A_247 = arith.constant 0 : i32
        %dma_start3A_248 = arith.constant 0 : i32
        %dma_start3A_249 = tpu.memref_slice %arg2[%dma_start3A_247, %dma_start3A_248] : memref<10000x64xf32, #tpu.memory_space<hbm>> -> memref<10000x64xf32, #tpu.memory_space<hbm>>
        tpu.enqueue_indirect_dma source(%dma_start3A_249 : memref<10000x64xf32, #tpu.memory_space<hbm>>) target(%arg11 : memref<128x64xf32, #tpu.memory_space<vmem>>) offsets(%dma_start3A_246 : memref<128xi32, #tpu.memory_space<vmem>>) semaphore(%arg16 : memref<!tpu.dma_semaphore, #tpu.memory_space<semaphore_mem>>)
      } else {
      }
      %mul3A_215 = arith.constant 3 : i32
      %mul3A_216 = arith.muli %scan3A_180, %mul3A_215 : i32
      %add3A_217 = arith.constant 1 : i32
      %add3A_218 = arith.addi %mul3A_216, %add3A_217 : i32
      %add3A_219 = arith.constant 3 : i32
      %add3A_220 = arith.addi %add3A_218, %add3A_219 : i32
      %lt3A_221 = arith.cmpi slt, %add3A_220, %select_n3A : i32
      %convert_element_type3A_222 = arith.extui %lt3A_221 : i1 to i32
      %cond3A_223 = arith.constant 0 : i32
      %cond3A_224 = arith.cmpi ne, %convert_element_type3A_222, %cond3A_223 : i32
      scf.if %cond3A_224 {
        %dma_wait3A_235 = arith.constant 0 : i32
        %dma_wait3A_236 = arith.constant 0 : i32
        %dma_wait3A_237 = tpu.memref_slice %arg15[%dma_wait3A_235, %dma_wait3A_236] : memref<79x128xi32, #tpu.memory_space<vmem>> -> memref<1x128xi32, #tpu.memory_space<vmem>>
        %dma_wait3A_238 = tpu.memref_squeeze %dma_wait3A_237 : memref<1x128xi32, #tpu.memory_space<vmem>> -> memref<128xi32, #tpu.memory_space<vmem>>
        %dma_wait3A_239 = arith.constant 0 : i32
        %dma_wait3A_240 = arith.constant 0 : i32
        %dma_wait3A_241 = tpu.memref_slice %arg9[%dma_wait3A_239, %dma_wait3A_240] : memref<10112x64xf32, #tpu.memory_space<vmem_shared>> -> memref<10112x64xf32, #tpu.memory_space<vmem_shared>>
        tpu.wait_indirect_dma semaphore(%arg20 : memref<!tpu.dma_semaphore, #tpu.memory_space<semaphore_mem>>) src(%arg12 : memref<128x64xf32, #tpu.memory_space<vmem>>) dst(%dma_wait3A_241 : memref<10112x64xf32, #tpu.memory_space<vmem_shared>>)
        %add3A_242 = arith.constant 3 : i32
        %add3A_243 = arith.addi %add3A_218, %add3A_242 : i32
        %dma_start3A_244 = arith.constant 0 : i32
        %dma_start3A_245 = tpu.memref_slice %arg14[%add3A_243, %dma_start3A_244] : memref<79x128xi32, #tpu.memory_space<vmem>> -> memref<1x128xi32, #tpu.memory_space<vmem>>
        %dma_start3A_246 = tpu.memref_squeeze %dma_start3A_245 : memref<1x128xi32, #tpu.memory_space<vmem>> -> memref<128xi32, #tpu.memory_space<vmem>>
        %dma_start3A_247 = arith.constant 0 : i32
        %dma_start3A_248 = arith.constant 0 : i32
        %dma_start3A_249 = tpu.memref_slice %arg2[%dma_start3A_247, %dma_start3A_248] : memref<10000x64xf32, #tpu.memory_space<hbm>> -> memref<10000x64xf32, #tpu.memory_space<hbm>>
        tpu.enqueue_indirect_dma source(%dma_start3A_249 : memref<10000x64xf32, #tpu.memory_space<hbm>>) target(%arg12 : memref<128x64xf32, #tpu.memory_space<vmem>>) offsets(%dma_start3A_246 : memref<128xi32, #tpu.memory_space<vmem>>) semaphore(%arg17 : memref<!tpu.dma_semaphore, #tpu.memory_space<semaphore_mem>>)
      } else {
      }
      %mul3A_225 = arith.constant 3 : i32
      %mul3A_226 = arith.muli %scan3A_180, %mul3A_225 : i32
      %add3A_227 = arith.constant 2 : i32
      %add3A_228 = arith.addi %mul3A_226, %add3A_227 : i32
      %add3A_229 = arith.constant 3 : i32
      %add3A_230 = arith.addi %add3A_228, %add3A_229 : i32
      %lt3A_231 = arith.cmpi slt, %add3A_230, %select_n3A : i32
      %convert_element_type3A_232 = arith.extui %lt3A_231 : i1 to i32
      %cond3A_233 = arith.constant 0 : i32
      %cond3A_234 = arith.cmpi ne, %convert_element_type3A_232, %cond3A_233 : i32
      scf.if %cond3A_234 {
        %dma_wait3A_235 = arith.constant 0 : i32
        %dma_wait3A_236 = arith.constant 0 : i32
        %dma_wait3A_237 = tpu.memref_slice %arg15[%dma_wait3A_235, %dma_wait3A_236] : memref<79x128xi32, #tpu.memory_space<vmem>> -> memref<1x128xi32, #tpu.memory_space<vmem>>
        %dma_wait3A_238 = tpu.memref_squeeze %dma_wait3A_237 : memref<1x128xi32, #tpu.memory_space<vmem>> -> memref<128xi32, #tpu.memory_space<vmem>>
        %dma_wait3A_239 = arith.constant 0 : i32
        %dma_wait3A_240 = arith.constant 0 : i32
        %dma_wait3A_241 = tpu.memref_slice %arg9[%dma_wait3A_239, %dma_wait3A_240] : memref<10112x64xf32, #tpu.memory_space<vmem_shared>> -> memref<10112x64xf32, #tpu.memory_space<vmem_shared>>
        tpu.wait_indirect_dma semaphore(%arg21 : memref<!tpu.dma_semaphore, #tpu.memory_space<semaphore_mem>>) src(%arg13 : memref<128x64xf32, #tpu.memory_space<vmem>>) dst(%dma_wait3A_241 : memref<10112x64xf32, #tpu.memory_space<vmem_shared>>)
        %add3A_242 = arith.constant 3 : i32
        %add3A_243 = arith.addi %add3A_228, %add3A_242 : i32
        %dma_start3A_244 = arith.constant 0 : i32
        %dma_start3A_245 = tpu.memref_slice %arg14[%add3A_243, %dma_start3A_244] : memref<79x128xi32, #tpu.memory_space<vmem>> -> memref<1x128xi32, #tpu.memory_space<vmem>>
        %dma_start3A_246 = tpu.memref_squeeze %dma_start3A_245 : memref<1x128xi32, #tpu.memory_space<vmem>> -> memref<128xi32, #tpu.memory_space<vmem>>
        %dma_start3A_247 = arith.constant 0 : i32
        %dma_start3A_248 = arith.constant 0 : i32
        %dma_start3A_249 = tpu.memref_slice %arg2[%dma_start3A_247, %dma_start3A_248] : memref<10000x64xf32, #tpu.memory_space<hbm>> -> memref<10000x64xf32, #tpu.memory_space<hbm>>
        tpu.enqueue_indirect_dma source(%dma_start3A_249 : memref<10000x64xf32, #tpu.memory_space<hbm>>) target(%arg13 : memref<128x64xf32, #tpu.memory_space<vmem>>) offsets(%dma_start3A_246 : memref<128xi32, #tpu.memory_space<vmem>>) semaphore(%arg18 : memref<!tpu.dma_semaphore, #tpu.memory_space<semaphore_mem>>)
      } else {
      }
    }
    %scan3A_89 = arith.constant 27 : i32
    %dma_wait3A_90 = arith.constant 0 : i32
    %dma_wait3A_91 = arith.constant 0 : i32
    %dma_wait3A_92 = tpu.memref_slice %arg15[%dma_wait3A_90, %dma_wait3A_91] : memref<79x128xi32, #tpu.memory_space<vmem>> -> memref<1x128xi32, #tpu.memory_space<vmem>>
    %dma_wait3A_93 = tpu.memref_squeeze %dma_wait3A_92 : memref<1x128xi32, #tpu.memory_space<vmem>> -> memref<128xi32, #tpu.memory_space<vmem>>
    %dma_wait3A_94 = arith.constant 0 : i32
    %dma_wait3A_95 = arith.constant 0 : i32
    %dma_wait3A_96 = tpu.memref_slice %arg9[%dma_wait3A_94, %dma_wait3A_95] : memref<10112x64xf32, #tpu.memory_space<vmem_shared>> -> memref<10112x64xf32, #tpu.memory_space<vmem_shared>>
    tpu.wait_indirect_dma semaphore(%arg19 : memref<!tpu.dma_semaphore, #tpu.memory_space<semaphore_mem>>) src(%arg11 : memref<128x64xf32, #tpu.memory_space<vmem>>) dst(%dma_wait3A_96 : memref<10112x64xf32, #tpu.memory_space<vmem_shared>>)
    %dma_wait3A_97 = arith.constant 0 : i32
    %dma_wait3A_98 = arith.constant 0 : i32
    %dma_wait3A_99 = tpu.memref_slice %arg15[%dma_wait3A_97, %dma_wait3A_98] : memref<79x128xi32, #tpu.memory_space<vmem>> -> memref<1x128xi32, #tpu.memory_space<vmem>>
    %dma_wait3A_100 = tpu.memref_squeeze %dma_wait3A_99 : memref<1x128xi32, #tpu.memory_space<vmem>> -> memref<128xi32, #tpu.memory_space<vmem>>
    %dma_wait3A_101 = arith.constant 0 : i32
    %dma_wait3A_102 = arith.constant 0 : i32
    %dma_wait3A_103 = tpu.memref_slice %arg9[%dma_wait3A_101, %dma_wait3A_102] : memref<10112x64xf32, #tpu.memory_space<vmem_shared>> -> memref<10112x64xf32, #tpu.memory_space<vmem_shared>>
    tpu.wait_indirect_dma semaphore(%arg20 : memref<!tpu.dma_semaphore, #tpu.memory_space<semaphore_mem>>) src(%arg12 : memref<128x64xf32, #tpu.memory_space<vmem>>) dst(%dma_wait3A_103 : memref<10112x64xf32, #tpu.memory_space<vmem_shared>>)
    %dma_wait3A_104 = arith.constant 0 : i32
    %dma_wait3A_105 = arith.constant 0 : i32
    %dma_wait3A_106 = tpu.memref_slice %arg15[%dma_wait3A_104, %dma_wait3A_105] : memref<79x128xi32, #tpu.memory_space<vmem>> -> memref<1x128xi32, #tpu.memory_space<vmem>>
    %dma_wait3A_107 = tpu.memref_squeeze %dma_wait3A_106 : memref<1x128xi32, #tpu.memory_space<vmem>> -> memref<128xi32, #tpu.memory_space<vmem>>
    %dma_wait3A_108 = arith.constant 0 : i32
    %dma_wait3A_109 = arith.constant 0 : i32
    %dma_wait3A_110 = tpu.memref_slice %arg9[%dma_wait3A_108, %dma_wait3A_109] : memref<10112x64xf32, #tpu.memory_space<vmem_shared>> -> memref<10112x64xf32, #tpu.memory_space<vmem_shared>>
    tpu.wait_indirect_dma semaphore(%arg21 : memref<!tpu.dma_semaphore, #tpu.memory_space<semaphore_mem>>) src(%arg13 : memref<128x64xf32, #tpu.memory_space<vmem>>) dst(%dma_wait3A_110 : memref<10112x64xf32, #tpu.memory_space<vmem_shared>>)
    %dma_start3A_111 = arith.constant 0 : i32
    %dma_start3A_112 = arith.constant 0 : i32
    %dma_start3A_113 = tpu.memref_slice %arg14[%dma_start3A_111, %dma_start3A_112] : memref<79x128xi32, #tpu.memory_space<vmem>> -> memref<1x128xi32, #tpu.memory_space<vmem>>
    %dma_start3A_114 = tpu.memref_squeeze %dma_start3A_113 : memref<1x128xi32, #tpu.memory_space<vmem>> -> memref<128xi32, #tpu.memory_space<vmem>>
    %dma_start3A_115 = arith.constant 0 : i32
    %dma_start3A_116 = arith.constant 0 : i32
    %dma_start3A_117 = tpu.memref_slice %arg3[%dma_start3A_115, %dma_start3A_116] : memref<10000x64xf32, #tpu.memory_space<hbm>> -> memref<10000x64xf32, #tpu.memory_space<hbm>>
    tpu.enqueue_indirect_dma source(%dma_start3A_117 : memref<10000x64xf32, #tpu.memory_space<hbm>>) target(%arg11 : memref<128x64xf32, #tpu.memory_space<vmem>>) offsets(%dma_start3A_114 : memref<128xi32, #tpu.memory_space<vmem>>) semaphore(%arg16 : memref<!tpu.dma_semaphore, #tpu.memory_space<semaphore_mem>>)
    %dma_start3A_118 = arith.constant 1 : i32
    %dma_start3A_119 = arith.constant 0 : i32
    %dma_start3A_120 = tpu.memref_slice %arg14[%dma_start3A_118, %dma_start3A_119] : memref<79x128xi32, #tpu.memory_space<vmem>> -> memref<1x128xi32, #tpu.memory_space<vmem>>
    %dma_start3A_121 = tpu.memref_squeeze %dma_start3A_120 : memref<1x128xi32, #tpu.memory_space<vmem>> -> memref<128xi32, #tpu.memory_space<vmem>>
    %dma_start3A_122 = arith.constant 0 : i32
    %dma_start3A_123 = arith.constant 0 : i32
    %dma_start3A_124 = tpu.memref_slice %arg3[%dma_start3A_122, %dma_start3A_123] : memref<10000x64xf32, #tpu.memory_space<hbm>> -> memref<10000x64xf32, #tpu.memory_space<hbm>>
    tpu.enqueue_indirect_dma source(%dma_start3A_124 : memref<10000x64xf32, #tpu.memory_space<hbm>>) target(%arg12 : memref<128x64xf32, #tpu.memory_space<vmem>>) offsets(%dma_start3A_121 : memref<128xi32, #tpu.memory_space<vmem>>) semaphore(%arg17 : memref<!tpu.dma_semaphore, #tpu.memory_space<semaphore_mem>>)
    %dma_start3A_125 = arith.constant 2 : i32
    %dma_start3A_126 = arith.constant 0 : i32
    %dma_start3A_127 = tpu.memref_slice %arg14[%dma_start3A_125, %dma_start3A_126] : memref<79x128xi32, #tpu.memory_space<vmem>> -> memref<1x128xi32, #tpu.memory_space<vmem>>
    %dma_start3A_128 = tpu.memref_squeeze %dma_start3A_127 : memref<1x128xi32, #tpu.memory_space<vmem>> -> memref<128xi32, #tpu.memory_space<vmem>>
    %dma_start3A_129 = arith.constant 0 : i32
    %dma_start3A_130 = arith.constant 0 : i32
    %dma_start3A_131 = tpu.memref_slice %arg3[%dma_start3A_129, %dma_start3A_130] : memref<10000x64xf32, #tpu.memory_space<hbm>> -> memref<10000x64xf32, #tpu.memory_space<hbm>>
    tpu.enqueue_indirect_dma source(%dma_start3A_131 : memref<10000x64xf32, #tpu.memory_space<hbm>>) target(%arg13 : memref<128x64xf32, #tpu.memory_space<vmem>>) offsets(%dma_start3A_128 : memref<128xi32, #tpu.memory_space<vmem>>) semaphore(%arg18 : memref<!tpu.dma_semaphore, #tpu.memory_space<semaphore_mem>>)
    %scan3A_132 = arith.constant 0 : i32
    %scan3A_133 = arith.constant 0 : i32
    %scan3A_134 = arith.constant 27 : i32
    %scan3A_135 = arith.addi %scan3A_133, %scan3A_134 : i32
    %scan3A_136 = arith.constant 1 : i32
    scf.for %scan3A_180 = %scan3A_133 to %scan3A_135 step %scan3A_136  : i32 {
      %mul3A_181 = arith.constant 3 : i32
      %mul3A_182 = arith.muli %scan3A_180, %mul3A_181 : i32
      %add3A_183 = arith.constant 0 : i32
      %add3A_184 = arith.addi %mul3A_182, %add3A_183 : i32
      %lt3A_185 = arith.cmpi slt, %add3A_184, %select_n3A : i32
      %convert_element_type3A_186 = arith.extui %lt3A_185 : i1 to i32
      %cond3A_187 = arith.constant 0 : i32
      %cond3A_188 = arith.cmpi ne, %convert_element_type3A_186, %cond3A_187 : i32
      scf.if %cond3A_188 {
        %dma_wait3A_235 = arith.constant 0 : i32
        %dma_wait3A_236 = arith.constant 0 : i32
        %dma_wait3A_237 = tpu.memref_slice %arg14[%dma_wait3A_235, %dma_wait3A_236] : memref<79x128xi32, #tpu.memory_space<vmem>> -> memref<1x128xi32, #tpu.memory_space<vmem>>
        %dma_wait3A_238 = tpu.memref_squeeze %dma_wait3A_237 : memref<1x128xi32, #tpu.memory_space<vmem>> -> memref<128xi32, #tpu.memory_space<vmem>>
        %dma_wait3A_239 = arith.constant 0 : i32
        %dma_wait3A_240 = arith.constant 0 : i32
        %dma_wait3A_241 = tpu.memref_slice %arg3[%dma_wait3A_239, %dma_wait3A_240] : memref<10000x64xf32, #tpu.memory_space<hbm>> -> memref<10000x64xf32, #tpu.memory_space<hbm>>
        tpu.wait_indirect_dma semaphore(%arg16 : memref<!tpu.dma_semaphore, #tpu.memory_space<semaphore_mem>>) src(%dma_wait3A_241 : memref<10000x64xf32, #tpu.memory_space<hbm>>) dst(%arg11 : memref<128x64xf32, #tpu.memory_space<vmem>>)
        %dma_start3A_242 = arith.constant 0 : i32
        %dma_start3A_243 = tpu.memref_slice %arg15[%add3A_184, %dma_start3A_242] : memref<79x128xi32, #tpu.memory_space<vmem>> -> memref<1x128xi32, #tpu.memory_space<vmem>>
        %dma_start3A_244 = tpu.memref_squeeze %dma_start3A_243 : memref<1x128xi32, #tpu.memory_space<vmem>> -> memref<128xi32, #tpu.memory_space<vmem>>
        %dma_start3A_245 = arith.constant 0 : i32
        %dma_start3A_246 = arith.constant 0 : i32
        %dma_start3A_247 = tpu.memref_slice %arg10[%dma_start3A_245, %dma_start3A_246] : memref<10112x64xf32, #tpu.memory_space<vmem_shared>> -> memref<10112x64xf32, #tpu.memory_space<vmem_shared>>
        tpu.enqueue_indirect_dma source(%arg11 : memref<128x64xf32, #tpu.memory_space<vmem>>) target(%dma_start3A_247 : memref<10112x64xf32, #tpu.memory_space<vmem_shared>>) offsets(%dma_start3A_244 : memref<128xi32, #tpu.memory_space<vmem>>) semaphore(%arg19 : memref<!tpu.dma_semaphore, #tpu.memory_space<semaphore_mem>>) {add = true}
      } else {
      }
      %mul3A_189 = arith.constant 3 : i32
      %mul3A_190 = arith.muli %scan3A_180, %mul3A_189 : i32
      %add3A_191 = arith.constant 1 : i32
      %add3A_192 = arith.addi %mul3A_190, %add3A_191 : i32
      %lt3A_193 = arith.cmpi slt, %add3A_192, %select_n3A : i32
      %convert_element_type3A_194 = arith.extui %lt3A_193 : i1 to i32
      %cond3A_195 = arith.constant 0 : i32
      %cond3A_196 = arith.cmpi ne, %convert_element_type3A_194, %cond3A_195 : i32
      scf.if %cond3A_196 {
        %dma_wait3A_235 = arith.constant 0 : i32
        %dma_wait3A_236 = arith.constant 0 : i32
        %dma_wait3A_237 = tpu.memref_slice %arg14[%dma_wait3A_235, %dma_wait3A_236] : memref<79x128xi32, #tpu.memory_space<vmem>> -> memref<1x128xi32, #tpu.memory_space<vmem>>
        %dma_wait3A_238 = tpu.memref_squeeze %dma_wait3A_237 : memref<1x128xi32, #tpu.memory_space<vmem>> -> memref<128xi32, #tpu.memory_space<vmem>>
        %dma_wait3A_239 = arith.constant 0 : i32
        %dma_wait3A_240 = arith.constant 0 : i32
        %dma_wait3A_241 = tpu.memref_slice %arg3[%dma_wait3A_239, %dma_wait3A_240] : memref<10000x64xf32, #tpu.memory_space<hbm>> -> memref<10000x64xf32, #tpu.memory_space<hbm>>
        tpu.wait_indirect_dma semaphore(%arg17 : memref<!tpu.dma_semaphore, #tpu.memory_space<semaphore_mem>>) src(%dma_wait3A_241 : memref<10000x64xf32, #tpu.memory_space<hbm>>) dst(%arg12 : memref<128x64xf32, #tpu.memory_space<vmem>>)
        %dma_start3A_242 = arith.constant 0 : i32
        %dma_start3A_243 = tpu.memref_slice %arg15[%add3A_192, %dma_start3A_242] : memref<79x128xi32, #tpu.memory_space<vmem>> -> memref<1x128xi32, #tpu.memory_space<vmem>>
        %dma_start3A_244 = tpu.memref_squeeze %dma_start3A_243 : memref<1x128xi32, #tpu.memory_space<vmem>> -> memref<128xi32, #tpu.memory_space<vmem>>
        %dma_start3A_245 = arith.constant 0 : i32
        %dma_start3A_246 = arith.constant 0 : i32
        %dma_start3A_247 = tpu.memref_slice %arg10[%dma_start3A_245, %dma_start3A_246] : memref<10112x64xf32, #tpu.memory_space<vmem_shared>> -> memref<10112x64xf32, #tpu.memory_space<vmem_shared>>
        tpu.enqueue_indirect_dma source(%arg12 : memref<128x64xf32, #tpu.memory_space<vmem>>) target(%dma_start3A_247 : memref<10112x64xf32, #tpu.memory_space<vmem_shared>>) offsets(%dma_start3A_244 : memref<128xi32, #tpu.memory_space<vmem>>) semaphore(%arg20 : memref<!tpu.dma_semaphore, #tpu.memory_space<semaphore_mem>>) {add = true}
      } else {
      }
      %mul3A_197 = arith.constant 3 : i32
      %mul3A_198 = arith.muli %scan3A_180, %mul3A_197 : i32
      %add3A_199 = arith.constant 2 : i32
      %add3A_200 = arith.addi %mul3A_198, %add3A_199 : i32
      %lt3A_201 = arith.cmpi slt, %add3A_200, %select_n3A : i32
      %convert_element_type3A_202 = arith.extui %lt3A_201 : i1 to i32
      %cond3A_203 = arith.constant 0 : i32
      %cond3A_204 = arith.cmpi ne, %convert_element_type3A_202, %cond3A_203 : i32
      scf.if %cond3A_204 {
        %dma_wait3A_235 = arith.constant 0 : i32
        %dma_wait3A_236 = arith.constant 0 : i32
        %dma_wait3A_237 = tpu.memref_slice %arg14[%dma_wait3A_235, %dma_wait3A_236] : memref<79x128xi32, #tpu.memory_space<vmem>> -> memref<1x128xi32, #tpu.memory_space<vmem>>
        %dma_wait3A_238 = tpu.memref_squeeze %dma_wait3A_237 : memref<1x128xi32, #tpu.memory_space<vmem>> -> memref<128xi32, #tpu.memory_space<vmem>>
        %dma_wait3A_239 = arith.constant 0 : i32
        %dma_wait3A_240 = arith.constant 0 : i32
        %dma_wait3A_241 = tpu.memref_slice %arg3[%dma_wait3A_239, %dma_wait3A_240] : memref<10000x64xf32, #tpu.memory_space<hbm>> -> memref<10000x64xf32, #tpu.memory_space<hbm>>
        tpu.wait_indirect_dma semaphore(%arg18 : memref<!tpu.dma_semaphore, #tpu.memory_space<semaphore_mem>>) src(%dma_wait3A_241 : memref<10000x64xf32, #tpu.memory_space<hbm>>) dst(%arg13 : memref<128x64xf32, #tpu.memory_space<vmem>>)
        %dma_start3A_242 = arith.constant 0 : i32
        %dma_start3A_243 = tpu.memref_slice %arg15[%add3A_200, %dma_start3A_242] : memref<79x128xi32, #tpu.memory_space<vmem>> -> memref<1x128xi32, #tpu.memory_space<vmem>>
        %dma_start3A_244 = tpu.memref_squeeze %dma_start3A_243 : memref<1x128xi32, #tpu.memory_space<vmem>> -> memref<128xi32, #tpu.memory_space<vmem>>
        %dma_start3A_245 = arith.constant 0 : i32
        %dma_start3A_246 = arith.constant 0 : i32
        %dma_start3A_247 = tpu.memref_slice %arg10[%dma_start3A_245, %dma_start3A_246] : memref<10112x64xf32, #tpu.memory_space<vmem_shared>> -> memref<10112x64xf32, #tpu.memory_space<vmem_shared>>
        tpu.enqueue_indirect_dma source(%arg13 : memref<128x64xf32, #tpu.memory_space<vmem>>) target(%dma_start3A_247 : memref<10112x64xf32, #tpu.memory_space<vmem_shared>>) offsets(%dma_start3A_244 : memref<128xi32, #tpu.memory_space<vmem>>) semaphore(%arg21 : memref<!tpu.dma_semaphore, #tpu.memory_space<semaphore_mem>>) {add = true}
      } else {
      }
      %mul3A_205 = arith.constant 3 : i32
      %mul3A_206 = arith.muli %scan3A_180, %mul3A_205 : i32
      %add3A_207 = arith.constant 0 : i32
      %add3A_208 = arith.addi %mul3A_206, %add3A_207 : i32
      %add3A_209 = arith.constant 3 : i32
      %add3A_210 = arith.addi %add3A_208, %add3A_209 : i32
      %lt3A_211 = arith.cmpi slt, %add3A_210, %select_n3A : i32
      %convert_element_type3A_212 = arith.extui %lt3A_211 : i1 to i32
      %cond3A_213 = arith.constant 0 : i32
      %cond3A_214 = arith.cmpi ne, %convert_element_type3A_212, %cond3A_213 : i32
      scf.if %cond3A_214 {
        %dma_wait3A_235 = arith.constant 0 : i32
        %dma_wait3A_236 = arith.constant 0 : i32
        %dma_wait3A_237 = tpu.memref_slice %arg15[%dma_wait3A_235, %dma_wait3A_236] : memref<79x128xi32, #tpu.memory_space<vmem>> -> memref<1x128xi32, #tpu.memory_space<vmem>>
        %dma_wait3A_238 = tpu.memref_squeeze %dma_wait3A_237 : memref<1x128xi32, #tpu.memory_space<vmem>> -> memref<128xi32, #tpu.memory_space<vmem>>
        %dma_wait3A_239 = arith.constant 0 : i32
        %dma_wait3A_240 = arith.constant 0 : i32
        %dma_wait3A_241 = tpu.memref_slice %arg10[%dma_wait3A_239, %dma_wait3A_240] : memref<10112x64xf32, #tpu.memory_space<vmem_shared>> -> memref<10112x64xf32, #tpu.memory_space<vmem_shared>>
        tpu.wait_indirect_dma semaphore(%arg19 : memref<!tpu.dma_semaphore, #tpu.memory_space<semaphore_mem>>) src(%arg11 : memref<128x64xf32, #tpu.memory_space<vmem>>) dst(%dma_wait3A_241 : memref<10112x64xf32, #tpu.memory_space<vmem_shared>>)
        %add3A_242 = arith.constant 3 : i32
        %add3A_243 = arith.addi %add3A_208, %add3A_242 : i32
        %dma_start3A_244 = arith.constant 0 : i32
        %dma_start3A_245 = tpu.memref_slice %arg14[%add3A_243, %dma_start3A_244] : memref<79x128xi32, #tpu.memory_space<vmem>> -> memref<1x128xi32, #tpu.memory_space<vmem>>
        %dma_start3A_246 = tpu.memref_squeeze %dma_start3A_245 : memref<1x128xi32, #tpu.memory_space<vmem>> -> memref<128xi32, #tpu.memory_space<vmem>>
        %dma_start3A_247 = arith.constant 0 : i32
        %dma_start3A_248 = arith.constant 0 : i32
        %dma_start3A_249 = tpu.memref_slice %arg3[%dma_start3A_247, %dma_start3A_248] : memref<10000x64xf32, #tpu.memory_space<hbm>> -> memref<10000x64xf32, #tpu.memory_space<hbm>>
        tpu.enqueue_indirect_dma source(%dma_start3A_249 : memref<10000x64xf32, #tpu.memory_space<hbm>>) target(%arg11 : memref<128x64xf32, #tpu.memory_space<vmem>>) offsets(%dma_start3A_246 : memref<128xi32, #tpu.memory_space<vmem>>) semaphore(%arg16 : memref<!tpu.dma_semaphore, #tpu.memory_space<semaphore_mem>>)
      } else {
      }
      %mul3A_215 = arith.constant 3 : i32
      %mul3A_216 = arith.muli %scan3A_180, %mul3A_215 : i32
      %add3A_217 = arith.constant 1 : i32
      %add3A_218 = arith.addi %mul3A_216, %add3A_217 : i32
      %add3A_219 = arith.constant 3 : i32
      %add3A_220 = arith.addi %add3A_218, %add3A_219 : i32
      %lt3A_221 = arith.cmpi slt, %add3A_220, %select_n3A : i32
      %convert_element_type3A_222 = arith.extui %lt3A_221 : i1 to i32
      %cond3A_223 = arith.constant 0 : i32
      %cond3A_224 = arith.cmpi ne, %convert_element_type3A_222, %cond3A_223 : i32
      scf.if %cond3A_224 {
        %dma_wait3A_235 = arith.constant 0 : i32
        %dma_wait3A_236 = arith.constant 0 : i32
        %dma_wait3A_237 = tpu.memref_slice %arg15[%dma_wait3A_235, %dma_wait3A_236] : memref<79x128xi32, #tpu.memory_space<vmem>> -> memref<1x128xi32, #tpu.memory_space<vmem>>
        %dma_wait3A_238 = tpu.memref_squeeze %dma_wait3A_237 : memref<1x128xi32, #tpu.memory_space<vmem>> -> memref<128xi32, #tpu.memory_space<vmem>>
        %dma_wait3A_239 = arith.constant 0 : i32
        %dma_wait3A_240 = arith.constant 0 : i32
        %dma_wait3A_241 = tpu.memref_slice %arg10[%dma_wait3A_239, %dma_wait3A_240] : memref<10112x64xf32, #tpu.memory_space<vmem_shared>> -> memref<10112x64xf32, #tpu.memory_space<vmem_shared>>
        tpu.wait_indirect_dma semaphore(%arg20 : memref<!tpu.dma_semaphore, #tpu.memory_space<semaphore_mem>>) src(%arg12 : memref<128x64xf32, #tpu.memory_space<vmem>>) dst(%dma_wait3A_241 : memref<10112x64xf32, #tpu.memory_space<vmem_shared>>)
        %add3A_242 = arith.constant 3 : i32
        %add3A_243 = arith.addi %add3A_218, %add3A_242 : i32
        %dma_start3A_244 = arith.constant 0 : i32
        %dma_start3A_245 = tpu.memref_slice %arg14[%add3A_243, %dma_start3A_244] : memref<79x128xi32, #tpu.memory_space<vmem>> -> memref<1x128xi32, #tpu.memory_space<vmem>>
        %dma_start3A_246 = tpu.memref_squeeze %dma_start3A_245 : memref<1x128xi32, #tpu.memory_space<vmem>> -> memref<128xi32, #tpu.memory_space<vmem>>
        %dma_start3A_247 = arith.constant 0 : i32
        %dma_start3A_248 = arith.constant 0 : i32
        %dma_start3A_249 = tpu.memref_slice %arg3[%dma_start3A_247, %dma_start3A_248] : memref<10000x64xf32, #tpu.memory_space<hbm>> -> memref<10000x64xf32, #tpu.memory_space<hbm>>
        tpu.enqueue_indirect_dma source(%dma_start3A_249 : memref<10000x64xf32, #tpu.memory_space<hbm>>) target(%arg12 : memref<128x64xf32, #tpu.memory_space<vmem>>) offsets(%dma_start3A_246 : memref<128xi32, #tpu.memory_space<vmem>>) semaphore(%arg17 : memref<!tpu.dma_semaphore, #tpu.memory_space<semaphore_mem>>)
      } else {
      }
      %mul3A_225 = arith.constant 3 : i32
      %mul3A_226 = arith.muli %scan3A_180, %mul3A_225 : i32
      %add3A_227 = arith.constant 2 : i32
      %add3A_228 = arith.addi %mul3A_226, %add3A_227 : i32
      %add3A_229 = arith.constant 3 : i32
      %add3A_230 = arith.addi %add3A_228, %add3A_229 : i32
      %lt3A_231 = arith.cmpi slt, %add3A_230, %select_n3A : i32
      %convert_element_type3A_232 = arith.extui %lt3A_231 : i1 to i32
      %cond3A_233 = arith.constant 0 : i32
      %cond3A_234 = arith.cmpi ne, %convert_element_type3A_232, %cond3A_233 : i32
      scf.if %cond3A_234 {
        %dma_wait3A_235 = arith.constant 0 : i32
        %dma_wait3A_236 = arith.constant 0 : i32
        %dma_wait3A_237 = tpu.memref_slice %arg15[%dma_wait3A_235, %dma_wait3A_236] : memref<79x128xi32, #tpu.memory_space<vmem>> -> memref<1x128xi32, #tpu.memory_space<vmem>>
        %dma_wait3A_238 = tpu.memref_squeeze %dma_wait3A_237 : memref<1x128xi32, #tpu.memory_space<vmem>> -> memref<128xi32, #tpu.memory_space<vmem>>
        %dma_wait3A_239 = arith.constant 0 : i32
        %dma_wait3A_240 = arith.constant 0 : i32
        %dma_wait3A_241 = tpu.memref_slice %arg10[%dma_wait3A_239, %dma_wait3A_240] : memref<10112x64xf32, #tpu.memory_space<vmem_shared>> -> memref<10112x64xf32, #tpu.memory_space<vmem_shared>>
        tpu.wait_indirect_dma semaphore(%arg21 : memref<!tpu.dma_semaphore, #tpu.memory_space<semaphore_mem>>) src(%arg13 : memref<128x64xf32, #tpu.memory_space<vmem>>) dst(%dma_wait3A_241 : memref<10112x64xf32, #tpu.memory_space<vmem_shared>>)
        %add3A_242 = arith.constant 3 : i32
        %add3A_243 = arith.addi %add3A_228, %add3A_242 : i32
        %dma_start3A_244 = arith.constant 0 : i32
        %dma_start3A_245 = tpu.memref_slice %arg14[%add3A_243, %dma_start3A_244] : memref<79x128xi32, #tpu.memory_space<vmem>> -> memref<1x128xi32, #tpu.memory_space<vmem>>
        %dma_start3A_246 = tpu.memref_squeeze %dma_start3A_245 : memref<1x128xi32, #tpu.memory_space<vmem>> -> memref<128xi32, #tpu.memory_space<vmem>>
        %dma_start3A_247 = arith.constant 0 : i32
        %dma_start3A_248 = arith.constant 0 : i32
        %dma_start3A_249 = tpu.memref_slice %arg3[%dma_start3A_247, %dma_start3A_248] : memref<10000x64xf32, #tpu.memory_space<hbm>> -> memref<10000x64xf32, #tpu.memory_space<hbm>>
        tpu.enqueue_indirect_dma source(%dma_start3A_249 : memref<10000x64xf32, #tpu.memory_space<hbm>>) target(%arg13 : memref<128x64xf32, #tpu.memory_space<vmem>>) offsets(%dma_start3A_246 : memref<128xi32, #tpu.memory_space<vmem>>) semaphore(%arg18 : memref<!tpu.dma_semaphore, #tpu.memory_space<semaphore_mem>>)
      } else {
      }
    }
    %scan3A_137 = arith.constant 27 : i32
    %dma_wait3A_138 = arith.constant 0 : i32
    %dma_wait3A_139 = arith.constant 0 : i32
    %dma_wait3A_140 = tpu.memref_slice %arg15[%dma_wait3A_138, %dma_wait3A_139] : memref<79x128xi32, #tpu.memory_space<vmem>> -> memref<1x128xi32, #tpu.memory_space<vmem>>
    %dma_wait3A_141 = tpu.memref_squeeze %dma_wait3A_140 : memref<1x128xi32, #tpu.memory_space<vmem>> -> memref<128xi32, #tpu.memory_space<vmem>>
    %dma_wait3A_142 = arith.constant 0 : i32
    %dma_wait3A_143 = arith.constant 0 : i32
    %dma_wait3A_144 = tpu.memref_slice %arg10[%dma_wait3A_142, %dma_wait3A_143] : memref<10112x64xf32, #tpu.memory_space<vmem_shared>> -> memref<10112x64xf32, #tpu.memory_space<vmem_shared>>
    tpu.wait_indirect_dma semaphore(%arg19 : memref<!tpu.dma_semaphore, #tpu.memory_space<semaphore_mem>>) src(%arg11 : memref<128x64xf32, #tpu.memory_space<vmem>>) dst(%dma_wait3A_144 : memref<10112x64xf32, #tpu.memory_space<vmem_shared>>)
    %dma_wait3A_145 = arith.constant 0 : i32
    %dma_wait3A_146 = arith.constant 0 : i32
    %dma_wait3A_147 = tpu.memref_slice %arg15[%dma_wait3A_145, %dma_wait3A_146] : memref<79x128xi32, #tpu.memory_space<vmem>> -> memref<1x128xi32, #tpu.memory_space<vmem>>
    %dma_wait3A_148 = tpu.memref_squeeze %dma_wait3A_147 : memref<1x128xi32, #tpu.memory_space<vmem>> -> memref<128xi32, #tpu.memory_space<vmem>>
    %dma_wait3A_149 = arith.constant 0 : i32
    %dma_wait3A_150 = arith.constant 0 : i32
    %dma_wait3A_151 = tpu.memref_slice %arg10[%dma_wait3A_149, %dma_wait3A_150] : memref<10112x64xf32, #tpu.memory_space<vmem_shared>> -> memref<10112x64xf32, #tpu.memory_space<vmem_shared>>
    tpu.wait_indirect_dma semaphore(%arg20 : memref<!tpu.dma_semaphore, #tpu.memory_space<semaphore_mem>>) src(%arg12 : memref<128x64xf32, #tpu.memory_space<vmem>>) dst(%dma_wait3A_151 : memref<10112x64xf32, #tpu.memory_space<vmem_shared>>)
    %dma_wait3A_152 = arith.constant 0 : i32
    %dma_wait3A_153 = arith.constant 0 : i32
    %dma_wait3A_154 = tpu.memref_slice %arg15[%dma_wait3A_152, %dma_wait3A_153] : memref<79x128xi32, #tpu.memory_space<vmem>> -> memref<1x128xi32, #tpu.memory_space<vmem>>
    %dma_wait3A_155 = tpu.memref_squeeze %dma_wait3A_154 : memref<1x128xi32, #tpu.memory_space<vmem>> -> memref<128xi32, #tpu.memory_space<vmem>>
    %dma_wait3A_156 = arith.constant 0 : i32
    %dma_wait3A_157 = arith.constant 0 : i32
    %dma_wait3A_158 = tpu.memref_slice %arg10[%dma_wait3A_156, %dma_wait3A_157] : memref<10112x64xf32, #tpu.memory_space<vmem_shared>> -> memref<10112x64xf32, #tpu.memory_space<vmem_shared>>
    tpu.wait_indirect_dma semaphore(%arg21 : memref<!tpu.dma_semaphore, #tpu.memory_space<semaphore_mem>>) src(%arg13 : memref<128x64xf32, #tpu.memory_space<vmem>>) dst(%dma_wait3A_158 : memref<10112x64xf32, #tpu.memory_space<vmem_shared>>)
    %barrier3A_159 = arith.constant 0 : index
    tpu.barrier barrier_id(%barrier3A_159)
    %dma_start3A_160 = arith.constant 0 : i32
    %dma_start3A_161 = tpu.memref_slice %arg7[%arg0, %mul3A_0, %dma_start3A_160] : memref<2x10112x64xf32, #tpu.memory_space<hbm>> -> memref<1x632x64xf32, #tpu.memory_space<hbm>>
    %dma_start3A_162 = tpu.memref_squeeze %dma_start3A_161 : memref<1x632x64xf32, #tpu.memory_space<hbm>> -> memref<632x64xf32, #tpu.memory_space<hbm>>
    %dma_start3A_163 = arith.constant 0 : i32
    %dma_start3A_164 = tpu.memref_slice %arg9[%mul3A_0, %dma_start3A_163] : memref<10112x64xf32, #tpu.memory_space<vmem_shared>> -> memref<632x64xf32, #tpu.memory_space<vmem_shared>>
    tpu.enqueue_dma source(%dma_start3A_164 : memref<632x64xf32, #tpu.memory_space<vmem_shared>>) target(%dma_start3A_162 : memref<632x64xf32, #tpu.memory_space<hbm>>) target_semaphore(%arg16 : memref<!tpu.dma_semaphore, #tpu.memory_space<semaphore_mem>>)
    %dma_start3A_165 = arith.constant 0 : i32
    %dma_start3A_166 = tpu.memref_slice %arg8[%arg0, %mul3A_0, %dma_start3A_165] : memref<2x10112x64xf32, #tpu.memory_space<hbm>> -> memref<1x632x64xf32, #tpu.memory_space<hbm>>
    %dma_start3A_167 = tpu.memref_squeeze %dma_start3A_166 : memref<1x632x64xf32, #tpu.memory_space<hbm>> -> memref<632x64xf32, #tpu.memory_space<hbm>>
    %dma_start3A_168 = arith.constant 0 : i32
    %dma_start3A_169 = tpu.memref_slice %arg10[%mul3A_0, %dma_start3A_168] : memref<10112x64xf32, #tpu.memory_space<vmem_shared>> -> memref<632x64xf32, #tpu.memory_space<vmem_shared>>
    tpu.enqueue_dma source(%dma_start3A_169 : memref<632x64xf32, #tpu.memory_space<vmem_shared>>) target(%dma_start3A_167 : memref<632x64xf32, #tpu.memory_space<hbm>>) target_semaphore(%arg17 : memref<!tpu.dma_semaphore, #tpu.memory_space<semaphore_mem>>)
    %dma_wait3A_170 = arith.constant 0 : i32
    %dma_wait3A_171 = tpu.memref_slice %arg7[%arg0, %mul3A_0, %dma_wait3A_170] : memref<2x10112x64xf32, #tpu.memory_space<hbm>> -> memref<1x632x64xf32, #tpu.memory_space<hbm>>
    %dma_wait3A_172 = tpu.memref_squeeze %dma_wait3A_171 : memref<1x632x64xf32, #tpu.memory_space<hbm>> -> memref<632x64xf32, #tpu.memory_space<hbm>>
    %dma_wait3A_173 = arith.constant 0 : i32
    %dma_wait3A_174 = tpu.memref_slice %arg9[%mul3A_0, %dma_wait3A_173] : memref<10112x64xf32, #tpu.memory_space<vmem_shared>> -> memref<632x64xf32, #tpu.memory_space<vmem_shared>>
    tpu.wait_dma2 semaphore(%arg16 : memref<!tpu.dma_semaphore, #tpu.memory_space<semaphore_mem>>) src(%dma_wait3A_174 : memref<632x64xf32, #tpu.memory_space<vmem_shared>>) dst(%dma_wait3A_172 : memref<632x64xf32, #tpu.memory_space<hbm>>)
    %dma_wait3A_175 = arith.constant 0 : i32
    %dma_wait3A_176 = tpu.memref_slice %arg8[%arg0, %mul3A_0, %dma_wait3A_175] : memref<2x10112x64xf32, #tpu.memory_space<hbm>> -> memref<1x632x64xf32, #tpu.memory_space<hbm>>
    %dma_wait3A_177 = tpu.memref_squeeze %dma_wait3A_176 : memref<1x632x64xf32, #tpu.memory_space<hbm>> -> memref<632x64xf32, #tpu.memory_space<hbm>>
    %dma_wait3A_178 = arith.constant 0 : i32
    %dma_wait3A_179 = tpu.memref_slice %arg10[%mul3A_0, %dma_wait3A_178] : memref<10112x64xf32, #tpu.memory_space<vmem_shared>> -> memref<632x64xf32, #tpu.memory_space<vmem_shared>>
    tpu.wait_dma2 semaphore(%arg17 : memref<!tpu.dma_semaphore, #tpu.memory_space<semaphore_mem>>) src(%dma_wait3A_179 : memref<632x64xf32, #tpu.memory_space<vmem_shared>>) dst(%dma_wait3A_177 : memref<632x64xf32, #tpu.memory_space<hbm>>)
    return
  }
}

#map = affine_map<(d0, d1) -> (0, 0)>
#map1 = affine_map<(d0, d1) -> (0, 0, 0)>
module attributes {stable_mosaic.version = 14 : i64} {
  func.func @gcn_agg_f64(%arg0: i32, %arg1: i32, %arg2: memref<10000x64xf32, #tpu.memory_space<hbm>>, %arg3: memref<2500x128xi32, #tpu.memory_space<hbm>>, %arg4: memref<2500x128xi32, #tpu.memory_space<hbm>>, %arg5: memref<10112x64xf32, #tpu.memory_space<hbm>>, %arg6: memref<2x10112x64xf32, #tpu.memory_space<hbm>>, %arg7: memref<10112x64xf32, #tpu.memory_space<vmem_shared>>, %arg8: memref<128x64xf32, #tpu.memory_space<vmem>>, %arg9: memref<128x64xf32, #tpu.memory_space<vmem>>, %arg10: memref<128x64xf32, #tpu.memory_space<vmem>>, %arg11: memref<128x64xf32, #tpu.memory_space<vmem>>, %arg12: memref<128x64xf32, #tpu.memory_space<vmem>>, %arg13: memref<128x64xf32, #tpu.memory_space<vmem>>, %arg14: memref<128x64xf32, #tpu.memory_space<vmem>>, %arg15: memref<128x64xf32, #tpu.memory_space<vmem>>, %arg16: memref<79x128xi32, #tpu.memory_space<vmem>>, %arg17: memref<79x128xi32, #tpu.memory_space<vmem>>, %arg18: memref<!tpu.dma_semaphore, #tpu.memory_space<semaphore_mem>>, %arg19: memref<!tpu.dma_semaphore, #tpu.memory_space<semaphore_mem>>, %arg20: memref<!tpu.dma_semaphore, #tpu.memory_space<semaphore_mem>>, %arg21: memref<!tpu.dma_semaphore, #tpu.memory_space<semaphore_mem>>, %arg22: memref<!tpu.dma_semaphore, #tpu.memory_space<semaphore_mem>>, %arg23: memref<!tpu.dma_semaphore, #tpu.memory_space<semaphore_mem>>, %arg24: memref<!tpu.dma_semaphore, #tpu.memory_space<semaphore_mem>>, %arg25: memref<!tpu.dma_semaphore, #tpu.memory_space<semaphore_mem>>, %arg26: memref<!tpu.dma_semaphore, #tpu.memory_space<semaphore_mem>>, %arg27: memref<!tpu.dma_semaphore, #tpu.memory_space<semaphore_mem>>, %arg28: memref<!tpu.dma_semaphore, #tpu.memory_space<semaphore_mem>>, %arg29: memref<!tpu.dma_semaphore, #tpu.memory_space<semaphore_mem>>, %arg30: memref<!tpu.dma_semaphore, #tpu.memory_space<semaphore_mem>>, %arg31: memref<!tpu.dma_semaphore, #tpu.memory_space<semaphore_mem>>, %arg32: memref<!tpu.dma_semaphore, #tpu.memory_space<semaphore_mem>>, %arg33: memref<!tpu.dma_semaphore, #tpu.memory_space<semaphore_mem>>) attributes {dimension_semantics = [#tpu.dimension_semantics<core_parallel>, #tpu.dimension_semantics<subcore_parallel>], iteration_bounds = array<i64: 2, 16>, scalar_prefetch = 0 : i64, scratch_operands = 27 : i64, tpu.core_type = #tpu.core_type<sc_vector_subcore>, window_params = [{transform_indices = #map}, {transform_indices = #map}, {transform_indices = #map}, {transform_indices = #map}, {transform_indices = #map1}]} {
    %mul3A = arith.constant 632 : i32
    %mul3A_0 = arith.muli %arg1, %mul3A : i32
    %dma_start3A = arith.constant 0 : i32
    %dma_start3A_1 = tpu.memref_slice %arg7[%mul3A_0, %dma_start3A] : memref<10112x64xf32, #tpu.memory_space<vmem_shared>> -> memref<632x64xf32, #tpu.memory_space<vmem_shared>>
    %dma_start3A_2 = arith.constant 0 : i32
    %dma_start3A_3 = tpu.memref_slice %arg5[%mul3A_0, %dma_start3A_2] : memref<10112x64xf32, #tpu.memory_space<hbm>> -> memref<632x64xf32, #tpu.memory_space<hbm>>
    tpu.enqueue_dma source(%dma_start3A_3 : memref<632x64xf32, #tpu.memory_space<hbm>>) target(%dma_start3A_1 : memref<632x64xf32, #tpu.memory_space<vmem_shared>>) target_semaphore(%arg26 : memref<!tpu.dma_semaphore, #tpu.memory_space<semaphore_mem>>)
    %mul3A_4 = arith.constant 16 : i32
    %mul3A_5 = arith.muli %arg0, %mul3A_4 : i32
    %add3A = arith.addi %mul3A_5, %arg1 : i32
    %mul3A_6 = arith.constant 78 : i32
    %mul3A_7 = arith.muli %mul3A_6, %add3A : i32
    %dma_start3A_8 = arith.constant 0 : i32
    %dma_start3A_9 = arith.constant 0 : i32
    %dma_start3A_10 = tpu.memref_slice %arg16[%dma_start3A_8, %dma_start3A_9] : memref<79x128xi32, #tpu.memory_space<vmem>> -> memref<78x128xi32, #tpu.memory_space<vmem>>
    %dma_start3A_11 = arith.constant 0 : i32
    %dma_start3A_12 = tpu.memref_slice %arg3[%mul3A_7, %dma_start3A_11] : memref<2500x128xi32, #tpu.memory_space<hbm>> -> memref<78x128xi32, #tpu.memory_space<hbm>>
    %dma_start3A_13 = arith.constant 0 : i32
    %dma_start3A_14 = arith.constant 0 : i32
    %dma_start3A_15 = tpu.memref_slice %arg16[%dma_start3A_13, %dma_start3A_14] : memref<79x128xi32, #tpu.memory_space<vmem>> -> memref<78x128xi32, #tpu.memory_space<vmem>>
    %dma_start3A_16 = arith.constant 0 : i32
    %dma_start3A_17 = tpu.memref_slice %arg3[%mul3A_7, %dma_start3A_16] : memref<2500x128xi32, #tpu.memory_space<hbm>> -> memref<78x128xi32, #tpu.memory_space<hbm>>
    tpu.enqueue_dma source(%dma_start3A_17 : memref<78x128xi32, #tpu.memory_space<hbm>>) target(%dma_start3A_15 : memref<78x128xi32, #tpu.memory_space<vmem>>) target_semaphore(%arg18 : memref<!tpu.dma_semaphore, #tpu.memory_space<semaphore_mem>>)
    %dma_start3A_18 = arith.constant 0 : i32
    %dma_start3A_19 = arith.constant 0 : i32
    %dma_start3A_20 = tpu.memref_slice %arg17[%dma_start3A_18, %dma_start3A_19] : memref<79x128xi32, #tpu.memory_space<vmem>> -> memref<78x128xi32, #tpu.memory_space<vmem>>
    %dma_start3A_21 = arith.constant 0 : i32
    %dma_start3A_22 = tpu.memref_slice %arg4[%mul3A_7, %dma_start3A_21] : memref<2500x128xi32, #tpu.memory_space<hbm>> -> memref<78x128xi32, #tpu.memory_space<hbm>>
    %dma_start3A_23 = arith.constant 0 : i32
    %dma_start3A_24 = arith.constant 0 : i32
    %dma_start3A_25 = tpu.memref_slice %arg17[%dma_start3A_23, %dma_start3A_24] : memref<79x128xi32, #tpu.memory_space<vmem>> -> memref<78x128xi32, #tpu.memory_space<vmem>>
    %dma_start3A_26 = arith.constant 0 : i32
    %dma_start3A_27 = tpu.memref_slice %arg4[%mul3A_7, %dma_start3A_26] : memref<2500x128xi32, #tpu.memory_space<hbm>> -> memref<78x128xi32, #tpu.memory_space<hbm>>
    tpu.enqueue_dma source(%dma_start3A_27 : memref<78x128xi32, #tpu.memory_space<hbm>>) target(%dma_start3A_25 : memref<78x128xi32, #tpu.memory_space<vmem>>) target_semaphore(%arg19 : memref<!tpu.dma_semaphore, #tpu.memory_space<semaphore_mem>>)
    %lt3A = arith.constant 4 : i32
    %lt3A_28 = arith.cmpi slt, %add3A, %lt3A : i32
    %convert_element_type3A = arith.extui %lt3A_28 : i1 to i32
    %cond3A = arith.constant 0 : i32
    %cond3A_29 = arith.cmpi ne, %convert_element_type3A, %cond3A : i32
    scf.if %cond3A_29 {
      %add3A_174 = arith.constant 2496 : i32
      %add3A_175 = arith.addi %add3A_174, %add3A : i32
      "tpu.region"() ({
        %run_scoped3A = tpu.sem_alloc : memref<!tpu.dma_semaphore, #tpu.memory_space<semaphore_mem>>
        %dma_start3A_178 = arith.constant 78 : i32
        %dma_start3A_179 = arith.constant 0 : i32
        %dma_start3A_180 = tpu.memref_slice %arg16[%dma_start3A_178, %dma_start3A_179] : memref<79x128xi32, #tpu.memory_space<vmem>> -> memref<1x128xi32, #tpu.memory_space<vmem>>
        %dma_start3A_181 = arith.constant 0 : i32
        %dma_start3A_182 = tpu.memref_slice %arg3[%add3A_175, %dma_start3A_181] : memref<2500x128xi32, #tpu.memory_space<hbm>> -> memref<1x128xi32, #tpu.memory_space<hbm>>
        %dma_start3A_183 = arith.constant 78 : i32
        %dma_start3A_184 = arith.constant 0 : i32
        %dma_start3A_185 = tpu.memref_slice %arg16[%dma_start3A_183, %dma_start3A_184] : memref<79x128xi32, #tpu.memory_space<vmem>> -> memref<1x128xi32, #tpu.memory_space<vmem>>
        %dma_start3A_186 = arith.constant 0 : i32
        %dma_start3A_187 = tpu.memref_slice %arg3[%add3A_175, %dma_start3A_186] : memref<2500x128xi32, #tpu.memory_space<hbm>> -> memref<1x128xi32, #tpu.memory_space<hbm>>
        tpu.enqueue_dma source(%dma_start3A_187 : memref<1x128xi32, #tpu.memory_space<hbm>>) target(%dma_start3A_185 : memref<1x128xi32, #tpu.memory_space<vmem>>) target_semaphore(%run_scoped3A : memref<!tpu.dma_semaphore, #tpu.memory_space<semaphore_mem>>)
        %dma_wait3A_188 = arith.constant 78 : i32
        %dma_wait3A_189 = arith.constant 0 : i32
        %dma_wait3A_190 = tpu.memref_slice %arg16[%dma_wait3A_188, %dma_wait3A_189] : memref<79x128xi32, #tpu.memory_space<vmem>> -> memref<1x128xi32, #tpu.memory_space<vmem>>
        %dma_wait3A_191 = arith.constant 0 : i32
        %dma_wait3A_192 = tpu.memref_slice %arg3[%add3A_175, %dma_wait3A_191] : memref<2500x128xi32, #tpu.memory_space<hbm>> -> memref<1x128xi32, #tpu.memory_space<hbm>>
        %dma_wait3A_193 = arith.constant 78 : i32
        %dma_wait3A_194 = arith.constant 0 : i32
        %dma_wait3A_195 = tpu.memref_slice %arg16[%dma_wait3A_193, %dma_wait3A_194] : memref<79x128xi32, #tpu.memory_space<vmem>> -> memref<1x128xi32, #tpu.memory_space<vmem>>
        %dma_wait3A_196 = arith.constant 0 : i32
        %dma_wait3A_197 = tpu.memref_slice %arg3[%add3A_175, %dma_wait3A_196] : memref<2500x128xi32, #tpu.memory_space<hbm>> -> memref<1x128xi32, #tpu.memory_space<hbm>>
        tpu.wait_dma2 semaphore(%run_scoped3A : memref<!tpu.dma_semaphore, #tpu.memory_space<semaphore_mem>>) src(%dma_wait3A_197 : memref<1x128xi32, #tpu.memory_space<hbm>>) dst(%dma_wait3A_195 : memref<1x128xi32, #tpu.memory_space<vmem>>)
        tpu.yield
      }) : () -> ()
      %add3A_176 = arith.constant 2496 : i32
      %add3A_177 = arith.addi %add3A_176, %add3A : i32
      "tpu.region"() ({
        %run_scoped3A = tpu.sem_alloc : memref<!tpu.dma_semaphore, #tpu.memory_space<semaphore_mem>>
        %dma_start3A_178 = arith.constant 78 : i32
        %dma_start3A_179 = arith.constant 0 : i32
        %dma_start3A_180 = tpu.memref_slice %arg17[%dma_start3A_178, %dma_start3A_179] : memref<79x128xi32, #tpu.memory_space<vmem>> -> memref<1x128xi32, #tpu.memory_space<vmem>>
        %dma_start3A_181 = arith.constant 0 : i32
        %dma_start3A_182 = tpu.memref_slice %arg4[%add3A_177, %dma_start3A_181] : memref<2500x128xi32, #tpu.memory_space<hbm>> -> memref<1x128xi32, #tpu.memory_space<hbm>>
        %dma_start3A_183 = arith.constant 78 : i32
        %dma_start3A_184 = arith.constant 0 : i32
        %dma_start3A_185 = tpu.memref_slice %arg17[%dma_start3A_183, %dma_start3A_184] : memref<79x128xi32, #tpu.memory_space<vmem>> -> memref<1x128xi32, #tpu.memory_space<vmem>>
        %dma_start3A_186 = arith.constant 0 : i32
        %dma_start3A_187 = tpu.memref_slice %arg4[%add3A_177, %dma_start3A_186] : memref<2500x128xi32, #tpu.memory_space<hbm>> -> memref<1x128xi32, #tpu.memory_space<hbm>>
        tpu.enqueue_dma source(%dma_start3A_187 : memref<1x128xi32, #tpu.memory_space<hbm>>) target(%dma_start3A_185 : memref<1x128xi32, #tpu.memory_space<vmem>>) target_semaphore(%run_scoped3A : memref<!tpu.dma_semaphore, #tpu.memory_space<semaphore_mem>>)
        %dma_wait3A_188 = arith.constant 78 : i32
        %dma_wait3A_189 = arith.constant 0 : i32
        %dma_wait3A_190 = tpu.memref_slice %arg17[%dma_wait3A_188, %dma_wait3A_189] : memref<79x128xi32, #tpu.memory_space<vmem>> -> memref<1x128xi32, #tpu.memory_space<vmem>>
        %dma_wait3A_191 = arith.constant 0 : i32
        %dma_wait3A_192 = tpu.memref_slice %arg4[%add3A_177, %dma_wait3A_191] : memref<2500x128xi32, #tpu.memory_space<hbm>> -> memref<1x128xi32, #tpu.memory_space<hbm>>
        %dma_wait3A_193 = arith.constant 78 : i32
        %dma_wait3A_194 = arith.constant 0 : i32
        %dma_wait3A_195 = tpu.memref_slice %arg17[%dma_wait3A_193, %dma_wait3A_194] : memref<79x128xi32, #tpu.memory_space<vmem>> -> memref<1x128xi32, #tpu.memory_space<vmem>>
        %dma_wait3A_196 = arith.constant 0 : i32
        %dma_wait3A_197 = tpu.memref_slice %arg4[%add3A_177, %dma_wait3A_196] : memref<2500x128xi32, #tpu.memory_space<hbm>> -> memref<1x128xi32, #tpu.memory_space<hbm>>
        tpu.wait_dma2 semaphore(%run_scoped3A : memref<!tpu.dma_semaphore, #tpu.memory_space<semaphore_mem>>) src(%dma_wait3A_197 : memref<1x128xi32, #tpu.memory_space<hbm>>) dst(%dma_wait3A_195 : memref<1x128xi32, #tpu.memory_space<vmem>>)
        tpu.yield
      }) : () -> ()
    } else {
    }
    %lt3A_30 = arith.constant 4 : i32
    %lt3A_31 = arith.cmpi slt, %add3A, %lt3A_30 : i32
    %jit3A = arith.constant 79 : i32
    %jit3A_32 = arith.constant 78 : i32
    %select_n3A = arith.select %lt3A_31, %jit3A, %jit3A_32 : i32
    %dma_wait3A = arith.constant 0 : i32
    %dma_wait3A_33 = tpu.memref_slice %arg7[%mul3A_0, %dma_wait3A] : memref<10112x64xf32, #tpu.memory_space<vmem_shared>> -> memref<632x64xf32, #tpu.memory_space<vmem_shared>>
    %dma_wait3A_34 = arith.constant 0 : i32
    %dma_wait3A_35 = tpu.memref_slice %arg5[%mul3A_0, %dma_wait3A_34] : memref<10112x64xf32, #tpu.memory_space<hbm>> -> memref<632x64xf32, #tpu.memory_space<hbm>>
    tpu.wait_dma2 semaphore(%arg26 : memref<!tpu.dma_semaphore, #tpu.memory_space<semaphore_mem>>) src(%dma_wait3A_35 : memref<632x64xf32, #tpu.memory_space<hbm>>) dst(%dma_wait3A_33 : memref<632x64xf32, #tpu.memory_space<vmem_shared>>)
    %dma_wait3A_36 = arith.constant 0 : i32
    %dma_wait3A_37 = arith.constant 0 : i32
    %dma_wait3A_38 = tpu.memref_slice %arg16[%dma_wait3A_36, %dma_wait3A_37] : memref<79x128xi32, #tpu.memory_space<vmem>> -> memref<78x128xi32, #tpu.memory_space<vmem>>
    %dma_wait3A_39 = arith.constant 0 : i32
    %dma_wait3A_40 = tpu.memref_slice %arg3[%mul3A_7, %dma_wait3A_39] : memref<2500x128xi32, #tpu.memory_space<hbm>> -> memref<78x128xi32, #tpu.memory_space<hbm>>
    %dma_wait3A_41 = arith.constant 0 : i32
    %dma_wait3A_42 = arith.constant 0 : i32
    %dma_wait3A_43 = tpu.memref_slice %arg16[%dma_wait3A_41, %dma_wait3A_42] : memref<79x128xi32, #tpu.memory_space<vmem>> -> memref<78x128xi32, #tpu.memory_space<vmem>>
    %dma_wait3A_44 = arith.constant 0 : i32
    %dma_wait3A_45 = tpu.memref_slice %arg3[%mul3A_7, %dma_wait3A_44] : memref<2500x128xi32, #tpu.memory_space<hbm>> -> memref<78x128xi32, #tpu.memory_space<hbm>>
    tpu.wait_dma2 semaphore(%arg18 : memref<!tpu.dma_semaphore, #tpu.memory_space<semaphore_mem>>) src(%dma_wait3A_45 : memref<78x128xi32, #tpu.memory_space<hbm>>) dst(%dma_wait3A_43 : memref<78x128xi32, #tpu.memory_space<vmem>>)
    %dma_wait3A_46 = arith.constant 0 : i32
    %dma_wait3A_47 = arith.constant 0 : i32
    %dma_wait3A_48 = tpu.memref_slice %arg17[%dma_wait3A_46, %dma_wait3A_47] : memref<79x128xi32, #tpu.memory_space<vmem>> -> memref<78x128xi32, #tpu.memory_space<vmem>>
    %dma_wait3A_49 = arith.constant 0 : i32
    %dma_wait3A_50 = tpu.memref_slice %arg4[%mul3A_7, %dma_wait3A_49] : memref<2500x128xi32, #tpu.memory_space<hbm>> -> memref<78x128xi32, #tpu.memory_space<hbm>>
    %dma_wait3A_51 = arith.constant 0 : i32
    %dma_wait3A_52 = arith.constant 0 : i32
    %dma_wait3A_53 = tpu.memref_slice %arg17[%dma_wait3A_51, %dma_wait3A_52] : memref<79x128xi32, #tpu.memory_space<vmem>> -> memref<78x128xi32, #tpu.memory_space<vmem>>
    %dma_wait3A_54 = arith.constant 0 : i32
    %dma_wait3A_55 = tpu.memref_slice %arg4[%mul3A_7, %dma_wait3A_54] : memref<2500x128xi32, #tpu.memory_space<hbm>> -> memref<78x128xi32, #tpu.memory_space<hbm>>
    tpu.wait_dma2 semaphore(%arg19 : memref<!tpu.dma_semaphore, #tpu.memory_space<semaphore_mem>>) src(%dma_wait3A_55 : memref<78x128xi32, #tpu.memory_space<hbm>>) dst(%dma_wait3A_53 : memref<78x128xi32, #tpu.memory_space<vmem>>)
    %barrier3A = arith.constant 0 : index
    tpu.barrier barrier_id(%barrier3A)
    %dma_start3A_56 = arith.constant 0 : i32
    %dma_start3A_57 = arith.constant 0 : i32
    %dma_start3A_58 = tpu.memref_slice %arg16[%dma_start3A_56, %dma_start3A_57] : memref<79x128xi32, #tpu.memory_space<vmem>> -> memref<1x128xi32, #tpu.memory_space<vmem>>
    %dma_start3A_59 = tpu.memref_squeeze %dma_start3A_58 : memref<1x128xi32, #tpu.memory_space<vmem>> -> memref<128xi32, #tpu.memory_space<vmem>>
    %dma_start3A_60 = arith.constant 0 : i32
    %dma_start3A_61 = arith.constant 0 : i32
    %dma_start3A_62 = tpu.memref_slice %arg2[%dma_start3A_60, %dma_start3A_61] : memref<10000x64xf32, #tpu.memory_space<hbm>> -> memref<10000x64xf32, #tpu.memory_space<hbm>>
    tpu.enqueue_indirect_dma source(%dma_start3A_62 : memref<10000x64xf32, #tpu.memory_space<hbm>>) target(%arg8 : memref<128x64xf32, #tpu.memory_space<vmem>>) offsets(%dma_start3A_59 : memref<128xi32, #tpu.memory_space<vmem>>) semaphore(%arg18 : memref<!tpu.dma_semaphore, #tpu.memory_space<semaphore_mem>>)
    %dma_start3A_63 = arith.constant 1 : i32
    %dma_start3A_64 = arith.constant 0 : i32
    %dma_start3A_65 = tpu.memref_slice %arg16[%dma_start3A_63, %dma_start3A_64] : memref<79x128xi32, #tpu.memory_space<vmem>> -> memref<1x128xi32, #tpu.memory_space<vmem>>
    %dma_start3A_66 = tpu.memref_squeeze %dma_start3A_65 : memref<1x128xi32, #tpu.memory_space<vmem>> -> memref<128xi32, #tpu.memory_space<vmem>>
    %dma_start3A_67 = arith.constant 0 : i32
    %dma_start3A_68 = arith.constant 0 : i32
    %dma_start3A_69 = tpu.memref_slice %arg2[%dma_start3A_67, %dma_start3A_68] : memref<10000x64xf32, #tpu.memory_space<hbm>> -> memref<10000x64xf32, #tpu.memory_space<hbm>>
    tpu.enqueue_indirect_dma source(%dma_start3A_69 : memref<10000x64xf32, #tpu.memory_space<hbm>>) target(%arg9 : memref<128x64xf32, #tpu.memory_space<vmem>>) offsets(%dma_start3A_66 : memref<128xi32, #tpu.memory_space<vmem>>) semaphore(%arg19 : memref<!tpu.dma_semaphore, #tpu.memory_space<semaphore_mem>>)
    %dma_start3A_70 = arith.constant 2 : i32
    %dma_start3A_71 = arith.constant 0 : i32
    %dma_start3A_72 = tpu.memref_slice %arg16[%dma_start3A_70, %dma_start3A_71] : memref<79x128xi32, #tpu.memory_space<vmem>> -> memref<1x128xi32, #tpu.memory_space<vmem>>
    %dma_start3A_73 = tpu.memref_squeeze %dma_start3A_72 : memref<1x128xi32, #tpu.memory_space<vmem>> -> memref<128xi32, #tpu.memory_space<vmem>>
    %dma_start3A_74 = arith.constant 0 : i32
    %dma_start3A_75 = arith.constant 0 : i32
    %dma_start3A_76 = tpu.memref_slice %arg2[%dma_start3A_74, %dma_start3A_75] : memref<10000x64xf32, #tpu.memory_space<hbm>> -> memref<10000x64xf32, #tpu.memory_space<hbm>>
    tpu.enqueue_indirect_dma source(%dma_start3A_76 : memref<10000x64xf32, #tpu.memory_space<hbm>>) target(%arg10 : memref<128x64xf32, #tpu.memory_space<vmem>>) offsets(%dma_start3A_73 : memref<128xi32, #tpu.memory_space<vmem>>) semaphore(%arg20 : memref<!tpu.dma_semaphore, #tpu.memory_space<semaphore_mem>>)
    %dma_start3A_77 = arith.constant 3 : i32
    %dma_start3A_78 = arith.constant 0 : i32
    %dma_start3A_79 = tpu.memref_slice %arg16[%dma_start3A_77, %dma_start3A_78] : memref<79x128xi32, #tpu.memory_space<vmem>> -> memref<1x128xi32, #tpu.memory_space<vmem>>
    %dma_start3A_80 = tpu.memref_squeeze %dma_start3A_79 : memref<1x128xi32, #tpu.memory_space<vmem>> -> memref<128xi32, #tpu.memory_space<vmem>>
    %dma_start3A_81 = arith.constant 0 : i32
    %dma_start3A_82 = arith.constant 0 : i32
    %dma_start3A_83 = tpu.memref_slice %arg2[%dma_start3A_81, %dma_start3A_82] : memref<10000x64xf32, #tpu.memory_space<hbm>> -> memref<10000x64xf32, #tpu.memory_space<hbm>>
    tpu.enqueue_indirect_dma source(%dma_start3A_83 : memref<10000x64xf32, #tpu.memory_space<hbm>>) target(%arg11 : memref<128x64xf32, #tpu.memory_space<vmem>>) offsets(%dma_start3A_80 : memref<128xi32, #tpu.memory_space<vmem>>) semaphore(%arg21 : memref<!tpu.dma_semaphore, #tpu.memory_space<semaphore_mem>>)
    %dma_start3A_84 = arith.constant 4 : i32
    %dma_start3A_85 = arith.constant 0 : i32
    %dma_start3A_86 = tpu.memref_slice %arg16[%dma_start3A_84, %dma_start3A_85] : memref<79x128xi32, #tpu.memory_space<vmem>> -> memref<1x128xi32, #tpu.memory_space<vmem>>
    %dma_start3A_87 = tpu.memref_squeeze %dma_start3A_86 : memref<1x128xi32, #tpu.memory_space<vmem>> -> memref<128xi32, #tpu.memory_space<vmem>>
    %dma_start3A_88 = arith.constant 0 : i32
    %dma_start3A_89 = arith.constant 0 : i32
    %dma_start3A_90 = tpu.memref_slice %arg2[%dma_start3A_88, %dma_start3A_89] : memref<10000x64xf32, #tpu.memory_space<hbm>> -> memref<10000x64xf32, #tpu.memory_space<hbm>>
    tpu.enqueue_indirect_dma source(%dma_start3A_90 : memref<10000x64xf32, #tpu.memory_space<hbm>>) target(%arg12 : memref<128x64xf32, #tpu.memory_space<vmem>>) offsets(%dma_start3A_87 : memref<128xi32, #tpu.memory_space<vmem>>) semaphore(%arg22 : memref<!tpu.dma_semaphore, #tpu.memory_space<semaphore_mem>>)
    %dma_start3A_91 = arith.constant 5 : i32
    %dma_start3A_92 = arith.constant 0 : i32
    %dma_start3A_93 = tpu.memref_slice %arg16[%dma_start3A_91, %dma_start3A_92] : memref<79x128xi32, #tpu.memory_space<vmem>> -> memref<1x128xi32, #tpu.memory_space<vmem>>
    %dma_start3A_94 = tpu.memref_squeeze %dma_start3A_93 : memref<1x128xi32, #tpu.memory_space<vmem>> -> memref<128xi32, #tpu.memory_space<vmem>>
    %dma_start3A_95 = arith.constant 0 : i32
    %dma_start3A_96 = arith.constant 0 : i32
    %dma_start3A_97 = tpu.memref_slice %arg2[%dma_start3A_95, %dma_start3A_96] : memref<10000x64xf32, #tpu.memory_space<hbm>> -> memref<10000x64xf32, #tpu.memory_space<hbm>>
    tpu.enqueue_indirect_dma source(%dma_start3A_97 : memref<10000x64xf32, #tpu.memory_space<hbm>>) target(%arg13 : memref<128x64xf32, #tpu.memory_space<vmem>>) offsets(%dma_start3A_94 : memref<128xi32, #tpu.memory_space<vmem>>) semaphore(%arg23 : memref<!tpu.dma_semaphore, #tpu.memory_space<semaphore_mem>>)
    %dma_start3A_98 = arith.constant 6 : i32
    %dma_start3A_99 = arith.constant 0 : i32
    %dma_start3A_100 = tpu.memref_slice %arg16[%dma_start3A_98, %dma_start3A_99] : memref<79x128xi32, #tpu.memory_space<vmem>> -> memref<1x128xi32, #tpu.memory_space<vmem>>
    %dma_start3A_101 = tpu.memref_squeeze %dma_start3A_100 : memref<1x128xi32, #tpu.memory_space<vmem>> -> memref<128xi32, #tpu.memory_space<vmem>>
    %dma_start3A_102 = arith.constant 0 : i32
    %dma_start3A_103 = arith.constant 0 : i32
    %dma_start3A_104 = tpu.memref_slice %arg2[%dma_start3A_102, %dma_start3A_103] : memref<10000x64xf32, #tpu.memory_space<hbm>> -> memref<10000x64xf32, #tpu.memory_space<hbm>>
    tpu.enqueue_indirect_dma source(%dma_start3A_104 : memref<10000x64xf32, #tpu.memory_space<hbm>>) target(%arg14 : memref<128x64xf32, #tpu.memory_space<vmem>>) offsets(%dma_start3A_101 : memref<128xi32, #tpu.memory_space<vmem>>) semaphore(%arg24 : memref<!tpu.dma_semaphore, #tpu.memory_space<semaphore_mem>>)
    %dma_start3A_105 = arith.constant 7 : i32
    %dma_start3A_106 = arith.constant 0 : i32
    %dma_start3A_107 = tpu.memref_slice %arg16[%dma_start3A_105, %dma_start3A_106] : memref<79x128xi32, #tpu.memory_space<vmem>> -> memref<1x128xi32, #tpu.memory_space<vmem>>
    %dma_start3A_108 = tpu.memref_squeeze %dma_start3A_107 : memref<1x128xi32, #tpu.memory_space<vmem>> -> memref<128xi32, #tpu.memory_space<vmem>>
    %dma_start3A_109 = arith.constant 0 : i32
    %dma_start3A_110 = arith.constant 0 : i32
    %dma_start3A_111 = tpu.memref_slice %arg2[%dma_start3A_109, %dma_start3A_110] : memref<10000x64xf32, #tpu.memory_space<hbm>> -> memref<10000x64xf32, #tpu.memory_space<hbm>>
    tpu.enqueue_indirect_dma source(%dma_start3A_111 : memref<10000x64xf32, #tpu.memory_space<hbm>>) target(%arg15 : memref<128x64xf32, #tpu.memory_space<vmem>>) offsets(%dma_start3A_108 : memref<128xi32, #tpu.memory_space<vmem>>) semaphore(%arg25 : memref<!tpu.dma_semaphore, #tpu.memory_space<semaphore_mem>>)
    %scan3A = arith.constant 0 : i32
    %scan3A_112 = arith.constant 0 : i32
    %scan3A_113 = arith.constant 10 : i32
    %scan3A_114 = arith.addi %scan3A_112, %scan3A_113 : i32
    %scan3A_115 = arith.constant 1 : i32
    scf.for %scan3A_174 = %scan3A_112 to %scan3A_114 step %scan3A_115  : i32 {
      %mul3A_175 = arith.constant 8 : i32
      %mul3A_176 = arith.muli %scan3A_174, %mul3A_175 : i32
      %add3A_177 = arith.constant 0 : i32
      %add3A_178 = arith.addi %mul3A_176, %add3A_177 : i32
      %lt3A_179 = arith.cmpi slt, %add3A_178, %select_n3A : i32
      %convert_element_type3A_180 = arith.extui %lt3A_179 : i1 to i32
      %cond3A_181 = arith.constant 0 : i32
      %cond3A_182 = arith.cmpi ne, %convert_element_type3A_180, %cond3A_181 : i32
      scf.if %cond3A_182 {
        %dma_wait3A_319 = arith.constant 0 : i32
        %dma_wait3A_320 = arith.constant 0 : i32
        %dma_wait3A_321 = tpu.memref_slice %arg16[%dma_wait3A_319, %dma_wait3A_320] : memref<79x128xi32, #tpu.memory_space<vmem>> -> memref<1x128xi32, #tpu.memory_space<vmem>>
        %dma_wait3A_322 = tpu.memref_squeeze %dma_wait3A_321 : memref<1x128xi32, #tpu.memory_space<vmem>> -> memref<128xi32, #tpu.memory_space<vmem>>
        %dma_wait3A_323 = arith.constant 0 : i32
        %dma_wait3A_324 = arith.constant 0 : i32
        %dma_wait3A_325 = tpu.memref_slice %arg2[%dma_wait3A_323, %dma_wait3A_324] : memref<10000x64xf32, #tpu.memory_space<hbm>> -> memref<10000x64xf32, #tpu.memory_space<hbm>>
        tpu.wait_indirect_dma semaphore(%arg18 : memref<!tpu.dma_semaphore, #tpu.memory_space<semaphore_mem>>) src(%dma_wait3A_325 : memref<10000x64xf32, #tpu.memory_space<hbm>>) dst(%arg8 : memref<128x64xf32, #tpu.memory_space<vmem>>)
        %dma_start3A_326 = arith.constant 0 : i32
        %dma_start3A_327 = tpu.memref_slice %arg17[%add3A_178, %dma_start3A_326] : memref<79x128xi32, #tpu.memory_space<vmem>> -> memref<1x128xi32, #tpu.memory_space<vmem>>
        %dma_start3A_328 = tpu.memref_squeeze %dma_start3A_327 : memref<1x128xi32, #tpu.memory_space<vmem>> -> memref<128xi32, #tpu.memory_space<vmem>>
        %dma_start3A_329 = arith.constant 0 : i32
        %dma_start3A_330 = arith.constant 0 : i32
        %dma_start3A_331 = tpu.memref_slice %arg7[%dma_start3A_329, %dma_start3A_330] : memref<10112x64xf32, #tpu.memory_space<vmem_shared>> -> memref<10112x64xf32, #tpu.memory_space<vmem_shared>>
        tpu.enqueue_indirect_dma source(%arg8 : memref<128x64xf32, #tpu.memory_space<vmem>>) target(%dma_start3A_331 : memref<10112x64xf32, #tpu.memory_space<vmem_shared>>) offsets(%dma_start3A_328 : memref<128xi32, #tpu.memory_space<vmem>>) semaphore(%arg26 : memref<!tpu.dma_semaphore, #tpu.memory_space<semaphore_mem>>) {add = true}
      } else {
      }
      %mul3A_183 = arith.constant 8 : i32
      %mul3A_184 = arith.muli %scan3A_174, %mul3A_183 : i32
      %add3A_185 = arith.constant 1 : i32
      %add3A_186 = arith.addi %mul3A_184, %add3A_185 : i32
      %lt3A_187 = arith.cmpi slt, %add3A_186, %select_n3A : i32
      %convert_element_type3A_188 = arith.extui %lt3A_187 : i1 to i32
      %cond3A_189 = arith.constant 0 : i32
      %cond3A_190 = arith.cmpi ne, %convert_element_type3A_188, %cond3A_189 : i32
      scf.if %cond3A_190 {
        %dma_wait3A_319 = arith.constant 0 : i32
        %dma_wait3A_320 = arith.constant 0 : i32
        %dma_wait3A_321 = tpu.memref_slice %arg16[%dma_wait3A_319, %dma_wait3A_320] : memref<79x128xi32, #tpu.memory_space<vmem>> -> memref<1x128xi32, #tpu.memory_space<vmem>>
        %dma_wait3A_322 = tpu.memref_squeeze %dma_wait3A_321 : memref<1x128xi32, #tpu.memory_space<vmem>> -> memref<128xi32, #tpu.memory_space<vmem>>
        %dma_wait3A_323 = arith.constant 0 : i32
        %dma_wait3A_324 = arith.constant 0 : i32
        %dma_wait3A_325 = tpu.memref_slice %arg2[%dma_wait3A_323, %dma_wait3A_324] : memref<10000x64xf32, #tpu.memory_space<hbm>> -> memref<10000x64xf32, #tpu.memory_space<hbm>>
        tpu.wait_indirect_dma semaphore(%arg19 : memref<!tpu.dma_semaphore, #tpu.memory_space<semaphore_mem>>) src(%dma_wait3A_325 : memref<10000x64xf32, #tpu.memory_space<hbm>>) dst(%arg9 : memref<128x64xf32, #tpu.memory_space<vmem>>)
        %dma_start3A_326 = arith.constant 0 : i32
        %dma_start3A_327 = tpu.memref_slice %arg17[%add3A_186, %dma_start3A_326] : memref<79x128xi32, #tpu.memory_space<vmem>> -> memref<1x128xi32, #tpu.memory_space<vmem>>
        %dma_start3A_328 = tpu.memref_squeeze %dma_start3A_327 : memref<1x128xi32, #tpu.memory_space<vmem>> -> memref<128xi32, #tpu.memory_space<vmem>>
        %dma_start3A_329 = arith.constant 0 : i32
        %dma_start3A_330 = arith.constant 0 : i32
        %dma_start3A_331 = tpu.memref_slice %arg7[%dma_start3A_329, %dma_start3A_330] : memref<10112x64xf32, #tpu.memory_space<vmem_shared>> -> memref<10112x64xf32, #tpu.memory_space<vmem_shared>>
        tpu.enqueue_indirect_dma source(%arg9 : memref<128x64xf32, #tpu.memory_space<vmem>>) target(%dma_start3A_331 : memref<10112x64xf32, #tpu.memory_space<vmem_shared>>) offsets(%dma_start3A_328 : memref<128xi32, #tpu.memory_space<vmem>>) semaphore(%arg27 : memref<!tpu.dma_semaphore, #tpu.memory_space<semaphore_mem>>) {add = true}
      } else {
      }
      %mul3A_191 = arith.constant 8 : i32
      %mul3A_192 = arith.muli %scan3A_174, %mul3A_191 : i32
      %add3A_193 = arith.constant 2 : i32
      %add3A_194 = arith.addi %mul3A_192, %add3A_193 : i32
      %lt3A_195 = arith.cmpi slt, %add3A_194, %select_n3A : i32
      %convert_element_type3A_196 = arith.extui %lt3A_195 : i1 to i32
      %cond3A_197 = arith.constant 0 : i32
      %cond3A_198 = arith.cmpi ne, %convert_element_type3A_196, %cond3A_197 : i32
      scf.if %cond3A_198 {
        %dma_wait3A_319 = arith.constant 0 : i32
        %dma_wait3A_320 = arith.constant 0 : i32
        %dma_wait3A_321 = tpu.memref_slice %arg16[%dma_wait3A_319, %dma_wait3A_320] : memref<79x128xi32, #tpu.memory_space<vmem>> -> memref<1x128xi32, #tpu.memory_space<vmem>>
        %dma_wait3A_322 = tpu.memref_squeeze %dma_wait3A_321 : memref<1x128xi32, #tpu.memory_space<vmem>> -> memref<128xi32, #tpu.memory_space<vmem>>
        %dma_wait3A_323 = arith.constant 0 : i32
        %dma_wait3A_324 = arith.constant 0 : i32
        %dma_wait3A_325 = tpu.memref_slice %arg2[%dma_wait3A_323, %dma_wait3A_324] : memref<10000x64xf32, #tpu.memory_space<hbm>> -> memref<10000x64xf32, #tpu.memory_space<hbm>>
        tpu.wait_indirect_dma semaphore(%arg20 : memref<!tpu.dma_semaphore, #tpu.memory_space<semaphore_mem>>) src(%dma_wait3A_325 : memref<10000x64xf32, #tpu.memory_space<hbm>>) dst(%arg10 : memref<128x64xf32, #tpu.memory_space<vmem>>)
        %dma_start3A_326 = arith.constant 0 : i32
        %dma_start3A_327 = tpu.memref_slice %arg17[%add3A_194, %dma_start3A_326] : memref<79x128xi32, #tpu.memory_space<vmem>> -> memref<1x128xi32, #tpu.memory_space<vmem>>
        %dma_start3A_328 = tpu.memref_squeeze %dma_start3A_327 : memref<1x128xi32, #tpu.memory_space<vmem>> -> memref<128xi32, #tpu.memory_space<vmem>>
        %dma_start3A_329 = arith.constant 0 : i32
        %dma_start3A_330 = arith.constant 0 : i32
        %dma_start3A_331 = tpu.memref_slice %arg7[%dma_start3A_329, %dma_start3A_330] : memref<10112x64xf32, #tpu.memory_space<vmem_shared>> -> memref<10112x64xf32, #tpu.memory_space<vmem_shared>>
        tpu.enqueue_indirect_dma source(%arg10 : memref<128x64xf32, #tpu.memory_space<vmem>>) target(%dma_start3A_331 : memref<10112x64xf32, #tpu.memory_space<vmem_shared>>) offsets(%dma_start3A_328 : memref<128xi32, #tpu.memory_space<vmem>>) semaphore(%arg28 : memref<!tpu.dma_semaphore, #tpu.memory_space<semaphore_mem>>) {add = true}
      } else {
      }
      %mul3A_199 = arith.constant 8 : i32
      %mul3A_200 = arith.muli %scan3A_174, %mul3A_199 : i32
      %add3A_201 = arith.constant 3 : i32
      %add3A_202 = arith.addi %mul3A_200, %add3A_201 : i32
      %lt3A_203 = arith.cmpi slt, %add3A_202, %select_n3A : i32
      %convert_element_type3A_204 = arith.extui %lt3A_203 : i1 to i32
      %cond3A_205 = arith.constant 0 : i32
      %cond3A_206 = arith.cmpi ne, %convert_element_type3A_204, %cond3A_205 : i32
      scf.if %cond3A_206 {
        %dma_wait3A_319 = arith.constant 0 : i32
        %dma_wait3A_320 = arith.constant 0 : i32
        %dma_wait3A_321 = tpu.memref_slice %arg16[%dma_wait3A_319, %dma_wait3A_320] : memref<79x128xi32, #tpu.memory_space<vmem>> -> memref<1x128xi32, #tpu.memory_space<vmem>>
        %dma_wait3A_322 = tpu.memref_squeeze %dma_wait3A_321 : memref<1x128xi32, #tpu.memory_space<vmem>> -> memref<128xi32, #tpu.memory_space<vmem>>
        %dma_wait3A_323 = arith.constant 0 : i32
        %dma_wait3A_324 = arith.constant 0 : i32
        %dma_wait3A_325 = tpu.memref_slice %arg2[%dma_wait3A_323, %dma_wait3A_324] : memref<10000x64xf32, #tpu.memory_space<hbm>> -> memref<10000x64xf32, #tpu.memory_space<hbm>>
        tpu.wait_indirect_dma semaphore(%arg21 : memref<!tpu.dma_semaphore, #tpu.memory_space<semaphore_mem>>) src(%dma_wait3A_325 : memref<10000x64xf32, #tpu.memory_space<hbm>>) dst(%arg11 : memref<128x64xf32, #tpu.memory_space<vmem>>)
        %dma_start3A_326 = arith.constant 0 : i32
        %dma_start3A_327 = tpu.memref_slice %arg17[%add3A_202, %dma_start3A_326] : memref<79x128xi32, #tpu.memory_space<vmem>> -> memref<1x128xi32, #tpu.memory_space<vmem>>
        %dma_start3A_328 = tpu.memref_squeeze %dma_start3A_327 : memref<1x128xi32, #tpu.memory_space<vmem>> -> memref<128xi32, #tpu.memory_space<vmem>>
        %dma_start3A_329 = arith.constant 0 : i32
        %dma_start3A_330 = arith.constant 0 : i32
        %dma_start3A_331 = tpu.memref_slice %arg7[%dma_start3A_329, %dma_start3A_330] : memref<10112x64xf32, #tpu.memory_space<vmem_shared>> -> memref<10112x64xf32, #tpu.memory_space<vmem_shared>>
        tpu.enqueue_indirect_dma source(%arg11 : memref<128x64xf32, #tpu.memory_space<vmem>>) target(%dma_start3A_331 : memref<10112x64xf32, #tpu.memory_space<vmem_shared>>) offsets(%dma_start3A_328 : memref<128xi32, #tpu.memory_space<vmem>>) semaphore(%arg29 : memref<!tpu.dma_semaphore, #tpu.memory_space<semaphore_mem>>) {add = true}
      } else {
      }
      %mul3A_207 = arith.constant 8 : i32
      %mul3A_208 = arith.muli %scan3A_174, %mul3A_207 : i32
      %add3A_209 = arith.constant 4 : i32
      %add3A_210 = arith.addi %mul3A_208, %add3A_209 : i32
      %lt3A_211 = arith.cmpi slt, %add3A_210, %select_n3A : i32
      %convert_element_type3A_212 = arith.extui %lt3A_211 : i1 to i32
      %cond3A_213 = arith.constant 0 : i32
      %cond3A_214 = arith.cmpi ne, %convert_element_type3A_212, %cond3A_213 : i32
      scf.if %cond3A_214 {
        %dma_wait3A_319 = arith.constant 0 : i32
        %dma_wait3A_320 = arith.constant 0 : i32
        %dma_wait3A_321 = tpu.memref_slice %arg16[%dma_wait3A_319, %dma_wait3A_320] : memref<79x128xi32, #tpu.memory_space<vmem>> -> memref<1x128xi32, #tpu.memory_space<vmem>>
        %dma_wait3A_322 = tpu.memref_squeeze %dma_wait3A_321 : memref<1x128xi32, #tpu.memory_space<vmem>> -> memref<128xi32, #tpu.memory_space<vmem>>
        %dma_wait3A_323 = arith.constant 0 : i32
        %dma_wait3A_324 = arith.constant 0 : i32
        %dma_wait3A_325 = tpu.memref_slice %arg2[%dma_wait3A_323, %dma_wait3A_324] : memref<10000x64xf32, #tpu.memory_space<hbm>> -> memref<10000x64xf32, #tpu.memory_space<hbm>>
        tpu.wait_indirect_dma semaphore(%arg22 : memref<!tpu.dma_semaphore, #tpu.memory_space<semaphore_mem>>) src(%dma_wait3A_325 : memref<10000x64xf32, #tpu.memory_space<hbm>>) dst(%arg12 : memref<128x64xf32, #tpu.memory_space<vmem>>)
        %dma_start3A_326 = arith.constant 0 : i32
        %dma_start3A_327 = tpu.memref_slice %arg17[%add3A_210, %dma_start3A_326] : memref<79x128xi32, #tpu.memory_space<vmem>> -> memref<1x128xi32, #tpu.memory_space<vmem>>
        %dma_start3A_328 = tpu.memref_squeeze %dma_start3A_327 : memref<1x128xi32, #tpu.memory_space<vmem>> -> memref<128xi32, #tpu.memory_space<vmem>>
        %dma_start3A_329 = arith.constant 0 : i32
        %dma_start3A_330 = arith.constant 0 : i32
        %dma_start3A_331 = tpu.memref_slice %arg7[%dma_start3A_329, %dma_start3A_330] : memref<10112x64xf32, #tpu.memory_space<vmem_shared>> -> memref<10112x64xf32, #tpu.memory_space<vmem_shared>>
        tpu.enqueue_indirect_dma source(%arg12 : memref<128x64xf32, #tpu.memory_space<vmem>>) target(%dma_start3A_331 : memref<10112x64xf32, #tpu.memory_space<vmem_shared>>) offsets(%dma_start3A_328 : memref<128xi32, #tpu.memory_space<vmem>>) semaphore(%arg30 : memref<!tpu.dma_semaphore, #tpu.memory_space<semaphore_mem>>) {add = true}
      } else {
      }
      %mul3A_215 = arith.constant 8 : i32
      %mul3A_216 = arith.muli %scan3A_174, %mul3A_215 : i32
      %add3A_217 = arith.constant 5 : i32
      %add3A_218 = arith.addi %mul3A_216, %add3A_217 : i32
      %lt3A_219 = arith.cmpi slt, %add3A_218, %select_n3A : i32
      %convert_element_type3A_220 = arith.extui %lt3A_219 : i1 to i32
      %cond3A_221 = arith.constant 0 : i32
      %cond3A_222 = arith.cmpi ne, %convert_element_type3A_220, %cond3A_221 : i32
      scf.if %cond3A_222 {
        %dma_wait3A_319 = arith.constant 0 : i32
        %dma_wait3A_320 = arith.constant 0 : i32
        %dma_wait3A_321 = tpu.memref_slice %arg16[%dma_wait3A_319, %dma_wait3A_320] : memref<79x128xi32, #tpu.memory_space<vmem>> -> memref<1x128xi32, #tpu.memory_space<vmem>>
        %dma_wait3A_322 = tpu.memref_squeeze %dma_wait3A_321 : memref<1x128xi32, #tpu.memory_space<vmem>> -> memref<128xi32, #tpu.memory_space<vmem>>
        %dma_wait3A_323 = arith.constant 0 : i32
        %dma_wait3A_324 = arith.constant 0 : i32
        %dma_wait3A_325 = tpu.memref_slice %arg2[%dma_wait3A_323, %dma_wait3A_324] : memref<10000x64xf32, #tpu.memory_space<hbm>> -> memref<10000x64xf32, #tpu.memory_space<hbm>>
        tpu.wait_indirect_dma semaphore(%arg23 : memref<!tpu.dma_semaphore, #tpu.memory_space<semaphore_mem>>) src(%dma_wait3A_325 : memref<10000x64xf32, #tpu.memory_space<hbm>>) dst(%arg13 : memref<128x64xf32, #tpu.memory_space<vmem>>)
        %dma_start3A_326 = arith.constant 0 : i32
        %dma_start3A_327 = tpu.memref_slice %arg17[%add3A_218, %dma_start3A_326] : memref<79x128xi32, #tpu.memory_space<vmem>> -> memref<1x128xi32, #tpu.memory_space<vmem>>
        %dma_start3A_328 = tpu.memref_squeeze %dma_start3A_327 : memref<1x128xi32, #tpu.memory_space<vmem>> -> memref<128xi32, #tpu.memory_space<vmem>>
        %dma_start3A_329 = arith.constant 0 : i32
        %dma_start3A_330 = arith.constant 0 : i32
        %dma_start3A_331 = tpu.memref_slice %arg7[%dma_start3A_329, %dma_start3A_330] : memref<10112x64xf32, #tpu.memory_space<vmem_shared>> -> memref<10112x64xf32, #tpu.memory_space<vmem_shared>>
        tpu.enqueue_indirect_dma source(%arg13 : memref<128x64xf32, #tpu.memory_space<vmem>>) target(%dma_start3A_331 : memref<10112x64xf32, #tpu.memory_space<vmem_shared>>) offsets(%dma_start3A_328 : memref<128xi32, #tpu.memory_space<vmem>>) semaphore(%arg31 : memref<!tpu.dma_semaphore, #tpu.memory_space<semaphore_mem>>) {add = true}
      } else {
      }
      %mul3A_223 = arith.constant 8 : i32
      %mul3A_224 = arith.muli %scan3A_174, %mul3A_223 : i32
      %add3A_225 = arith.constant 6 : i32
      %add3A_226 = arith.addi %mul3A_224, %add3A_225 : i32
      %lt3A_227 = arith.cmpi slt, %add3A_226, %select_n3A : i32
      %convert_element_type3A_228 = arith.extui %lt3A_227 : i1 to i32
      %cond3A_229 = arith.constant 0 : i32
      %cond3A_230 = arith.cmpi ne, %convert_element_type3A_228, %cond3A_229 : i32
      scf.if %cond3A_230 {
        %dma_wait3A_319 = arith.constant 0 : i32
        %dma_wait3A_320 = arith.constant 0 : i32
        %dma_wait3A_321 = tpu.memref_slice %arg16[%dma_wait3A_319, %dma_wait3A_320] : memref<79x128xi32, #tpu.memory_space<vmem>> -> memref<1x128xi32, #tpu.memory_space<vmem>>
        %dma_wait3A_322 = tpu.memref_squeeze %dma_wait3A_321 : memref<1x128xi32, #tpu.memory_space<vmem>> -> memref<128xi32, #tpu.memory_space<vmem>>
        %dma_wait3A_323 = arith.constant 0 : i32
        %dma_wait3A_324 = arith.constant 0 : i32
        %dma_wait3A_325 = tpu.memref_slice %arg2[%dma_wait3A_323, %dma_wait3A_324] : memref<10000x64xf32, #tpu.memory_space<hbm>> -> memref<10000x64xf32, #tpu.memory_space<hbm>>
        tpu.wait_indirect_dma semaphore(%arg24 : memref<!tpu.dma_semaphore, #tpu.memory_space<semaphore_mem>>) src(%dma_wait3A_325 : memref<10000x64xf32, #tpu.memory_space<hbm>>) dst(%arg14 : memref<128x64xf32, #tpu.memory_space<vmem>>)
        %dma_start3A_326 = arith.constant 0 : i32
        %dma_start3A_327 = tpu.memref_slice %arg17[%add3A_226, %dma_start3A_326] : memref<79x128xi32, #tpu.memory_space<vmem>> -> memref<1x128xi32, #tpu.memory_space<vmem>>
        %dma_start3A_328 = tpu.memref_squeeze %dma_start3A_327 : memref<1x128xi32, #tpu.memory_space<vmem>> -> memref<128xi32, #tpu.memory_space<vmem>>
        %dma_start3A_329 = arith.constant 0 : i32
        %dma_start3A_330 = arith.constant 0 : i32
        %dma_start3A_331 = tpu.memref_slice %arg7[%dma_start3A_329, %dma_start3A_330] : memref<10112x64xf32, #tpu.memory_space<vmem_shared>> -> memref<10112x64xf32, #tpu.memory_space<vmem_shared>>
        tpu.enqueue_indirect_dma source(%arg14 : memref<128x64xf32, #tpu.memory_space<vmem>>) target(%dma_start3A_331 : memref<10112x64xf32, #tpu.memory_space<vmem_shared>>) offsets(%dma_start3A_328 : memref<128xi32, #tpu.memory_space<vmem>>) semaphore(%arg32 : memref<!tpu.dma_semaphore, #tpu.memory_space<semaphore_mem>>) {add = true}
      } else {
      }
      %mul3A_231 = arith.constant 8 : i32
      %mul3A_232 = arith.muli %scan3A_174, %mul3A_231 : i32
      %add3A_233 = arith.constant 7 : i32
      %add3A_234 = arith.addi %mul3A_232, %add3A_233 : i32
      %lt3A_235 = arith.cmpi slt, %add3A_234, %select_n3A : i32
      %convert_element_type3A_236 = arith.extui %lt3A_235 : i1 to i32
      %cond3A_237 = arith.constant 0 : i32
      %cond3A_238 = arith.cmpi ne, %convert_element_type3A_236, %cond3A_237 : i32
      scf.if %cond3A_238 {
        %dma_wait3A_319 = arith.constant 0 : i32
        %dma_wait3A_320 = arith.constant 0 : i32
        %dma_wait3A_321 = tpu.memref_slice %arg16[%dma_wait3A_319, %dma_wait3A_320] : memref<79x128xi32, #tpu.memory_space<vmem>> -> memref<1x128xi32, #tpu.memory_space<vmem>>
        %dma_wait3A_322 = tpu.memref_squeeze %dma_wait3A_321 : memref<1x128xi32, #tpu.memory_space<vmem>> -> memref<128xi32, #tpu.memory_space<vmem>>
        %dma_wait3A_323 = arith.constant 0 : i32
        %dma_wait3A_324 = arith.constant 0 : i32
        %dma_wait3A_325 = tpu.memref_slice %arg2[%dma_wait3A_323, %dma_wait3A_324] : memref<10000x64xf32, #tpu.memory_space<hbm>> -> memref<10000x64xf32, #tpu.memory_space<hbm>>
        tpu.wait_indirect_dma semaphore(%arg25 : memref<!tpu.dma_semaphore, #tpu.memory_space<semaphore_mem>>) src(%dma_wait3A_325 : memref<10000x64xf32, #tpu.memory_space<hbm>>) dst(%arg15 : memref<128x64xf32, #tpu.memory_space<vmem>>)
        %dma_start3A_326 = arith.constant 0 : i32
        %dma_start3A_327 = tpu.memref_slice %arg17[%add3A_234, %dma_start3A_326] : memref<79x128xi32, #tpu.memory_space<vmem>> -> memref<1x128xi32, #tpu.memory_space<vmem>>
        %dma_start3A_328 = tpu.memref_squeeze %dma_start3A_327 : memref<1x128xi32, #tpu.memory_space<vmem>> -> memref<128xi32, #tpu.memory_space<vmem>>
        %dma_start3A_329 = arith.constant 0 : i32
        %dma_start3A_330 = arith.constant 0 : i32
        %dma_start3A_331 = tpu.memref_slice %arg7[%dma_start3A_329, %dma_start3A_330] : memref<10112x64xf32, #tpu.memory_space<vmem_shared>> -> memref<10112x64xf32, #tpu.memory_space<vmem_shared>>
        tpu.enqueue_indirect_dma source(%arg15 : memref<128x64xf32, #tpu.memory_space<vmem>>) target(%dma_start3A_331 : memref<10112x64xf32, #tpu.memory_space<vmem_shared>>) offsets(%dma_start3A_328 : memref<128xi32, #tpu.memory_space<vmem>>) semaphore(%arg33 : memref<!tpu.dma_semaphore, #tpu.memory_space<semaphore_mem>>) {add = true}
      } else {
      }
      %mul3A_239 = arith.constant 8 : i32
      %mul3A_240 = arith.muli %scan3A_174, %mul3A_239 : i32
      %add3A_241 = arith.constant 0 : i32
      %add3A_242 = arith.addi %mul3A_240, %add3A_241 : i32
      %add3A_243 = arith.constant 8 : i32
      %add3A_244 = arith.addi %add3A_242, %add3A_243 : i32
      %lt3A_245 = arith.cmpi slt, %add3A_244, %select_n3A : i32
      %convert_element_type3A_246 = arith.extui %lt3A_245 : i1 to i32
      %cond3A_247 = arith.constant 0 : i32
      %cond3A_248 = arith.cmpi ne, %convert_element_type3A_246, %cond3A_247 : i32
      scf.if %cond3A_248 {
        %dma_wait3A_319 = arith.constant 0 : i32
        %dma_wait3A_320 = arith.constant 0 : i32
        %dma_wait3A_321 = tpu.memref_slice %arg17[%dma_wait3A_319, %dma_wait3A_320] : memref<79x128xi32, #tpu.memory_space<vmem>> -> memref<1x128xi32, #tpu.memory_space<vmem>>
        %dma_wait3A_322 = tpu.memref_squeeze %dma_wait3A_321 : memref<1x128xi32, #tpu.memory_space<vmem>> -> memref<128xi32, #tpu.memory_space<vmem>>
        %dma_wait3A_323 = arith.constant 0 : i32
        %dma_wait3A_324 = arith.constant 0 : i32
        %dma_wait3A_325 = tpu.memref_slice %arg7[%dma_wait3A_323, %dma_wait3A_324] : memref<10112x64xf32, #tpu.memory_space<vmem_shared>> -> memref<10112x64xf32, #tpu.memory_space<vmem_shared>>
        tpu.wait_indirect_dma semaphore(%arg26 : memref<!tpu.dma_semaphore, #tpu.memory_space<semaphore_mem>>) src(%arg8 : memref<128x64xf32, #tpu.memory_space<vmem>>) dst(%dma_wait3A_325 : memref<10112x64xf32, #tpu.memory_space<vmem_shared>>)
        %add3A_326 = arith.constant 8 : i32
        %add3A_327 = arith.addi %add3A_242, %add3A_326 : i32
        %dma_start3A_328 = arith.constant 0 : i32
        %dma_start3A_329 = tpu.memref_slice %arg16[%add3A_327, %dma_start3A_328] : memref<79x128xi32, #tpu.memory_space<vmem>> -> memref<1x128xi32, #tpu.memory_space<vmem>>
        %dma_start3A_330 = tpu.memref_squeeze %dma_start3A_329 : memref<1x128xi32, #tpu.memory_space<vmem>> -> memref<128xi32, #tpu.memory_space<vmem>>
        %dma_start3A_331 = arith.constant 0 : i32
        %dma_start3A_332 = arith.constant 0 : i32
        %dma_start3A_333 = tpu.memref_slice %arg2[%dma_start3A_331, %dma_start3A_332] : memref<10000x64xf32, #tpu.memory_space<hbm>> -> memref<10000x64xf32, #tpu.memory_space<hbm>>
        tpu.enqueue_indirect_dma source(%dma_start3A_333 : memref<10000x64xf32, #tpu.memory_space<hbm>>) target(%arg8 : memref<128x64xf32, #tpu.memory_space<vmem>>) offsets(%dma_start3A_330 : memref<128xi32, #tpu.memory_space<vmem>>) semaphore(%arg18 : memref<!tpu.dma_semaphore, #tpu.memory_space<semaphore_mem>>)
      } else {
      }
      %mul3A_249 = arith.constant 8 : i32
      %mul3A_250 = arith.muli %scan3A_174, %mul3A_249 : i32
      %add3A_251 = arith.constant 1 : i32
      %add3A_252 = arith.addi %mul3A_250, %add3A_251 : i32
      %add3A_253 = arith.constant 8 : i32
      %add3A_254 = arith.addi %add3A_252, %add3A_253 : i32
      %lt3A_255 = arith.cmpi slt, %add3A_254, %select_n3A : i32
      %convert_element_type3A_256 = arith.extui %lt3A_255 : i1 to i32
      %cond3A_257 = arith.constant 0 : i32
      %cond3A_258 = arith.cmpi ne, %convert_element_type3A_256, %cond3A_257 : i32
      scf.if %cond3A_258 {
        %dma_wait3A_319 = arith.constant 0 : i32
        %dma_wait3A_320 = arith.constant 0 : i32
        %dma_wait3A_321 = tpu.memref_slice %arg17[%dma_wait3A_319, %dma_wait3A_320] : memref<79x128xi32, #tpu.memory_space<vmem>> -> memref<1x128xi32, #tpu.memory_space<vmem>>
        %dma_wait3A_322 = tpu.memref_squeeze %dma_wait3A_321 : memref<1x128xi32, #tpu.memory_space<vmem>> -> memref<128xi32, #tpu.memory_space<vmem>>
        %dma_wait3A_323 = arith.constant 0 : i32
        %dma_wait3A_324 = arith.constant 0 : i32
        %dma_wait3A_325 = tpu.memref_slice %arg7[%dma_wait3A_323, %dma_wait3A_324] : memref<10112x64xf32, #tpu.memory_space<vmem_shared>> -> memref<10112x64xf32, #tpu.memory_space<vmem_shared>>
        tpu.wait_indirect_dma semaphore(%arg27 : memref<!tpu.dma_semaphore, #tpu.memory_space<semaphore_mem>>) src(%arg9 : memref<128x64xf32, #tpu.memory_space<vmem>>) dst(%dma_wait3A_325 : memref<10112x64xf32, #tpu.memory_space<vmem_shared>>)
        %add3A_326 = arith.constant 8 : i32
        %add3A_327 = arith.addi %add3A_252, %add3A_326 : i32
        %dma_start3A_328 = arith.constant 0 : i32
        %dma_start3A_329 = tpu.memref_slice %arg16[%add3A_327, %dma_start3A_328] : memref<79x128xi32, #tpu.memory_space<vmem>> -> memref<1x128xi32, #tpu.memory_space<vmem>>
        %dma_start3A_330 = tpu.memref_squeeze %dma_start3A_329 : memref<1x128xi32, #tpu.memory_space<vmem>> -> memref<128xi32, #tpu.memory_space<vmem>>
        %dma_start3A_331 = arith.constant 0 : i32
        %dma_start3A_332 = arith.constant 0 : i32
        %dma_start3A_333 = tpu.memref_slice %arg2[%dma_start3A_331, %dma_start3A_332] : memref<10000x64xf32, #tpu.memory_space<hbm>> -> memref<10000x64xf32, #tpu.memory_space<hbm>>
        tpu.enqueue_indirect_dma source(%dma_start3A_333 : memref<10000x64xf32, #tpu.memory_space<hbm>>) target(%arg9 : memref<128x64xf32, #tpu.memory_space<vmem>>) offsets(%dma_start3A_330 : memref<128xi32, #tpu.memory_space<vmem>>) semaphore(%arg19 : memref<!tpu.dma_semaphore, #tpu.memory_space<semaphore_mem>>)
      } else {
      }
      %mul3A_259 = arith.constant 8 : i32
      %mul3A_260 = arith.muli %scan3A_174, %mul3A_259 : i32
      %add3A_261 = arith.constant 2 : i32
      %add3A_262 = arith.addi %mul3A_260, %add3A_261 : i32
      %add3A_263 = arith.constant 8 : i32
      %add3A_264 = arith.addi %add3A_262, %add3A_263 : i32
      %lt3A_265 = arith.cmpi slt, %add3A_264, %select_n3A : i32
      %convert_element_type3A_266 = arith.extui %lt3A_265 : i1 to i32
      %cond3A_267 = arith.constant 0 : i32
      %cond3A_268 = arith.cmpi ne, %convert_element_type3A_266, %cond3A_267 : i32
      scf.if %cond3A_268 {
        %dma_wait3A_319 = arith.constant 0 : i32
        %dma_wait3A_320 = arith.constant 0 : i32
        %dma_wait3A_321 = tpu.memref_slice %arg17[%dma_wait3A_319, %dma_wait3A_320] : memref<79x128xi32, #tpu.memory_space<vmem>> -> memref<1x128xi32, #tpu.memory_space<vmem>>
        %dma_wait3A_322 = tpu.memref_squeeze %dma_wait3A_321 : memref<1x128xi32, #tpu.memory_space<vmem>> -> memref<128xi32, #tpu.memory_space<vmem>>
        %dma_wait3A_323 = arith.constant 0 : i32
        %dma_wait3A_324 = arith.constant 0 : i32
        %dma_wait3A_325 = tpu.memref_slice %arg7[%dma_wait3A_323, %dma_wait3A_324] : memref<10112x64xf32, #tpu.memory_space<vmem_shared>> -> memref<10112x64xf32, #tpu.memory_space<vmem_shared>>
        tpu.wait_indirect_dma semaphore(%arg28 : memref<!tpu.dma_semaphore, #tpu.memory_space<semaphore_mem>>) src(%arg10 : memref<128x64xf32, #tpu.memory_space<vmem>>) dst(%dma_wait3A_325 : memref<10112x64xf32, #tpu.memory_space<vmem_shared>>)
        %add3A_326 = arith.constant 8 : i32
        %add3A_327 = arith.addi %add3A_262, %add3A_326 : i32
        %dma_start3A_328 = arith.constant 0 : i32
        %dma_start3A_329 = tpu.memref_slice %arg16[%add3A_327, %dma_start3A_328] : memref<79x128xi32, #tpu.memory_space<vmem>> -> memref<1x128xi32, #tpu.memory_space<vmem>>
        %dma_start3A_330 = tpu.memref_squeeze %dma_start3A_329 : memref<1x128xi32, #tpu.memory_space<vmem>> -> memref<128xi32, #tpu.memory_space<vmem>>
        %dma_start3A_331 = arith.constant 0 : i32
        %dma_start3A_332 = arith.constant 0 : i32
        %dma_start3A_333 = tpu.memref_slice %arg2[%dma_start3A_331, %dma_start3A_332] : memref<10000x64xf32, #tpu.memory_space<hbm>> -> memref<10000x64xf32, #tpu.memory_space<hbm>>
        tpu.enqueue_indirect_dma source(%dma_start3A_333 : memref<10000x64xf32, #tpu.memory_space<hbm>>) target(%arg10 : memref<128x64xf32, #tpu.memory_space<vmem>>) offsets(%dma_start3A_330 : memref<128xi32, #tpu.memory_space<vmem>>) semaphore(%arg20 : memref<!tpu.dma_semaphore, #tpu.memory_space<semaphore_mem>>)
      } else {
      }
      %mul3A_269 = arith.constant 8 : i32
      %mul3A_270 = arith.muli %scan3A_174, %mul3A_269 : i32
      %add3A_271 = arith.constant 3 : i32
      %add3A_272 = arith.addi %mul3A_270, %add3A_271 : i32
      %add3A_273 = arith.constant 8 : i32
      %add3A_274 = arith.addi %add3A_272, %add3A_273 : i32
      %lt3A_275 = arith.cmpi slt, %add3A_274, %select_n3A : i32
      %convert_element_type3A_276 = arith.extui %lt3A_275 : i1 to i32
      %cond3A_277 = arith.constant 0 : i32
      %cond3A_278 = arith.cmpi ne, %convert_element_type3A_276, %cond3A_277 : i32
      scf.if %cond3A_278 {
        %dma_wait3A_319 = arith.constant 0 : i32
        %dma_wait3A_320 = arith.constant 0 : i32
        %dma_wait3A_321 = tpu.memref_slice %arg17[%dma_wait3A_319, %dma_wait3A_320] : memref<79x128xi32, #tpu.memory_space<vmem>> -> memref<1x128xi32, #tpu.memory_space<vmem>>
        %dma_wait3A_322 = tpu.memref_squeeze %dma_wait3A_321 : memref<1x128xi32, #tpu.memory_space<vmem>> -> memref<128xi32, #tpu.memory_space<vmem>>
        %dma_wait3A_323 = arith.constant 0 : i32
        %dma_wait3A_324 = arith.constant 0 : i32
        %dma_wait3A_325 = tpu.memref_slice %arg7[%dma_wait3A_323, %dma_wait3A_324] : memref<10112x64xf32, #tpu.memory_space<vmem_shared>> -> memref<10112x64xf32, #tpu.memory_space<vmem_shared>>
        tpu.wait_indirect_dma semaphore(%arg29 : memref<!tpu.dma_semaphore, #tpu.memory_space<semaphore_mem>>) src(%arg11 : memref<128x64xf32, #tpu.memory_space<vmem>>) dst(%dma_wait3A_325 : memref<10112x64xf32, #tpu.memory_space<vmem_shared>>)
        %add3A_326 = arith.constant 8 : i32
        %add3A_327 = arith.addi %add3A_272, %add3A_326 : i32
        %dma_start3A_328 = arith.constant 0 : i32
        %dma_start3A_329 = tpu.memref_slice %arg16[%add3A_327, %dma_start3A_328] : memref<79x128xi32, #tpu.memory_space<vmem>> -> memref<1x128xi32, #tpu.memory_space<vmem>>
        %dma_start3A_330 = tpu.memref_squeeze %dma_start3A_329 : memref<1x128xi32, #tpu.memory_space<vmem>> -> memref<128xi32, #tpu.memory_space<vmem>>
        %dma_start3A_331 = arith.constant 0 : i32
        %dma_start3A_332 = arith.constant 0 : i32
        %dma_start3A_333 = tpu.memref_slice %arg2[%dma_start3A_331, %dma_start3A_332] : memref<10000x64xf32, #tpu.memory_space<hbm>> -> memref<10000x64xf32, #tpu.memory_space<hbm>>
        tpu.enqueue_indirect_dma source(%dma_start3A_333 : memref<10000x64xf32, #tpu.memory_space<hbm>>) target(%arg11 : memref<128x64xf32, #tpu.memory_space<vmem>>) offsets(%dma_start3A_330 : memref<128xi32, #tpu.memory_space<vmem>>) semaphore(%arg21 : memref<!tpu.dma_semaphore, #tpu.memory_space<semaphore_mem>>)
      } else {
      }
      %mul3A_279 = arith.constant 8 : i32
      %mul3A_280 = arith.muli %scan3A_174, %mul3A_279 : i32
      %add3A_281 = arith.constant 4 : i32
      %add3A_282 = arith.addi %mul3A_280, %add3A_281 : i32
      %add3A_283 = arith.constant 8 : i32
      %add3A_284 = arith.addi %add3A_282, %add3A_283 : i32
      %lt3A_285 = arith.cmpi slt, %add3A_284, %select_n3A : i32
      %convert_element_type3A_286 = arith.extui %lt3A_285 : i1 to i32
      %cond3A_287 = arith.constant 0 : i32
      %cond3A_288 = arith.cmpi ne, %convert_element_type3A_286, %cond3A_287 : i32
      scf.if %cond3A_288 {
        %dma_wait3A_319 = arith.constant 0 : i32
        %dma_wait3A_320 = arith.constant 0 : i32
        %dma_wait3A_321 = tpu.memref_slice %arg17[%dma_wait3A_319, %dma_wait3A_320] : memref<79x128xi32, #tpu.memory_space<vmem>> -> memref<1x128xi32, #tpu.memory_space<vmem>>
        %dma_wait3A_322 = tpu.memref_squeeze %dma_wait3A_321 : memref<1x128xi32, #tpu.memory_space<vmem>> -> memref<128xi32, #tpu.memory_space<vmem>>
        %dma_wait3A_323 = arith.constant 0 : i32
        %dma_wait3A_324 = arith.constant 0 : i32
        %dma_wait3A_325 = tpu.memref_slice %arg7[%dma_wait3A_323, %dma_wait3A_324] : memref<10112x64xf32, #tpu.memory_space<vmem_shared>> -> memref<10112x64xf32, #tpu.memory_space<vmem_shared>>
        tpu.wait_indirect_dma semaphore(%arg30 : memref<!tpu.dma_semaphore, #tpu.memory_space<semaphore_mem>>) src(%arg12 : memref<128x64xf32, #tpu.memory_space<vmem>>) dst(%dma_wait3A_325 : memref<10112x64xf32, #tpu.memory_space<vmem_shared>>)
        %add3A_326 = arith.constant 8 : i32
        %add3A_327 = arith.addi %add3A_282, %add3A_326 : i32
        %dma_start3A_328 = arith.constant 0 : i32
        %dma_start3A_329 = tpu.memref_slice %arg16[%add3A_327, %dma_start3A_328] : memref<79x128xi32, #tpu.memory_space<vmem>> -> memref<1x128xi32, #tpu.memory_space<vmem>>
        %dma_start3A_330 = tpu.memref_squeeze %dma_start3A_329 : memref<1x128xi32, #tpu.memory_space<vmem>> -> memref<128xi32, #tpu.memory_space<vmem>>
        %dma_start3A_331 = arith.constant 0 : i32
        %dma_start3A_332 = arith.constant 0 : i32
        %dma_start3A_333 = tpu.memref_slice %arg2[%dma_start3A_331, %dma_start3A_332] : memref<10000x64xf32, #tpu.memory_space<hbm>> -> memref<10000x64xf32, #tpu.memory_space<hbm>>
        tpu.enqueue_indirect_dma source(%dma_start3A_333 : memref<10000x64xf32, #tpu.memory_space<hbm>>) target(%arg12 : memref<128x64xf32, #tpu.memory_space<vmem>>) offsets(%dma_start3A_330 : memref<128xi32, #tpu.memory_space<vmem>>) semaphore(%arg22 : memref<!tpu.dma_semaphore, #tpu.memory_space<semaphore_mem>>)
      } else {
      }
      %mul3A_289 = arith.constant 8 : i32
      %mul3A_290 = arith.muli %scan3A_174, %mul3A_289 : i32
      %add3A_291 = arith.constant 5 : i32
      %add3A_292 = arith.addi %mul3A_290, %add3A_291 : i32
      %add3A_293 = arith.constant 8 : i32
      %add3A_294 = arith.addi %add3A_292, %add3A_293 : i32
      %lt3A_295 = arith.cmpi slt, %add3A_294, %select_n3A : i32
      %convert_element_type3A_296 = arith.extui %lt3A_295 : i1 to i32
      %cond3A_297 = arith.constant 0 : i32
      %cond3A_298 = arith.cmpi ne, %convert_element_type3A_296, %cond3A_297 : i32
      scf.if %cond3A_298 {
        %dma_wait3A_319 = arith.constant 0 : i32
        %dma_wait3A_320 = arith.constant 0 : i32
        %dma_wait3A_321 = tpu.memref_slice %arg17[%dma_wait3A_319, %dma_wait3A_320] : memref<79x128xi32, #tpu.memory_space<vmem>> -> memref<1x128xi32, #tpu.memory_space<vmem>>
        %dma_wait3A_322 = tpu.memref_squeeze %dma_wait3A_321 : memref<1x128xi32, #tpu.memory_space<vmem>> -> memref<128xi32, #tpu.memory_space<vmem>>
        %dma_wait3A_323 = arith.constant 0 : i32
        %dma_wait3A_324 = arith.constant 0 : i32
        %dma_wait3A_325 = tpu.memref_slice %arg7[%dma_wait3A_323, %dma_wait3A_324] : memref<10112x64xf32, #tpu.memory_space<vmem_shared>> -> memref<10112x64xf32, #tpu.memory_space<vmem_shared>>
        tpu.wait_indirect_dma semaphore(%arg31 : memref<!tpu.dma_semaphore, #tpu.memory_space<semaphore_mem>>) src(%arg13 : memref<128x64xf32, #tpu.memory_space<vmem>>) dst(%dma_wait3A_325 : memref<10112x64xf32, #tpu.memory_space<vmem_shared>>)
        %add3A_326 = arith.constant 8 : i32
        %add3A_327 = arith.addi %add3A_292, %add3A_326 : i32
        %dma_start3A_328 = arith.constant 0 : i32
        %dma_start3A_329 = tpu.memref_slice %arg16[%add3A_327, %dma_start3A_328] : memref<79x128xi32, #tpu.memory_space<vmem>> -> memref<1x128xi32, #tpu.memory_space<vmem>>
        %dma_start3A_330 = tpu.memref_squeeze %dma_start3A_329 : memref<1x128xi32, #tpu.memory_space<vmem>> -> memref<128xi32, #tpu.memory_space<vmem>>
        %dma_start3A_331 = arith.constant 0 : i32
        %dma_start3A_332 = arith.constant 0 : i32
        %dma_start3A_333 = tpu.memref_slice %arg2[%dma_start3A_331, %dma_start3A_332] : memref<10000x64xf32, #tpu.memory_space<hbm>> -> memref<10000x64xf32, #tpu.memory_space<hbm>>
        tpu.enqueue_indirect_dma source(%dma_start3A_333 : memref<10000x64xf32, #tpu.memory_space<hbm>>) target(%arg13 : memref<128x64xf32, #tpu.memory_space<vmem>>) offsets(%dma_start3A_330 : memref<128xi32, #tpu.memory_space<vmem>>) semaphore(%arg23 : memref<!tpu.dma_semaphore, #tpu.memory_space<semaphore_mem>>)
      } else {
      }
      %mul3A_299 = arith.constant 8 : i32
      %mul3A_300 = arith.muli %scan3A_174, %mul3A_299 : i32
      %add3A_301 = arith.constant 6 : i32
      %add3A_302 = arith.addi %mul3A_300, %add3A_301 : i32
      %add3A_303 = arith.constant 8 : i32
      %add3A_304 = arith.addi %add3A_302, %add3A_303 : i32
      %lt3A_305 = arith.cmpi slt, %add3A_304, %select_n3A : i32
      %convert_element_type3A_306 = arith.extui %lt3A_305 : i1 to i32
      %cond3A_307 = arith.constant 0 : i32
      %cond3A_308 = arith.cmpi ne, %convert_element_type3A_306, %cond3A_307 : i32
      scf.if %cond3A_308 {
        %dma_wait3A_319 = arith.constant 0 : i32
        %dma_wait3A_320 = arith.constant 0 : i32
        %dma_wait3A_321 = tpu.memref_slice %arg17[%dma_wait3A_319, %dma_wait3A_320] : memref<79x128xi32, #tpu.memory_space<vmem>> -> memref<1x128xi32, #tpu.memory_space<vmem>>
        %dma_wait3A_322 = tpu.memref_squeeze %dma_wait3A_321 : memref<1x128xi32, #tpu.memory_space<vmem>> -> memref<128xi32, #tpu.memory_space<vmem>>
        %dma_wait3A_323 = arith.constant 0 : i32
        %dma_wait3A_324 = arith.constant 0 : i32
        %dma_wait3A_325 = tpu.memref_slice %arg7[%dma_wait3A_323, %dma_wait3A_324] : memref<10112x64xf32, #tpu.memory_space<vmem_shared>> -> memref<10112x64xf32, #tpu.memory_space<vmem_shared>>
        tpu.wait_indirect_dma semaphore(%arg32 : memref<!tpu.dma_semaphore, #tpu.memory_space<semaphore_mem>>) src(%arg14 : memref<128x64xf32, #tpu.memory_space<vmem>>) dst(%dma_wait3A_325 : memref<10112x64xf32, #tpu.memory_space<vmem_shared>>)
        %add3A_326 = arith.constant 8 : i32
        %add3A_327 = arith.addi %add3A_302, %add3A_326 : i32
        %dma_start3A_328 = arith.constant 0 : i32
        %dma_start3A_329 = tpu.memref_slice %arg16[%add3A_327, %dma_start3A_328] : memref<79x128xi32, #tpu.memory_space<vmem>> -> memref<1x128xi32, #tpu.memory_space<vmem>>
        %dma_start3A_330 = tpu.memref_squeeze %dma_start3A_329 : memref<1x128xi32, #tpu.memory_space<vmem>> -> memref<128xi32, #tpu.memory_space<vmem>>
        %dma_start3A_331 = arith.constant 0 : i32
        %dma_start3A_332 = arith.constant 0 : i32
        %dma_start3A_333 = tpu.memref_slice %arg2[%dma_start3A_331, %dma_start3A_332] : memref<10000x64xf32, #tpu.memory_space<hbm>> -> memref<10000x64xf32, #tpu.memory_space<hbm>>
        tpu.enqueue_indirect_dma source(%dma_start3A_333 : memref<10000x64xf32, #tpu.memory_space<hbm>>) target(%arg14 : memref<128x64xf32, #tpu.memory_space<vmem>>) offsets(%dma_start3A_330 : memref<128xi32, #tpu.memory_space<vmem>>) semaphore(%arg24 : memref<!tpu.dma_semaphore, #tpu.memory_space<semaphore_mem>>)
      } else {
      }
      %mul3A_309 = arith.constant 8 : i32
      %mul3A_310 = arith.muli %scan3A_174, %mul3A_309 : i32
      %add3A_311 = arith.constant 7 : i32
      %add3A_312 = arith.addi %mul3A_310, %add3A_311 : i32
      %add3A_313 = arith.constant 8 : i32
      %add3A_314 = arith.addi %add3A_312, %add3A_313 : i32
      %lt3A_315 = arith.cmpi slt, %add3A_314, %select_n3A : i32
      %convert_element_type3A_316 = arith.extui %lt3A_315 : i1 to i32
      %cond3A_317 = arith.constant 0 : i32
      %cond3A_318 = arith.cmpi ne, %convert_element_type3A_316, %cond3A_317 : i32
      scf.if %cond3A_318 {
        %dma_wait3A_319 = arith.constant 0 : i32
        %dma_wait3A_320 = arith.constant 0 : i32
        %dma_wait3A_321 = tpu.memref_slice %arg17[%dma_wait3A_319, %dma_wait3A_320] : memref<79x128xi32, #tpu.memory_space<vmem>> -> memref<1x128xi32, #tpu.memory_space<vmem>>
        %dma_wait3A_322 = tpu.memref_squeeze %dma_wait3A_321 : memref<1x128xi32, #tpu.memory_space<vmem>> -> memref<128xi32, #tpu.memory_space<vmem>>
        %dma_wait3A_323 = arith.constant 0 : i32
        %dma_wait3A_324 = arith.constant 0 : i32
        %dma_wait3A_325 = tpu.memref_slice %arg7[%dma_wait3A_323, %dma_wait3A_324] : memref<10112x64xf32, #tpu.memory_space<vmem_shared>> -> memref<10112x64xf32, #tpu.memory_space<vmem_shared>>
        tpu.wait_indirect_dma semaphore(%arg33 : memref<!tpu.dma_semaphore, #tpu.memory_space<semaphore_mem>>) src(%arg15 : memref<128x64xf32, #tpu.memory_space<vmem>>) dst(%dma_wait3A_325 : memref<10112x64xf32, #tpu.memory_space<vmem_shared>>)
        %add3A_326 = arith.constant 8 : i32
        %add3A_327 = arith.addi %add3A_312, %add3A_326 : i32
        %dma_start3A_328 = arith.constant 0 : i32
        %dma_start3A_329 = tpu.memref_slice %arg16[%add3A_327, %dma_start3A_328] : memref<79x128xi32, #tpu.memory_space<vmem>> -> memref<1x128xi32, #tpu.memory_space<vmem>>
        %dma_start3A_330 = tpu.memref_squeeze %dma_start3A_329 : memref<1x128xi32, #tpu.memory_space<vmem>> -> memref<128xi32, #tpu.memory_space<vmem>>
        %dma_start3A_331 = arith.constant 0 : i32
        %dma_start3A_332 = arith.constant 0 : i32
        %dma_start3A_333 = tpu.memref_slice %arg2[%dma_start3A_331, %dma_start3A_332] : memref<10000x64xf32, #tpu.memory_space<hbm>> -> memref<10000x64xf32, #tpu.memory_space<hbm>>
        tpu.enqueue_indirect_dma source(%dma_start3A_333 : memref<10000x64xf32, #tpu.memory_space<hbm>>) target(%arg15 : memref<128x64xf32, #tpu.memory_space<vmem>>) offsets(%dma_start3A_330 : memref<128xi32, #tpu.memory_space<vmem>>) semaphore(%arg25 : memref<!tpu.dma_semaphore, #tpu.memory_space<semaphore_mem>>)
      } else {
      }
    }
    %scan3A_116 = arith.constant 10 : i32
    %dma_wait3A_117 = arith.constant 0 : i32
    %dma_wait3A_118 = arith.constant 0 : i32
    %dma_wait3A_119 = tpu.memref_slice %arg17[%dma_wait3A_117, %dma_wait3A_118] : memref<79x128xi32, #tpu.memory_space<vmem>> -> memref<1x128xi32, #tpu.memory_space<vmem>>
    %dma_wait3A_120 = tpu.memref_squeeze %dma_wait3A_119 : memref<1x128xi32, #tpu.memory_space<vmem>> -> memref<128xi32, #tpu.memory_space<vmem>>
    %dma_wait3A_121 = arith.constant 0 : i32
    %dma_wait3A_122 = arith.constant 0 : i32
    %dma_wait3A_123 = tpu.memref_slice %arg7[%dma_wait3A_121, %dma_wait3A_122] : memref<10112x64xf32, #tpu.memory_space<vmem_shared>> -> memref<10112x64xf32, #tpu.memory_space<vmem_shared>>
    tpu.wait_indirect_dma semaphore(%arg26 : memref<!tpu.dma_semaphore, #tpu.memory_space<semaphore_mem>>) src(%arg8 : memref<128x64xf32, #tpu.memory_space<vmem>>) dst(%dma_wait3A_123 : memref<10112x64xf32, #tpu.memory_space<vmem_shared>>)
    %dma_wait3A_124 = arith.constant 0 : i32
    %dma_wait3A_125 = arith.constant 0 : i32
    %dma_wait3A_126 = tpu.memref_slice %arg17[%dma_wait3A_124, %dma_wait3A_125] : memref<79x128xi32, #tpu.memory_space<vmem>> -> memref<1x128xi32, #tpu.memory_space<vmem>>
    %dma_wait3A_127 = tpu.memref_squeeze %dma_wait3A_126 : memref<1x128xi32, #tpu.memory_space<vmem>> -> memref<128xi32, #tpu.memory_space<vmem>>
    %dma_wait3A_128 = arith.constant 0 : i32
    %dma_wait3A_129 = arith.constant 0 : i32
    %dma_wait3A_130 = tpu.memref_slice %arg7[%dma_wait3A_128, %dma_wait3A_129] : memref<10112x64xf32, #tpu.memory_space<vmem_shared>> -> memref<10112x64xf32, #tpu.memory_space<vmem_shared>>
    tpu.wait_indirect_dma semaphore(%arg27 : memref<!tpu.dma_semaphore, #tpu.memory_space<semaphore_mem>>) src(%arg9 : memref<128x64xf32, #tpu.memory_space<vmem>>) dst(%dma_wait3A_130 : memref<10112x64xf32, #tpu.memory_space<vmem_shared>>)
    %dma_wait3A_131 = arith.constant 0 : i32
    %dma_wait3A_132 = arith.constant 0 : i32
    %dma_wait3A_133 = tpu.memref_slice %arg17[%dma_wait3A_131, %dma_wait3A_132] : memref<79x128xi32, #tpu.memory_space<vmem>> -> memref<1x128xi32, #tpu.memory_space<vmem>>
    %dma_wait3A_134 = tpu.memref_squeeze %dma_wait3A_133 : memref<1x128xi32, #tpu.memory_space<vmem>> -> memref<128xi32, #tpu.memory_space<vmem>>
    %dma_wait3A_135 = arith.constant 0 : i32
    %dma_wait3A_136 = arith.constant 0 : i32
    %dma_wait3A_137 = tpu.memref_slice %arg7[%dma_wait3A_135, %dma_wait3A_136] : memref<10112x64xf32, #tpu.memory_space<vmem_shared>> -> memref<10112x64xf32, #tpu.memory_space<vmem_shared>>
    tpu.wait_indirect_dma semaphore(%arg28 : memref<!tpu.dma_semaphore, #tpu.memory_space<semaphore_mem>>) src(%arg10 : memref<128x64xf32, #tpu.memory_space<vmem>>) dst(%dma_wait3A_137 : memref<10112x64xf32, #tpu.memory_space<vmem_shared>>)
    %dma_wait3A_138 = arith.constant 0 : i32
    %dma_wait3A_139 = arith.constant 0 : i32
    %dma_wait3A_140 = tpu.memref_slice %arg17[%dma_wait3A_138, %dma_wait3A_139] : memref<79x128xi32, #tpu.memory_space<vmem>> -> memref<1x128xi32, #tpu.memory_space<vmem>>
    %dma_wait3A_141 = tpu.memref_squeeze %dma_wait3A_140 : memref<1x128xi32, #tpu.memory_space<vmem>> -> memref<128xi32, #tpu.memory_space<vmem>>
    %dma_wait3A_142 = arith.constant 0 : i32
    %dma_wait3A_143 = arith.constant 0 : i32
    %dma_wait3A_144 = tpu.memref_slice %arg7[%dma_wait3A_142, %dma_wait3A_143] : memref<10112x64xf32, #tpu.memory_space<vmem_shared>> -> memref<10112x64xf32, #tpu.memory_space<vmem_shared>>
    tpu.wait_indirect_dma semaphore(%arg29 : memref<!tpu.dma_semaphore, #tpu.memory_space<semaphore_mem>>) src(%arg11 : memref<128x64xf32, #tpu.memory_space<vmem>>) dst(%dma_wait3A_144 : memref<10112x64xf32, #tpu.memory_space<vmem_shared>>)
    %dma_wait3A_145 = arith.constant 0 : i32
    %dma_wait3A_146 = arith.constant 0 : i32
    %dma_wait3A_147 = tpu.memref_slice %arg17[%dma_wait3A_145, %dma_wait3A_146] : memref<79x128xi32, #tpu.memory_space<vmem>> -> memref<1x128xi32, #tpu.memory_space<vmem>>
    %dma_wait3A_148 = tpu.memref_squeeze %dma_wait3A_147 : memref<1x128xi32, #tpu.memory_space<vmem>> -> memref<128xi32, #tpu.memory_space<vmem>>
    %dma_wait3A_149 = arith.constant 0 : i32
    %dma_wait3A_150 = arith.constant 0 : i32
    %dma_wait3A_151 = tpu.memref_slice %arg7[%dma_wait3A_149, %dma_wait3A_150] : memref<10112x64xf32, #tpu.memory_space<vmem_shared>> -> memref<10112x64xf32, #tpu.memory_space<vmem_shared>>
    tpu.wait_indirect_dma semaphore(%arg30 : memref<!tpu.dma_semaphore, #tpu.memory_space<semaphore_mem>>) src(%arg12 : memref<128x64xf32, #tpu.memory_space<vmem>>) dst(%dma_wait3A_151 : memref<10112x64xf32, #tpu.memory_space<vmem_shared>>)
    %dma_wait3A_152 = arith.constant 0 : i32
    %dma_wait3A_153 = arith.constant 0 : i32
    %dma_wait3A_154 = tpu.memref_slice %arg17[%dma_wait3A_152, %dma_wait3A_153] : memref<79x128xi32, #tpu.memory_space<vmem>> -> memref<1x128xi32, #tpu.memory_space<vmem>>
    %dma_wait3A_155 = tpu.memref_squeeze %dma_wait3A_154 : memref<1x128xi32, #tpu.memory_space<vmem>> -> memref<128xi32, #tpu.memory_space<vmem>>
    %dma_wait3A_156 = arith.constant 0 : i32
    %dma_wait3A_157 = arith.constant 0 : i32
    %dma_wait3A_158 = tpu.memref_slice %arg7[%dma_wait3A_156, %dma_wait3A_157] : memref<10112x64xf32, #tpu.memory_space<vmem_shared>> -> memref<10112x64xf32, #tpu.memory_space<vmem_shared>>
    tpu.wait_indirect_dma semaphore(%arg31 : memref<!tpu.dma_semaphore, #tpu.memory_space<semaphore_mem>>) src(%arg13 : memref<128x64xf32, #tpu.memory_space<vmem>>) dst(%dma_wait3A_158 : memref<10112x64xf32, #tpu.memory_space<vmem_shared>>)
    %dma_wait3A_159 = arith.constant 0 : i32
    %dma_wait3A_160 = arith.constant 0 : i32
    %dma_wait3A_161 = tpu.memref_slice %arg17[%dma_wait3A_159, %dma_wait3A_160] : memref<79x128xi32, #tpu.memory_space<vmem>> -> memref<1x128xi32, #tpu.memory_space<vmem>>
    %dma_wait3A_162 = tpu.memref_squeeze %dma_wait3A_161 : memref<1x128xi32, #tpu.memory_space<vmem>> -> memref<128xi32, #tpu.memory_space<vmem>>
    %dma_wait3A_163 = arith.constant 0 : i32
    %dma_wait3A_164 = arith.constant 0 : i32
    %dma_wait3A_165 = tpu.memref_slice %arg7[%dma_wait3A_163, %dma_wait3A_164] : memref<10112x64xf32, #tpu.memory_space<vmem_shared>> -> memref<10112x64xf32, #tpu.memory_space<vmem_shared>>
    tpu.wait_indirect_dma semaphore(%arg32 : memref<!tpu.dma_semaphore, #tpu.memory_space<semaphore_mem>>) src(%arg14 : memref<128x64xf32, #tpu.memory_space<vmem>>) dst(%dma_wait3A_165 : memref<10112x64xf32, #tpu.memory_space<vmem_shared>>)
    %dma_wait3A_166 = arith.constant 0 : i32
    %dma_wait3A_167 = arith.constant 0 : i32
    %dma_wait3A_168 = tpu.memref_slice %arg17[%dma_wait3A_166, %dma_wait3A_167] : memref<79x128xi32, #tpu.memory_space<vmem>> -> memref<1x128xi32, #tpu.memory_space<vmem>>
    %dma_wait3A_169 = tpu.memref_squeeze %dma_wait3A_168 : memref<1x128xi32, #tpu.memory_space<vmem>> -> memref<128xi32, #tpu.memory_space<vmem>>
    %dma_wait3A_170 = arith.constant 0 : i32
    %dma_wait3A_171 = arith.constant 0 : i32
    %dma_wait3A_172 = tpu.memref_slice %arg7[%dma_wait3A_170, %dma_wait3A_171] : memref<10112x64xf32, #tpu.memory_space<vmem_shared>> -> memref<10112x64xf32, #tpu.memory_space<vmem_shared>>
    tpu.wait_indirect_dma semaphore(%arg33 : memref<!tpu.dma_semaphore, #tpu.memory_space<semaphore_mem>>) src(%arg15 : memref<128x64xf32, #tpu.memory_space<vmem>>) dst(%dma_wait3A_172 : memref<10112x64xf32, #tpu.memory_space<vmem_shared>>)
    %barrier3A_173 = arith.constant 0 : index
    tpu.barrier barrier_id(%barrier3A_173)
    "tpu.region"() ({
      %run_scoped3A = tpu.sem_alloc : memref<!tpu.dma_semaphore, #tpu.memory_space<semaphore_mem>>
      %dma_start3A_174 = arith.constant 0 : i32
      %dma_start3A_175 = tpu.memref_slice %arg6[%arg0, %mul3A_0, %dma_start3A_174] : memref<2x10112x64xf32, #tpu.memory_space<hbm>> -> memref<1x632x64xf32, #tpu.memory_space<hbm>>
      %dma_start3A_176 = tpu.memref_squeeze %dma_start3A_175 : memref<1x632x64xf32, #tpu.memory_space<hbm>> -> memref<632x64xf32, #tpu.memory_space<hbm>>
      %dma_start3A_177 = arith.constant 0 : i32
      %dma_start3A_178 = tpu.memref_slice %arg7[%mul3A_0, %dma_start3A_177] : memref<10112x64xf32, #tpu.memory_space<vmem_shared>> -> memref<632x64xf32, #tpu.memory_space<vmem_shared>>
      tpu.enqueue_dma source(%dma_start3A_178 : memref<632x64xf32, #tpu.memory_space<vmem_shared>>) target(%dma_start3A_176 : memref<632x64xf32, #tpu.memory_space<hbm>>) target_semaphore(%run_scoped3A : memref<!tpu.dma_semaphore, #tpu.memory_space<semaphore_mem>>)
      %dma_wait3A_179 = arith.constant 0 : i32
      %dma_wait3A_180 = tpu.memref_slice %arg6[%arg0, %mul3A_0, %dma_wait3A_179] : memref<2x10112x64xf32, #tpu.memory_space<hbm>> -> memref<1x632x64xf32, #tpu.memory_space<hbm>>
      %dma_wait3A_181 = tpu.memref_squeeze %dma_wait3A_180 : memref<1x632x64xf32, #tpu.memory_space<hbm>> -> memref<632x64xf32, #tpu.memory_space<hbm>>
      %dma_wait3A_182 = arith.constant 0 : i32
      %dma_wait3A_183 = tpu.memref_slice %arg7[%mul3A_0, %dma_wait3A_182] : memref<10112x64xf32, #tpu.memory_space<vmem_shared>> -> memref<632x64xf32, #tpu.memory_space<vmem_shared>>
      tpu.wait_dma2 semaphore(%run_scoped3A : memref<!tpu.dma_semaphore, #tpu.memory_space<semaphore_mem>>) src(%dma_wait3A_183 : memref<632x64xf32, #tpu.memory_space<vmem_shared>>) dst(%dma_wait3A_181 : memref<632x64xf32, #tpu.memory_space<hbm>>)
      tpu.yield
    }) : () -> ()
    return
  }
}

module attributes {stable_mosaic.version = 14 : i64} {
  func.func @_b1_body(%arg0: i32, %arg1: memref<2000x128xf32, #tpu.memory_space<vmem>>, %arg2: memref<128x128xf32, #tpu.memory_space<vmem>>, %arg3: memref<1x2000x16xf32, #tpu.memory_space<vmem>>, %arg4: memref<1x2000x16xf32, #tpu.memory_space<vmem>>, %arg5: memref<2000x64xf32, #tpu.memory_space<vmem>>, %arg6: memref<2000x64xf32, #tpu.memory_space<vmem>>, %arg7: memref<2000x1xf32, #tpu.memory_space<vmem>>) attributes {dimension_semantics = [#tpu.dimension_semantics<arbitrary>], iteration_bounds = array<i64: 5>, scalar_prefetch = 0 : i64, scratch_operands = 0 : i64, tpu.core_type = #tpu.core_type<tc>, window_params = [{transform_indices = @transform_0, window_bounds = array<i64: 2000, 128>}, {pipeline_mode = #tpu.pipeline_mode<synchronous>, transform_indices = @transform_1, window_bounds = array<i64: 128, 128>}, {transform_indices = @transform_2, window_bounds = array<i64: 1, 2000, 16>}, {transform_indices = @transform_3, window_bounds = array<i64: 1, 2000, 16>}, {transform_indices = @transform_4, window_bounds = array<i64: 2000, 64>}, {transform_indices = @transform_5, window_bounds = array<i64: 2000, 64>}, {transform_indices = @transform_6, window_bounds = array<i64: 2000, 1>}]} {
    %get3A = arith.constant 0 : index
    %get3A_0 = arith.constant 0 : index
    %get3A_1 = arith.constant 0 : index
    %get3A_2 = vector.load %arg3[%get3A, %get3A_0, %get3A_1] : memref<1x2000x16xf32, #tpu.memory_space<vmem>>, vector<1x2000x1xf32>
    %get3A_3 = vector.shape_cast %get3A_2 : vector<1x2000x1xf32> to vector<2000x1xf32>
    %get3A_4 = arith.constant 0 : index
    %get3A_5 = arith.constant 0 : index
    %get3A_6 = arith.constant 0 : index
    %get3A_7 = vector.load %arg4[%get3A_4, %get3A_5, %get3A_6] : memref<1x2000x16xf32, #tpu.memory_space<vmem>>, vector<1x2000x1xf32>
    %get3A_8 = vector.shape_cast %get3A_7 : vector<1x2000x1xf32> to vector<2000x1xf32>
    %add3A = arith.addf %get3A_3, %get3A_8 : vector<2000x1xf32>
    %add3A_9 = arith.constant 1.000000e+00 : f32
    %add3A_10 = vector.broadcast %add3A_9 : f32 to vector<2000x1xf32>
    %add3A_11 = arith.addf %add3A, %add3A_10 : vector<2000x1xf32>
    %rsqrt3A = math.rsqrt %add3A_11 : vector<2000x1xf32>
    %get3A_12 = arith.constant 0 : index
    %get3A_13 = arith.constant 0 : index
    %get3A_14 = vector.load %arg1[%get3A_12, %get3A_13] : memref<2000x128xf32, #tpu.memory_space<vmem>>, vector<2000x128xf32>
    %get3A_15 = arith.constant 0 : index
    %get3A_16 = arith.constant 0 : index
    %get3A_17 = vector.load %arg2[%get3A_15, %get3A_16] : memref<128x128xf32, #tpu.memory_space<vmem>>, vector<128x128xf32>
    %dot_general3A = arith.constant dense<0.000000e+00> : vector<2000x128xf32>
    %dot_general3A_18 = tpu.matmul %get3A_14, %get3A_17, %dot_general3A {dimension_numbers = #tpu.dot_dimension_numbers<[1], [0], [0], [1], [0, 0, 1, 1], [], []>, transpose_lhs_hint = false} : vector<2000x128xf32>, vector<128x128xf32>, vector<2000x128xf32> -> vector<2000x128xf32>
    %mul3A = vector.broadcast %rsqrt3A : vector<2000x1xf32> to vector<2000x128xf32>
    %mul3A_19 = arith.mulf %dot_general3A_18, %mul3A : vector<2000x128xf32>
    %slice3A = vector.extract_strided_slice %mul3A_19 {offsets = [0, 0], sizes = [2000, 64], strides = [1, 1]} : vector<2000x128xf32> to vector<2000x64xf32>
    %swap3A = arith.constant 0 : index
    %swap3A_20 = arith.constant 0 : index
    %swap3A_21 = vector.load %arg5[%swap3A, %swap3A_20] : memref<2000x64xf32, #tpu.memory_space<vmem>>, vector<2000x64xf32>
    tpu.vector_store %arg5[%swap3A, %swap3A_20], %slice3A {strides = array<i32>} : memref<2000x64xf32, #tpu.memory_space<vmem>>, vector<2000x64xf32>,
    %slice3A_22 = vector.extract_strided_slice %mul3A_19 {offsets = [0, 64], sizes = [2000, 64], strides = [1, 1]} : vector<2000x128xf32> to vector<2000x64xf32>
    %swap3A_23 = arith.constant 0 : index
    %swap3A_24 = arith.constant 0 : index
    %swap3A_25 = vector.load %arg6[%swap3A_23, %swap3A_24] : memref<2000x64xf32, #tpu.memory_space<vmem>>, vector<2000x64xf32>
    tpu.vector_store %arg6[%swap3A_23, %swap3A_24], %slice3A_22 {strides = array<i32>} : memref<2000x64xf32, #tpu.memory_space<vmem>>, vector<2000x64xf32>,
    %swap3A_26 = arith.constant 0 : index
    %swap3A_27 = arith.constant 0 : index
    %swap3A_28 = vector.load %arg7[%swap3A_26, %swap3A_27] : memref<2000x1xf32, #tpu.memory_space<vmem>>, vector<2000x1xf32>
    tpu.vector_store %arg7[%swap3A_26, %swap3A_27], %rsqrt3A {strides = array<i32>} : memref<2000x1xf32, #tpu.memory_space<vmem>>, vector<2000x1xf32>,
    return
  }
  func.func @transform_0(%arg0: i32) -> (i32, i32) {
    %c0_i32 = arith.constant 0 : i32
    %c0_i32_0 = arith.constant 0 : i32
    return %arg0, %c0_i32 : i32, i32
  }
  func.func @transform_1(%arg0: i32) -> (i32, i32) {
    %c0_i32 = arith.constant 0 : i32
    %c0_i32_0 = arith.constant 0 : i32
    %c0_i32_1 = arith.constant 0 : i32
    return %c0_i32, %c0_i32_0 : i32, i32
  }
  func.func @transform_2(%arg0: i32) -> (i32, i32, i32) {
    %c0_i32 = arith.constant 0 : i32
    %c0_i32_0 = arith.constant 0 : i32
    %c0_i32_1 = arith.constant 0 : i32
    return %c0_i32, %arg0, %c0_i32_0 : i32, i32, i32
  }
  func.func @transform_3(%arg0: i32) -> (i32, i32, i32) {
    %c1_i32 = arith.constant 1 : i32
    %c0_i32 = arith.constant 0 : i32
    %c0_i32_0 = arith.constant 0 : i32
    return %c1_i32, %arg0, %c0_i32 : i32, i32, i32
  }
  func.func @transform_4(%arg0: i32) -> (i32, i32) {
    %c0_i32 = arith.constant 0 : i32
    %c0_i32_0 = arith.constant 0 : i32
    return %arg0, %c0_i32 : i32, i32
  }
  func.func @transform_5(%arg0: i32) -> (i32, i32) {
    %c0_i32 = arith.constant 0 : i32
    %c0_i32_0 = arith.constant 0 : i32
    return %arg0, %c0_i32 : i32, i32
  }
  func.func @transform_6(%arg0: i32) -> (i32, i32) {
    %c0_i32 = arith.constant 0 : i32
    %c0_i32_0 = arith.constant 0 : i32
    return %arg0, %c0_i32 : i32, i32
  }
}

module attributes {stable_mosaic.version = 14 : i64} {
  func.func @_b2_body(%arg0: i32, %arg1: memref<1x2000x64xf32, #tpu.memory_space<vmem>>, %arg2: memref<1x2000x64xf32, #tpu.memory_space<vmem>>, %arg3: memref<1x2000x64xf32, #tpu.memory_space<vmem>>, %arg4: memref<1x2000x64xf32, #tpu.memory_space<vmem>>, %arg5: memref<2000x64xf32, #tpu.memory_space<vmem>>, %arg6: memref<2000x64xf32, #tpu.memory_space<vmem>>, %arg7: memref<2000x1xf32, #tpu.memory_space<vmem>>, %arg8: memref<1x64xf32, #tpu.memory_space<vmem>>, %arg9: memref<1x64xf32, #tpu.memory_space<vmem>>, %arg10: memref<64x64xf32, #tpu.memory_space<vmem>>, %arg11: memref<64x64xf32, #tpu.memory_space<vmem>>, %arg12: memref<2000x64xf32, #tpu.memory_space<vmem>>) attributes {dimension_semantics = [#tpu.dimension_semantics<arbitrary>], iteration_bounds = array<i64: 5>, scalar_prefetch = 0 : i64, scratch_operands = 0 : i64, tpu.core_type = #tpu.core_type<tc>, window_params = [{transform_indices = @transform_0, window_bounds = array<i64: 1, 2000, 64>}, {transform_indices = @transform_1, window_bounds = array<i64: 1, 2000, 64>}, {transform_indices = @transform_2, window_bounds = array<i64: 1, 2000, 64>}, {transform_indices = @transform_3, window_bounds = array<i64: 1, 2000, 64>}, {transform_indices = @transform_4, window_bounds = array<i64: 2000, 64>}, {transform_indices = @transform_5, window_bounds = array<i64: 2000, 64>}, {transform_indices = @transform_6, window_bounds = array<i64: 2000, 1>}, {pipeline_mode = #tpu.pipeline_mode<synchronous>, transform_indices = @transform_7, window_bounds = array<i64: 1, 64>}, {pipeline_mode = #tpu.pipeline_mode<synchronous>, transform_indices = @transform_8, window_bounds = array<i64: 1, 64>}, {pipeline_mode = #tpu.pipeline_mode<synchronous>, transform_indices = @transform_9, window_bounds = array<i64: 64, 64>}, {pipeline_mode = #tpu.pipeline_mode<synchronous>, transform_indices = @transform_10, window_bounds = array<i64: 64, 64>}, {transform_indices = @transform_11, window_bounds = array<i64: 2000, 64>}]} {
    %get3A = arith.constant 0 : index
    %get3A_0 = arith.constant 0 : index
    %get3A_1 = vector.load %arg7[%get3A, %get3A_0] : memref<2000x1xf32, #tpu.memory_space<vmem>>, vector<2000x1xf32>
    %get3A_2 = arith.constant 0 : index
    %get3A_3 = arith.constant 0 : index
    %get3A_4 = arith.constant 0 : index
    %get3A_5 = vector.load %arg1[%get3A_2, %get3A_3, %get3A_4] : memref<1x2000x64xf32, #tpu.memory_space<vmem>>, vector<1x2000x64xf32>
    %get3A_6 = vector.shape_cast %get3A_5 : vector<1x2000x64xf32> to vector<2000x64xf32>
    %get3A_7 = arith.constant 0 : index
    %get3A_8 = arith.constant 0 : index
    %get3A_9 = arith.constant 0 : index
    %get3A_10 = vector.load %arg2[%get3A_7, %get3A_8, %get3A_9] : memref<1x2000x64xf32, #tpu.memory_space<vmem>>, vector<1x2000x64xf32>
    %get3A_11 = vector.shape_cast %get3A_10 : vector<1x2000x64xf32> to vector<2000x64xf32>
    %add3A = arith.addf %get3A_6, %get3A_11 : vector<2000x64xf32>
    %get3A_12 = arith.constant 0 : index
    %get3A_13 = arith.constant 0 : index
    %get3A_14 = vector.load %arg5[%get3A_12, %get3A_13] : memref<2000x64xf32, #tpu.memory_space<vmem>>, vector<2000x64xf32>
    %add3A_15 = arith.addf %add3A, %get3A_14 : vector<2000x64xf32>
    %mul3A = vector.broadcast %get3A_1 : vector<2000x1xf32> to vector<2000x64xf32>
    %mul3A_16 = arith.mulf %add3A_15, %mul3A : vector<2000x64xf32>
    %get3A_17 = arith.constant 0 : index
    %get3A_18 = arith.constant 0 : index
    %get3A_19 = vector.load %arg8[%get3A_17, %get3A_18] : memref<1x64xf32, #tpu.memory_space<vmem>>, vector<1x64xf32>
    %add3A_20 = vector.broadcast %get3A_19 : vector<1x64xf32> to vector<2000x64xf32>
    %add3A_21 = arith.addf %mul3A_16, %add3A_20 : vector<2000x64xf32>
    %max3A = arith.constant 0.000000e+00 : f32
    %max3A_22 = vector.broadcast %max3A : f32 to vector<2000x64xf32>
    %max3A_23 = arith.maximumf %add3A_21, %max3A_22 : vector<2000x64xf32>
    %get3A_24 = arith.constant 0 : index
    %get3A_25 = arith.constant 0 : index
    %get3A_26 = arith.constant 0 : index
    %get3A_27 = vector.load %arg3[%get3A_24, %get3A_25, %get3A_26] : memref<1x2000x64xf32, #tpu.memory_space<vmem>>, vector<1x2000x64xf32>
    %get3A_28 = vector.shape_cast %get3A_27 : vector<1x2000x64xf32> to vector<2000x64xf32>
    %get3A_29 = arith.constant 0 : index
    %get3A_30 = arith.constant 0 : index
    %get3A_31 = arith.constant 0 : index
    %get3A_32 = vector.load %arg4[%get3A_29, %get3A_30, %get3A_31] : memref<1x2000x64xf32, #tpu.memory_space<vmem>>, vector<1x2000x64xf32>
    %get3A_33 = vector.shape_cast %get3A_32 : vector<1x2000x64xf32> to vector<2000x64xf32>
    %add3A_34 = arith.addf %get3A_28, %get3A_33 : vector<2000x64xf32>
    %get3A_35 = arith.constant 0 : index
    %get3A_36 = arith.constant 0 : index
    %get3A_37 = vector.load %arg6[%get3A_35, %get3A_36] : memref<2000x64xf32, #tpu.memory_space<vmem>>, vector<2000x64xf32>
    %add3A_38 = arith.addf %add3A_34, %get3A_37 : vector<2000x64xf32>
    %mul3A_39 = vector.broadcast %get3A_1 : vector<2000x1xf32> to vector<2000x64xf32>
    %mul3A_40 = arith.mulf %add3A_38, %mul3A_39 : vector<2000x64xf32>
    %get3A_41 = arith.constant 0 : index
    %get3A_42 = arith.constant 0 : index
    %get3A_43 = vector.load %arg9[%get3A_41, %get3A_42] : memref<1x64xf32, #tpu.memory_space<vmem>>, vector<1x64xf32>
    %add3A_44 = vector.broadcast %get3A_43 : vector<1x64xf32> to vector<2000x64xf32>
    %add3A_45 = arith.addf %mul3A_40, %add3A_44 : vector<2000x64xf32>
    %max3A_46 = arith.constant 0.000000e+00 : f32
    %max3A_47 = vector.broadcast %max3A_46 : f32 to vector<2000x64xf32>
    %max3A_48 = arith.maximumf %add3A_45, %max3A_47 : vector<2000x64xf32>
    %get3A_49 = arith.constant 0 : index
    %get3A_50 = arith.constant 0 : index
    %get3A_51 = vector.load %arg10[%get3A_49, %get3A_50] : memref<64x64xf32, #tpu.memory_space<vmem>>, vector<64x64xf32>
    %dot_general3A = arith.constant dense<0.000000e+00> : vector<2000x64xf32>
    %dot_general3A_52 = tpu.matmul %max3A_23, %get3A_51, %dot_general3A {dimension_numbers = #tpu.dot_dimension_numbers<[1], [0], [0], [1], [0, 0, 1, 1], [], []>, transpose_lhs_hint = false} : vector<2000x64xf32>, vector<64x64xf32>, vector<2000x64xf32> -> vector<2000x64xf32>
    %get3A_53 = arith.constant 0 : index
    %get3A_54 = arith.constant 0 : index
    %get3A_55 = vector.load %arg11[%get3A_53, %get3A_54] : memref<64x64xf32, #tpu.memory_space<vmem>>, vector<64x64xf32>
    %dot_general3A_56 = arith.constant dense<0.000000e+00> : vector<2000x64xf32>
    %dot_general3A_57 = tpu.matmul %max3A_48, %get3A_55, %dot_general3A_56 {dimension_numbers = #tpu.dot_dimension_numbers<[1], [0], [0], [1], [0, 0, 1, 1], [], []>, transpose_lhs_hint = false} : vector<2000x64xf32>, vector<64x64xf32>, vector<2000x64xf32> -> vector<2000x64xf32>
    %add3A_58 = arith.addf %dot_general3A_52, %dot_general3A_57 : vector<2000x64xf32>
    %mul3A_59 = vector.broadcast %get3A_1 : vector<2000x1xf32> to vector<2000x64xf32>
    %mul3A_60 = arith.mulf %add3A_58, %mul3A_59 : vector<2000x64xf32>
    %swap3A = arith.constant 0 : index
    %swap3A_61 = arith.constant 0 : index
    %swap3A_62 = vector.load %arg12[%swap3A, %swap3A_61] : memref<2000x64xf32, #tpu.memory_space<vmem>>, vector<2000x64xf32>
    tpu.vector_store %arg12[%swap3A, %swap3A_61], %mul3A_60 {strides = array<i32>} : memref<2000x64xf32, #tpu.memory_space<vmem>>, vector<2000x64xf32>,
    return
  }
  func.func @transform_0(%arg0: i32) -> (i32, i32, i32) {
    %c0_i32 = arith.constant 0 : i32
    %c0_i32_0 = arith.constant 0 : i32
    %c0_i32_1 = arith.constant 0 : i32
    return %c0_i32, %arg0, %c0_i32_0 : i32, i32, i32
  }
  func.func @transform_1(%arg0: i32) -> (i32, i32, i32) {
    %c1_i32 = arith.constant 1 : i32
    %c0_i32 = arith.constant 0 : i32
    %c0_i32_0 = arith.constant 0 : i32
    return %c1_i32, %arg0, %c0_i32 : i32, i32, i32
  }
  func.func @transform_2(%arg0: i32) -> (i32, i32, i32) {
    %c0_i32 = arith.constant 0 : i32
    %c0_i32_0 = arith.constant 0 : i32
    %c0_i32_1 = arith.constant 0 : i32
    return %c0_i32, %arg0, %c0_i32_0 : i32, i32, i32
  }
  func.func @transform_3(%arg0: i32) -> (i32, i32, i32) {
    %c1_i32 = arith.constant 1 : i32
    %c0_i32 = arith.constant 0 : i32
    %c0_i32_0 = arith.constant 0 : i32
    return %c1_i32, %arg0, %c0_i32 : i32, i32, i32
  }
  func.func @transform_4(%arg0: i32) -> (i32, i32) {
    %c0_i32 = arith.constant 0 : i32
    %c0_i32_0 = arith.constant 0 : i32
    return %arg0, %c0_i32 : i32, i32
  }
  func.func @transform_5(%arg0: i32) -> (i32, i32) {
    %c0_i32 = arith.constant 0 : i32
    %c0_i32_0 = arith.constant 0 : i32
    return %arg0, %c0_i32 : i32, i32
  }
  func.func @transform_6(%arg0: i32) -> (i32, i32) {
    %c0_i32 = arith.constant 0 : i32
    %c0_i32_0 = arith.constant 0 : i32
    return %arg0, %c0_i32 : i32, i32
  }
  func.func @transform_7(%arg0: i32) -> (i32, i32) {
    %c0_i32 = arith.constant 0 : i32
    %c0_i32_0 = arith.constant 0 : i32
    %c0_i32_1 = arith.constant 0 : i32
    return %c0_i32, %c0_i32_0 : i32, i32
  }
  func.func @transform_8(%arg0: i32) -> (i32, i32) {
    %c0_i32 = arith.constant 0 : i32
    %c0_i32_0 = arith.constant 0 : i32
    %c0_i32_1 = arith.constant 0 : i32
    return %c0_i32, %c0_i32_0 : i32, i32
  }
  func.func @transform_9(%arg0: i32) -> (i32, i32) {
    %c0_i32 = arith.constant 0 : i32
    %c0_i32_0 = arith.constant 0 : i32
    %c0_i32_1 = arith.constant 0 : i32
    return %c0_i32, %c0_i32_0 : i32, i32
  }
  func.func @transform_10(%arg0: i32) -> (i32, i32) {
    %c0_i32 = arith.constant 0 : i32
    %c0_i32_0 = arith.constant 0 : i32
    %c0_i32_1 = arith.constant 0 : i32
    return %c0_i32, %c0_i32_0 : i32, i32
  }
  func.func @transform_11(%arg0: i32) -> (i32, i32) {
    %c0_i32 = arith.constant 0 : i32
    %c0_i32_0 = arith.constant 0 : i32
    return %arg0, %c0_i32 : i32, i32
  }
}

module attributes {stable_mosaic.version = 14 : i64} {
  func.func @_b3_body(%arg0: i32, %arg1: memref<1x2000x64xf32, #tpu.memory_space<vmem>>, %arg2: memref<1x2000x64xf32, #tpu.memory_space<vmem>>, %arg3: memref<2000x64xf32, #tpu.memory_space<vmem>>, %arg4: memref<2000x1xf32, #tpu.memory_space<vmem>>, %arg5: memref<1x64xf32, #tpu.memory_space<vmem>>, %arg6: memref<64x64xf32, #tpu.memory_space<vmem>>, %arg7: memref<2000x64xf32, #tpu.memory_space<vmem>>) attributes {dimension_semantics = [#tpu.dimension_semantics<arbitrary>], iteration_bounds = array<i64: 5>, scalar_prefetch = 0 : i64, scratch_operands = 0 : i64, tpu.core_type = #tpu.core_type<tc>, window_params = [{transform_indices = @transform_0, window_bounds = array<i64: 1, 2000, 64>}, {transform_indices = @transform_1, window_bounds = array<i64: 1, 2000, 64>}, {transform_indices = @transform_2, window_bounds = array<i64: 2000, 64>}, {transform_indices = @transform_3, window_bounds = array<i64: 2000, 1>}, {pipeline_mode = #tpu.pipeline_mode<synchronous>, transform_indices = @transform_4, window_bounds = array<i64: 1, 64>}, {pipeline_mode = #tpu.pipeline_mode<synchronous>, transform_indices = @transform_5, window_bounds = array<i64: 64, 64>}, {transform_indices = @transform_6, window_bounds = array<i64: 2000, 64>}]} {
    %get3A = arith.constant 0 : index
    %get3A_0 = arith.constant 0 : index
    %get3A_1 = arith.constant 0 : index
    %get3A_2 = vector.load %arg1[%get3A, %get3A_0, %get3A_1] : memref<1x2000x64xf32, #tpu.memory_space<vmem>>, vector<1x2000x64xf32>
    %get3A_3 = vector.shape_cast %get3A_2 : vector<1x2000x64xf32> to vector<2000x64xf32>
    %get3A_4 = arith.constant 0 : index
    %get3A_5 = arith.constant 0 : index
    %get3A_6 = arith.constant 0 : index
    %get3A_7 = vector.load %arg2[%get3A_4, %get3A_5, %get3A_6] : memref<1x2000x64xf32, #tpu.memory_space<vmem>>, vector<1x2000x64xf32>
    %get3A_8 = vector.shape_cast %get3A_7 : vector<1x2000x64xf32> to vector<2000x64xf32>
    %add3A = arith.addf %get3A_3, %get3A_8 : vector<2000x64xf32>
    %get3A_9 = arith.constant 0 : index
    %get3A_10 = arith.constant 0 : index
    %get3A_11 = vector.load %arg3[%get3A_9, %get3A_10] : memref<2000x64xf32, #tpu.memory_space<vmem>>, vector<2000x64xf32>
    %add3A_12 = arith.addf %add3A, %get3A_11 : vector<2000x64xf32>
    %get3A_13 = arith.constant 0 : index
    %get3A_14 = arith.constant 0 : index
    %get3A_15 = vector.load %arg4[%get3A_13, %get3A_14] : memref<2000x1xf32, #tpu.memory_space<vmem>>, vector<2000x1xf32>
    %mul3A = vector.broadcast %get3A_15 : vector<2000x1xf32> to vector<2000x64xf32>
    %mul3A_16 = arith.mulf %add3A_12, %mul3A : vector<2000x64xf32>
    %get3A_17 = arith.constant 0 : index
    %get3A_18 = arith.constant 0 : index
    %get3A_19 = vector.load %arg5[%get3A_17, %get3A_18] : memref<1x64xf32, #tpu.memory_space<vmem>>, vector<1x64xf32>
    %add3A_20 = vector.broadcast %get3A_19 : vector<1x64xf32> to vector<2000x64xf32>
    %add3A_21 = arith.addf %mul3A_16, %add3A_20 : vector<2000x64xf32>
    %max3A = arith.constant 0.000000e+00 : f32
    %max3A_22 = vector.broadcast %max3A : f32 to vector<2000x64xf32>
    %max3A_23 = arith.maximumf %add3A_21, %max3A_22 : vector<2000x64xf32>
    %get3A_24 = arith.constant 0 : index
    %get3A_25 = arith.constant 0 : index
    %get3A_26 = vector.load %arg6[%get3A_24, %get3A_25] : memref<64x64xf32, #tpu.memory_space<vmem>>, vector<64x64xf32>
    %dot_general3A = arith.constant dense<0.000000e+00> : vector<2000x64xf32>
    %dot_general3A_27 = tpu.matmul %max3A_23, %get3A_26, %dot_general3A {dimension_numbers = #tpu.dot_dimension_numbers<[1], [0], [0], [1], [0, 0, 1, 1], [], []>, transpose_lhs_hint = false} : vector<2000x64xf32>, vector<64x64xf32>, vector<2000x64xf32> -> vector<2000x64xf32>
    %get3A_28 = arith.constant 0 : index
    %get3A_29 = arith.constant 0 : index
    %get3A_30 = vector.load %arg4[%get3A_28, %get3A_29] : memref<2000x1xf32, #tpu.memory_space<vmem>>, vector<2000x1xf32>
    %mul3A_31 = vector.broadcast %get3A_30 : vector<2000x1xf32> to vector<2000x64xf32>
    %mul3A_32 = arith.mulf %dot_general3A_27, %mul3A_31 : vector<2000x64xf32>
    %swap3A = arith.constant 0 : index
    %swap3A_33 = arith.constant 0 : index
    %swap3A_34 = vector.load %arg7[%swap3A, %swap3A_33] : memref<2000x64xf32, #tpu.memory_space<vmem>>, vector<2000x64xf32>
    tpu.vector_store %arg7[%swap3A, %swap3A_33], %mul3A_32 {strides = array<i32>} : memref<2000x64xf32, #tpu.memory_space<vmem>>, vector<2000x64xf32>,
    return
  }
  func.func @transform_0(%arg0: i32) -> (i32, i32, i32) {
    %c0_i32 = arith.constant 0 : i32
    %c0_i32_0 = arith.constant 0 : i32
    %c0_i32_1 = arith.constant 0 : i32
    return %c0_i32, %arg0, %c0_i32_0 : i32, i32, i32
  }
  func.func @transform_1(%arg0: i32) -> (i32, i32, i32) {
    %c1_i32 = arith.constant 1 : i32
    %c0_i32 = arith.constant 0 : i32
    %c0_i32_0 = arith.constant 0 : i32
    return %c1_i32, %arg0, %c0_i32 : i32, i32, i32
  }
  func.func @transform_2(%arg0: i32) -> (i32, i32) {
    %c0_i32 = arith.constant 0 : i32
    %c0_i32_0 = arith.constant 0 : i32
    return %arg0, %c0_i32 : i32, i32
  }
  func.func @transform_3(%arg0: i32) -> (i32, i32) {
    %c0_i32 = arith.constant 0 : i32
    %c0_i32_0 = arith.constant 0 : i32
    return %arg0, %c0_i32 : i32, i32
  }
  func.func @transform_4(%arg0: i32) -> (i32, i32) {
    %c0_i32 = arith.constant 0 : i32
    %c0_i32_0 = arith.constant 0 : i32
    %c0_i32_1 = arith.constant 0 : i32
    return %c0_i32, %c0_i32_0 : i32, i32
  }
  func.func @transform_5(%arg0: i32) -> (i32, i32) {
    %c0_i32 = arith.constant 0 : i32
    %c0_i32_0 = arith.constant 0 : i32
    %c0_i32_1 = arith.constant 0 : i32
    return %c0_i32, %c0_i32_0 : i32, i32
  }
  func.func @transform_6(%arg0: i32) -> (i32, i32) {
    %c0_i32 = arith.constant 0 : i32
    %c0_i32_0 = arith.constant 0 : i32
    return %arg0, %c0_i32 : i32, i32
  }
}

module attributes {stable_mosaic.version = 14 : i64} {
  func.func @_pool_body(%arg0: i32, %arg1: memref<1x1000x64xf32, #tpu.memory_space<vmem>>, %arg2: memref<1x1000x64xf32, #tpu.memory_space<vmem>>, %arg3: memref<1000x64xf32, #tpu.memory_space<vmem>>, %arg4: memref<1000x1xf32, #tpu.memory_space<vmem>>, %arg5: memref<1x64xf32, #tpu.memory_space<vmem>>, %arg6: memref<1000x1xi32, #tpu.memory_space<vmem>>, %arg7: memref<64x1xf32, #tpu.memory_space<vmem>>, %arg8: memref<1x1xf32, #tpu.memory_space<vmem>>, %arg9: memref<64x1xf32, #tpu.memory_space<vmem>>, %arg10: memref<64x64xf32, #tpu.memory_space<vmem>>, %arg11: memref<64x1xf32, #tpu.memory_space<vmem>>) attributes {dimension_semantics = [#tpu.dimension_semantics<arbitrary>], iteration_bounds = array<i64: 10>, scalar_prefetch = 0 : i64, scratch_operands = 2 : i64, tpu.core_type = #tpu.core_type<tc>, window_params = [{transform_indices = @transform_0, window_bounds = array<i64: 1, 1000, 64>}, {transform_indices = @transform_1, window_bounds = array<i64: 1, 1000, 64>}, {transform_indices = @transform_2, window_bounds = array<i64: 1000, 64>}, {transform_indices = @transform_3, window_bounds = array<i64: 1000, 1>}, {pipeline_mode = #tpu.pipeline_mode<synchronous>, transform_indices = @transform_4, window_bounds = array<i64: 1, 64>}, {transform_indices = @transform_5, window_bounds = array<i64: 1000, 1>}, {pipeline_mode = #tpu.pipeline_mode<synchronous>, transform_indices = @transform_6, window_bounds = array<i64: 64, 1>}, {pipeline_mode = #tpu.pipeline_mode<synchronous>, transform_indices = @transform_7, window_bounds = array<i64: 1, 1>}, {pipeline_mode = #tpu.pipeline_mode<synchronous>, transform_indices = @transform_8, window_bounds = array<i64: 64, 1>}]} {
    %get3A = arith.constant 0 : index
    %get3A_0 = arith.constant 0 : index
    %get3A_1 = arith.constant 0 : index
    %get3A_2 = vector.load %arg1[%get3A, %get3A_0, %get3A_1] : memref<1x1000x64xf32, #tpu.memory_space<vmem>>, vector<1x1000x64xf32>
    %get3A_3 = vector.shape_cast %get3A_2 : vector<1x1000x64xf32> to vector<1000x64xf32>
    %get3A_4 = arith.constant 0 : index
    %get3A_5 = arith.constant 0 : index
    %get3A_6 = arith.constant 0 : index
    %get3A_7 = vector.load %arg2[%get3A_4, %get3A_5, %get3A_6] : memref<1x1000x64xf32, #tpu.memory_space<vmem>>, vector<1x1000x64xf32>
    %get3A_8 = vector.shape_cast %get3A_7 : vector<1x1000x64xf32> to vector<1000x64xf32>
    %add3A = arith.addf %get3A_3, %get3A_8 : vector<1000x64xf32>
    %get3A_9 = arith.constant 0 : index
    %get3A_10 = arith.constant 0 : index
    %get3A_11 = vector.load %arg3[%get3A_9, %get3A_10] : memref<1000x64xf32, #tpu.memory_space<vmem>>, vector<1000x64xf32>
    %add3A_12 = arith.addf %add3A, %get3A_11 : vector<1000x64xf32>
    %get3A_13 = arith.constant 0 : index
    %get3A_14 = arith.constant 0 : index
    %get3A_15 = vector.load %arg4[%get3A_13, %get3A_14] : memref<1000x1xf32, #tpu.memory_space<vmem>>, vector<1000x1xf32>
    %mul3A = vector.broadcast %get3A_15 : vector<1000x1xf32> to vector<1000x64xf32>
    %mul3A_16 = arith.mulf %add3A_12, %mul3A : vector<1000x64xf32>
    %get3A_17 = arith.constant 0 : index
    %get3A_18 = arith.constant 0 : index
    %get3A_19 = vector.load %arg5[%get3A_17, %get3A_18] : memref<1x64xf32, #tpu.memory_space<vmem>>, vector<1x64xf32>
    %add3A_20 = vector.broadcast %get3A_19 : vector<1x64xf32> to vector<1000x64xf32>
    %add3A_21 = arith.addf %mul3A_16, %add3A_20 : vector<1000x64xf32>
    %get3A_22 = arith.constant 0 : index
    %get3A_23 = arith.constant 0 : index
    %get3A_24 = vector.load %arg6[%get3A_22, %get3A_23] : memref<1000x1xi32, #tpu.memory_space<vmem>>, vector<1000x1xi32>
    %iota3A = tpu.iota {dimensions = array<i32: 1>} : vector<1000x64xi32>
    %eq3A = vector.broadcast %get3A_24 : vector<1000x1xi32> to vector<1000x64xi32>
    %eq3A_25 = arith.cmpi eq, %eq3A, %iota3A : vector<1000x64xi32>
    %convert_element_type3A = arith.extui %eq3A_25 : vector<1000x64xi1> to vector<1000x64xi32>
    %convert_element_type3A_26 = arith.sitofp %convert_element_type3A : vector<1000x64xi32> to vector<1000x64xf32>
    %dot_general3A = arith.constant dense<0.000000e+00> : vector<64x64xf32>
    %dot_general3A_27 = tpu.matmul %convert_element_type3A_26, %add3A_21, %dot_general3A {dimension_numbers = #tpu.dot_dimension_numbers<[0], [0], [1], [1], [0, 1, 1, 1], [], []>, transpose_lhs_hint = false} : vector<1000x64xf32>, vector<1000x64xf32>, vector<64x64xf32> -> vector<64x64xf32>
    %broadcast_in_dim3A = arith.constant 1.000000e+00 : f32
    %broadcast_in_dim3A_28 = vector.broadcast %broadcast_in_dim3A : f32 to vector<1000x1xf32>
    %dot_general3A_29 = arith.constant dense<0.000000e+00> : vector<64x1xf32>
    %dot_general3A_30 = tpu.matmul %convert_element_type3A_26, %broadcast_in_dim3A_28, %dot_general3A_29 {dimension_numbers = #tpu.dot_dimension_numbers<[0], [0], [1], [1], [0, 1, 1, 1], [], []>, transpose_lhs_hint = false} : vector<1000x64xf32>, vector<1000x1xf32>, vector<64x1xf32> -> vector<64x1xf32>
    %eq3A_31 = arith.constant 0 : i32
    %eq3A_32 = arith.cmpi eq, %arg0, %eq3A_31 : i32
    %convert_element_type3A_33 = arith.extui %eq3A_32 : i1 to i32
    %cond3A = arith.constant 0 : i32
    %cond3A_34 = arith.cmpi ne, %convert_element_type3A_33, %cond3A : i32
    scf.if %cond3A_34 {
      %broadcast_in_dim3A_53 = arith.constant 0.000000e+00 : f32
      %broadcast_in_dim3A_54 = vector.broadcast %broadcast_in_dim3A_53 : f32 to vector<64x64xf32>
      %swap3A_55 = arith.constant 0 : index
      %swap3A_56 = arith.constant 0 : index
      %swap3A_57 = vector.load %arg10[%swap3A_55, %swap3A_56] : memref<64x64xf32, #tpu.memory_space<vmem>>, vector<64x64xf32>
      tpu.vector_store %arg10[%swap3A_55, %swap3A_56], %broadcast_in_dim3A_54 {strides = array<i32>} : memref<64x64xf32, #tpu.memory_space<vmem>>, vector<64x64xf32>,
      %broadcast_in_dim3A_58 = arith.constant 0.000000e+00 : f32
      %broadcast_in_dim3A_59 = vector.broadcast %broadcast_in_dim3A_58 : f32 to vector<64x1xf32>
      %swap3A_60 = arith.constant 0 : index
      %swap3A_61 = arith.constant 0 : index
      %swap3A_62 = vector.load %arg11[%swap3A_60, %swap3A_61] : memref<64x1xf32, #tpu.memory_space<vmem>>, vector<64x1xf32>
      tpu.vector_store %arg11[%swap3A_60, %swap3A_61], %broadcast_in_dim3A_59 {strides = array<i32>} : memref<64x1xf32, #tpu.memory_space<vmem>>, vector<64x1xf32>,
    } else {
    }
    %get3A_35 = arith.constant 0 : index
    %get3A_36 = arith.constant 0 : index
    %get3A_37 = vector.load %arg10[%get3A_35, %get3A_36] : memref<64x64xf32, #tpu.memory_space<vmem>>, vector<64x64xf32>
    %add3A_38 = arith.addf %get3A_37, %dot_general3A_27 : vector<64x64xf32>
    %swap3A = arith.constant 0 : index
    %swap3A_39 = arith.constant 0 : index
    %swap3A_40 = vector.load %arg10[%swap3A, %swap3A_39] : memref<64x64xf32, #tpu.memory_space<vmem>>, vector<64x64xf32>
    tpu.vector_store %arg10[%swap3A, %swap3A_39], %add3A_38 {strides = array<i32>} : memref<64x64xf32, #tpu.memory_space<vmem>>, vector<64x64xf32>,
    %get3A_41 = arith.constant 0 : index
    %get3A_42 = arith.constant 0 : index
    %get3A_43 = vector.load %arg11[%get3A_41, %get3A_42] : memref<64x1xf32, #tpu.memory_space<vmem>>, vector<64x1xf32>
    %add3A_44 = arith.addf %get3A_43, %dot_general3A_30 : vector<64x1xf32>
    %swap3A_45 = arith.constant 0 : index
    %swap3A_46 = arith.constant 0 : index
    %swap3A_47 = vector.load %arg11[%swap3A_45, %swap3A_46] : memref<64x1xf32, #tpu.memory_space<vmem>>, vector<64x1xf32>
    tpu.vector_store %arg11[%swap3A_45, %swap3A_46], %add3A_44 {strides = array<i32>} : memref<64x1xf32, #tpu.memory_space<vmem>>, vector<64x1xf32>,
    %eq3A_48 = arith.constant 9 : i32
    %eq3A_49 = arith.cmpi eq, %arg0, %eq3A_48 : i32
    %convert_element_type3A_50 = arith.extui %eq3A_49 : i1 to i32
    %cond3A_51 = arith.constant 0 : i32
    %cond3A_52 = arith.cmpi ne, %convert_element_type3A_50, %cond3A_51 : i32
    scf.if %cond3A_52 {
      %get3A_53 = arith.constant 0 : index
      %get3A_54 = arith.constant 0 : index
      %get3A_55 = vector.load %arg10[%get3A_53, %get3A_54] : memref<64x64xf32, #tpu.memory_space<vmem>>, vector<64x64xf32>
      %get3A_56 = arith.constant 0 : index
      %get3A_57 = arith.constant 0 : index
      %get3A_58 = vector.load %arg11[%get3A_56, %get3A_57] : memref<64x1xf32, #tpu.memory_space<vmem>>, vector<64x1xf32>
      %max3A = arith.constant 1.000000e+00 : f32
      %max3A_59 = vector.broadcast %max3A : f32 to vector<64x1xf32>
      %max3A_60 = arith.maximumf %get3A_58, %max3A_59 : vector<64x1xf32>
      %div3A = vector.broadcast %max3A_60 : vector<64x1xf32> to vector<64x64xf32>
      %div3A_61 = arith.divf %get3A_55, %div3A : vector<64x64xf32>
      %logistic3A = arith.negf %div3A_61 : vector<64x64xf32>
      %logistic3A_62 = math.exp %logistic3A : vector<64x64xf32>
      %logistic3A_63 = arith.constant 1.000000e+00 : f32
      %logistic3A_64 = vector.broadcast %logistic3A_63 : f32 to vector<64x64xf32>
      %logistic3A_65 = arith.addf %logistic3A_64, %logistic3A_62 : vector<64x64xf32>
      %logistic3A_66 = arith.divf %logistic3A_64, %logistic3A_65 : vector<64x64xf32>
      %get3A_67 = arith.constant 0 : index
      %get3A_68 = arith.constant 0 : index
      %get3A_69 = vector.load %arg7[%get3A_67, %get3A_68] : memref<64x1xf32, #tpu.memory_space<vmem>>, vector<64x1xf32>
      %dot_general3A_70 = arith.constant dense<0.000000e+00> : vector<64x1xf32>
      %dot_general3A_71 = tpu.matmul %logistic3A_66, %get3A_69, %dot_general3A_70 {dimension_numbers = #tpu.dot_dimension_numbers<[1], [0], [0], [1], [0, 0, 1, 1], [], []>, transpose_lhs_hint = false} : vector<64x64xf32>, vector<64x1xf32>, vector<64x1xf32> -> vector<64x1xf32>
      %get3A_72 = arith.constant 0 : index
      %get3A_73 = arith.constant 0 : index
      %get3A_74 = vector.load %arg8[%get3A_72, %get3A_73] : memref<1x1xf32, #tpu.memory_space<vmem>>, vector<1x1xf32>
      %add3A_75 = vector.broadcast %get3A_74 : vector<1x1xf32> to vector<64x1xf32>
      %add3A_76 = arith.addf %dot_general3A_71, %add3A_75 : vector<64x1xf32>
      %swap3A_77 = arith.constant 0 : index
      %swap3A_78 = arith.constant 0 : index
      %swap3A_79 = vector.load %arg9[%swap3A_77, %swap3A_78] : memref<64x1xf32, #tpu.memory_space<vmem>>, vector<64x1xf32>
      tpu.vector_store %arg9[%swap3A_77, %swap3A_78], %add3A_76 {strides = array<i32>} : memref<64x1xf32, #tpu.memory_space<vmem>>, vector<64x1xf32>,
    } else {
    }
    return
  }
  func.func @transform_0(%arg0: i32) -> (i32, i32, i32) {
    %c0_i32 = arith.constant 0 : i32
    %c0_i32_0 = arith.constant 0 : i32
    %c0_i32_1 = arith.constant 0 : i32
    return %c0_i32, %arg0, %c0_i32_0 : i32, i32, i32
  }
  func.func @transform_1(%arg0: i32) -> (i32, i32, i32) {
    %c1_i32 = arith.constant 1 : i32
    %c0_i32 = arith.constant 0 : i32
    %c0_i32_0 = arith.constant 0 : i32
    return %c1_i32, %arg0, %c0_i32 : i32, i32, i32
  }
  func.func @transform_2(%arg0: i32) -> (i32, i32) {
    %c0_i32 = arith.constant 0 : i32
    %c0_i32_0 = arith.constant 0 : i32
    return %arg0, %c0_i32 : i32, i32
  }
  func.func @transform_3(%arg0: i32) -> (i32, i32) {
    %c0_i32 = arith.constant 0 : i32
    %c0_i32_0 = arith.constant 0 : i32
    return %arg0, %c0_i32 : i32, i32
  }
  func.func @transform_4(%arg0: i32) -> (i32, i32) {
    %c0_i32 = arith.constant 0 : i32
    %c0_i32_0 = arith.constant 0 : i32
    %c0_i32_1 = arith.constant 0 : i32
    return %c0_i32, %c0_i32_0 : i32, i32
  }
  func.func @transform_5(%arg0: i32) -> (i32, i32) {
    %c0_i32 = arith.constant 0 : i32
    %c0_i32_0 = arith.constant 0 : i32
    return %arg0, %c0_i32 : i32, i32
  }
  func.func @transform_6(%arg0: i32) -> (i32, i32) {
    %c0_i32 = arith.constant 0 : i32
    %c0_i32_0 = arith.constant 0 : i32
    %c0_i32_1 = arith.constant 0 : i32
    return %c0_i32, %c0_i32_0 : i32, i32
  }
  func.func @transform_7(%arg0: i32) -> (i32, i32) {
    %c0_i32 = arith.constant 0 : i32
    %c0_i32_0 = arith.constant 0 : i32
    %c0_i32_1 = arith.constant 0 : i32
    return %c0_i32, %c0_i32_0 : i32, i32
  }
  func.func @transform_8(%arg0: i32) -> (i32, i32) {
    %c0_i32 = arith.constant 0 : i32
    %c0_i32_0 = arith.constant 0 : i32
    %c0_i32_1 = arith.constant 0 : i32
    return %c0_i32, %c0_i32_0 : i32, i32
  }
}

</mosaic_0001>

<sc_bundles>
// kernel: gcn_agg_f64.4.cloned.1.call-start
scs
__scs_entry_jumppad:
0x0: {  	(pc) =	sbr.rel $0x88, $3  }
0x1: {  	(tag) =	ssettag $0x0;
	lr =	simm.s32 $0x1  }
0x2: {  	[smem:$0x3F96] =	sst lr;
	_ =	strace $0xD0000000  }
0x3: {  	_ = 	snop  }
0x4: {  	_ = 	snop  }
0x5: {  	_ = 	snop  }
0x6: {  	_ = 	snop  }
0x7: {  	_ = 	snop  }
__scs_overlays_trampoline_lowered:
0x8: {  	[smem:$0x3FA5] =	sst s0  }
0x9: {  	[smem:$0x3FA6] =	sst s1  }
0xa: {  	[smem:$0x3FA7] =	sst s2  }
0xb: {  	[smem:$0x3FA8] =	sst s3  }
0xc: {  	[smem:$0x3FA9] =	sst s4  }
0xd: {  	[smem:$0x3FAA] =	sst s5  }
0xe: {  	[smem:$0x3FAB] =	sst s6  }
0xf: {  	[smem:$0x3FAC] =	sst s7  }
0x10: {  	[smem:$0x3FAD] =	sst s8  }
0x11: {  	[smem:$0x3FAE] =	sst s9;
	s0 =	simm.s32 @!p0 $0x0  }
0x12: {  	s1 =	sld [smem:$0x3F94];
	s0 =	simm.s32 @p0 $0x1  }
0x13: {  	[smem:$0x3FAF] =	sst s0;
	s0 =	simm.s32 @!p1 $0x0  }
0x14: {  	s2 =	sld [smem:$0x3F93];
	s0 =	simm.s32 @p1 $0x1  }
0x15: {  	[smem:$0x3FB0] =	sst s0;
	s0 =	simm.s32 @!p2 $0x0  }
0x16: {  	s3 =	sld [smem:$0x3FDB];
	s0 =	simm.s32 @p2 $0x1  }
0x17: {  	s4 =	simm.s32 $0x1BF5;
	[smem:$0x3FB2] =	sst s0  }
0x18: {  	s0 =	sld [smem:$0x3F95];
	_ =	swait.ge [sflag:s4], $0x0  }
0x19: {  	s7 =	sld [smem:$0x3F96]  }
0x1a: {  	s8 =	sadd.s32 $0xFFFFE003, lr  }
0x1b: {  	s9 =	sadd.s32 $0xFFFFFEF7, lr;
	s5 =	simm.s32 $0xFFFFFFFF;
	p2 =	slt.u32 s8, $0xFFFFF086  }
0x1c: {  	p1 =	slt.u32 s9, $0xF7A;
	s5 =	simm.s32 @!p2 $0x0  }
0x1d: {  	s5 =	simm.s32 @p1 $0x1;
	p0 =	seq.s32 s7, s2  }
0x1e: {  	s7 =	smul.u32 @!p0 $0xF7A, s2;
	p2 =	seq.s32 @!p0 s5, $0x0  }
0x1f: {  	s9 =	smul.u32 $0xF7A, s1;
	s8 =	simm.s32 @!p0 $0x1BF5;
	p2 =	por !p2, p0  }
0x20: {  	[sflag:s8] =	ssyncset.s32 @!p0 $0xFFFFF086;
	s6 =	sadd.s32 @!p0 s3, s7;
	s7 =	simm.s32 @!p0 $0x108  }
0x21: {  	s3 =	sadd.s32 s3, s9;
	s6 =	sadd.s32 @!p0 $0x88, s6;
	s7 =	simm.s32 @p2 $0x1082  }
0x22: {  	[simem:s7], [sflag:s8] =	dma.local @!p0 [hbm:s6], $0xF7A  }
0x23: {  	s9 =	sor.u32 $0xD0000000, s2;
	s6 =	simm.s32 $0x108;
	_ =	swait.ge @!p0 [sflag:s8], $0x0  }
0x24: {  	s3 =	sadd.s32 $0x88, s3;
	s6 =	simm.s32 @!p1 $0x1082;
	[sflag:s4] =	ssyncset.s32 $0xFFFFF086  }
0x25: {  	[simem:s6], [sflag:s4] =	dma.local [hbm:s3], $0xF7A  }
0x26: {  	[smem:$0x3F96] =	sst s1;
	(tag) =	ssettag s2;
	_ =	strace s9  }
0x27: {  	s1 =	sld [smem:$0x3FA6]  }
0x28: {  	s2 =	sld [smem:$0x3FA7]  }
0x29: {  	s4 =	sld [smem:$0x3FA9]  }
0x2a: {  	p0 =	seq.s32 s5, $0x0;
	s5 =	sld [smem:$0x3FAA]  }
0x2b: {  	s6 =	sld [smem:$0x3FAB]  }
0x2c: {  	s7 =	sld [smem:$0x3FAC]  }
0x2d: {  	s3 =	simm.s32 $0x108;
	s8 =	sld [smem:$0x3FAD]  }
0x2e: {  	s3 =	simm.s32 @!p0 $0x1082;
	s9 =	sld [smem:$0x3FAE]  }
0x2f: {  	lr =	sadd.s32 s0, s3;
	s0 =	sld [smem:$0x3FA5]  }
0x30: {  	s3 =	sld [smem:$0x3FA8]  }
0x31: {  	[smem:$0x3FB1] =	sst s10  }
0x32: {  	s10 =	sld [smem:$0x3FAF];
	_ =	sdelay $0x3  }
0x33: {  	p0 =	seq.s32 s10, $0x1;
	s10 =	sld [smem:$0x3FB1];
	_ =	sdelay $0x3  }
0x34: {  	[smem:$0x3FB1] =	sst s10  }
0x35: {  	s10 =	sld [smem:$0x3FB0];
	_ =	sdelay $0x3  }
0x36: {  	p1 =	seq.s32 s10, $0x1;
	s10 =	sld [smem:$0x3FB1];
	_ =	sdelay $0x3  }
0x37: {  	[smem:$0x3FB1] =	sst s10  }
0x38: {  	s10 =	sld [smem:$0x3FB2]  }
0x39: {  	_ = 	snop;
	(pc) =	sbr.ind lr, $3  }
0x3a: {  	_ = 	snop  }
0x3b: {  	_ = 	snop  }
0x3c: {  	p2 =	seq.s32 s10, $0x1;
	s10 =	sld [smem:$0x3FB1]  }
0x3d: {  	_ =	shalt  }
0x3e: {  	_ =	shalt  }
0x3f: {  	_ =	shalt  }
0x40: {  	_ =	shalt  }
0x41: {  	_ =	shalt  }
0x42: {  	_ =	shalt  }
0x43: {  	_ =	shalt  }
0x44: {  	_ =	shalt  }
0x45: {  	_ =	shalt  }
0x46: {  	_ =	shalt  }
0x47: {  	_ =	shalt  }
0x48: {  	_ =	shalt  }
0x49: {  	_ =	shalt  }
0x4a: {  	_ =	shalt  }
0x4b: {  	_ =	shalt  }
0x4c: {  	_ =	shalt  }
0x4d: {  	_ =	shalt  }
0x4e: {  	_ =	shalt  }
0x4f: {  	_ =	shalt  }
0x50: {  	_ =	shalt  }
0x51: {  	_ =	shalt  }
0x52: {  	_ =	shalt  }
0x53: {  	_ =	shalt  }
0x54: {  	_ =	shalt  }
0x55: {  	_ =	shalt  }
0x56: {  	_ =	shalt  }
0x57: {  	_ =	shalt  }
0x58: {  	_ =	shalt  }
0x59: {  	_ =	shalt  }
0x5a: {  	_ =	shalt  }
0x5b: {  	_ =	shalt  }
0x5c: {  	_ =	shalt  }
0x5d: {  	_ =	shalt  }
0x5e: {  	_ =	shalt  }
0x5f: {  	_ =	shalt  }
0x60: {  	_ =	shalt  }
0x61: {  	_ =	shalt  }
0x62: {  	_ =	shalt  }
0x63: {  	_ =	shalt  }
0x64: {  	_ =	shalt  }
0x65: {  	_ =	shalt  }
0x66: {  	_ =	shalt  }
0x67: {  	_ =	shalt  }
0x68: {  	_ =	shalt  }
0x69: {  	_ =	shalt  }
0x6a: {  	_ =	shalt  }
0x6b: {  	_ =	shalt  }
0x6c: {  	_ =	shalt  }
0x6d: {  	_ =	shalt  }
0x6e: {  	_ =	shalt  }
0x6f: {  	_ =	shalt  }
0x70: {  	_ =	shalt  }
0x71: {  	_ =	shalt  }
0x72: {  	_ =	shalt  }
0x73: {  	_ =	shalt  }
0x74: {  	_ =	shalt  }
0x75: {  	_ =	shalt  }
0x76: {  	_ =	shalt  }
0x77: {  	_ =	shalt  }
0x78: {  	_ =	shalt  }
0x79: {  	_ =	shalt  }
0x7a: {  	_ =	shalt  }
0x7b: {  	_ =	shalt  }
0x7c: {  	_ =	shalt  }
0x7d: {  	_ =	shalt  }
0x7e: {  	_ =	shalt  }
0x7f: {  	_ =	shalt  }
0x80: {  	_ =	shalt  }
0x81: {  	_ =	shalt  }
0x82: {  	_ =	shalt  }
0x83: {  	_ =	shalt  }
0x84: {  	_ =	shalt  }
0x85: {  	_ =	shalt  }
0x86: {  	_ =	shalt  }
0x87: {  	_ =	shalt  }
.Lfunc_end0:
.L_simem_size_0:
called_computation.2_lowered:
.L_overlay_start_0:
0x88: {  	s2 =	sld [smem:$0x3FD9]  }
0x89: {  	s3 =	sld [smem:$0x3FFE];
	_ =	sdelay $0x1  }
0x8a: {  	s1 =	srdreg.scid  }
0x8b: {  	s0 =	sand.u32 $0x1, s1  }
0x8c: {  	s16 =	sshll.u32 s0, $0xA;
	s2 =	sadd.s32 s3, s2  }
0x8d: {  	s2 =	sadd.s32 s2, s16  }
0x8e: {  	[smem:$0x3FBD] =	sst s2  }
0x8f: {  	_ = 	snop  }
0x90: {  	(tm) =	ssettm $0x1  }
0x91: {  	s17 =	sld [smem:$0x3FFB];
	_ =	sdelay $0x3  }
0x92: {  	_ =	strace s17  }
0x93: {  	s2 =	sld [smem:$0x3FFC];
	_ =	sdelay $0x3  }
0x94: {  	_ =	strace s2  }
0x95: {  	s2 =	sld [smem:$0x3FFD];
	_ =	sdelay $0x3  }
0x96: {  	_ =	strace s2  }
0x97: {  	_ =	strace $0x8FFFFFFF  }
0x98: {  	s18 =	sld [smem:$0x3FDB];
	_ =	sdelay $0x1  }
0x99: {  	s19 =	simm.s32 $_scs_section_size  }
0x9a: {  	s4 =	simm.s32 $_size__tile_overlayer_lowered;
	s5 =	simm.s32 $_tile_overlayer_lowered  }
0x9b: {  	s22 =	simm.s32 $0x1BFF;
	s21 =	sshll.u32 s5, $0x1;
	s2 =	sadd.s32 s19, s18  }
0x9c: {  	s6 =	simm.s32 $0x0;
	s20 =	sshll.u32 s4, $0x1;
	s4 =	sadd.s32 s21, s2  }
0x9d: {  	[timem:s6], [sflag:s22] =	dma.local [hbm:s4], s20  }
0x9e: {  	_ =	swait.ge [sflag:s22], s20  }
0x9f: {  	s3 =	ssub.s32 $0x0, s20;
	[sflag:s22] =	ssyncset.done $0x0  }
0xa0: {  	[sflag:s22] =	ssyncadd.s32 s3;
	_ =	sdelay $0x1  }
0xa1: {  	s23 =	simm.s32 $0x1B8B  }
0xa2: {  	_ =	swait.ge [sflag:s23], $0x1  }
0xa3: {  	[sflag:s23] =	ssyncset.done $0x0  }
0xa4: {  	s25 =	simm.s32 $0x1B8E;
	s24 =	sld [smem:$0x3FFE];
	[sflag:s23] =	ssyncadd.s32 $0xFFFFFFFF  }
0xa5: {  	s26 =	simm.s32 $execute0_lowered;
	[smem:$0x3FD2] =	sst s25  }
0xa6: {  	s4 =	sshll.u32 s26, $0x1;
	_ =	strace $0x8000004C;
	[dreg:$0x1] =	wrdreg $0xFFFFFFFF  }
0xa7: {  	s28 =	simm.s32 $_size_execute0_lowered;
	s2 =	sadd.s32 s2, s4;
	[dreg:$0x0] =	wrdreg $0x0  }
0xa8: {  	s4 =	sshll.u32 s28, $0x1;
	[dreg:$0x2] =	wrdreg s2  }
0xa9: {  	[dreg:$0x3] =	wrdreg s4  }
0xaa: {  	[dreg:$0x4] =	wrdreg $0xC0  }
0xab: {  	_ =	task [dreg:s6], $0x5FFFF  }
0xac: {  	[dreg:$0x1] =	wrdreg $0xFFFFFFFF  }
0xad: {  	[dreg:$0x0] =	wrdreg $0x60  }
0xae: {  	[dreg:$0x2] =	wrdreg s24  }
0xaf: {  	[dreg:$0x3] =	wrdreg $0x0  }
0xb0: {  	[dreg:$0x4] =	wrdreg $0x9  }
0xb1: {  	_ =	task.clear_ibuf [dreg:s6], $0x5FFFF;
	_ =	strace $0x9000004C  }
0xb2: {  	s29 =	simm.s32 $0x9;
	_ =	strace $0x8000004E  }
0xb3: {  	_ =	swait.ge [sflag:s29], $0x1  }
0xb4: {  	[sflag:s29] =	ssyncadd.s32 $0xFFFFFFFF  }
0xb5: {  	_ =	strace $0x9000004E  }
0xb6: {  	_ =	sfence  }
0xb7: {  	s30 =	sld [smem:$0x0];
	_ =	sdelay $0x2  }
0xb8: {  	s31 =	sshll.u32 s1, $0xD;
	s1 =	sshrl.u32 s1, $0x2  }
0xb9: {  	s3 =	sand.u32 $0x4000, s31;
	s1 =	sadd.s32 s1, s30  }
0xba: {  	s0 =	sor.u32 s3, s0;
	s1 =	sshll.u32 s1, $0x11  }
0xbb: {  	s0 =	sor.u32 s1, s0  }
0xbc: {  	s0 =	sadd.s32 $0x8F2B, s0  }
0xbd: {  	[sflag:s0] =	ssyncadd.remote.s32 $0x1  }
0xbe: {  	_ =	sfence.sel $0xFFFF  }
0xbf: {  	[dreg:$0x0] =	wrdreg $0xFFFFFFFF;
	(pc) =	sbr.abs _section_cstart, $3  }
0xc0: {  	[dreg:$0x1] =	wrdreg $0xFFFFFFFF  }
0xc1: {  	_ =	task.clear_ibuf [dreg:s6], $0x2FFFF;
	_ =	strace $0x9FFFFFFF  }
0xc2: {  	(tm) =	ssettm $0x7FFFFFFF  }
0xc3: {  	_ =	shalt  }
tec
execute0_lowered:
.L_overlay_start_1:
0x0: {  	(tag) =	ssettag $0x1  }
0x1: {  	s0 =	rddreg [dreg:$0x0]  }
0x2: {  	s2 =	rddreg [dreg:$0x1];
	s10 =	stileid.u32  }
0x3: {  	s1 =	srdreg.scid;
	s4 =	simm.s32 $0x0;
	s18 =	simm.s32 $0x1  }
0x4: {  	s19 =	simm.s32 $0x2;
	s28 =	simm.s32 $0xFE00;
	s30 =	simm.s32 $0x11E00  }
0x5: {  	s29 =	simm.s32 $0x4;
	s31 =	simm.s32 $0x5;
	s3 =	smul.u32 $0x9E00, s10  }
0x6: {  	s1 =	sand.u32 $0x1, s1;
	[smem:$0x7FF] =	sst s4;
	s4 =	sadd.s32 $0x16800, s0  }
0x7: {  	s6 =	sadd.s32 $0x2C00, s0;
	s7 =	sadd.s32 $0xCA00, s0;
	s11 =	sshll.u32 s10, $0x6  }
0x8: {  	s5 =	smul.u32 $0x9E000, s1;
	_ =	strace $0x8000004D;
	s9 =	ssub.s32 $0x2, s1  }
0x9: {  	s1 =	sshll.u32 s1, $0x4;
	[dreg:$0x3] =	wrdreg s11;
	s22 =	sor.u32 $0x1C09, s11  }
0xa: {  	s8 =	sshrl.u32 s3, $0x3;
	s20 =	sshrl.u32 s9, $0x1;
	s1 =	sor.u32 s10, s1  }
0xb: {  	s10 =	sshll.u32 s10, $0x4;
	[dreg:$0x5] =	wrdreg s22;
	s5 =	sadd.s32 s3, s5  }
0xc: {  	s8 =	sadd.s32 s8, s0;
	s3 =	sadd.s32 s3, s2;
	s21 =	smul.u32 $0x4E0, s1  }
0xd: {  	s23 =	sor.u32 $0x9C00, s10;
	p0 =	sgt.u32 s1, $0x3;
	s1 =	simm.s32 $0x6  }
0xe: {  	s5 =	sshrl.u32 s5, $0x3;
	s8 =	sadd.s32 $0x3DC00, s8;
	s25 =	sadd.s32 s7, s23  }
0xf: {  	s0 =	sadd.s32 s5, s0;
	s5 =	ssub.s32 s9, s20;
	[dreg:$0x4] =	wrdreg s8  }
0x10: {  	s24 =	sadd.s32 s6, s21;
	s9 =	sadd.s32 s7, s21;
	[dreg:$0x9] =	wrdreg s25  }
0x11: {  	s6 =	sadd.s32 s6, s23;
	s20 =	simm.s32 $0x80;
	[dreg:$0x6] =	wrdreg s24  }
0x12: {  	s21 =	simm.s32 $0x9E00;
	s23 =	simm.s32 $0xBE00;
	[dreg:$0x7] =	wrdreg s9  }
0x13: {  	s25 =	simm.s32 $0xDE00;
	[dreg:$0x8] =	wrdreg s6;
	s0 =	sadd.s32 $0x51800, s0  }
0x14: {  	s7 =	simm.s32 $0x0;
	s26 =	smax.u32 s5, $0x1;
	[dreg:$0xa] =	wrdreg s0  }
0x15: {  	s6 =	sshrl.u32 s3, $0x3;
	s9 =	simm.s32 $0x9;
	[dreg:$0xb] =	wrdreg s26  }
0x16: {  	s0 =	simm.s32 $0x13E00;
	s26 =	simm.s32 $0x3;
	[dreg:$0xc] =	wrdreg s6  }
.LBB2_1:
0x17: {  	[dreg:$0xd] =	wrdreg s7  }
0x18: {  	s3 =	rddreg [dreg:$0x4]  }
0x19: {  	s5 =	rddreg [dreg:$0x5]  }
0x1a: {  	[spmem:s6], [sflag:s5] =	dma.local [hbm:s3], $0x13C0  }
0x1b: {  	s17 =	simm.s32 $0x0;
	s8 =	simm.s32 $0x19E00;
	s5 =	rddreg [dreg:$0x6]  }
0x1c: {  	[tilespmem:s8], [sflag:$0x1] =	stream.linear.gather [hbm4b:s5+s17], $0x2700, $0x38;
	[tilespmem:$0x1ED00] =	vst v63  }
0x1d: {  	s24 =	simm.s32 $0x1C580;
	s22 =	rddreg [dreg:$0x7]  }
0x1e: {  	[tilespmem:s24], [sflag:$0x2] =	stream.linear.gather [hbm4b:s22+s17], $0x2700, $0x38;
	[tilespmem:$0x1ED00] =	vst v63  }
0x1f: {  	s3 =	simm.s32 @!p0 $0x0;
	s6 =	rddreg [dreg:$0x8];
	s5 =	simm.s32 @!p0 $0x1C500  }
0x20: {  	[tilespmem:s5], [sflag:$0x11] =	stream.linear.gather @!p0 [hbm4b:s6+s3], $0x80, $0x38;
	[tilespmem:$0x1ED00] =	vst v63  }
0x21: {  	s5 =	simm.s32 @!p0 $0x11  }
0x22: {  	_ =	swait.ge @!p0 [sflag:s5], $0x80  }
0x23: {  	[sflag:s5] =	ssyncset.done @!p0 $0x0  }
0x24: {  	s6 =	simm.s32 @!p0 $0x1EC80;
	s7 =	rddreg [dreg:$0x9];
	[sflag:s5] =	ssyncadd.s32 @!p0 $0xFFFFFF80  }
0x25: {  	[tilespmem:s6], [sflag:$0x11] =	stream.linear.gather @!p0 [hbm4b:s7+s3], $0x80, $0x38;
	[tilespmem:$0x1ED00] =	vst v63  }
0x26: {  	_ =	swait.ge @!p0 [sflag:s5], $0x80  }
0x27: {  	[sflag:s5] =	ssyncset.done @!p0 $0x0  }
0x28: {  	[sflag:s5] =	ssyncadd.s32 @!p0 $0xFFFFFF80  }
0x29: {  	_ =	swait.ge [sflag:s9], $0x13C0  }
0x2a: {  	[sflag:s9] =	ssyncset.done $0x0  }
0x2b: {  	[sflag:s9] =	ssyncadd.s32 $0xFFFFEC40  }
0x2c: {  	_ =	swait.ge [sflag:s18], $0x2700  }
0x2d: {  	[sflag:s18] =	ssyncset.done $0x0  }
0x2e: {  	[sflag:s18] =	ssyncadd.s32 $0xFFFFD900  }
0x2f: {  	_ =	swait.ge [sflag:s19], $0x2700  }
0x30: {  	[sflag:s19] =	ssyncset.done $0x0  }
0x31: {  	[sflag:s19] =	ssyncadd.s32 $0xFFFFD900  }
0x32: {  	[bflag:$0x0] =	sbarrier.arrive $0xFFFF  }
0x33: {  	[tilespmem:s21], [sflag:$0x1] =	stream.indirect.gather [hbm4b:s4+s20], $0x40, s8, s20, $0xb8;
	[tilespmem:$0x1ED00] =	vst v63  }
0x34: {  	s5 =	simm.s32 $0x19E80  }
0x35: {  	[tilespmem:s23], [sflag:$0x2] =	stream.indirect.gather [hbm4b:s4+s20], $0x40, s5, s20, $0xb8;
	[tilespmem:$0x1ED00] =	vst v63  }
0x36: {  	s6 =	simm.s32 $0x19F00  }
0x37: {  	[tilespmem:s25], [sflag:$0x3] =	stream.indirect.gather [hbm4b:s4+s20], $0x40, s6, s20, $0xb8;
	[tilespmem:$0x1ED00] =	vst v63  }
0x38: {  	s7 =	simm.s32 $0x19F80  }
0x39: {  	[tilespmem:s28], [sflag:$0x4] =	stream.indirect.gather [hbm4b:s4+s20], $0x40, s7, s20, $0xb8;
	[tilespmem:$0x1ED00] =	vst v63  }
0x3a: {  	s8 =	simm.s32 $0x1A000  }
0x3b: {  	[tilespmem:s30], [sflag:$0x5] =	stream.indirect.gather [hbm4b:s4+s20], $0x40, s8, s20, $0xb8;
	[tilespmem:$0x1ED00] =	vst v63  }
0x3c: {  	s9 =	simm.s32 $0x1A080  }
0x3d: {  	[tilespmem:s0], [sflag:$0x6] =	stream.indirect.gather [hbm4b:s4+s20], $0x40, s9, s20, $0xb8;
	[tilespmem:$0x1ED00] =	vst v63  }
0x3e: {  	s10 =	simm.s32 $0x1A100;
	s11 =	simm.s32 $0x15E00  }
0x3f: {  	[tilespmem:s11], [sflag:$0x7] =	stream.indirect.gather [hbm4b:s4+s20], $0x40, s10, s20, $0xb8;
	[tilespmem:$0x1ED00] =	vst v63  }
0x40: {  	s12 =	simm.s32 $0x1A180;
	s13 =	simm.s32 $0x17E00  }
0x41: {  	[tilespmem:s13], [sflag:$0x8] =	stream.indirect.gather [hbm4b:s4+s20], $0x40, s12, s20, $0xb8;
	[tilespmem:$0x1ED00] =	vst v63  }
0x42: {  	_ =	swait.ge [sflag:s18], $0x2000  }
0x43: {  	[sflag:s18] =	ssyncset.done $0x0  }
0x44: {  	s14 =	simm.s32 $0x1C580;
	[sflag:s18] =	ssyncadd.s32 $0xFFFFE000  }
0x45: {  	[spmem:s2] =	stream.indirect.scatter.add.f32 [tilespmem:s21], [sflag:$0x9], $0x40, s14, s20, $0xb8;
	[tilespmem:$0x1ED00] =	vst v63  }
0x46: {  	_ =	swait.ge [sflag:s19], $0x2000  }
0x47: {  	[sflag:s19] =	ssyncset.done $0x0  }
0x48: {  	s15 =	simm.s32 $0x1C600;
	[sflag:s19] =	ssyncadd.s32 $0xFFFFE000  }
0x49: {  	[spmem:s2] =	stream.indirect.scatter.add.f32 [tilespmem:s23], [sflag:$0xA], $0x40, s15, s20, $0xb8;
	[tilespmem:$0x1ED00] =	vst v63  }
0x4a: {  	_ =	swait.ge [sflag:s26], $0x2000  }
0x4b: {  	[sflag:s26] =	ssyncset.done $0x0  }
0x4c: {  	s16 =	simm.s32 $0x1C680;
	[sflag:s26] =	ssyncadd.s32 $0xFFFFE000  }
0x4d: {  	[spmem:s2] =	stream.indirect.scatter.add.f32 [tilespmem:s25], [sflag:$0xB], $0x40, s16, s20, $0xb8;
	[tilespmem:$0x1ED00] =	vst v63  }
0x4e: {  	_ =	swait.ge [sflag:s29], $0x2000  }
0x4f: {  	[sflag:s29] =	ssyncset.done $0x0  }
0x50: {  	s17 =	simm.s32 $0x1C700;
	[sflag:s29] =	ssyncadd.s32 $0xFFFFE000  }
0x51: {  	[spmem:s2] =	stream.indirect.scatter.add.f32 [tilespmem:s28], [sflag:$0xC], $0x40, s17, s20, $0xb8;
	[tilespmem:$0x1ED00] =	vst v63  }
0x52: {  	_ =	swait.ge [sflag:s31], $0x2000  }
0x53: {  	[sflag:s31] =	ssyncset.done $0x0  }
0x54: {  	s22 =	simm.s32 $0x1C780;
	s10 =	simm.s32 @!p0 $0x4F;
	[sflag:s31] =	ssyncadd.s32 $0xFFFFE000  }
0x55: {  	[spmem:s2] =	stream.indirect.scatter.add.f32 [tilespmem:s30], [sflag:$0xD], $0x40, s22, s20, $0xb8;
	[tilespmem:$0x1ED00] =	vst v63  }
0x56: {  	s10 =	simm.s32 @p0 $0x4E;
	_ =	swait.ge [sflag:s1], $0x2000  }
0x57: {  	p1 =	sle.u32 s10, $0x6;
	[sflag:s1] =	ssyncset.done $0x0  }
0x58: {  	s24 =	simm.s32 $0x1C800;
	s5 =	simm.s32 @!p1 $0x7;
	[sflag:s1] =	ssyncadd.s32 $0xFFFFE000  }
0x59: {  	[spmem:s2] =	stream.indirect.scatter.add.f32 [tilespmem:s0], [sflag:$0xE], $0x40, s24, s20, $0xb8;
	[tilespmem:$0x1ED00] =	vst v63  }
0x5a: {  	p2 =	sle.u32 s10, $0x7;
	_ =	swait.ge @!p1 [sflag:s5], $0x2000  }
0x5b: {  	s3 =	simm.s32 @!p1 $0x1C880;
	s6 =	simm.s32 @!p1 $0x15E00;
	[sflag:s5] =	ssyncset.done @!p1 $0x0  }
0x5c: {  	s11 =	simm.s32 @!p1 $0x80;
	s12 =	simm.s32 @!p2 $0x8;
	[sflag:s5] =	ssyncadd.s32 @!p1 $0xFFFFE000  }
0x5d: {  	[spmem:s2] =	stream.indirect.scatter.add.f32 @!p1 [tilespmem:s6], [sflag:$0xF], $0x40, s3, s11, $0xb8;
	[tilespmem:$0x1ED00] =	vst v63  }
0x5e: {  	s5 =	simm.s32 @!p2 $0x80;
	_ =	swait.ge @!p2 [sflag:s12], $0x2000  }
0x5f: {  	s3 =	simm.s32 @!p2 $0x1C900;
	p1 =	sle.u32 s10, $0x8;
	[sflag:s12] =	ssyncset.done @!p2 $0x0  }
0x60: {  	s6 =	simm.s32 @!p2 $0x17E00;
	s11 =	simm.s32 @!p1 $0x9;
	[sflag:s12] =	ssyncadd.s32 @!p2 $0xFFFFE000  }
0x61: {  	[spmem:s2] =	stream.indirect.scatter.add.f32 @!p2 [tilespmem:s6], [sflag:$0x10], $0x40, s3, s5, $0xb8;
	[tilespmem:$0x1ED00] =	vst v63  }
0x62: {  	s3 =	simm.s32 @!p1 $0x1A200;
	_ =	swait.ge @!p1 [sflag:s11], $0x2000  }
0x63: {  	s5 =	simm.s32 @!p1 $0x9E00;
	p2 =	sle.u32 s10, $0x9;
	[sflag:s11] =	ssyncset.done @!p1 $0x0  }
0x64: {  	s6 =	simm.s32 @!p1 $0x80;
	[sflag:s11] =	ssyncadd.s32 @!p1 $0xFFFFE000;
	s11 =	simm.s32 @!p2 $0xA  }
0x65: {  	[tilespmem:s5], [sflag:$0x1] =	stream.indirect.gather @!p1 [hbm4b:s4+s6], $0x40, s3, s6, $0xb8;
	[tilespmem:$0x1ED00] =	vst v63  }
0x66: {  	s3 =	simm.s32 @!p2 $0x1A280;
	_ =	swait.ge @!p2 [sflag:s11], $0x2000  }
0x67: {  	s5 =	simm.s32 @!p2 $0xBE00;
	p1 =	sle.u32 s10, $0xA;
	[sflag:s11] =	ssyncset.done @!p2 $0x0  }
0x68: {  	s6 =	simm.s32 @!p2 $0x80;
	[sflag:s11] =	ssyncadd.s32 @!p2 $0xFFFFE000;
	s11 =	simm.s32 @!p1 $0xB  }
0x69: {  	[tilespmem:s5], [sflag:$0x2] =	stream.indirect.gather @!p2 [hbm4b:s4+s6], $0x40, s3, s6, $0xb8;
	[tilespmem:$0x1ED00] =	vst v63  }
0x6a: {  	s3 =	simm.s32 @!p1 $0x1A300;
	_ =	swait.ge @!p1 [sflag:s11], $0x2000  }
0x6b: {  	s5 =	simm.s32 @!p1 $0xDE00;
	p2 =	sle.u32 s10, $0xB;
	[sflag:s11] =	ssyncset.done @!p1 $0x0  }
0x6c: {  	s6 =	simm.s32 @!p1 $0x80;
	[sflag:s11] =	ssyncadd.s32 @!p1 $0xFFFFE000;
	s11 =	simm.s32 @!p2 $0xC  }
0x6d: {  	[tilespmem:s5], [sflag:$0x3] =	stream.indirect.gather @!p1 [hbm4b:s4+s6], $0x40, s3, s6, $0xb8;
	[tilespmem:$0x1ED00] =	vst v63  }
0x6e: {  	s3 =	simm.s32 @!p2 $0x1A380;
	_ =	swait.ge @!p2 [sflag:s11], $0x2000  }
0x6f: {  	s5 =	simm.s32 @!p2 $0xFE00;
	p1 =	sle.u32 s10, $0xC;
	[sflag:s11] =	ssyncset.done @!p2 $0x0  }
0x70: {  	s6 =	simm.s32 @!p2 $0x80;
	[sflag:s11] =	ssyncadd.s32 @!p2 $0xFFFFE000;
	s11 =	simm.s32 @!p1 $0xD  }
0x71: {  	[tilespmem:s5], [sflag:$0x4] =	stream.indirect.gather @!p2 [hbm4b:s4+s6], $0x40, s3, s6, $0xb8;
	[tilespmem:$0x1ED00] =	vst v63  }
0x72: {  	s3 =	simm.s32 @!p1 $0x1A400;
	_ =	swait.ge @!p1 [sflag:s11], $0x2000  }
0x73: {  	s5 =	simm.s32 @!p1 $0x11E00;
	p2 =	sle.u32 s10, $0xD;
	[sflag:s11] =	ssyncset.done @!p1 $0x0  }
0x74: {  	s6 =	simm.s32 @!p1 $0x80;
	[sflag:s11] =	ssyncadd.s32 @!p1 $0xFFFFE000;
	s11 =	simm.s32 @!p2 $0xE  }
0x75: {  	[tilespmem:s5], [sflag:$0x5] =	stream.indirect.gather @!p1 [hbm4b:s4+s6], $0x40, s3, s6, $0xb8;
	[tilespmem:$0x1ED00] =	vst v63  }
0x76: {  	s3 =	simm.s32 @!p2 $0x1A480;
	_ =	swait.ge @!p2 [sflag:s11], $0x2000  }
0x77: {  	s5 =	simm.s32 @!p2 $0x13E00;
	p1 =	sle.u32 s10, $0xE;
	[sflag:s11] =	ssyncset.done @!p2 $0x0  }
0x78: {  	s6 =	simm.s32 @!p2 $0x80;
	[sflag:s11] =	ssyncadd.s32 @!p2 $0xFFFFE000;
	s11 =	simm.s32 @!p1 $0xF  }
0x79: {  	[tilespmem:s5], [sflag:$0x6] =	stream.indirect.gather @!p2 [hbm4b:s4+s6], $0x40, s3, s6, $0xb8;
	[tilespmem:$0x1ED00] =	vst v63  }
0x7a: {  	_ =	swait.ge @!p1 [sflag:s11], $0x2000  }
0x7b: {  	p2 =	sle.u32 s10, $0xF;
	s3 =	simm.s32 @!p1 $0x1A500;
	[sflag:s11] =	ssyncset.done @!p1 $0x0  }
0x7c: {  	s5 =	simm.s32 @!p1 $0x80;
	s6 =	simm.s32 @!p1 $0x15E00;
	[sflag:s11] =	ssyncadd.s32 @!p1 $0xFFFFE000  }
0x7d: {  	[tilespmem:s6], [sflag:$0x7] =	stream.indirect.gather @!p1 [hbm4b:s4+s5], $0x40, s3, s5, $0xb8;
	[tilespmem:$0x1ED00] =	vst v63  }
0x7e: {  	s12 =	simm.s32 $0x17;
	s11 =	simm.s32 $0x1000;
	s3 =	simm.s32 @!p2 $0x10  }
0x7f: {  	s5 =	simm.s32 @!p2 $0x1A580;
	s6 =	simm.s32 @!p2 $0x80;
	_ =	swait.ge @!p2 [sflag:s3], $0x2000  }
.LBB2_2:
0x80: {  	[sflag:s3] =	ssyncset.done @!p2 $0x0;
	s16 =	simm.s32 @!p2 $0x17E00  }
0x81: {  	s13 =	smov.u32 s11;
	s11 =	sadd.s32 $0x1000, s11;
	s24 =	smov.u32 s12  }
0x82: {  	s7 =	sshra.s32 s13, $0x2;
	p1 =	sne.s32 s11, $0xA000;
	[sflag:s3] =	ssyncadd.s32 @!p2 $0xFFFFE000  }
0x83: {  	[tilespmem:s16], [sflag:$0x8] =	stream.indirect.gather @!p2 [hbm4b:s4+s6], $0x40, s5, s6, $0xb8;
	[tilespmem:$0x1ED00] =	vst v63  }
0x84: {  	s3 =	sadd.s32 $0x1C580, s7;
	_ =	swait.ge [sflag:s18], $0x2000  }
0x85: {  	[sflag:s18] =	ssyncset.done $0x0  }
0x86: {  	[sflag:s18] =	ssyncadd.s32 $0xFFFFE000  }
0x87: {  	[spmem:s2] =	stream.indirect.scatter.add.f32 [tilespmem:s21], [sflag:$0x9], $0x40, s3, s20, $0xb8;
	[tilespmem:$0x1ED00] =	vst v63  }
0x88: {  	s3 =	sadd.s32 $0x1C600, s7;
	_ =	swait.ge [sflag:s19], $0x2000  }
0x89: {  	[sflag:s19] =	ssyncset.done $0x0  }
0x8a: {  	[sflag:s19] =	ssyncadd.s32 $0xFFFFE000  }
0x8b: {  	[spmem:s2] =	stream.indirect.scatter.add.f32 [tilespmem:s23], [sflag:$0xA], $0x40, s3, s20, $0xb8;
	[tilespmem:$0x1ED00] =	vst v63  }
0x8c: {  	s3 =	sadd.s32 $0x1C680, s7;
	_ =	swait.ge [sflag:s26], $0x2000  }
0x8d: {  	[sflag:s26] =	ssyncset.done $0x0  }
0x8e: {  	[sflag:s26] =	ssyncadd.s32 $0xFFFFE000  }
0x8f: {  	[spmem:s2] =	stream.indirect.scatter.add.f32 [tilespmem:s25], [sflag:$0xB], $0x40, s3, s20, $0xb8;
	[tilespmem:$0x1ED00] =	vst v63  }
0x90: {  	s3 =	sadd.s32 $0x1C700, s7;
	_ =	swait.ge [sflag:s29], $0x2000  }
0x91: {  	s12 =	sadd.s32 $0x8, s12;
	p2 =	sge.u32 s24, s10;
	[sflag:s29] =	ssyncset.done $0x0  }
0x92: {  	s16 =	sadd.s32 $0xFFFFFFFE, s24;
	s5 =	sadd.s32 $0xFFFFFFFF, s24;
	[sflag:s29] =	ssyncadd.s32 $0xFFFFE000  }
0x93: {  	[spmem:s2] =	stream.indirect.scatter.add.f32 [tilespmem:s28], [sflag:$0xC], $0x40, s3, s20, $0xb8;
	[tilespmem:$0x1ED00] =	vst v63  }
0x94: {  	s22 =	sadd.s32 $0xFFFFFFFD, s24;
	s8 =	sadd.s32 $0x1C780, s7;
	_ =	swait.ge [sflag:s31], $0x2000  }
0x95: {  	s6 =	sadd.s32 $0xFFFFFFFB, s24;
	s3 =	sadd.s32 $0xFFFFFFFC, s24;
	[sflag:s31] =	ssyncset.done $0x0  }
0x96: {  	s15 =	sadd.s32 $0xFFFFFFF7, s24;
	s14 =	sadd.s32 $0xFFFFFFF8, s24;
	[sflag:s31] =	ssyncadd.s32 $0xFFFFE000  }
0x97: {  	[spmem:s2] =	stream.indirect.scatter.add.f32 [tilespmem:s30], [sflag:$0xD], $0x40, s8, s20, $0xb8;
	[tilespmem:$0x1ED00] =	vst v63  }
0x98: {  	p3 =	sge.u32 s15, s10;
	s7 =	sadd.s32 $0x1C800, s7;
	_ =	swait.ge [sflag:s1], $0x2000  }
0x99: {  	s15 =	sshra.s32 @!p3 s13, $0x2;
	s8 =	simm.s32 @!p3 $0x7;
	[sflag:s1] =	ssyncset.done $0x0  }
0x9a: {  	s17 =	simm.s32 @!p3 $0x15E00;
	s15 =	sadd.s32 @!p3 $0x1C880, s15;
	[sflag:s1] =	ssyncadd.s32 $0xFFFFE000  }
0x9b: {  	[spmem:s2] =	stream.indirect.scatter.add.f32 [tilespmem:s0], [sflag:$0xE], $0x40, s7, s20, $0xb8;
	[tilespmem:$0x1ED00] =	vst v63  }
0x9c: {  	p4 =	sge.u32 s14, s10;
	s7 =	simm.s32 @!p3 $0x80;
	_ =	swait.ge @!p3 [sflag:s8], $0x2000  }
0x9d: {  	s14 =	simm.s32 @!p4 $0x8;
	s9 =	sshra.s32 @!p4 s13, $0x2;
	[sflag:s8] =	ssyncset.done @!p3 $0x0  }
0x9e: {  	[sflag:s8] =	ssyncadd.s32 @!p3 $0xFFFFE000;
	s8 =	sadd.s32 @!p4 $0x1C900, s9;
	s9 =	sadd.s32 $0xFFFFFFF9, s24  }
0x9f: {  	[spmem:s2] =	stream.indirect.scatter.add.f32 @!p3 [tilespmem:s17], [sflag:$0xF], $0x40, s15, s7, $0xb8;
	[tilespmem:$0x1ED00] =	vst v63  }
0xa0: {  	s7 =	simm.s32 @!p4 $0x80;
	s15 =	simm.s32 @!p4 $0x17E00;
	_ =	swait.ge @!p4 [sflag:s14], $0x2000  }
0xa1: {  	p3 =	sge.u32 s9, s10;
	s9 =	sadd.s32 $0xFFFFFFFA, s24;
	[sflag:s14] =	ssyncset.done @!p4 $0x0  }
0xa2: {  	s17 =	sshra.s32 @!p3 s13, $0x2;
	[sflag:s14] =	ssyncadd.s32 @!p4 $0xFFFFE000;
	s14 =	simm.s32 @!p3 $0x9  }
0xa3: {  	[spmem:s2] =	stream.indirect.scatter.add.f32 @!p4 [tilespmem:s15], [sflag:$0x10], $0x40, s8, s7, $0xb8;
	[tilespmem:$0x1ED00] =	vst v63  }
0xa4: {  	s7 =	sadd.s32 @!p3 $0x1A200, s17;
	s8 =	simm.s32 @!p3 $0x9E00;
	_ =	swait.ge @!p3 [sflag:s14], $0x2000  }
0xa5: {  	s15 =	simm.s32 @!p3 $0x80;
	p4 =	sge.u32 s9, s10;
	[sflag:s14] =	ssyncset.done @!p3 $0x0  }
0xa6: {  	s9 =	simm.s32 @!p4 $0xA;
	[sflag:s14] =	ssyncadd.s32 @!p3 $0xFFFFE000;
	s14 =	sshra.s32 @!p4 s13, $0x2  }
0xa7: {  	[tilespmem:s8], [sflag:$0x1] =	stream.indirect.gather @!p3 [hbm4b:s4+s15], $0x40, s7, s15, $0xb8;
	[tilespmem:$0x1ED00] =	vst v63  }
0xa8: {  	s7 =	sadd.s32 @!p4 $0x1A280, s14;
	s8 =	simm.s32 @!p4 $0xBE00;
	_ =	swait.ge @!p4 [sflag:s9], $0x2000  }
0xa9: {  	s14 =	simm.s32 @!p4 $0x80;
	p3 =	sge.u32 s6, s10;
	[sflag:s9] =	ssyncset.done @!p4 $0x0  }
0xaa: {  	s6 =	simm.s32 @!p3 $0xB;
	[sflag:s9] =	ssyncadd.s32 @!p4 $0xFFFFE000;
	s9 =	sshra.s32 @!p3 s13, $0x2  }
0xab: {  	[tilespmem:s8], [sflag:$0x2] =	stream.indirect.gather @!p4 [hbm4b:s4+s14], $0x40, s7, s14, $0xb8;
	[tilespmem:$0x1ED00] =	vst v63  }
0xac: {  	s7 =	sadd.s32 @!p3 $0x1A300, s9;
	s8 =	simm.s32 @!p3 $0xDE00;
	_ =	swait.ge @!p3 [sflag:s6], $0x2000  }
0xad: {  	s9 =	simm.s32 @!p3 $0x80;
	p4 =	sge.u32 s3, s10;
	[sflag:s6] =	ssyncset.done @!p3 $0x0  }
0xae: {  	s3 =	simm.s32 @!p4 $0xC;
	[sflag:s6] =	ssyncadd.s32 @!p3 $0xFFFFE000;
	s6 =	sshra.s32 @!p4 s13, $0x2  }
0xaf: {  	[tilespmem:s8], [sflag:$0x3] =	stream.indirect.gather @!p3 [hbm4b:s4+s9], $0x40, s7, s9, $0xb8;
	[tilespmem:$0x1ED00] =	vst v63  }
0xb0: {  	s6 =	sadd.s32 @!p4 $0x1A380, s6;
	s7 =	simm.s32 @!p4 $0xFE00;
	_ =	swait.ge @!p4 [sflag:s3], $0x2000  }
0xb1: {  	s8 =	simm.s32 @!p4 $0x80;
	p3 =	sge.u32 s22, s10;
	[sflag:s3] =	ssyncset.done @!p4 $0x0  }
0xb2: {  	s9 =	sshra.s32 @!p3 s13, $0x2;
	[sflag:s3] =	ssyncadd.s32 @!p4 $0xFFFFE000;
	s3 =	simm.s32 @!p3 $0xD  }
0xb3: {  	[tilespmem:s7], [sflag:$0x4] =	stream.indirect.gather @!p4 [hbm4b:s4+s8], $0x40, s6, s8, $0xb8;
	[tilespmem:$0x1ED00] =	vst v63  }
0xb4: {  	s6 =	sadd.s32 @!p3 $0x1A400, s9;
	s7 =	simm.s32 @!p3 $0x11E00;
	_ =	swait.ge @!p3 [sflag:s3], $0x2000  }
0xb5: {  	s8 =	simm.s32 @!p3 $0x80;
	p4 =	sge.u32 s16, s10;
	[sflag:s3] =	ssyncset.done @!p3 $0x0  }
0xb6: {  	s9 =	sshra.s32 @!p4 s13, $0x2;
	[sflag:s3] =	ssyncadd.s32 @!p3 $0xFFFFE000;
	s3 =	simm.s32 @!p4 $0xE  }
0xb7: {  	[tilespmem:s7], [sflag:$0x5] =	stream.indirect.gather @!p3 [hbm4b:s4+s8], $0x40, s6, s8, $0xb8;
	[tilespmem:$0x1ED00] =	vst v63  }
0xb8: {  	s6 =	sadd.s32 @!p4 $0x1A480, s9;
	s7 =	simm.s32 @!p4 $0x13E00;
	_ =	swait.ge @!p4 [sflag:s3], $0x2000  }
0xb9: {  	s8 =	simm.s32 @!p4 $0x80;
	p3 =	sge.u32 s5, s10;
	[sflag:s3] =	ssyncset.done @!p4 $0x0  }
0xba: {  	s5 =	sshra.s32 @!p3 s13, $0x2;
	[sflag:s3] =	ssyncadd.s32 @!p4 $0xFFFFE000;
	s3 =	simm.s32 @!p3 $0xF  }
0xbb: {  	[tilespmem:s7], [sflag:$0x6] =	stream.indirect.gather @!p4 [hbm4b:s4+s8], $0x40, s6, s8, $0xb8;
	[tilespmem:$0x1ED00] =	vst v63  }
.Ltmp0:
0xbc: {  	s5 =	sadd.s32 @!p3 $0x1A500, s5;
	_ =	swait.ge @!p3 [sflag:s3], $0x2000;
	(pc) =	sbr.rel @p1 .LBB2_2-.Ltmp0, $4  }
0xbd: {  	s6 =	simm.s32 @!p3 $0x80;
	s7 =	simm.s32 @!p3 $0x15E00;
	[sflag:s3] =	ssyncset.done @!p3 $0x0  }
0xbe: {  	s8 =	sshra.s32 @!p2 s13, $0x2;
	[sflag:s3] =	ssyncadd.s32 @!p3 $0xFFFFE000;
	s3 =	simm.s32 @!p2 $0x10  }
0xbf: {  	[tilespmem:s7], [sflag:$0x7] =	stream.indirect.gather @!p3 [hbm4b:s4+s6], $0x40, s5, s6, $0xb8;
	[tilespmem:$0x1ED00] =	vst v63  }
0xc0: {  	s5 =	sadd.s32 @!p2 $0x1A580, s8;
	s6 =	simm.s32 @!p2 $0x80;
	_ =	swait.ge @!p2 [sflag:s3], $0x2000  }
0xc1: {  	[sflag:s3] =	ssyncset.done @!p2 $0x0  }
0xc2: {  	s7 =	simm.s32 @!p2 $0x17E00;
	s9 =	simm.s32 $0x9;
	[sflag:s3] =	ssyncadd.s32 @!p2 $0xFFFFE000  }
0xc3: {  	[tilespmem:s7], [sflag:$0x8] =	stream.indirect.gather @!p2 [hbm4b:s4+s6], $0x40, s5, s6, $0xb8;
	[tilespmem:$0x1ED00] =	vst v63  }
0xc4: {  	_ =	swait.ge [sflag:s9], $0x2000  }
0xc5: {  	[sflag:s9] =	ssyncset.done $0x0  }
0xc6: {  	s7 =	simm.s32 $0xA;
	[sflag:s9] =	ssyncadd.s32 $0xFFFFE000  }
0xc7: {  	_ =	swait.ge [sflag:s7], $0x2000  }
0xc8: {  	[sflag:s7] =	ssyncset.done $0x0  }
0xc9: {  	s8 =	simm.s32 $0xB;
	[sflag:s7] =	ssyncadd.s32 $0xFFFFE000  }
0xca: {  	_ =	swait.ge [sflag:s8], $0x2000  }
0xcb: {  	[sflag:s8] =	ssyncset.done $0x0  }
0xcc: {  	s10 =	simm.s32 $0xC;
	[sflag:s8] =	ssyncadd.s32 $0xFFFFE000  }
0xcd: {  	_ =	swait.ge [sflag:s10], $0x2000  }
0xce: {  	[sflag:s10] =	ssyncset.done $0x0  }
0xcf: {  	s11 =	simm.s32 $0xD;
	[sflag:s10] =	ssyncadd.s32 $0xFFFFE000  }
0xd0: {  	_ =	swait.ge [sflag:s11], $0x2000  }
0xd1: {  	[sflag:s11] =	ssyncset.done $0x0  }
0xd2: {  	s12 =	simm.s32 $0xE;
	[sflag:s11] =	ssyncadd.s32 $0xFFFFE000  }
0xd3: {  	_ =	swait.ge [sflag:s12], $0x2000  }
0xd4: {  	[sflag:s12] =	ssyncset.done $0x0  }
0xd5: {  	s13 =	simm.s32 $0xF;
	[sflag:s12] =	ssyncadd.s32 $0xFFFFE000  }
0xd6: {  	_ =	swait.ge [sflag:s13], $0x2000  }
0xd7: {  	[sflag:s13] =	ssyncset.done $0x0  }
0xd8: {  	s14 =	simm.s32 $0x10;
	[sflag:s13] =	ssyncadd.s32 $0xFFFFE000  }
0xd9: {  	_ =	swait.ge [sflag:s14], $0x2000  }
0xda: {  	[sflag:s14] =	ssyncset.done $0x0  }
0xdb: {  	[sflag:s14] =	ssyncadd.s32 $0xFFFFE000  }
0xdc: {  	[bflag:$0x0] =	sbarrier.arrive $0xFFFF  }
0xdd: {  	s15 =	rddreg [dreg:$0x3]  }
0xde: {  	s16 =	rddreg [dreg:$0xa]  }
0xdf: {  	s17 =	simm.s32 $0x11;
	s6 =	rddreg [dreg:$0xc];
	s3 =	sor.u32 $0x1C11, s15  }
0xe0: {  	[hbm:s16], [sflag:s3] =	dma.local [spmem:s6], $0x13C0  }
0xe1: {  	_ =	swait.ge [sflag:s17], $0x13C0  }
0xe2: {  	s22 =	rddreg [dreg:$0xd]  }
0xe3: {  	s24 =	rddreg [dreg:$0xb];
	s7 =	sadd.s32 $0x1, s22  }
0xe4: {  	p1 =	sne.s32 s7, s24  }
.Ltmp1:
0xe5: {  	_ = 	snop;
	(pc) =	sbr.rel @p1 .LBB2_1-.Ltmp1, $3  }
0xe6: {  	_ =	sdelay $0x1  }
0xe7: {  	[sflag:s17] =	ssyncset.done $0x0  }
0xe8: {  	[sflag:s17] =	ssyncadd.s32 $0xFFFFEC40  }
0xe9: {  	_ =	sfence.sel $0x180000  }
0xea: {  	[bflag:$0x0] =	sbarrier.arrive $0xFFFF  }
0xeb: {  	_ =	strace $0x9000004D  }
0xec: {  	s0 =	stileid.u32;
	[bflag:$0x2] =	sbarrier.arrive $0xFFFF  }
0xed: {  	p0 =	sne.s32 s0, $0x0;
	s0 =	rddreg [dreg:$0x2]  }
0xee: {  	s0 =	sadd.s32 @!p0 $0x100000, s0  }
0xef: {  	[sflag:s0] =	ssyncadd.tile.s32 @!p0 $0x1;
	_ =	shalt  }
.Lfunc_end2:
_tile_overlayer_lowered:
.L_overlay_start_2:
0xf0: {  	(tag) =	ssettag $0x2  }
0xf1: {  	s0 =	rddreg [dreg:$0x0];
	s2 =	stileid.u32  }
0xf2: {  	s1 =	rddreg [dreg:$0x1];
	p0 =	sne.s32 s2, $0x0  }
0xf3: {  	s3 =	rddreg [dreg:$0x2];
	[bflag:$0x3] =	sbarrier.arrive $0xFFFF;
	s2 =	simm.s32 @!p0 $0x1C11  }
0xf4: {  	[timem:s3], [sflag:s2] =	dma.local @!p0 [hbm:s0], s1  }
0xf5: {  	s0 =	simm.s32 @!p0 $0x11  }
0xf6: {  	_ =	swait.ge @!p0 [sflag:s0], s1  }
0xf7: {  	s1 =	ssub.s32 @!p0 $0x0, s1;
	[sflag:s0] =	ssyncset.done @!p0 $0x0  }
0xf8: {  	[sflag:s0] =	ssyncadd.s32 @!p0 s1  }
0xf9: {  	[bflag:$0x3] =	sbarrier.arrive $0xFFFF  }
0xfa: {  	_ =	shalt  }

// kernel: gcn_agg_f64.7.cloned.1.call-start
scs
__scs_entry_jumppad:
0x0: {  	(pc) =	sbr.rel $0x88, $3  }
0x1: {  	(tag) =	ssettag $0x0;
	lr =	simm.s32 $0x1  }
0x2: {  	[smem:$0x3F96] =	sst lr;
	_ =	strace $0xD0000000  }
0x3: {  	_ = 	snop  }
0x4: {  	_ = 	snop  }
0x5: {  	_ = 	snop  }
0x6: {  	_ = 	snop  }
0x7: {  	_ = 	snop  }
__scs_overlays_trampoline_lowered:
0x8: {  	[smem:$0x3FA5] =	sst s0  }
0x9: {  	[smem:$0x3FA6] =	sst s1  }
0xa: {  	[smem:$0x3FA7] =	sst s2  }
0xb: {  	[smem:$0x3FA8] =	sst s3  }
0xc: {  	[smem:$0x3FA9] =	sst s4  }
0xd: {  	[smem:$0x3FAA] =	sst s5  }
0xe: {  	[smem:$0x3FAB] =	sst s6  }
0xf: {  	[smem:$0x3FAC] =	sst s7  }
0x10: {  	[smem:$0x3FAD] =	sst s8  }
0x11: {  	[smem:$0x3FAE] =	sst s9;
	s0 =	simm.s32 @!p0 $0x0  }
0x12: {  	s1 =	sld [smem:$0x3F94];
	s0 =	simm.s32 @p0 $0x1  }
0x13: {  	[smem:$0x3FAF] =	sst s0;
	s0 =	simm.s32 @!p1 $0x0  }
0x14: {  	s2 =	sld [smem:$0x3F93];
	s0 =	simm.s32 @p1 $0x1  }
0x15: {  	[smem:$0x3FB0] =	sst s0;
	s0 =	simm.s32 @!p2 $0x0  }
0x16: {  	s3 =	sld [smem:$0x3FDB];
	s0 =	simm.s32 @p2 $0x1  }
0x17: {  	s4 =	simm.s32 $0x1BF5;
	[smem:$0x3FB2] =	sst s0  }
0x18: {  	s0 =	sld [smem:$0x3F95];
	_ =	swait.ge [sflag:s4], $0x0  }
0x19: {  	s7 =	sld [smem:$0x3F96]  }
0x1a: {  	s8 =	sadd.s32 $0xFFFFE003, lr  }
0x1b: {  	s9 =	sadd.s32 $0xFFFFFEF7, lr;
	s5 =	simm.s32 $0xFFFFFFFF;
	p2 =	slt.u32 s8, $0xFFFFF086  }
0x1c: {  	p1 =	slt.u32 s9, $0xF7A;
	s5 =	simm.s32 @!p2 $0x0  }
0x1d: {  	s5 =	simm.s32 @p1 $0x1;
	p0 =	seq.s32 s7, s2  }
0x1e: {  	s7 =	smul.u32 @!p0 $0xF7A, s2;
	p2 =	seq.s32 @!p0 s5, $0x0  }
0x1f: {  	s9 =	smul.u32 $0xF7A, s1;
	s8 =	simm.s32 @!p0 $0x1BF5;
	p2 =	por !p2, p0  }
0x20: {  	[sflag:s8] =	ssyncset.s32 @!p0 $0xFFFFF086;
	s6 =	sadd.s32 @!p0 s3, s7;
	s7 =	simm.s32 @!p0 $0x108  }
0x21: {  	s3 =	sadd.s32 s3, s9;
	s6 =	sadd.s32 @!p0 $0x88, s6;
	s7 =	simm.s32 @p2 $0x1082  }
0x22: {  	[simem:s7], [sflag:s8] =	dma.local @!p0 [hbm:s6], $0xF7A  }
0x23: {  	s9 =	sor.u32 $0xD0000000, s2;
	s6 =	simm.s32 $0x108;
	_ =	swait.ge @!p0 [sflag:s8], $0x0  }
0x24: {  	s3 =	sadd.s32 $0x88, s3;
	s6 =	simm.s32 @!p1 $0x1082;
	[sflag:s4] =	ssyncset.s32 $0xFFFFF086  }
0x25: {  	[simem:s6], [sflag:s4] =	dma.local [hbm:s3], $0xF7A  }
0x26: {  	[smem:$0x3F96] =	sst s1;
	(tag) =	ssettag s2;
	_ =	strace s9  }
0x27: {  	s1 =	sld [smem:$0x3FA6]  }
0x28: {  	s2 =	sld [smem:$0x3FA7]  }
0x29: {  	s4 =	sld [smem:$0x3FA9]  }
0x2a: {  	p0 =	seq.s32 s5, $0x0;
	s5 =	sld [smem:$0x3FAA]  }
0x2b: {  	s6 =	sld [smem:$0x3FAB]  }
0x2c: {  	s7 =	sld [smem:$0x3FAC]  }
0x2d: {  	s3 =	simm.s32 $0x108;
	s8 =	sld [smem:$0x3FAD]  }
0x2e: {  	s3 =	simm.s32 @!p0 $0x1082;
	s9 =	sld [smem:$0x3FAE]  }
0x2f: {  	lr =	sadd.s32 s0, s3;
	s0 =	sld [smem:$0x3FA5]  }
0x30: {  	s3 =	sld [smem:$0x3FA8]  }
0x31: {  	[smem:$0x3FB1] =	sst s10  }
0x32: {  	s10 =	sld [smem:$0x3FAF];
	_ =	sdelay $0x3  }
0x33: {  	p0 =	seq.s32 s10, $0x1;
	s10 =	sld [smem:$0x3FB1];
	_ =	sdelay $0x3  }
0x34: {  	[smem:$0x3FB1] =	sst s10  }
0x35: {  	s10 =	sld [smem:$0x3FB0];
	_ =	sdelay $0x3  }
0x36: {  	p1 =	seq.s32 s10, $0x1;
	s10 =	sld [smem:$0x3FB1];
	_ =	sdelay $0x3  }
0x37: {  	[smem:$0x3FB1] =	sst s10  }
0x38: {  	s10 =	sld [smem:$0x3FB2]  }
0x39: {  	_ = 	snop;
	(pc) =	sbr.ind lr, $3  }
0x3a: {  	_ = 	snop  }
0x3b: {  	_ = 	snop  }
0x3c: {  	p2 =	seq.s32 s10, $0x1;
	s10 =	sld [smem:$0x3FB1]  }
0x3d: {  	_ =	shalt  }
0x3e: {  	_ =	shalt  }
0x3f: {  	_ =	shalt  }
0x40: {  	_ =	shalt  }
0x41: {  	_ =	shalt  }
0x42: {  	_ =	shalt  }
0x43: {  	_ =	shalt  }
0x44: {  	_ =	shalt  }
0x45: {  	_ =	shalt  }
0x46: {  	_ =	shalt  }
0x47: {  	_ =	shalt  }
0x48: {  	_ =	shalt  }
0x49: {  	_ =	shalt  }
0x4a: {  	_ =	shalt  }
0x4b: {  	_ =	shalt  }
0x4c: {  	_ =	shalt  }
0x4d: {  	_ =	shalt  }
0x4e: {  	_ =	shalt  }
0x4f: {  	_ =	shalt  }
0x50: {  	_ =	shalt  }
0x51: {  	_ =	shalt  }
0x52: {  	_ =	shalt  }
0x53: {  	_ =	shalt  }
0x54: {  	_ =	shalt  }
0x55: {  	_ =	shalt  }
0x56: {  	_ =	shalt  }
0x57: {  	_ =	shalt  }
0x58: {  	_ =	shalt  }
0x59: {  	_ =	shalt  }
0x5a: {  	_ =	shalt  }
0x5b: {  	_ =	shalt  }
0x5c: {  	_ =	shalt  }
0x5d: {  	_ =	shalt  }
0x5e: {  	_ =	shalt  }
0x5f: {  	_ =	shalt  }
0x60: {  	_ =	shalt  }
0x61: {  	_ =	shalt  }
0x62: {  	_ =	shalt  }
0x63: {  	_ =	shalt  }
0x64: {  	_ =	shalt  }
0x65: {  	_ =	shalt  }
0x66: {  	_ =	shalt  }
0x67: {  	_ =	shalt  }
0x68: {  	_ =	shalt  }
0x69: {  	_ =	shalt  }
0x6a: {  	_ =	shalt  }
0x6b: {  	_ =	shalt  }
0x6c: {  	_ =	shalt  }
0x6d: {  	_ =	shalt  }
0x6e: {  	_ =	shalt  }
0x6f: {  	_ =	shalt  }
0x70: {  	_ =	shalt  }
0x71: {  	_ =	shalt  }
0x72: {  	_ =	shalt  }
0x73: {  	_ =	shalt  }
0x74: {  	_ =	shalt  }
0x75: {  	_ =	shalt  }
0x76: {  	_ =	shalt  }
0x77: {  	_ =	shalt  }
0x78: {  	_ =	shalt  }
0x79: {  	_ =	shalt  }
0x7a: {  	_ =	shalt  }
0x7b: {  	_ =	shalt  }
0x7c: {  	_ =	shalt  }
0x7d: {  	_ =	shalt  }
0x7e: {  	_ =	shalt  }
0x7f: {  	_ =	shalt  }
0x80: {  	_ =	shalt  }
0x81: {  	_ =	shalt  }
0x82: {  	_ =	shalt  }
0x83: {  	_ =	shalt  }
0x84: {  	_ =	shalt  }
0x85: {  	_ =	shalt  }
0x86: {  	_ =	shalt  }
0x87: {  	_ =	shalt  }
.Lfunc_end0:
.L_simem_size_0:
called_computation.3_lowered:
.L_overlay_start_0:
0x88: {  	s2 =	sld [smem:$0x3FD9]  }
0x89: {  	s3 =	sld [smem:$0x3FFE];
	_ =	sdelay $0x1  }
0x8a: {  	s1 =	srdreg.scid  }
0x8b: {  	s0 =	sand.u32 $0x1, s1  }
0x8c: {  	s16 =	sshll.u32 s0, $0xA;
	s2 =	sadd.s32 s3, s2  }
0x8d: {  	s2 =	sadd.s32 s2, s16  }
0x8e: {  	[smem:$0x3FBD] =	sst s2  }
0x8f: {  	_ = 	snop  }
0x90: {  	(tm) =	ssettm $0x1  }
0x91: {  	s17 =	sld [smem:$0x3FFB];
	_ =	sdelay $0x3  }
0x92: {  	_ =	strace s17  }
0x93: {  	s2 =	sld [smem:$0x3FFC];
	_ =	sdelay $0x3  }
0x94: {  	_ =	strace s2  }
0x95: {  	s2 =	sld [smem:$0x3FFD];
	_ =	sdelay $0x3  }
0x96: {  	_ =	strace s2  }
0x97: {  	_ =	strace $0x8FFFFFFF  }
0x98: {  	s18 =	sld [smem:$0x3FDB];
	_ =	sdelay $0x1  }
0x99: {  	s19 =	simm.s32 $_scs_section_size  }
0x9a: {  	s4 =	simm.s32 $_size__tile_overlayer_lowered;
	s5 =	simm.s32 $_tile_overlayer_lowered  }
0x9b: {  	s22 =	simm.s32 $0x1BFF;
	s21 =	sshll.u32 s5, $0x1;
	s2 =	sadd.s32 s19, s18  }
0x9c: {  	s6 =	simm.s32 $0x0;
	s20 =	sshll.u32 s4, $0x1;
	s4 =	sadd.s32 s21, s2  }
0x9d: {  	[timem:s6], [sflag:s22] =	dma.local [hbm:s4], s20  }
0x9e: {  	_ =	swait.ge [sflag:s22], s20  }
0x9f: {  	s3 =	ssub.s32 $0x0, s20;
	[sflag:s22] =	ssyncset.done $0x0  }
0xa0: {  	[sflag:s22] =	ssyncadd.s32 s3;
	_ =	sdelay $0x1  }
0xa1: {  	s23 =	simm.s32 $0x1B8B  }
0xa2: {  	_ =	swait.ge [sflag:s23], $0x1  }
0xa3: {  	[sflag:s23] =	ssyncset.done $0x0  }
0xa4: {  	s25 =	simm.s32 $0x1B8E;
	s24 =	sld [smem:$0x3FFE];
	[sflag:s23] =	ssyncadd.s32 $0xFFFFFFFF  }
0xa5: {  	s26 =	simm.s32 $execute0_lowered;
	[smem:$0x3FD2] =	sst s25  }
0xa6: {  	s4 =	sshll.u32 s26, $0x1;
	_ =	strace $0x8000004F;
	[dreg:$0x1] =	wrdreg $0xFFFFFFFF  }
0xa7: {  	s28 =	simm.s32 $_size_execute0_lowered;
	s2 =	sadd.s32 s2, s4;
	[dreg:$0x0] =	wrdreg $0x0  }
0xa8: {  	s4 =	sshll.u32 s28, $0x1;
	[dreg:$0x2] =	wrdreg s2  }
0xa9: {  	[dreg:$0x3] =	wrdreg s4  }
0xaa: {  	[dreg:$0x4] =	wrdreg $0xC0  }
0xab: {  	_ =	task [dreg:s6], $0x5FFFF  }
0xac: {  	[dreg:$0x1] =	wrdreg $0xFFFFFFFF  }
0xad: {  	[dreg:$0x0] =	wrdreg $0x60  }
0xae: {  	[dreg:$0x2] =	wrdreg s24  }
0xaf: {  	[dreg:$0x3] =	wrdreg $0x0  }
0xb0: {  	[dreg:$0x4] =	wrdreg $0x9  }
0xb1: {  	_ =	task.clear_ibuf [dreg:s6], $0x5FFFF;
	_ =	strace $0x9000004F  }
0xb2: {  	s29 =	simm.s32 $0x9;
	_ =	strace $0x80000051  }
0xb3: {  	_ =	swait.ge [sflag:s29], $0x1  }
0xb4: {  	[sflag:s29] =	ssyncadd.s32 $0xFFFFFFFF  }
0xb5: {  	_ =	strace $0x90000051  }
0xb6: {  	_ =	sfence  }
0xb7: {  	s30 =	sld [smem:$0x0];
	_ =	sdelay $0x2  }
0xb8: {  	s31 =	sshll.u32 s1, $0xD;
	s1 =	sshrl.u32 s1, $0x2  }
0xb9: {  	s3 =	sand.u32 $0x4000, s31;
	s1 =	sadd.s32 s1, s30  }
0xba: {  	s0 =	sor.u32 s3, s0;
	s1 =	sshll.u32 s1, $0x11  }
0xbb: {  	s0 =	sor.u32 s1, s0  }
0xbc: {  	s0 =	sadd.s32 $0x8F2B, s0  }
0xbd: {  	[sflag:s0] =	ssyncadd.remote.s32 $0x1  }
0xbe: {  	_ =	sfence.sel $0xFFFF  }
0xbf: {  	[dreg:$0x0] =	wrdreg $0xFFFFFFFF;
	(pc) =	sbr.abs _section_cstart, $3  }
0xc0: {  	[dreg:$0x1] =	wrdreg $0xFFFFFFFF  }
0xc1: {  	_ =	task.clear_ibuf [dreg:s6], $0x2FFFF;
	_ =	strace $0x9FFFFFFF  }
0xc2: {  	(tm) =	ssettm $0x7FFFFFFF  }
0xc3: {  	_ =	shalt  }
tec
execute0_lowered:
.L_overlay_start_1:
0x0: {  	(tag) =	ssettag $0x1  }
0x1: {  	s0 =	rddreg [dreg:$0x0]  }
0x2: {  	s2 =	rddreg [dreg:$0x1];
	s10 =	stileid.u32  }
0x3: {  	s1 =	srdreg.scid;
	s4 =	simm.s32 $0x0;
	s18 =	simm.s32 $0x1  }
0x4: {  	s19 =	simm.s32 $0x2;
	s28 =	simm.s32 $0xFE00;
	s30 =	simm.s32 $0x11E00  }
0x5: {  	s29 =	simm.s32 $0x4;
	s31 =	simm.s32 $0x5;
	s3 =	smul.u32 $0x9E00, s10  }
0x6: {  	s1 =	sand.u32 $0x1, s1;
	[smem:$0x7FF] =	sst s4;
	s4 =	sadd.s32 $0x16800, s0  }
0x7: {  	s6 =	sadd.s32 $0x2C00, s0;
	s7 =	sadd.s32 $0xCA00, s0;
	s11 =	sshll.u32 s10, $0x6  }
0x8: {  	s5 =	smul.u32 $0x9E000, s1;
	_ =	strace $0x80000050;
	s9 =	ssub.s32 $0x2, s1  }
0x9: {  	s1 =	sshll.u32 s1, $0x4;
	[dreg:$0x3] =	wrdreg s11;
	s22 =	sor.u32 $0x1C09, s11  }
0xa: {  	s8 =	sshrl.u32 s3, $0x3;
	s20 =	sshrl.u32 s9, $0x1;
	s1 =	sor.u32 s10, s1  }
0xb: {  	s10 =	sshll.u32 s10, $0x4;
	[dreg:$0x5] =	wrdreg s22;
	s5 =	sadd.s32 s3, s5  }
0xc: {  	s8 =	sadd.s32 s8, s0;
	s3 =	sadd.s32 s3, s2;
	s21 =	smul.u32 $0x4E0, s1  }
0xd: {  	s23 =	sor.u32 $0x9C00, s10;
	p0 =	sgt.u32 s1, $0x3;
	s1 =	simm.s32 $0x6  }
0xe: {  	s5 =	sshrl.u32 s5, $0x3;
	s8 =	sadd.s32 $0x3DC00, s8;
	s25 =	sadd.s32 s7, s23  }
0xf: {  	s0 =	sadd.s32 s5, s0;
	s5 =	ssub.s32 s9, s20;
	[dreg:$0x4] =	wrdreg s8  }
0x10: {  	s24 =	sadd.s32 s6, s21;
	s9 =	sadd.s32 s7, s21;
	[dreg:$0x9] =	wrdreg s25  }
0x11: {  	s6 =	sadd.s32 s6, s23;
	s20 =	simm.s32 $0x80;
	[dreg:$0x6] =	wrdreg s24  }
0x12: {  	s21 =	simm.s32 $0x9E00;
	s23 =	simm.s32 $0xBE00;
	[dreg:$0x7] =	wrdreg s9  }
0x13: {  	s25 =	simm.s32 $0xDE00;
	[dreg:$0x8] =	wrdreg s6;
	s0 =	sadd.s32 $0x51800, s0  }
0x14: {  	s7 =	simm.s32 $0x0;
	s26 =	smax.u32 s5, $0x1;
	[dreg:$0xa] =	wrdreg s0  }
0x15: {  	s6 =	sshrl.u32 s3, $0x3;
	s9 =	simm.s32 $0x9;
	[dreg:$0xb] =	wrdreg s26  }
0x16: {  	s0 =	simm.s32 $0x13E00;
	s26 =	simm.s32 $0x3;
	[dreg:$0xc] =	wrdreg s6  }
.LBB2_1:
0x17: {  	[dreg:$0xd] =	wrdreg s7  }
0x18: {  	s3 =	rddreg [dreg:$0x4]  }
0x19: {  	s5 =	rddreg [dreg:$0x5]  }
0x1a: {  	[spmem:s6], [sflag:s5] =	dma.local [hbm:s3], $0x13C0  }
0x1b: {  	s17 =	simm.s32 $0x0;
	s8 =	simm.s32 $0x19E00;
	s5 =	rddreg [dreg:$0x6]  }
0x1c: {  	[tilespmem:s8], [sflag:$0x1] =	stream.linear.gather [hbm4b:s5+s17], $0x2700, $0x38;
	[tilespmem:$0x1ED00] =	vst v63  }
0x1d: {  	s24 =	simm.s32 $0x1C580;
	s22 =	rddreg [dreg:$0x7]  }
0x1e: {  	[tilespmem:s24], [sflag:$0x2] =	stream.linear.gather [hbm4b:s22+s17], $0x2700, $0x38;
	[tilespmem:$0x1ED00] =	vst v63  }
0x1f: {  	s3 =	simm.s32 @!p0 $0x0;
	s6 =	rddreg [dreg:$0x8];
	s5 =	simm.s32 @!p0 $0x1C500  }
0x20: {  	[tilespmem:s5], [sflag:$0x11] =	stream.linear.gather @!p0 [hbm4b:s6+s3], $0x80, $0x38;
	[tilespmem:$0x1ED00] =	vst v63  }
0x21: {  	s5 =	simm.s32 @!p0 $0x11  }
0x22: {  	_ =	swait.ge @!p0 [sflag:s5], $0x80  }
0x23: {  	[sflag:s5] =	ssyncset.done @!p0 $0x0  }
0x24: {  	s6 =	simm.s32 @!p0 $0x1EC80;
	s7 =	rddreg [dreg:$0x9];
	[sflag:s5] =	ssyncadd.s32 @!p0 $0xFFFFFF80  }
0x25: {  	[tilespmem:s6], [sflag:$0x11] =	stream.linear.gather @!p0 [hbm4b:s7+s3], $0x80, $0x38;
	[tilespmem:$0x1ED00] =	vst v63  }
0x26: {  	_ =	swait.ge @!p0 [sflag:s5], $0x80  }
0x27: {  	[sflag:s5] =	ssyncset.done @!p0 $0x0  }
0x28: {  	[sflag:s5] =	ssyncadd.s32 @!p0 $0xFFFFFF80  }
0x29: {  	_ =	swait.ge [sflag:s9], $0x13C0  }
0x2a: {  	[sflag:s9] =	ssyncset.done $0x0  }
0x2b: {  	[sflag:s9] =	ssyncadd.s32 $0xFFFFEC40  }
0x2c: {  	_ =	swait.ge [sflag:s18], $0x2700  }
0x2d: {  	[sflag:s18] =	ssyncset.done $0x0  }
0x2e: {  	[sflag:s18] =	ssyncadd.s32 $0xFFFFD900  }
0x2f: {  	_ =	swait.ge [sflag:s19], $0x2700  }
0x30: {  	[sflag:s19] =	ssyncset.done $0x0  }
0x31: {  	[sflag:s19] =	ssyncadd.s32 $0xFFFFD900  }
0x32: {  	[bflag:$0x0] =	sbarrier.arrive $0xFFFF  }
0x33: {  	[tilespmem:s21], [sflag:$0x1] =	stream.indirect.gather [hbm4b:s4+s20], $0x40, s8, s20, $0xb8;
	[tilespmem:$0x1ED00] =	vst v63  }
0x34: {  	s5 =	simm.s32 $0x19E80  }
0x35: {  	[tilespmem:s23], [sflag:$0x2] =	stream.indirect.gather [hbm4b:s4+s20], $0x40, s5, s20, $0xb8;
	[tilespmem:$0x1ED00] =	vst v63  }
0x36: {  	s6 =	simm.s32 $0x19F00  }
0x37: {  	[tilespmem:s25], [sflag:$0x3] =	stream.indirect.gather [hbm4b:s4+s20], $0x40, s6, s20, $0xb8;
	[tilespmem:$0x1ED00] =	vst v63  }
0x38: {  	s7 =	simm.s32 $0x19F80  }
0x39: {  	[tilespmem:s28], [sflag:$0x4] =	stream.indirect.gather [hbm4b:s4+s20], $0x40, s7, s20, $0xb8;
	[tilespmem:$0x1ED00] =	vst v63  }
0x3a: {  	s8 =	simm.s32 $0x1A000  }
0x3b: {  	[tilespmem:s30], [sflag:$0x5] =	stream.indirect.gather [hbm4b:s4+s20], $0x40, s8, s20, $0xb8;
	[tilespmem:$0x1ED00] =	vst v63  }
0x3c: {  	s9 =	simm.s32 $0x1A080  }
0x3d: {  	[tilespmem:s0], [sflag:$0x6] =	stream.indirect.gather [hbm4b:s4+s20], $0x40, s9, s20, $0xb8;
	[tilespmem:$0x1ED00] =	vst v63  }
0x3e: {  	s10 =	simm.s32 $0x1A100;
	s11 =	simm.s32 $0x15E00  }
0x3f: {  	[tilespmem:s11], [sflag:$0x7] =	stream.indirect.gather [hbm4b:s4+s20], $0x40, s10, s20, $0xb8;
	[tilespmem:$0x1ED00] =	vst v63  }
0x40: {  	s12 =	simm.s32 $0x1A180;
	s13 =	simm.s32 $0x17E00  }
0x41: {  	[tilespmem:s13], [sflag:$0x8] =	stream.indirect.gather [hbm4b:s4+s20], $0x40, s12, s20, $0xb8;
	[tilespmem:$0x1ED00] =	vst v63  }
0x42: {  	_ =	swait.ge [sflag:s18], $0x2000  }
0x43: {  	[sflag:s18] =	ssyncset.done $0x0  }
0x44: {  	s14 =	simm.s32 $0x1C580;
	[sflag:s18] =	ssyncadd.s32 $0xFFFFE000  }
0x45: {  	[spmem:s2] =	stream.indirect.scatter.add.f32 [tilespmem:s21], [sflag:$0x9], $0x40, s14, s20, $0xb8;
	[tilespmem:$0x1ED00] =	vst v63  }
0x46: {  	_ =	swait.ge [sflag:s19], $0x2000  }
0x47: {  	[sflag:s19] =	ssyncset.done $0x0  }
0x48: {  	s15 =	simm.s32 $0x1C600;
	[sflag:s19] =	ssyncadd.s32 $0xFFFFE000  }
0x49: {  	[spmem:s2] =	stream.indirect.scatter.add.f32 [tilespmem:s23], [sflag:$0xA], $0x40, s15, s20, $0xb8;
	[tilespmem:$0x1ED00] =	vst v63  }
0x4a: {  	_ =	swait.ge [sflag:s26], $0x2000  }
0x4b: {  	[sflag:s26] =	ssyncset.done $0x0  }
0x4c: {  	s16 =	simm.s32 $0x1C680;
	[sflag:s26] =	ssyncadd.s32 $0xFFFFE000  }
0x4d: {  	[spmem:s2] =	stream.indirect.scatter.add.f32 [tilespmem:s25], [sflag:$0xB], $0x40, s16, s20, $0xb8;
	[tilespmem:$0x1ED00] =	vst v63  }
0x4e: {  	_ =	swait.ge [sflag:s29], $0x2000  }
0x4f: {  	[sflag:s29] =	ssyncset.done $0x0  }
0x50: {  	s17 =	simm.s32 $0x1C700;
	[sflag:s29] =	ssyncadd.s32 $0xFFFFE000  }
0x51: {  	[spmem:s2] =	stream.indirect.scatter.add.f32 [tilespmem:s28], [sflag:$0xC], $0x40, s17, s20, $0xb8;
	[tilespmem:$0x1ED00] =	vst v63  }
0x52: {  	_ =	swait.ge [sflag:s31], $0x2000  }
0x53: {  	[sflag:s31] =	ssyncset.done $0x0  }
0x54: {  	s22 =	simm.s32 $0x1C780;
	s10 =	simm.s32 @!p0 $0x4F;
	[sflag:s31] =	ssyncadd.s32 $0xFFFFE000  }
0x55: {  	[spmem:s2] =	stream.indirect.scatter.add.f32 [tilespmem:s30], [sflag:$0xD], $0x40, s22, s20, $0xb8;
	[tilespmem:$0x1ED00] =	vst v63  }
0x56: {  	s10 =	simm.s32 @p0 $0x4E;
	_ =	swait.ge [sflag:s1], $0x2000  }
0x57: {  	p1 =	sle.u32 s10, $0x6;
	[sflag:s1] =	ssyncset.done $0x0  }
0x58: {  	s24 =	simm.s32 $0x1C800;
	s5 =	simm.s32 @!p1 $0x7;
	[sflag:s1] =	ssyncadd.s32 $0xFFFFE000  }
0x59: {  	[spmem:s2] =	stream.indirect.scatter.add.f32 [tilespmem:s0], [sflag:$0xE], $0x40, s24, s20, $0xb8;
	[tilespmem:$0x1ED00] =	vst v63  }
0x5a: {  	p2 =	sle.u32 s10, $0x7;
	_ =	swait.ge @!p1 [sflag:s5], $0x2000  }
0x5b: {  	s3 =	simm.s32 @!p1 $0x1C880;
	s6 =	simm.s32 @!p1 $0x15E00;
	[sflag:s5] =	ssyncset.done @!p1 $0x0  }
0x5c: {  	s11 =	simm.s32 @!p1 $0x80;
	s12 =	simm.s32 @!p2 $0x8;
	[sflag:s5] =	ssyncadd.s32 @!p1 $0xFFFFE000  }
0x5d: {  	[spmem:s2] =	stream.indirect.scatter.add.f32 @!p1 [tilespmem:s6], [sflag:$0xF], $0x40, s3, s11, $0xb8;
	[tilespmem:$0x1ED00] =	vst v63  }
0x5e: {  	s5 =	simm.s32 @!p2 $0x80;
	_ =	swait.ge @!p2 [sflag:s12], $0x2000  }
0x5f: {  	s3 =	simm.s32 @!p2 $0x1C900;
	p1 =	sle.u32 s10, $0x8;
	[sflag:s12] =	ssyncset.done @!p2 $0x0  }
0x60: {  	s6 =	simm.s32 @!p2 $0x17E00;
	s11 =	simm.s32 @!p1 $0x9;
	[sflag:s12] =	ssyncadd.s32 @!p2 $0xFFFFE000  }
0x61: {  	[spmem:s2] =	stream.indirect.scatter.add.f32 @!p2 [tilespmem:s6], [sflag:$0x10], $0x40, s3, s5, $0xb8;
	[tilespmem:$0x1ED00] =	vst v63  }
0x62: {  	s3 =	simm.s32 @!p1 $0x1A200;
	_ =	swait.ge @!p1 [sflag:s11], $0x2000  }
0x63: {  	s5 =	simm.s32 @!p1 $0x9E00;
	p2 =	sle.u32 s10, $0x9;
	[sflag:s11] =	ssyncset.done @!p1 $0x0  }
0x64: {  	s6 =	simm.s32 @!p1 $0x80;
	[sflag:s11] =	ssyncadd.s32 @!p1 $0xFFFFE000;
	s11 =	simm.s32 @!p2 $0xA  }
0x65: {  	[tilespmem:s5], [sflag:$0x1] =	stream.indirect.gather @!p1 [hbm4b:s4+s6], $0x40, s3, s6, $0xb8;
	[tilespmem:$0x1ED00] =	vst v63  }
0x66: {  	s3 =	simm.s32 @!p2 $0x1A280;
	_ =	swait.ge @!p2 [sflag:s11], $0x2000  }
0x67: {  	s5 =	simm.s32 @!p2 $0xBE00;
	p1 =	sle.u32 s10, $0xA;
	[sflag:s11] =	ssyncset.done @!p2 $0x0  }
0x68: {  	s6 =	simm.s32 @!p2 $0x80;
	[sflag:s11] =	ssyncadd.s32 @!p2 $0xFFFFE000;
	s11 =	simm.s32 @!p1 $0xB  }
0x69: {  	[tilespmem:s5], [sflag:$0x2] =	stream.indirect.gather @!p2 [hbm4b:s4+s6], $0x40, s3, s6, $0xb8;
	[tilespmem:$0x1ED00] =	vst v63  }
0x6a: {  	s3 =	simm.s32 @!p1 $0x1A300;
	_ =	swait.ge @!p1 [sflag:s11], $0x2000  }
0x6b: {  	s5 =	simm.s32 @!p1 $0xDE00;
	p2 =	sle.u32 s10, $0xB;
	[sflag:s11] =	ssyncset.done @!p1 $0x0  }
0x6c: {  	s6 =	simm.s32 @!p1 $0x80;
	[sflag:s11] =	ssyncadd.s32 @!p1 $0xFFFFE000;
	s11 =	simm.s32 @!p2 $0xC  }
0x6d: {  	[tilespmem:s5], [sflag:$0x3] =	stream.indirect.gather @!p1 [hbm4b:s4+s6], $0x40, s3, s6, $0xb8;
	[tilespmem:$0x1ED00] =	vst v63  }
0x6e: {  	s3 =	simm.s32 @!p2 $0x1A380;
	_ =	swait.ge @!p2 [sflag:s11], $0x2000  }
0x6f: {  	s5 =	simm.s32 @!p2 $0xFE00;
	p1 =	sle.u32 s10, $0xC;
	[sflag:s11] =	ssyncset.done @!p2 $0x0  }
0x70: {  	s6 =	simm.s32 @!p2 $0x80;
	[sflag:s11] =	ssyncadd.s32 @!p2 $0xFFFFE000;
	s11 =	simm.s32 @!p1 $0xD  }
0x71: {  	[tilespmem:s5], [sflag:$0x4] =	stream.indirect.gather @!p2 [hbm4b:s4+s6], $0x40, s3, s6, $0xb8;
	[tilespmem:$0x1ED00] =	vst v63  }
0x72: {  	s3 =	simm.s32 @!p1 $0x1A400;
	_ =	swait.ge @!p1 [sflag:s11], $0x2000  }
0x73: {  	s5 =	simm.s32 @!p1 $0x11E00;
	p2 =	sle.u32 s10, $0xD;
	[sflag:s11] =	ssyncset.done @!p1 $0x0  }
0x74: {  	s6 =	simm.s32 @!p1 $0x80;
	[sflag:s11] =	ssyncadd.s32 @!p1 $0xFFFFE000;
	s11 =	simm.s32 @!p2 $0xE  }
0x75: {  	[tilespmem:s5], [sflag:$0x5] =	stream.indirect.gather @!p1 [hbm4b:s4+s6], $0x40, s3, s6, $0xb8;
	[tilespmem:$0x1ED00] =	vst v63  }
0x76: {  	s3 =	simm.s32 @!p2 $0x1A480;
	_ =	swait.ge @!p2 [sflag:s11], $0x2000  }
0x77: {  	s5 =	simm.s32 @!p2 $0x13E00;
	p1 =	sle.u32 s10, $0xE;
	[sflag:s11] =	ssyncset.done @!p2 $0x0  }
0x78: {  	s6 =	simm.s32 @!p2 $0x80;
	[sflag:s11] =	ssyncadd.s32 @!p2 $0xFFFFE000;
	s11 =	simm.s32 @!p1 $0xF  }
0x79: {  	[tilespmem:s5], [sflag:$0x6] =	stream.indirect.gather @!p2 [hbm4b:s4+s6], $0x40, s3, s6, $0xb8;
	[tilespmem:$0x1ED00] =	vst v63  }
0x7a: {  	_ =	swait.ge @!p1 [sflag:s11], $0x2000  }
0x7b: {  	p2 =	sle.u32 s10, $0xF;
	s3 =	simm.s32 @!p1 $0x1A500;
	[sflag:s11] =	ssyncset.done @!p1 $0x0  }
0x7c: {  	s5 =	simm.s32 @!p1 $0x80;
	s6 =	simm.s32 @!p1 $0x15E00;
	[sflag:s11] =	ssyncadd.s32 @!p1 $0xFFFFE000  }
0x7d: {  	[tilespmem:s6], [sflag:$0x7] =	stream.indirect.gather @!p1 [hbm4b:s4+s5], $0x40, s3, s5, $0xb8;
	[tilespmem:$0x1ED00] =	vst v63  }
0x7e: {  	s12 =	simm.s32 $0x17;
	s11 =	simm.s32 $0x1000;
	s3 =	simm.s32 @!p2 $0x10  }
0x7f: {  	s5 =	simm.s32 @!p2 $0x1A580;
	s6 =	simm.s32 @!p2 $0x80;
	_ =	swait.ge @!p2 [sflag:s3], $0x2000  }
.LBB2_2:
0x80: {  	[sflag:s3] =	ssyncset.done @!p2 $0x0;
	s16 =	simm.s32 @!p2 $0x17E00  }
0x81: {  	s13 =	smov.u32 s11;
	s11 =	sadd.s32 $0x1000, s11;
	s24 =	smov.u32 s12  }
0x82: {  	s7 =	sshra.s32 s13, $0x2;
	p1 =	sne.s32 s11, $0xA000;
	[sflag:s3] =	ssyncadd.s32 @!p2 $0xFFFFE000  }
0x83: {  	[tilespmem:s16], [sflag:$0x8] =	stream.indirect.gather @!p2 [hbm4b:s4+s6], $0x40, s5, s6, $0xb8;
	[tilespmem:$0x1ED00] =	vst v63  }
0x84: {  	s3 =	sadd.s32 $0x1C580, s7;
	_ =	swait.ge [sflag:s18], $0x2000  }
0x85: {  	[sflag:s18] =	ssyncset.done $0x0  }
0x86: {  	[sflag:s18] =	ssyncadd.s32 $0xFFFFE000  }
0x87: {  	[spmem:s2] =	stream.indirect.scatter.add.f32 [tilespmem:s21], [sflag:$0x9], $0x40, s3, s20, $0xb8;
	[tilespmem:$0x1ED00] =	vst v63  }
0x88: {  	s3 =	sadd.s32 $0x1C600, s7;
	_ =	swait.ge [sflag:s19], $0x2000  }
0x89: {  	[sflag:s19] =	ssyncset.done $0x0  }
0x8a: {  	[sflag:s19] =	ssyncadd.s32 $0xFFFFE000  }
0x8b: {  	[spmem:s2] =	stream.indirect.scatter.add.f32 [tilespmem:s23], [sflag:$0xA], $0x40, s3, s20, $0xb8;
	[tilespmem:$0x1ED00] =	vst v63  }
0x8c: {  	s3 =	sadd.s32 $0x1C680, s7;
	_ =	swait.ge [sflag:s26], $0x2000  }
0x8d: {  	[sflag:s26] =	ssyncset.done $0x0  }
0x8e: {  	[sflag:s26] =	ssyncadd.s32 $0xFFFFE000  }
0x8f: {  	[spmem:s2] =	stream.indirect.scatter.add.f32 [tilespmem:s25], [sflag:$0xB], $0x40, s3, s20, $0xb8;
	[tilespmem:$0x1ED00] =	vst v63  }
0x90: {  	s3 =	sadd.s32 $0x1C700, s7;
	_ =	swait.ge [sflag:s29], $0x2000  }
0x91: {  	s12 =	sadd.s32 $0x8, s12;
	p2 =	sge.u32 s24, s10;
	[sflag:s29] =	ssyncset.done $0x0  }
0x92: {  	s16 =	sadd.s32 $0xFFFFFFFE, s24;
	s5 =	sadd.s32 $0xFFFFFFFF, s24;
	[sflag:s29] =	ssyncadd.s32 $0xFFFFE000  }
0x93: {  	[spmem:s2] =	stream.indirect.scatter.add.f32 [tilespmem:s28], [sflag:$0xC], $0x40, s3, s20, $0xb8;
	[tilespmem:$0x1ED00] =	vst v63  }
0x94: {  	s22 =	sadd.s32 $0xFFFFFFFD, s24;
	s8 =	sadd.s32 $0x1C780, s7;
	_ =	swait.ge [sflag:s31], $0x2000  }
0x95: {  	s6 =	sadd.s32 $0xFFFFFFFB, s24;
	s3 =	sadd.s32 $0xFFFFFFFC, s24;
	[sflag:s31] =	ssyncset.done $0x0  }
0x96: {  	s15 =	sadd.s32 $0xFFFFFFF7, s24;
	s14 =	sadd.s32 $0xFFFFFFF8, s24;
	[sflag:s31] =	ssyncadd.s32 $0xFFFFE000  }
0x97: {  	[spmem:s2] =	stream.indirect.scatter.add.f32 [tilespmem:s30], [sflag:$0xD], $0x40, s8, s20, $0xb8;
	[tilespmem:$0x1ED00] =	vst v63  }
0x98: {  	p3 =	sge.u32 s15, s10;
	s7 =	sadd.s32 $0x1C800, s7;
	_ =	swait.ge [sflag:s1], $0x2000  }
0x99: {  	s15 =	sshra.s32 @!p3 s13, $0x2;
	s8 =	simm.s32 @!p3 $0x7;
	[sflag:s1] =	ssyncset.done $0x0  }
0x9a: {  	s17 =	simm.s32 @!p3 $0x15E00;
	s15 =	sadd.s32 @!p3 $0x1C880, s15;
	[sflag:s1] =	ssyncadd.s32 $0xFFFFE000  }
0x9b: {  	[spmem:s2] =	stream.indirect.scatter.add.f32 [tilespmem:s0], [sflag:$0xE], $0x40, s7, s20, $0xb8;
	[tilespmem:$0x1ED00] =	vst v63  }
0x9c: {  	p4 =	sge.u32 s14, s10;
	s7 =	simm.s32 @!p3 $0x80;
	_ =	swait.ge @!p3 [sflag:s8], $0x2000  }
0x9d: {  	s14 =	simm.s32 @!p4 $0x8;
	s9 =	sshra.s32 @!p4 s13, $0x2;
	[sflag:s8] =	ssyncset.done @!p3 $0x0  }
0x9e: {  	[sflag:s8] =	ssyncadd.s32 @!p3 $0xFFFFE000;
	s8 =	sadd.s32 @!p4 $0x1C900, s9;
	s9 =	sadd.s32 $0xFFFFFFF9, s24  }
0x9f: {  	[spmem:s2] =	stream.indirect.scatter.add.f32 @!p3 [tilespmem:s17], [sflag:$0xF], $0x40, s15, s7, $0xb8;
	[tilespmem:$0x1ED00] =	vst v63  }
0xa0: {  	s7 =	simm.s32 @!p4 $0x80;
	s15 =	simm.s32 @!p4 $0x17E00;
	_ =	swait.ge @!p4 [sflag:s14], $0x2000  }
0xa1: {  	p3 =	sge.u32 s9, s10;
	s9 =	sadd.s32 $0xFFFFFFFA, s24;
	[sflag:s14] =	ssyncset.done @!p4 $0x0  }
0xa2: {  	s17 =	sshra.s32 @!p3 s13, $0x2;
	[sflag:s14] =	ssyncadd.s32 @!p4 $0xFFFFE000;
	s14 =	simm.s32 @!p3 $0x9  }
0xa3: {  	[spmem:s2] =	stream.indirect.scatter.add.f32 @!p4 [tilespmem:s15], [sflag:$0x10], $0x40, s8, s7, $0xb8;
	[tilespmem:$0x1ED00] =	vst v63  }
0xa4: {  	s7 =	sadd.s32 @!p3 $0x1A200, s17;
	s8 =	simm.s32 @!p3 $0x9E00;
	_ =	swait.ge @!p3 [sflag:s14], $0x2000  }
0xa5: {  	s15 =	simm.s32 @!p3 $0x80;
	p4 =	sge.u32 s9, s10;
	[sflag:s14] =	ssyncset.done @!p3 $0x0  }
0xa6: {  	s9 =	simm.s32 @!p4 $0xA;
	[sflag:s14] =	ssyncadd.s32 @!p3 $0xFFFFE000;
	s14 =	sshra.s32 @!p4 s13, $0x2  }
0xa7: {  	[tilespmem:s8], [sflag:$0x1] =	stream.indirect.gather @!p3 [hbm4b:s4+s15], $0x40, s7, s15, $0xb8;
	[tilespmem:$0x1ED00] =	vst v63  }
0xa8: {  	s7 =	sadd.s32 @!p4 $0x1A280, s14;
	s8 =	simm.s32 @!p4 $0xBE00;
	_ =	swait.ge @!p4 [sflag:s9], $0x2000  }
0xa9: {  	s14 =	simm.s32 @!p4 $0x80;
	p3 =	sge.u32 s6, s10;
	[sflag:s9] =	ssyncset.done @!p4 $0x0  }
0xaa: {  	s6 =	simm.s32 @!p3 $0xB;
	[sflag:s9] =	ssyncadd.s32 @!p4 $0xFFFFE000;
	s9 =	sshra.s32 @!p3 s13, $0x2  }
0xab: {  	[tilespmem:s8], [sflag:$0x2] =	stream.indirect.gather @!p4 [hbm4b:s4+s14], $0x40, s7, s14, $0xb8;
	[tilespmem:$0x1ED00] =	vst v63  }
0xac: {  	s7 =	sadd.s32 @!p3 $0x1A300, s9;
	s8 =	simm.s32 @!p3 $0xDE00;
	_ =	swait.ge @!p3 [sflag:s6], $0x2000  }
0xad: {  	s9 =	simm.s32 @!p3 $0x80;
	p4 =	sge.u32 s3, s10;
	[sflag:s6] =	ssyncset.done @!p3 $0x0  }
0xae: {  	s3 =	simm.s32 @!p4 $0xC;
	[sflag:s6] =	ssyncadd.s32 @!p3 $0xFFFFE000;
	s6 =	sshra.s32 @!p4 s13, $0x2  }
0xaf: {  	[tilespmem:s8], [sflag:$0x3] =	stream.indirect.gather @!p3 [hbm4b:s4+s9], $0x40, s7, s9, $0xb8;
	[tilespmem:$0x1ED00] =	vst v63  }
0xb0: {  	s6 =	sadd.s32 @!p4 $0x1A380, s6;
	s7 =	simm.s32 @!p4 $0xFE00;
	_ =	swait.ge @!p4 [sflag:s3], $0x2000  }
0xb1: {  	s8 =	simm.s32 @!p4 $0x80;
	p3 =	sge.u32 s22, s10;
	[sflag:s3] =	ssyncset.done @!p4 $0x0  }
0xb2: {  	s9 =	sshra.s32 @!p3 s13, $0x2;
	[sflag:s3] =	ssyncadd.s32 @!p4 $0xFFFFE000;
	s3 =	simm.s32 @!p3 $0xD  }
0xb3: {  	[tilespmem:s7], [sflag:$0x4] =	stream.indirect.gather @!p4 [hbm4b:s4+s8], $0x40, s6, s8, $0xb8;
	[tilespmem:$0x1ED00] =	vst v63  }
0xb4: {  	s6 =	sadd.s32 @!p3 $0x1A400, s9;
	s7 =	simm.s32 @!p3 $0x11E00;
	_ =	swait.ge @!p3 [sflag:s3], $0x2000  }
0xb5: {  	s8 =	simm.s32 @!p3 $0x80;
	p4 =	sge.u32 s16, s10;
	[sflag:s3] =	ssyncset.done @!p3 $0x0  }
0xb6: {  	s9 =	sshra.s32 @!p4 s13, $0x2;
	[sflag:s3] =	ssyncadd.s32 @!p3 $0xFFFFE000;
	s3 =	simm.s32 @!p4 $0xE  }
0xb7: {  	[tilespmem:s7], [sflag:$0x5] =	stream.indirect.gather @!p3 [hbm4b:s4+s8], $0x40, s6, s8, $0xb8;
	[tilespmem:$0x1ED00] =	vst v63  }
0xb8: {  	s6 =	sadd.s32 @!p4 $0x1A480, s9;
	s7 =	simm.s32 @!p4 $0x13E00;
	_ =	swait.ge @!p4 [sflag:s3], $0x2000  }
0xb9: {  	s8 =	simm.s32 @!p4 $0x80;
	p3 =	sge.u32 s5, s10;
	[sflag:s3] =	ssyncset.done @!p4 $0x0  }
0xba: {  	s5 =	sshra.s32 @!p3 s13, $0x2;
	[sflag:s3] =	ssyncadd.s32 @!p4 $0xFFFFE000;
	s3 =	simm.s32 @!p3 $0xF  }
0xbb: {  	[tilespmem:s7], [sflag:$0x6] =	stream.indirect.gather @!p4 [hbm4b:s4+s8], $0x40, s6, s8, $0xb8;
	[tilespmem:$0x1ED00] =	vst v63  }
.Ltmp0:
0xbc: {  	s5 =	sadd.s32 @!p3 $0x1A500, s5;
	_ =	swait.ge @!p3 [sflag:s3], $0x2000;
	(pc) =	sbr.rel @p1 .LBB2_2-.Ltmp0, $4  }
0xbd: {  	s6 =	simm.s32 @!p3 $0x80;
	s7 =	simm.s32 @!p3 $0x15E00;
	[sflag:s3] =	ssyncset.done @!p3 $0x0  }
0xbe: {  	s8 =	sshra.s32 @!p2 s13, $0x2;
	[sflag:s3] =	ssyncadd.s32 @!p3 $0xFFFFE000;
	s3 =	simm.s32 @!p2 $0x10  }
0xbf: {  	[tilespmem:s7], [sflag:$0x7] =	stream.indirect.gather @!p3 [hbm4b:s4+s6], $0x40, s5, s6, $0xb8;
	[tilespmem:$0x1ED00] =	vst v63  }
0xc0: {  	s5 =	sadd.s32 @!p2 $0x1A580, s8;
	s6 =	simm.s32 @!p2 $0x80;
	_ =	swait.ge @!p2 [sflag:s3], $0x2000  }
0xc1: {  	[sflag:s3] =	ssyncset.done @!p2 $0x0  }
0xc2: {  	s7 =	simm.s32 @!p2 $0x17E00;
	s9 =	simm.s32 $0x9;
	[sflag:s3] =	ssyncadd.s32 @!p2 $0xFFFFE000  }
0xc3: {  	[tilespmem:s7], [sflag:$0x8] =	stream.indirect.gather @!p2 [hbm4b:s4+s6], $0x40, s5, s6, $0xb8;
	[tilespmem:$0x1ED00] =	vst v63  }
0xc4: {  	_ =	swait.ge [sflag:s9], $0x2000  }
0xc5: {  	[sflag:s9] =	ssyncset.done $0x0  }
0xc6: {  	s7 =	simm.s32 $0xA;
	[sflag:s9] =	ssyncadd.s32 $0xFFFFE000  }
0xc7: {  	_ =	swait.ge [sflag:s7], $0x2000  }
0xc8: {  	[sflag:s7] =	ssyncset.done $0x0  }
0xc9: {  	s8 =	simm.s32 $0xB;
	[sflag:s7] =	ssyncadd.s32 $0xFFFFE000  }
0xca: {  	_ =	swait.ge [sflag:s8], $0x2000  }
0xcb: {  	[sflag:s8] =	ssyncset.done $0x0  }
0xcc: {  	s10 =	simm.s32 $0xC;
	[sflag:s8] =	ssyncadd.s32 $0xFFFFE000  }
0xcd: {  	_ =	swait.ge [sflag:s10], $0x2000  }
0xce: {  	[sflag:s10] =	ssyncset.done $0x0  }
0xcf: {  	s11 =	simm.s32 $0xD;
	[sflag:s10] =	ssyncadd.s32 $0xFFFFE000  }
0xd0: {  	_ =	swait.ge [sflag:s11], $0x2000  }
0xd1: {  	[sflag:s11] =	ssyncset.done $0x0  }
0xd2: {  	s12 =	simm.s32 $0xE;
	[sflag:s11] =	ssyncadd.s32 $0xFFFFE000  }
0xd3: {  	_ =	swait.ge [sflag:s12], $0x2000  }
0xd4: {  	[sflag:s12] =	ssyncset.done $0x0  }
0xd5: {  	s13 =	simm.s32 $0xF;
	[sflag:s12] =	ssyncadd.s32 $0xFFFFE000  }
0xd6: {  	_ =	swait.ge [sflag:s13], $0x2000  }
0xd7: {  	[sflag:s13] =	ssyncset.done $0x0  }
0xd8: {  	s14 =	simm.s32 $0x10;
	[sflag:s13] =	ssyncadd.s32 $0xFFFFE000  }
0xd9: {  	_ =	swait.ge [sflag:s14], $0x2000  }
0xda: {  	[sflag:s14] =	ssyncset.done $0x0  }
0xdb: {  	[sflag:s14] =	ssyncadd.s32 $0xFFFFE000  }
0xdc: {  	[bflag:$0x0] =	sbarrier.arrive $0xFFFF  }
0xdd: {  	s15 =	rddreg [dreg:$0x3]  }
0xde: {  	s16 =	rddreg [dreg:$0xa]  }
0xdf: {  	s17 =	simm.s32 $0x11;
	s6 =	rddreg [dreg:$0xc];
	s3 =	sor.u32 $0x1C11, s15  }
0xe0: {  	[hbm:s16], [sflag:s3] =	dma.local [spmem:s6], $0x13C0  }
0xe1: {  	_ =	swait.ge [sflag:s17], $0x13C0  }
0xe2: {  	s22 =	rddreg [dreg:$0xd]  }
0xe3: {  	s24 =	rddreg [dreg:$0xb];
	s7 =	sadd.s32 $0x1, s22  }
0xe4: {  	p1 =	sne.s32 s7, s24  }
.Ltmp1:
0xe5: {  	_ = 	snop;
	(pc) =	sbr.rel @p1 .LBB2_1-.Ltmp1, $3  }
0xe6: {  	_ =	sdelay $0x1  }
0xe7: {  	[sflag:s17] =	ssyncset.done $0x0  }
0xe8: {  	[sflag:s17] =	ssyncadd.s32 $0xFFFFEC40  }
0xe9: {  	_ =	sfence.sel $0x180000  }
0xea: {  	[bflag:$0x0] =	sbarrier.arrive $0xFFFF  }
0xeb: {  	_ =	strace $0x90000050  }
0xec: {  	s0 =	stileid.u32;
	[bflag:$0x2] =	sbarrier.arrive $0xFFFF  }
0xed: {  	p0 =	sne.s32 s0, $0x0;
	s0 =	rddreg [dreg:$0x2]  }
0xee: {  	s0 =	sadd.s32 @!p0 $0x100000, s0  }
0xef: {  	[sflag:s0] =	ssyncadd.tile.s32 @!p0 $0x1;
	_ =	shalt  }
.Lfunc_end2:
_tile_overlayer_lowered:
.L_overlay_start_2:
0xf0: {  	(tag) =	ssettag $0x2  }
0xf1: {  	s0 =	rddreg [dreg:$0x0];
	s2 =	stileid.u32  }
0xf2: {  	s1 =	rddreg [dreg:$0x1];
	p0 =	sne.s32 s2, $0x0  }
0xf3: {  	s3 =	rddreg [dreg:$0x2];
	[bflag:$0x3] =	sbarrier.arrive $0xFFFF;
	s2 =	simm.s32 @!p0 $0x1C11  }
0xf4: {  	[timem:s3], [sflag:s2] =	dma.local @!p0 [hbm:s0], s1  }
0xf5: {  	s0 =	simm.s32 @!p0 $0x11  }
0xf6: {  	_ =	swait.ge @!p0 [sflag:s0], s1  }
0xf7: {  	s1 =	ssub.s32 @!p0 $0x0, s1;
	[sflag:s0] =	ssyncset.done @!p0 $0x0  }
0xf8: {  	[sflag:s0] =	ssyncadd.s32 @!p0 s1  }
0xf9: {  	[bflag:$0x3] =	sbarrier.arrive $0xFFFF  }
0xfa: {  	_ =	shalt  }

// kernel: gcn_agg_l1.3.cloned.1.call-start
scs
__scs_entry_jumppad:
0x0: {  	(pc) =	sbr.rel $0x88, $3  }
0x1: {  	(tag) =	ssettag $0x0;
	lr =	simm.s32 $0x1  }
0x2: {  	[smem:$0x3F96] =	sst lr;
	_ =	strace $0xD0000000  }
0x3: {  	_ = 	snop  }
0x4: {  	_ = 	snop  }
0x5: {  	_ = 	snop  }
0x6: {  	_ = 	snop  }
0x7: {  	_ = 	snop  }
__scs_overlays_trampoline_lowered:
0x8: {  	[smem:$0x3FA5] =	sst s0  }
0x9: {  	[smem:$0x3FA6] =	sst s1  }
0xa: {  	[smem:$0x3FA7] =	sst s2  }
0xb: {  	[smem:$0x3FA8] =	sst s3  }
0xc: {  	[smem:$0x3FA9] =	sst s4  }
0xd: {  	[smem:$0x3FAA] =	sst s5  }
0xe: {  	[smem:$0x3FAB] =	sst s6  }
0xf: {  	[smem:$0x3FAC] =	sst s7  }
0x10: {  	[smem:$0x3FAD] =	sst s8  }
0x11: {  	[smem:$0x3FAE] =	sst s9;
	s0 =	simm.s32 @!p0 $0x0  }
0x12: {  	s1 =	sld [smem:$0x3F94];
	s0 =	simm.s32 @p0 $0x1  }
0x13: {  	[smem:$0x3FAF] =	sst s0;
	s0 =	simm.s32 @!p1 $0x0  }
0x14: {  	s2 =	sld [smem:$0x3F93];
	s0 =	simm.s32 @p1 $0x1  }
0x15: {  	[smem:$0x3FB0] =	sst s0;
	s0 =	simm.s32 @!p2 $0x0  }
0x16: {  	s3 =	sld [smem:$0x3FDB];
	s0 =	simm.s32 @p2 $0x1  }
0x17: {  	s4 =	simm.s32 $0x1BF5;
	[smem:$0x3FB2] =	sst s0  }
0x18: {  	s0 =	sld [smem:$0x3F95];
	_ =	swait.ge [sflag:s4], $0x0  }
0x19: {  	s7 =	sld [smem:$0x3F96]  }
0x1a: {  	s8 =	sadd.s32 $0xFFFFE003, lr  }
0x1b: {  	s9 =	sadd.s32 $0xFFFFFEF7, lr;
	s5 =	simm.s32 $0xFFFFFFFF;
	p2 =	slt.u32 s8, $0xFFFFF086  }
0x1c: {  	p1 =	slt.u32 s9, $0xF7A;
	s5 =	simm.s32 @!p2 $0x0  }
0x1d: {  	s5 =	simm.s32 @p1 $0x1;
	p0 =	seq.s32 s7, s2  }
0x1e: {  	s7 =	smul.u32 @!p0 $0xF7A, s2;
	p2 =	seq.s32 @!p0 s5, $0x0  }
0x1f: {  	s9 =	smul.u32 $0xF7A, s1;
	s8 =	simm.s32 @!p0 $0x1BF5;
	p2 =	por !p2, p0  }
0x20: {  	[sflag:s8] =	ssyncset.s32 @!p0 $0xFFFFF086;
	s6 =	sadd.s32 @!p0 s3, s7;
	s7 =	simm.s32 @!p0 $0x108  }
0x21: {  	s3 =	sadd.s32 s3, s9;
	s6 =	sadd.s32 @!p0 $0x88, s6;
	s7 =	simm.s32 @p2 $0x1082  }
0x22: {  	[simem:s7], [sflag:s8] =	dma.local @!p0 [hbm:s6], $0xF7A  }
0x23: {  	s9 =	sor.u32 $0xD0000000, s2;
	s6 =	simm.s32 $0x108;
	_ =	swait.ge @!p0 [sflag:s8], $0x0  }
0x24: {  	s3 =	sadd.s32 $0x88, s3;
	s6 =	simm.s32 @!p1 $0x1082;
	[sflag:s4] =	ssyncset.s32 $0xFFFFF086  }
0x25: {  	[simem:s6], [sflag:s4] =	dma.local [hbm:s3], $0xF7A  }
0x26: {  	[smem:$0x3F96] =	sst s1;
	(tag) =	ssettag s2;
	_ =	strace s9  }
0x27: {  	s1 =	sld [smem:$0x3FA6]  }
0x28: {  	s2 =	sld [smem:$0x3FA7]  }
0x29: {  	s4 =	sld [smem:$0x3FA9]  }
0x2a: {  	p0 =	seq.s32 s5, $0x0;
	s5 =	sld [smem:$0x3FAA]  }
0x2b: {  	s6 =	sld [smem:$0x3FAB]  }
0x2c: {  	s7 =	sld [smem:$0x3FAC]  }
0x2d: {  	s3 =	simm.s32 $0x108;
	s8 =	sld [smem:$0x3FAD]  }
0x2e: {  	s3 =	simm.s32 @!p0 $0x1082;
	s9 =	sld [smem:$0x3FAE]  }
0x2f: {  	lr =	sadd.s32 s0, s3;
	s0 =	sld [smem:$0x3FA5]  }
0x30: {  	s3 =	sld [smem:$0x3FA8]  }
0x31: {  	[smem:$0x3FB1] =	sst s10  }
0x32: {  	s10 =	sld [smem:$0x3FAF];
	_ =	sdelay $0x3  }
0x33: {  	p0 =	seq.s32 s10, $0x1;
	s10 =	sld [smem:$0x3FB1];
	_ =	sdelay $0x3  }
0x34: {  	[smem:$0x3FB1] =	sst s10  }
0x35: {  	s10 =	sld [smem:$0x3FB0];
	_ =	sdelay $0x3  }
0x36: {  	p1 =	seq.s32 s10, $0x1;
	s10 =	sld [smem:$0x3FB1];
	_ =	sdelay $0x3  }
0x37: {  	[smem:$0x3FB1] =	sst s10  }
0x38: {  	s10 =	sld [smem:$0x3FB2]  }
0x39: {  	_ = 	snop;
	(pc) =	sbr.ind lr, $3  }
0x3a: {  	_ = 	snop  }
0x3b: {  	_ = 	snop  }
0x3c: {  	p2 =	seq.s32 s10, $0x1;
	s10 =	sld [smem:$0x3FB1]  }
0x3d: {  	_ =	shalt  }
0x3e: {  	_ =	shalt  }
0x3f: {  	_ =	shalt  }
0x40: {  	_ =	shalt  }
0x41: {  	_ =	shalt  }
0x42: {  	_ =	shalt  }
0x43: {  	_ =	shalt  }
0x44: {  	_ =	shalt  }
0x45: {  	_ =	shalt  }
0x46: {  	_ =	shalt  }
0x47: {  	_ =	shalt  }
0x48: {  	_ =	shalt  }
0x49: {  	_ =	shalt  }
0x4a: {  	_ =	shalt  }
0x4b: {  	_ =	shalt  }
0x4c: {  	_ =	shalt  }
0x4d: {  	_ =	shalt  }
0x4e: {  	_ =	shalt  }
0x4f: {  	_ =	shalt  }
0x50: {  	_ =	shalt  }
0x51: {  	_ =	shalt  }
0x52: {  	_ =	shalt  }
0x53: {  	_ =	shalt  }
0x54: {  	_ =	shalt  }
0x55: {  	_ =	shalt  }
0x56: {  	_ =	shalt  }
0x57: {  	_ =	shalt  }
0x58: {  	_ =	shalt  }
0x59: {  	_ =	shalt  }
0x5a: {  	_ =	shalt  }
0x5b: {  	_ =	shalt  }
0x5c: {  	_ =	shalt  }
0x5d: {  	_ =	shalt  }
0x5e: {  	_ =	shalt  }
0x5f: {  	_ =	shalt  }
0x60: {  	_ =	shalt  }
0x61: {  	_ =	shalt  }
0x62: {  	_ =	shalt  }
0x63: {  	_ =	shalt  }
0x64: {  	_ =	shalt  }
0x65: {  	_ =	shalt  }
0x66: {  	_ =	shalt  }
0x67: {  	_ =	shalt  }
0x68: {  	_ =	shalt  }
0x69: {  	_ =	shalt  }
0x6a: {  	_ =	shalt  }
0x6b: {  	_ =	shalt  }
0x6c: {  	_ =	shalt  }
0x6d: {  	_ =	shalt  }
0x6e: {  	_ =	shalt  }
0x6f: {  	_ =	shalt  }
0x70: {  	_ =	shalt  }
0x71: {  	_ =	shalt  }
0x72: {  	_ =	shalt  }
0x73: {  	_ =	shalt  }
0x74: {  	_ =	shalt  }
0x75: {  	_ =	shalt  }
0x76: {  	_ =	shalt  }
0x77: {  	_ =	shalt  }
0x78: {  	_ =	shalt  }
0x79: {  	_ =	shalt  }
0x7a: {  	_ =	shalt  }
0x7b: {  	_ =	shalt  }
0x7c: {  	_ =	shalt  }
0x7d: {  	_ =	shalt  }
0x7e: {  	_ =	shalt  }
0x7f: {  	_ =	shalt  }
0x80: {  	_ =	shalt  }
0x81: {  	_ =	shalt  }
0x82: {  	_ =	shalt  }
0x83: {  	_ =	shalt  }
0x84: {  	_ =	shalt  }
0x85: {  	_ =	shalt  }
0x86: {  	_ =	shalt  }
0x87: {  	_ =	shalt  }
.Lfunc_end0:
.L_simem_size_0:
called_computation.1_lowered:
.L_overlay_start_0:
0x88: {  	s2 =	sld [smem:$0x3FD9]  }
0x89: {  	s3 =	sld [smem:$0x3FFE];
	_ =	sdelay $0x1  }
0x8a: {  	s1 =	srdreg.scid  }
0x8b: {  	s0 =	sand.u32 $0x1, s1  }
0x8c: {  	s16 =	sshll.u32 s0, $0xA;
	s2 =	sadd.s32 s3, s2  }
0x8d: {  	s2 =	sadd.s32 s2, s16  }
0x8e: {  	[smem:$0x3FBD] =	sst s2  }
0x8f: {  	_ = 	snop  }
0x90: {  	(tm) =	ssettm $0x1  }
0x91: {  	s17 =	sld [smem:$0x3FFB];
	_ =	sdelay $0x3  }
0x92: {  	_ =	strace s17  }
0x93: {  	s2 =	sld [smem:$0x3FFC];
	_ =	sdelay $0x3  }
0x94: {  	_ =	strace s2  }
0x95: {  	s2 =	sld [smem:$0x3FFD];
	_ =	sdelay $0x3  }
0x96: {  	_ =	strace s2  }
0x97: {  	_ =	strace $0x8FFFFFFF  }
0x98: {  	s18 =	sld [smem:$0x3FDB];
	_ =	sdelay $0x1  }
0x99: {  	s19 =	simm.s32 $_scs_section_size  }
0x9a: {  	s4 =	simm.s32 $_size__tile_overlayer_lowered;
	s5 =	simm.s32 $_tile_overlayer_lowered  }
0x9b: {  	s22 =	simm.s32 $0x1BFF;
	s21 =	sshll.u32 s5, $0x1;
	s2 =	sadd.s32 s19, s18  }
0x9c: {  	s6 =	simm.s32 $0x0;
	s20 =	sshll.u32 s4, $0x1;
	s4 =	sadd.s32 s21, s2  }
0x9d: {  	[timem:s6], [sflag:s22] =	dma.local [hbm:s4], s20  }
0x9e: {  	_ =	swait.ge [sflag:s22], s20  }
0x9f: {  	s3 =	ssub.s32 $0x0, s20;
	[sflag:s22] =	ssyncset.done $0x0  }
0xa0: {  	[sflag:s22] =	ssyncadd.s32 s3;
	_ =	sdelay $0x1  }
0xa1: {  	s23 =	simm.s32 $0x1B8B  }
0xa2: {  	_ =	swait.ge [sflag:s23], $0x1  }
0xa3: {  	[sflag:s23] =	ssyncset.done $0x0  }
0xa4: {  	s25 =	simm.s32 $0x1B8E;
	s24 =	sld [smem:$0x3FFE];
	[sflag:s23] =	ssyncadd.s32 $0xFFFFFFFF  }
0xa5: {  	s26 =	simm.s32 $execute0_lowered;
	[smem:$0x3FD2] =	sst s25  }
0xa6: {  	s4 =	sshll.u32 s26, $0x1;
	_ =	strace $0x80000049;
	[dreg:$0x1] =	wrdreg $0xFFFFFFFF  }
0xa7: {  	s28 =	simm.s32 $_size_execute0_lowered;
	s2 =	sadd.s32 s2, s4;
	[dreg:$0x0] =	wrdreg $0x0  }
0xa8: {  	s4 =	sshll.u32 s28, $0x1;
	[dreg:$0x2] =	wrdreg s2  }
0xa9: {  	[dreg:$0x3] =	wrdreg s4  }
0xaa: {  	[dreg:$0x4] =	wrdreg $0xC0  }
0xab: {  	_ =	task [dreg:s6], $0x5FFFF  }
0xac: {  	[dreg:$0x1] =	wrdreg $0xFFFFFFFF  }
0xad: {  	[dreg:$0x0] =	wrdreg $0x60  }
0xae: {  	[dreg:$0x2] =	wrdreg s24  }
0xaf: {  	[dreg:$0x3] =	wrdreg $0x0  }
0xb0: {  	[dreg:$0x4] =	wrdreg $0x9E000  }
0xb1: {  	[dreg:$0x5] =	wrdreg $0x9  }
0xb2: {  	_ =	task.clear_ibuf [dreg:s6], $0x6FFFF;
	_ =	strace $0x90000049  }
0xb3: {  	s29 =	simm.s32 $0x9;
	_ =	strace $0x8000004B  }
0xb4: {  	_ =	swait.ge [sflag:s29], $0x1  }
0xb5: {  	[sflag:s29] =	ssyncadd.s32 $0xFFFFFFFF  }
0xb6: {  	_ =	strace $0x9000004B  }
0xb7: {  	_ =	sfence  }
0xb8: {  	s30 =	sld [smem:$0x0];
	_ =	sdelay $0x2  }
0xb9: {  	s31 =	sshll.u32 s1, $0xD;
	s1 =	sshrl.u32 s1, $0x2  }
0xba: {  	s3 =	sand.u32 $0x4000, s31;
	s1 =	sadd.s32 s1, s30  }
0xbb: {  	s0 =	sor.u32 s3, s0;
	s1 =	sshll.u32 s1, $0x11  }
0xbc: {  	s0 =	sor.u32 s1, s0  }
0xbd: {  	s0 =	sadd.s32 $0x8F2B, s0  }
0xbe: {  	[sflag:s0] =	ssyncadd.remote.s32 $0x1  }
0xbf: {  	_ =	sfence.sel $0xFFFF  }
0xc0: {  	[dreg:$0x0] =	wrdreg $0xFFFFFFFF;
	(pc) =	sbr.abs _section_cstart, $3  }
0xc1: {  	[dreg:$0x1] =	wrdreg $0xFFFFFFFF  }
0xc2: {  	_ =	task.clear_ibuf [dreg:s6], $0x2FFFF;
	_ =	strace $0x9FFFFFFF  }
0xc3: {  	(tm) =	ssettm $0x7FFFFFFF  }
tec
execute0_lowered:
.L_overlay_start_1:
0x0: {  	(tag) =	ssettag $0x1  }
0x1: {  	s0 =	rddreg [dreg:$0x0]  }
0x2: {  	s2 =	rddreg [dreg:$0x1]  }
0x3: {  	s3 =	rddreg [dreg:$0x2]  }
0x4: {  	s4 =	simm.s32 $0x0;
	s14 =	stileid.u32;
	s1 =	srdreg.scid  }
0x5: {  	s20 =	simm.s32 $0x19C00;
	s28 =	simm.s32 $0x19C80;
	s29 =	simm.s32 $0x15C00  }
0x6: {  	s30 =	simm.s32 $0x19D00;
	s31 =	simm.s32 $0x17C00;
	s21 =	simm.s32 $0x6  }
0x7: {  	[smem:$0x7FF] =	sst s4;
	s22 =	smul.u32 $0x9E00, s14;
	s1 =	sand.u32 $0x1, s1  }
0x8: {  	s5 =	sadd.s32 $0x2A200, s0;
	s6 =	sadd.s32 $0x16800, s0;
	s9 =	sadd.s32 $0x2C00, s0  }
0x9: {  	s10 =	sadd.s32 $0xCA00, s0;
	_ =	strace $0x8000004A;
	s7 =	smul.u32 $0x9E000, s1  }
0xa: {  	s11 =	ssub.s32 $0x2, s1;
	s1 =	sshll.u32 s1, $0x4;
	s8 =	sshrl.u32 s22, $0x3  }
0xb: {  	s23 =	sshrl.u32 s11, $0x1;
	s12 =	sadd.s32 s22, s2;
	s1 =	sor.u32 s14, s1  }
0xc: {  	s4 =	sadd.s32 s22, s3;
	s7 =	sadd.s32 s22, s7;
	s8 =	sadd.s32 s8, s0  }
0xd: {  	s11 =	ssub.s32 s11, s23;
	s13 =	smul.u32 $0x4E0, s1;
	p0 =	sgt.u32 s1, $0x3  }
0xe: {  	s17 =	sshrl.u32 s12, $0x3;
	s19 =	sshrl.u32 s4, $0x3;
	s22 =	simm.s32 $0x4  }
0xf: {  	s23 =	simm.s32 $0x1;
	s1 =	simm.s32 $0x5;
	s7 =	sshrl.u32 s7, $0x3  }
0x10: {  	s4 =	simm.s32 $0x0;
	s16 =	smax.u32 s11, $0x1;
	s0 =	sadd.s32 s7, s0  }
0x11: {  	s7 =	sadd.s32 $0x3DC00, s8;
	s8 =	sshll.u32 s14, $0x6;
	s24 =	sadd.s32 s9, s13  }
0x12: {  	s14 =	sshll.u32 s14, $0x4;
	s13 =	sadd.s32 s10, s13;
	[dreg:$0x5] =	wrdreg s24  }
0x13: {  	s15 =	sor.u32 $0x1C04, s8;
	[dreg:$0x6] =	wrdreg s13;
	s25 =	sor.u32 $0x9C00, s14  }
0x14: {  	s14 =	sadd.s32 $0x79000, s0;
	s18 =	sor.u32 $0x1C05, s8;
	s24 =	simm.s32 $0x2  }
0x15: {  	[dreg:$0x4] =	wrdreg s15;
	s9 =	sadd.s32 s9, s25;
	s26 =	sadd.s32 s10, s25  }
0x16: {  	s15 =	sadd.s32 $0x51800, s0;
	s25 =	simm.s32 $0x80;
	[dreg:$0x7] =	wrdreg s9  }
0x17: {  	s0 =	simm.s32 $0x3;
	[dreg:$0x8] =	wrdreg s26;
	s26 =	simm.s32 $0x13C00  }
.LBB2_1:
0x18: {  	s9 =	rddreg [dreg:$0x4]  }
0x19: {  	[spmem:s17], [sflag:s9] =	dma.local [hbm:s7], $0x13C0  }
0x1a: {  	[spmem:s19], [sflag:s18] =	dma.local [hbm:s7], $0x13C0  }
0x1b: {  	s13 =	simm.s32 $0x0;
	s10 =	rddreg [dreg:$0x5]  }
0x1c: {  	[tilespmem:s20], [sflag:$0x1] =	stream.linear.gather [hbm4b:s10+s13], $0x2700, $0x38;
	[tilespmem:$0x1EB00] =	vst v63  }
0x1d: {  	s11 =	simm.s32 $0x1C380;
	s12 =	rddreg [dreg:$0x6]  }
0x1e: {  	[tilespmem:s11], [sflag:$0x2] =	stream.linear.gather [hbm4b:s12+s13], $0x2700, $0x38;
	[tilespmem:$0x1EB00] =	vst v63  }
0x1f: {  	s9 =	simm.s32 @!p0 $0x0;
	s10 =	simm.s32 @!p0 $0x1C300;
	s11 =	rddreg [dreg:$0x7]  }
0x20: {  	[tilespmem:s10], [sflag:$0x7] =	stream.linear.gather @!p0 [hbm4b:s11+s9], $0x80, $0x38;
	[tilespmem:$0x1EB00] =	vst v63  }
0x21: {  	s10 =	simm.s32 @!p0 $0x7  }
0x22: {  	_ =	swait.ge @!p0 [sflag:s10], $0x80  }
0x23: {  	[sflag:s10] =	ssyncset.done @!p0 $0x0  }
0x24: {  	s11 =	simm.s32 @!p0 $0x1EA80;
	s12 =	rddreg [dreg:$0x8];
	[sflag:s10] =	ssyncadd.s32 @!p0 $0xFFFFFF80  }
0x25: {  	[tilespmem:s11], [sflag:$0x7] =	stream.linear.gather @!p0 [hbm4b:s12+s9], $0x80, $0x38;
	[tilespmem:$0x1EB00] =	vst v63  }
0x26: {  	_ =	swait.ge @!p0 [sflag:s10], $0x80  }
0x27: {  	[sflag:s10] =	ssyncset.done @!p0 $0x0  }
0x28: {  	[sflag:s10] =	ssyncadd.s32 @!p0 $0xFFFFFF80  }
0x29: {  	_ =	swait.ge [sflag:s22], $0x13C0  }
0x2a: {  	[sflag:s22] =	ssyncset.done $0x0  }
0x2b: {  	[sflag:s22] =	ssyncadd.s32 $0xFFFFEC40  }
0x2c: {  	_ =	swait.ge [sflag:s1], $0x13C0  }
0x2d: {  	[sflag:s1] =	ssyncset.done $0x0  }
0x2e: {  	[sflag:s1] =	ssyncadd.s32 $0xFFFFEC40  }
0x2f: {  	_ =	swait.ge [sflag:s23], $0x2700  }
0x30: {  	[sflag:s23] =	ssyncset.done $0x0  }
0x31: {  	[sflag:s23] =	ssyncadd.s32 $0xFFFFD900  }
0x32: {  	_ =	swait.ge [sflag:s24], $0x2700  }
0x33: {  	[sflag:s24] =	ssyncset.done $0x0  }
0x34: {  	[sflag:s24] =	ssyncadd.s32 $0xFFFFD900  }
0x35: {  	[bflag:$0x0] =	sbarrier.arrive $0xFFFF  }
0x36: {  	[tilespmem:s26], [sflag:$0x1] =	stream.indirect.gather [hbm4b:s5+s25], $0x40, s20, s25, $0xb8;
	[tilespmem:$0x1EB00] =	vst v63  }
0x37: {  	_ = 	snop  }
0x38: {  	[tilespmem:s29], [sflag:$0x2] =	stream.indirect.gather [hbm4b:s5+s25], $0x40, s28, s25, $0xb8;
	[tilespmem:$0x1EB00] =	vst v63  }
0x39: {  	_ = 	snop  }
0x3a: {  	[tilespmem:s31], [sflag:$0x3] =	stream.indirect.gather [hbm4b:s5+s25], $0x40, s30, s25, $0xb8;
	[tilespmem:$0x1EB00] =	vst v63  }
0x3b: {  	_ =	swait.ge [sflag:s23], $0x2000  }
0x3c: {  	[sflag:s23] =	ssyncset.done $0x0  }
0x3d: {  	s13 =	simm.s32 $0x1C380;
	[sflag:s23] =	ssyncadd.s32 $0xFFFFE000  }
0x3e: {  	[spmem:s2] =	stream.indirect.scatter.add.f32 [tilespmem:s26], [sflag:$0x4], $0x40, s13, s25, $0xb8;
	[tilespmem:$0x1EB00] =	vst v63  }
0x3f: {  	_ =	swait.ge [sflag:s24], $0x2000  }
0x40: {  	[sflag:s24] =	ssyncset.done $0x0  }
0x41: {  	s10 =	simm.s32 $0x1C400;
	[sflag:s24] =	ssyncadd.s32 $0xFFFFE000  }
0x42: {  	[spmem:s2] =	stream.indirect.scatter.add.f32 [tilespmem:s29], [sflag:$0x5], $0x40, s10, s25, $0xb8;
	[tilespmem:$0x1EB00] =	vst v63  }
0x43: {  	_ =	swait.ge [sflag:s0], $0x2000  }
0x44: {  	[sflag:s0] =	ssyncset.done $0x0  }
0x45: {  	s11 =	simm.s32 $0x1C480;
	[sflag:s0] =	ssyncadd.s32 $0xFFFFE000  }
0x46: {  	[spmem:s2] =	stream.indirect.scatter.add.f32 [tilespmem:s31], [sflag:$0x6], $0x40, s11, s25, $0xb8;
	[tilespmem:$0x1EB00] =	vst v63  }
0x47: {  	_ =	swait.ge [sflag:s22], $0x2000  }
0x48: {  	[sflag:s22] =	ssyncset.done $0x0  }
0x49: {  	s12 =	simm.s32 $0x19D80;
	[sflag:s22] =	ssyncadd.s32 $0xFFFFE000  }
0x4a: {  	[tilespmem:s26], [sflag:$0x1] =	stream.indirect.gather [hbm4b:s5+s25], $0x40, s12, s25, $0xb8;
	[tilespmem:$0x1EB00] =	vst v63  }
0x4b: {  	_ =	swait.ge [sflag:s1], $0x2000  }
0x4c: {  	[sflag:s1] =	ssyncset.done $0x0  }
0x4d: {  	s13 =	simm.s32 $0x19E00;
	[sflag:s1] =	ssyncadd.s32 $0xFFFFE000  }
0x4e: {  	[tilespmem:s29], [sflag:$0x2] =	stream.indirect.gather [hbm4b:s5+s25], $0x40, s13, s25, $0xb8;
	[tilespmem:$0x1EB00] =	vst v63  }
0x4f: {  	s9 =	simm.s32 @!p0 $0x4F;
	_ =	swait.ge [sflag:s21], $0x2000  }
0x50: {  	s9 =	simm.s32 @p0 $0x4E;
	s10 =	simm.s32 $0x8;
	[sflag:s21] =	ssyncset.done $0x0  }
0x51: {  	s11 =	simm.s32 $0x600;
	s12 =	simm.s32 $0x19E80;
	[sflag:s21] =	ssyncadd.s32 $0xFFFFE000  }
.LBB2_2:
0x52: {  	[tilespmem:s31], [sflag:$0x3] =	stream.indirect.gather [hbm4b:s5+s25], $0x40, s12, s25, $0xb8;
	[tilespmem:$0x1EB00] =	vst v63  }
0x53: {  	s12 =	smov.u32 s11;
	s11 =	sadd.s32 $0x600, s11;
	_ =	swait.ge [sflag:s23], $0x2000  }
0x54: {  	s12 =	sshra.s32 s12, $0x2;
	p1 =	sne.s32 s11, $0x9600;
	[sflag:s23] =	ssyncset.done $0x0  }
0x55: {  	s13 =	sadd.s32 $0x1C380, s12;
	[sflag:s23] =	ssyncadd.s32 $0xFFFFE000  }
0x56: {  	[spmem:s2] =	stream.indirect.scatter.add.f32 [tilespmem:s26], [sflag:$0x4], $0x40, s13, s25, $0xb8;
	[tilespmem:$0x1EB00] =	vst v63  }
0x57: {  	_ =	swait.ge [sflag:s24], $0x2000  }
0x58: {  	[sflag:s24] =	ssyncset.done $0x0  }
0x59: {  	s13 =	sadd.s32 $0x1C400, s12;
	[sflag:s24] =	ssyncadd.s32 $0xFFFFE000  }
0x5a: {  	[spmem:s2] =	stream.indirect.scatter.add.f32 [tilespmem:s29], [sflag:$0x5], $0x40, s13, s25, $0xb8;
	[tilespmem:$0x1EB00] =	vst v63  }
0x5b: {  	_ =	swait.ge [sflag:s0], $0x2000  }
0x5c: {  	[sflag:s0] =	ssyncset.done $0x0  }
0x5d: {  	s13 =	sadd.s32 $0x1C480, s12;
	[sflag:s0] =	ssyncadd.s32 $0xFFFFE000  }
0x5e: {  	[spmem:s2] =	stream.indirect.scatter.add.f32 [tilespmem:s31], [sflag:$0x6], $0x40, s13, s25, $0xb8;
	[tilespmem:$0x1EB00] =	vst v63  }
0x5f: {  	_ =	swait.ge [sflag:s22], $0x2000  }
0x60: {  	[sflag:s22] =	ssyncset.done $0x0  }
0x61: {  	s13 =	sadd.s32 $0x19D80, s12;
	[sflag:s22] =	ssyncadd.s32 $0xFFFFE000  }
0x62: {  	[tilespmem:s26], [sflag:$0x1] =	stream.indirect.gather [hbm4b:s5+s25], $0x40, s13, s25, $0xb8;
	[tilespmem:$0x1EB00] =	vst v63  }
0x63: {  	_ =	swait.ge [sflag:s1], $0x2000  }
0x64: {  	[sflag:s1] =	ssyncset.done $0x0  }
.Ltmp0:
0x65: {  	s13 =	sadd.s32 $0x19E00, s12;
	[sflag:s1] =	ssyncadd.s32 $0xFFFFE000;
	(pc) =	sbr.rel @p1 .LBB2_2-.Ltmp0, $4  }
0x66: {  	[tilespmem:s29], [sflag:$0x2] =	stream.indirect.gather [hbm4b:s5+s25], $0x40, s13, s25, $0xb8;
	[tilespmem:$0x1EB00] =	vst v63  }
0x67: {  	_ =	swait.ge [sflag:s21], $0x2000  }
0x68: {  	[sflag:s21] =	ssyncset.done $0x0  }
0x69: {  	s10 =	sadd.s32 $0x3, s10;
	s12 =	sadd.s32 $0x19E80, s12;
	[sflag:s21] =	ssyncadd.s32 $0xFFFFE000  }
0x6a: {  	[tilespmem:s31], [sflag:$0x3] =	stream.indirect.gather [hbm4b:s5+s25], $0x40, s12, s25, $0xb8;
	[tilespmem:$0x1EB00] =	vst v63  }
0x6b: {  	_ =	swait.ge [sflag:s23], $0x2000  }
0x6c: {  	s11 =	sshra.s32 s11, $0x2;
	[sflag:s23] =	ssyncset.done $0x0  }
0x6d: {  	s13 =	sadd.s32 $0x1C380, s11;
	[sflag:s23] =	ssyncadd.s32 $0xFFFFE000  }
0x6e: {  	[spmem:s2] =	stream.indirect.scatter.add.f32 [tilespmem:s26], [sflag:$0x4], $0x40, s13, s25, $0xb8;
	[tilespmem:$0x1EB00] =	vst v63  }
0x6f: {  	_ =	swait.ge [sflag:s24], $0x2000  }
0x70: {  	[sflag:s24] =	ssyncset.done $0x0  }
0x71: {  	s13 =	sadd.s32 $0x1C400, s11;
	[sflag:s24] =	ssyncadd.s32 $0xFFFFE000  }
0x72: {  	[spmem:s2] =	stream.indirect.scatter.add.f32 [tilespmem:s29], [sflag:$0x5], $0x40, s13, s25, $0xb8;
	[tilespmem:$0x1EB00] =	vst v63  }
0x73: {  	_ =	swait.ge [sflag:s0], $0x2000  }
0x74: {  	s13 =	sadd.s32 $0xFFFFFFFE, s10;
	[sflag:s0] =	ssyncset.done $0x0  }
0x75: {  	s11 =	sadd.s32 $0x1C480, s11;
	p1 =	sge.u32 s13, s9;
	[sflag:s0] =	ssyncadd.s32 $0xFFFFE000  }
0x76: {  	[spmem:s2] =	stream.indirect.scatter.add.f32 [tilespmem:s31], [sflag:$0x6], $0x40, s11, s25, $0xb8;
	[tilespmem:$0x1EB00] =	vst v63  }
0x77: {  	s11 =	simm.s32 @!p1 $0x4  }
0x78: {  	_ =	swait.ge @!p1 [sflag:s11], $0x2000  }
0x79: {  	s12 =	simm.s32 @!p1 $0x1C300;
	[sflag:s11] =	ssyncset.done @!p1 $0x0  }
0x7a: {  	s13 =	simm.s32 @!p1 $0x13C00;
	[sflag:s11] =	ssyncadd.s32 @!p1 $0xFFFFE000;
	s11 =	simm.s32 @!p1 $0x80  }
0x7b: {  	[tilespmem:s13], [sflag:$0x1] =	stream.indirect.gather @!p1 [hbm4b:s5+s11], $0x40, s12, s11, $0xb8;
	[tilespmem:$0x1EB00] =	vst v63  }
0x7c: {  	p1 =	sge.u32 s10, s9  }
0x7d: {  	s10 =	simm.s32 @!p1 $0x6  }
0x7e: {  	_ =	swait.ge @!p1 [sflag:s10], $0x2000  }
0x7f: {  	s11 =	simm.s32 @!p1 $0x1C400;
	[sflag:s10] =	ssyncset.done @!p1 $0x0  }
0x80: {  	s12 =	simm.s32 @!p1 $0x17C00;
	[sflag:s10] =	ssyncadd.s32 @!p1 $0xFFFFE000;
	s10 =	simm.s32 @!p1 $0x80  }
0x81: {  	[tilespmem:s12], [sflag:$0x3] =	stream.indirect.gather @!p1 [hbm4b:s5+s10], $0x40, s11, s10, $0xb8;
	[tilespmem:$0x1EB00] =	vst v63  }
0x82: {  	s10 =	simm.s32 @!p0 $0x1  }
0x83: {  	_ =	swait.ge @!p0 [sflag:s10], $0x2000  }
0x84: {  	s11 =	simm.s32 @!p0 $0x1EA80;
	[sflag:s10] =	ssyncset.done @!p0 $0x0  }
0x85: {  	s12 =	simm.s32 @!p0 $0x13C00;
	[sflag:s10] =	ssyncadd.s32 @!p0 $0xFFFFE000;
	s10 =	simm.s32 @!p0 $0x80  }
0x86: {  	[spmem:s2] =	stream.indirect.scatter.add.f32 @!p0 [tilespmem:s12], [sflag:$0x4], $0x40, s11, s10, $0xb8;
	[tilespmem:$0x1EB00] =	vst v63  }
0x87: {  	_ =	swait.ge [sflag:s22], $0x2000  }
0x88: {  	[sflag:s22] =	ssyncset.done $0x0  }
0x89: {  	s11 =	simm.s32 $0x5;
	[sflag:s22] =	ssyncadd.s32 $0xFFFFE000  }
0x8a: {  	_ =	swait.ge [sflag:s11], $0x2000  }
0x8b: {  	[sflag:s11] =	ssyncset.done $0x0  }
0x8c: {  	[sflag:s11] =	ssyncadd.s32 $0xFFFFE000  }
0x8d: {  	_ =	swait.ge [sflag:s21], $0x2000  }
0x8e: {  	[sflag:s21] =	ssyncset.done $0x0  }
0x8f: {  	[sflag:s21] =	ssyncadd.s32 $0xFFFFE000  }
0x90: {  	[tilespmem:s26], [sflag:$0x1] =	stream.indirect.gather [hbm4b:s6+s25], $0x40, s20, s25, $0xb8;
	[tilespmem:$0x1EB00] =	vst v63  }
0x91: {  	_ = 	snop  }
0x92: {  	[tilespmem:s29], [sflag:$0x2] =	stream.indirect.gather [hbm4b:s6+s25], $0x40, s28, s25, $0xb8;
	[tilespmem:$0x1EB00] =	vst v63  }
0x93: {  	_ = 	snop  }
0x94: {  	[tilespmem:s31], [sflag:$0x3] =	stream.indirect.gather [hbm4b:s6+s25], $0x40, s30, s25, $0xb8;
	[tilespmem:$0x1EB00] =	vst v63  }
0x95: {  	_ =	swait.ge [sflag:s23], $0x2000  }
0x96: {  	[sflag:s23] =	ssyncset.done $0x0  }
0x97: {  	s12 =	simm.s32 $0x1C380;
	[sflag:s23] =	ssyncadd.s32 $0xFFFFE000  }
0x98: {  	[spmem:s3] =	stream.indirect.scatter.add.f32 [tilespmem:s26], [sflag:$0x4], $0x40, s12, s25, $0xb8;
	[tilespmem:$0x1EB00] =	vst v63  }
0x99: {  	_ =	swait.ge [sflag:s24], $0x2000  }
0x9a: {  	[sflag:s24] =	ssyncset.done $0x0  }
0x9b: {  	s13 =	simm.s32 $0x1C400;
	[sflag:s24] =	ssyncadd.s32 $0xFFFFE000  }
0x9c: {  	[spmem:s3] =	stream.indirect.scatter.add.f32 [tilespmem:s29], [sflag:$0x5], $0x40, s13, s25, $0xb8;
	[tilespmem:$0x1EB00] =	vst v63  }
0x9d: {  	_ =	swait.ge [sflag:s0], $0x2000  }
0x9e: {  	[sflag:s0] =	ssyncset.done $0x0  }
0x9f: {  	s11 =	simm.s32 $0x1C480;
	[sflag:s0] =	ssyncadd.s32 $0xFFFFE000  }
0xa0: {  	[spmem:s3] =	stream.indirect.scatter.add.f32 [tilespmem:s31], [sflag:$0x6], $0x40, s11, s25, $0xb8;
	[tilespmem:$0x1EB00] =	vst v63  }
0xa1: {  	_ =	swait.ge [sflag:s22], $0x2000  }
0xa2: {  	[sflag:s22] =	ssyncset.done $0x0  }
0xa3: {  	s12 =	simm.s32 $0x19D80;
	[sflag:s22] =	ssyncadd.s32 $0xFFFFE000  }
0xa4: {  	[tilespmem:s26], [sflag:$0x1] =	stream.indirect.gather [hbm4b:s6+s25], $0x40, s12, s25, $0xb8;
	[tilespmem:$0x1EB00] =	vst v63  }
0xa5: {  	_ =	swait.ge [sflag:s1], $0x2000  }
0xa6: {  	[sflag:s1] =	ssyncset.done $0x0  }
0xa7: {  	s13 =	simm.s32 $0x19E00;
	[sflag:s1] =	ssyncadd.s32 $0xFFFFE000  }
0xa8: {  	[tilespmem:s29], [sflag:$0x2] =	stream.indirect.gather [hbm4b:s6+s25], $0x40, s13, s25, $0xb8;
	[tilespmem:$0x1EB00] =	vst v63  }
0xa9: {  	_ =	swait.ge [sflag:s21], $0x2000  }
0xaa: {  	s10 =	simm.s32 $0x8;
	[sflag:s21] =	ssyncset.done $0x0  }
0xab: {  	s11 =	simm.s32 $0x600;
	s12 =	simm.s32 $0x19E80;
	[sflag:s21] =	ssyncadd.s32 $0xFFFFE000  }
.LBB2_4:
0xac: {  	[tilespmem:s31], [sflag:$0x3] =	stream.indirect.gather [hbm4b:s6+s25], $0x40, s12, s25, $0xb8;
	[tilespmem:$0x1EB00] =	vst v63  }
0xad: {  	s12 =	smov.u32 s11;
	s11 =	sadd.s32 $0x600, s11;
	_ =	swait.ge [sflag:s23], $0x2000  }
0xae: {  	s12 =	sshra.s32 s12, $0x2;
	p1 =	sne.s32 s11, $0x9600;
	[sflag:s23] =	ssyncset.done $0x0  }
0xaf: {  	s13 =	sadd.s32 $0x1C380, s12;
	[sflag:s23] =	ssyncadd.s32 $0xFFFFE000  }
0xb0: {  	[spmem:s3] =	stream.indirect.scatter.add.f32 [tilespmem:s26], [sflag:$0x4], $0x40, s13, s25, $0xb8;
	[tilespmem:$0x1EB00] =	vst v63  }
0xb1: {  	_ =	swait.ge [sflag:s24], $0x2000  }
0xb2: {  	[sflag:s24] =	ssyncset.done $0x0  }
0xb3: {  	s13 =	sadd.s32 $0x1C400, s12;
	[sflag:s24] =	ssyncadd.s32 $0xFFFFE000  }
0xb4: {  	[spmem:s3] =	stream.indirect.scatter.add.f32 [tilespmem:s29], [sflag:$0x5], $0x40, s13, s25, $0xb8;
	[tilespmem:$0x1EB00] =	vst v63  }
0xb5: {  	_ =	swait.ge [sflag:s0], $0x2000  }
0xb6: {  	[sflag:s0] =	ssyncset.done $0x0  }
0xb7: {  	s13 =	sadd.s32 $0x1C480, s12;
	[sflag:s0] =	ssyncadd.s32 $0xFFFFE000  }
0xb8: {  	[spmem:s3] =	stream.indirect.scatter.add.f32 [tilespmem:s31], [sflag:$0x6], $0x40, s13, s25, $0xb8;
	[tilespmem:$0x1EB00] =	vst v63  }
0xb9: {  	_ =	swait.ge [sflag:s22], $0x2000  }
0xba: {  	[sflag:s22] =	ssyncset.done $0x0  }
0xbb: {  	s13 =	sadd.s32 $0x19D80, s12;
	[sflag:s22] =	ssyncadd.s32 $0xFFFFE000  }
0xbc: {  	[tilespmem:s26], [sflag:$0x1] =	stream.indirect.gather [hbm4b:s6+s25], $0x40, s13, s25, $0xb8;
	[tilespmem:$0x1EB00] =	vst v63  }
0xbd: {  	_ =	swait.ge [sflag:s1], $0x2000  }
0xbe: {  	[sflag:s1] =	ssyncset.done $0x0  }
.Ltmp1:
0xbf: {  	s13 =	sadd.s32 $0x19E00, s12;
	[sflag:s1] =	ssyncadd.s32 $0xFFFFE000;
	(pc) =	sbr.rel @p1 .LBB2_4-.Ltmp1, $4  }
0xc0: {  	[tilespmem:s29], [sflag:$0x2] =	stream.indirect.gather [hbm4b:s6+s25], $0x40, s13, s25, $0xb8;
	[tilespmem:$0x1EB00] =	vst v63  }
0xc1: {  	_ =	swait.ge [sflag:s21], $0x2000  }
0xc2: {  	[sflag:s21] =	ssyncset.done $0x0  }
0xc3: {  	s10 =	sadd.s32 $0x3, s10;
	s12 =	sadd.s32 $0x19E80, s12;
	[sflag:s21] =	ssyncadd.s32 $0xFFFFE000  }
0xc4: {  	[tilespmem:s31], [sflag:$0x3] =	stream.indirect.gather [hbm4b:s6+s25], $0x40, s12, s25, $0xb8;
	[tilespmem:$0x1EB00] =	vst v63  }
0xc5: {  	_ =	swait.ge [sflag:s23], $0x2000  }
0xc6: {  	s11 =	sshra.s32 s11, $0x2;
	[sflag:s23] =	ssyncset.done $0x0  }
0xc7: {  	s13 =	sadd.s32 $0x1C380, s11;
	[sflag:s23] =	ssyncadd.s32 $0xFFFFE000  }
0xc8: {  	[spmem:s3] =	stream.indirect.scatter.add.f32 [tilespmem:s26], [sflag:$0x4], $0x40, s13, s25, $0xb8;
	[tilespmem:$0x1EB00] =	vst v63  }
0xc9: {  	_ =	swait.ge [sflag:s24], $0x2000  }
0xca: {  	[sflag:s24] =	ssyncset.done $0x0  }
0xcb: {  	s13 =	sadd.s32 $0x1C400, s11;
	[sflag:s24] =	ssyncadd.s32 $0xFFFFE000  }
0xcc: {  	[spmem:s3] =	stream.indirect.scatter.add.f32 [tilespmem:s29], [sflag:$0x5], $0x40, s13, s25, $0xb8;
	[tilespmem:$0x1EB00] =	vst v63  }
0xcd: {  	_ =	swait.ge [sflag:s0], $0x2000  }
0xce: {  	s13 =	sadd.s32 $0xFFFFFFFE, s10;
	[sflag:s0] =	ssyncset.done $0x0  }
0xcf: {  	s11 =	sadd.s32 $0x1C480, s11;
	p1 =	sge.u32 s13, s9;
	[sflag:s0] =	ssyncadd.s32 $0xFFFFE000  }
0xd0: {  	[spmem:s3] =	stream.indirect.scatter.add.f32 [tilespmem:s31], [sflag:$0x6], $0x40, s11, s25, $0xb8;
	[tilespmem:$0x1EB00] =	vst v63  }
0xd1: {  	s11 =	simm.s32 @!p1 $0x4  }
0xd2: {  	_ =	swait.ge @!p1 [sflag:s11], $0x2000  }
0xd3: {  	s12 =	simm.s32 @!p1 $0x1C300;
	[sflag:s11] =	ssyncset.done @!p1 $0x0  }
0xd4: {  	s13 =	simm.s32 @!p1 $0x13C00;
	[sflag:s11] =	ssyncadd.s32 @!p1 $0xFFFFE000;
	s11 =	simm.s32 @!p1 $0x80  }
0xd5: {  	[tilespmem:s13], [sflag:$0x1] =	stream.indirect.gather @!p1 [hbm4b:s6+s11], $0x40, s12, s11, $0xb8;
	[tilespmem:$0x1EB00] =	vst v63  }
0xd6: {  	p1 =	sge.u32 s10, s9  }
0xd7: {  	s9 =	simm.s32 @!p1 $0x6  }
0xd8: {  	_ =	swait.ge @!p1 [sflag:s9], $0x2000  }
0xd9: {  	s10 =	simm.s32 @!p1 $0x1C400;
	[sflag:s9] =	ssyncset.done @!p1 $0x0  }
0xda: {  	s11 =	simm.s32 @!p1 $0x17C00;
	[sflag:s9] =	ssyncadd.s32 @!p1 $0xFFFFE000;
	s9 =	simm.s32 @!p1 $0x80  }
0xdb: {  	[tilespmem:s11], [sflag:$0x3] =	stream.indirect.gather @!p1 [hbm4b:s6+s9], $0x40, s10, s9, $0xb8;
	[tilespmem:$0x1EB00] =	vst v63  }
0xdc: {  	s9 =	simm.s32 @!p0 $0x1  }
0xdd: {  	_ =	swait.ge @!p0 [sflag:s9], $0x2000  }
0xde: {  	s10 =	simm.s32 @!p0 $0x1EA80;
	[sflag:s9] =	ssyncset.done @!p0 $0x0  }
0xdf: {  	s11 =	simm.s32 @!p0 $0x13C00;
	[sflag:s9] =	ssyncadd.s32 @!p0 $0xFFFFE000;
	s9 =	simm.s32 @!p0 $0x80  }
0xe0: {  	[spmem:s3] =	stream.indirect.scatter.add.f32 @!p0 [tilespmem:s11], [sflag:$0x4], $0x40, s10, s9, $0xb8;
	[tilespmem:$0x1EB00] =	vst v63  }
0xe1: {  	_ =	swait.ge [sflag:s22], $0x2000  }
0xe2: {  	[sflag:s22] =	ssyncset.done $0x0  }
0xe3: {  	[sflag:s22] =	ssyncadd.s32 $0xFFFFE000  }
0xe4: {  	_ =	swait.ge [sflag:s1], $0x2000  }
0xe5: {  	[sflag:s1] =	ssyncset.done $0x0  }
0xe6: {  	[sflag:s1] =	ssyncadd.s32 $0xFFFFE000  }
0xe7: {  	_ =	swait.ge [sflag:s21], $0x2000  }
0xe8: {  	[sflag:s21] =	ssyncset.done $0x0  }
0xe9: {  	s4 =	sadd.s32 $0x1, s4;
	[sflag:s21] =	ssyncadd.s32 $0xFFFFE000  }
0xea: {  	s12 =	sor.u32 $0x1C01, s8;
	s13 =	sor.u32 $0x1C02, s8;
	[bflag:$0x0] =	sbarrier.arrive $0xFFFF  }
0xeb: {  	[hbm:s14], [sflag:s12] =	dma.local [spmem:s17], $0x13C0  }
0xec: {  	[hbm:s15], [sflag:s13] =	dma.local [spmem:s19], $0x13C0  }
0xed: {  	p1 =	sne.s32 s4, s16;
	_ =	swait.ge [sflag:s23], $0x13C0  }
.Ltmp2:
0xee: {  	[sflag:s23] =	ssyncset.done $0x0;
	(pc) =	sbr.rel @p1 .LBB2_1-.Ltmp2, $4  }
0xef: {  	[sflag:s23] =	ssyncadd.s32 $0xFFFFEC40  }
0xf0: {  	_ =	swait.ge [sflag:s24], $0x13C0  }
0xf1: {  	[sflag:s24] =	ssyncset.done $0x0  }
0xf2: {  	[sflag:s24] =	ssyncadd.s32 $0xFFFFEC40  }
0xf3: {  	_ =	sfence.sel $0x180000  }
0xf4: {  	[bflag:$0x0] =	sbarrier.arrive $0xFFFF  }
0xf5: {  	_ =	strace $0x9000004A  }
0xf6: {  	s0 =	stileid.u32;
	[bflag:$0x2] =	sbarrier.arrive $0xFFFF  }
0xf7: {  	p0 =	sne.s32 s0, $0x0;
	s0 =	rddreg [dreg:$0x3]  }
0xf8: {  	s0 =	sadd.s32 @!p0 $0x100000, s0  }
0xf9: {  	[sflag:s0] =	ssyncadd.tile.s32 @!p0 $0x1;
	_ =	shalt  }
.Lfunc_end2:
_tile_overlayer_lowered:
.L_overlay_start_2:
0xfa: {  	(tag) =	ssettag $0x2  }
0xfb: {  	s0 =	rddreg [dreg:$0x0];
	s2 =	stileid.u32  }
0xfc: {  	s1 =	rddreg [dreg:$0x1];
	p0 =	sne.s32 s2, $0x0  }
0xfd: {  	s3 =	rddreg [dreg:$0x2];
	[bflag:$0x3] =	sbarrier.arrive $0xFFFF;
	s2 =	simm.s32 @!p0 $0x1C07  }
0xfe: {  	[timem:s3], [sflag:s2] =	dma.local @!p0 [hbm:s0], s1  }
0xff: {  	s0 =	simm.s32 @!p0 $0x7  }
0x100: {  	_ =	swait.ge @!p0 [sflag:s0], s1  }
0x101: {  	s1 =	ssub.s32 @!p0 $0x0, s1;
	[sflag:s0] =	ssyncset.done @!p0 $0x0  }
0x102: {  	[sflag:s0] =	ssyncadd.s32 @!p0 s1  }
0x103: {  	[bflag:$0x3] =	sbarrier.arrive $0xFFFF  }
0x104: {  	_ =	shalt  }

// kernel: gcn_deg.3.cloned.1.call-start
scs
__scs_entry_jumppad:
0x0: {  	(pc) =	sbr.rel $0x88, $3  }
0x1: {  	(tag) =	ssettag $0x0;
	lr =	simm.s32 $0x1  }
0x2: {  	[smem:$0x3F96] =	sst lr;
	_ =	strace $0xD0000000  }
0x3: {  	_ = 	snop  }
0x4: {  	_ = 	snop  }
0x5: {  	_ = 	snop  }
0x6: {  	_ = 	snop  }
0x7: {  	_ = 	snop  }
__scs_overlays_trampoline_lowered:
0x8: {  	[smem:$0x3FA5] =	sst s0  }
0x9: {  	[smem:$0x3FA6] =	sst s1  }
0xa: {  	[smem:$0x3FA7] =	sst s2  }
0xb: {  	[smem:$0x3FA8] =	sst s3  }
0xc: {  	[smem:$0x3FA9] =	sst s4  }
0xd: {  	[smem:$0x3FAA] =	sst s5  }
0xe: {  	[smem:$0x3FAB] =	sst s6  }
0xf: {  	[smem:$0x3FAC] =	sst s7  }
0x10: {  	[smem:$0x3FAD] =	sst s8  }
0x11: {  	[smem:$0x3FAE] =	sst s9;
	s0 =	simm.s32 @!p0 $0x0  }
0x12: {  	s1 =	sld [smem:$0x3F94];
	s0 =	simm.s32 @p0 $0x1  }
0x13: {  	[smem:$0x3FAF] =	sst s0;
	s0 =	simm.s32 @!p1 $0x0  }
0x14: {  	s2 =	sld [smem:$0x3F93];
	s0 =	simm.s32 @p1 $0x1  }
0x15: {  	[smem:$0x3FB0] =	sst s0;
	s0 =	simm.s32 @!p2 $0x0  }
0x16: {  	s3 =	sld [smem:$0x3FDB];
	s0 =	simm.s32 @p2 $0x1  }
0x17: {  	s4 =	simm.s32 $0x1BF5;
	[smem:$0x3FB2] =	sst s0  }
0x18: {  	s0 =	sld [smem:$0x3F95];
	_ =	swait.ge [sflag:s4], $0x0  }
0x19: {  	s7 =	sld [smem:$0x3F96]  }
0x1a: {  	s8 =	sadd.s32 $0xFFFFE003, lr  }
0x1b: {  	s9 =	sadd.s32 $0xFFFFFEF7, lr;
	s5 =	simm.s32 $0xFFFFFFFF;
	p2 =	slt.u32 s8, $0xFFFFF086  }
0x1c: {  	p1 =	slt.u32 s9, $0xF7A;
	s5 =	simm.s32 @!p2 $0x0  }
0x1d: {  	s5 =	simm.s32 @p1 $0x1;
	p0 =	seq.s32 s7, s2  }
0x1e: {  	s7 =	smul.u32 @!p0 $0xF7A, s2;
	p2 =	seq.s32 @!p0 s5, $0x0  }
0x1f: {  	s9 =	smul.u32 $0xF7A, s1;
	s8 =	simm.s32 @!p0 $0x1BF5;
	p2 =	por !p2, p0  }
0x20: {  	[sflag:s8] =	ssyncset.s32 @!p0 $0xFFFFF086;
	s6 =	sadd.s32 @!p0 s3, s7;
	s7 =	simm.s32 @!p0 $0x108  }
0x21: {  	s3 =	sadd.s32 s3, s9;
	s6 =	sadd.s32 @!p0 $0x88, s6;
	s7 =	simm.s32 @p2 $0x1082  }
0x22: {  	[simem:s7], [sflag:s8] =	dma.local @!p0 [hbm:s6], $0xF7A  }
0x23: {  	s9 =	sor.u32 $0xD0000000, s2;
	s6 =	simm.s32 $0x108;
	_ =	swait.ge @!p0 [sflag:s8], $0x0  }
0x24: {  	s3 =	sadd.s32 $0x88, s3;
	s6 =	simm.s32 @!p1 $0x1082;
	[sflag:s4] =	ssyncset.s32 $0xFFFFF086  }
0x25: {  	[simem:s6], [sflag:s4] =	dma.local [hbm:s3], $0xF7A  }
0x26: {  	[smem:$0x3F96] =	sst s1;
	(tag) =	ssettag s2;
	_ =	strace s9  }
0x27: {  	s1 =	sld [smem:$0x3FA6]  }
0x28: {  	s2 =	sld [smem:$0x3FA7]  }
0x29: {  	s4 =	sld [smem:$0x3FA9]  }
0x2a: {  	p0 =	seq.s32 s5, $0x0;
	s5 =	sld [smem:$0x3FAA]  }
0x2b: {  	s6 =	sld [smem:$0x3FAB]  }
0x2c: {  	s7 =	sld [smem:$0x3FAC]  }
0x2d: {  	s3 =	simm.s32 $0x108;
	s8 =	sld [smem:$0x3FAD]  }
0x2e: {  	s3 =	simm.s32 @!p0 $0x1082;
	s9 =	sld [smem:$0x3FAE]  }
0x2f: {  	lr =	sadd.s32 s0, s3;
	s0 =	sld [smem:$0x3FA5]  }
0x30: {  	s3 =	sld [smem:$0x3FA8]  }
0x31: {  	[smem:$0x3FB1] =	sst s10  }
0x32: {  	s10 =	sld [smem:$0x3FAF];
	_ =	sdelay $0x3  }
0x33: {  	p0 =	seq.s32 s10, $0x1;
	s10 =	sld [smem:$0x3FB1];
	_ =	sdelay $0x3  }
0x34: {  	[smem:$0x3FB1] =	sst s10  }
0x35: {  	s10 =	sld [smem:$0x3FB0];
	_ =	sdelay $0x3  }
0x36: {  	p1 =	seq.s32 s10, $0x1;
	s10 =	sld [smem:$0x3FB1];
	_ =	sdelay $0x3  }
0x37: {  	[smem:$0x3FB1] =	sst s10  }
0x38: {  	s10 =	sld [smem:$0x3FB2]  }
0x39: {  	_ = 	snop;
	(pc) =	sbr.ind lr, $3  }
0x3a: {  	_ = 	snop  }
0x3b: {  	_ = 	snop  }
0x3c: {  	p2 =	seq.s32 s10, $0x1;
	s10 =	sld [smem:$0x3FB1]  }
0x3d: {  	_ =	shalt  }
0x3e: {  	_ =	shalt  }
0x3f: {  	_ =	shalt  }
0x40: {  	_ =	shalt  }
0x41: {  	_ =	shalt  }
0x42: {  	_ =	shalt  }
0x43: {  	_ =	shalt  }
0x44: {  	_ =	shalt  }
0x45: {  	_ =	shalt  }
0x46: {  	_ =	shalt  }
0x47: {  	_ =	shalt  }
0x48: {  	_ =	shalt  }
0x49: {  	_ =	shalt  }
0x4a: {  	_ =	shalt  }
0x4b: {  	_ =	shalt  }
0x4c: {  	_ =	shalt  }
0x4d: {  	_ =	shalt  }
0x4e: {  	_ =	shalt  }
0x4f: {  	_ =	shalt  }
0x50: {  	_ =	shalt  }
0x51: {  	_ =	shalt  }
0x52: {  	_ =	shalt  }
0x53: {  	_ =	shalt  }
0x54: {  	_ =	shalt  }
0x55: {  	_ =	shalt  }
0x56: {  	_ =	shalt  }
0x57: {  	_ =	shalt  }
0x58: {  	_ =	shalt  }
0x59: {  	_ =	shalt  }
0x5a: {  	_ =	shalt  }
0x5b: {  	_ =	shalt  }
0x5c: {  	_ =	shalt  }
0x5d: {  	_ =	shalt  }
0x5e: {  	_ =	shalt  }
0x5f: {  	_ =	shalt  }
0x60: {  	_ =	shalt  }
0x61: {  	_ =	shalt  }
0x62: {  	_ =	shalt  }
0x63: {  	_ =	shalt  }
0x64: {  	_ =	shalt  }
0x65: {  	_ =	shalt  }
0x66: {  	_ =	shalt  }
0x67: {  	_ =	shalt  }
0x68: {  	_ =	shalt  }
0x69: {  	_ =	shalt  }
0x6a: {  	_ =	shalt  }
0x6b: {  	_ =	shalt  }
0x6c: {  	_ =	shalt  }
0x6d: {  	_ =	shalt  }
0x6e: {  	_ =	shalt  }
0x6f: {  	_ =	shalt  }
0x70: {  	_ =	shalt  }
0x71: {  	_ =	shalt  }
0x72: {  	_ =	shalt  }
0x73: {  	_ =	shalt  }
0x74: {  	_ =	shalt  }
0x75: {  	_ =	shalt  }
0x76: {  	_ =	shalt  }
0x77: {  	_ =	shalt  }
0x78: {  	_ =	shalt  }
0x79: {  	_ =	shalt  }
0x7a: {  	_ =	shalt  }
0x7b: {  	_ =	shalt  }
0x7c: {  	_ =	shalt  }
0x7d: {  	_ =	shalt  }
0x7e: {  	_ =	shalt  }
0x7f: {  	_ =	shalt  }
0x80: {  	_ =	shalt  }
0x81: {  	_ =	shalt  }
0x82: {  	_ =	shalt  }
0x83: {  	_ =	shalt  }
0x84: {  	_ =	shalt  }
0x85: {  	_ =	shalt  }
0x86: {  	_ =	shalt  }
0x87: {  	_ =	shalt  }
.Lfunc_end0:
.L_simem_size_0:
called_computation_lowered:
.L_overlay_start_0:
0x88: {  	s2 =	sld [smem:$0x3FD9]  }
0x89: {  	s3 =	sld [smem:$0x3FFE];
	_ =	sdelay $0x1  }
0x8a: {  	s1 =	srdreg.scid  }
0x8b: {  	s0 =	sand.u32 $0x1, s1  }
0x8c: {  	s16 =	sshll.u32 s0, $0xA;
	s2 =	sadd.s32 s3, s2  }
0x8d: {  	s2 =	sadd.s32 s2, s16  }
0x8e: {  	[smem:$0x3FBD] =	sst s2  }
0x8f: {  	_ = 	snop  }
0x90: {  	(tm) =	ssettm $0x1  }
0x91: {  	s17 =	sld [smem:$0x3FFB];
	_ =	sdelay $0x3  }
0x92: {  	_ =	strace s17  }
0x93: {  	s2 =	sld [smem:$0x3FFC];
	_ =	sdelay $0x3  }
0x94: {  	_ =	strace s2  }
0x95: {  	s2 =	sld [smem:$0x3FFD];
	_ =	sdelay $0x3  }
0x96: {  	_ =	strace s2  }
0x97: {  	_ =	strace $0x8FFFFFFF  }
0x98: {  	s18 =	sld [smem:$0x3FDB];
	_ =	sdelay $0x1  }
0x99: {  	s19 =	simm.s32 $_scs_section_size  }
0x9a: {  	s4 =	simm.s32 $_size__tile_overlayer_lowered;
	s5 =	simm.s32 $_tile_overlayer_lowered  }
0x9b: {  	s22 =	simm.s32 $0x1BFF;
	s21 =	sshll.u32 s5, $0x1;
	s2 =	sadd.s32 s19, s18  }
0x9c: {  	s6 =	simm.s32 $0x0;
	s20 =	sshll.u32 s4, $0x1;
	s4 =	sadd.s32 s21, s2  }
0x9d: {  	[timem:s6], [sflag:s22] =	dma.local [hbm:s4], s20  }
0x9e: {  	_ =	swait.ge [sflag:s22], s20  }
0x9f: {  	s3 =	ssub.s32 $0x0, s20;
	[sflag:s22] =	ssyncset.done $0x0  }
0xa0: {  	[sflag:s22] =	ssyncadd.s32 s3;
	_ =	sdelay $0x1  }
0xa1: {  	s23 =	simm.s32 $0x1B8B  }
0xa2: {  	_ =	swait.ge [sflag:s23], $0x1  }
0xa3: {  	[sflag:s23] =	ssyncset.done $0x0  }
0xa4: {  	s25 =	simm.s32 $0x1B8E;
	s24 =	sld [smem:$0x3FFE];
	[sflag:s23] =	ssyncadd.s32 $0xFFFFFFFF  }
0xa5: {  	s26 =	simm.s32 $execute0_lowered;
	[smem:$0x3FD2] =	sst s25  }
0xa6: {  	s4 =	sshll.u32 s26, $0x1;
	_ =	strace $0x80000046;
	[dreg:$0x1] =	wrdreg $0xFFFFFFFF  }
0xa7: {  	s28 =	simm.s32 $_size_execute0_lowered;
	s2 =	sadd.s32 s2, s4;
	[dreg:$0x0] =	wrdreg $0x0  }
0xa8: {  	s4 =	sshll.u32 s28, $0x1;
	[dreg:$0x2] =	wrdreg s2  }
0xa9: {  	[dreg:$0x3] =	wrdreg s4  }
0xaa: {  	[dreg:$0x4] =	wrdreg $0xC0  }
0xab: {  	_ =	task [dreg:s6], $0x5FFFF  }
0xac: {  	[dreg:$0x1] =	wrdreg $0xFFFFFFFF  }
0xad: {  	[dreg:$0x0] =	wrdreg $0x60  }
0xae: {  	[dreg:$0x2] =	wrdreg s24  }
0xaf: {  	[dreg:$0x3] =	wrdreg $0x0  }
0xb0: {  	[dreg:$0x4] =	wrdreg $0x9  }
0xb1: {  	_ =	task.clear_ibuf [dreg:s6], $0x5FFFF;
	_ =	strace $0x90000046  }
0xb2: {  	s29 =	simm.s32 $0x9;
	_ =	strace $0x80000048  }
0xb3: {  	_ =	swait.ge [sflag:s29], $0x1  }
0xb4: {  	[sflag:s29] =	ssyncadd.s32 $0xFFFFFFFF  }
0xb5: {  	_ =	strace $0x90000048  }
0xb6: {  	_ =	sfence  }
0xb7: {  	s30 =	sld [smem:$0x0];
	_ =	sdelay $0x2  }
0xb8: {  	s31 =	sshll.u32 s1, $0xD;
	s1 =	sshrl.u32 s1, $0x2  }
0xb9: {  	s3 =	sand.u32 $0x4000, s31;
	s1 =	sadd.s32 s1, s30  }
0xba: {  	s0 =	sor.u32 s3, s0;
	s1 =	sshll.u32 s1, $0x11  }
0xbb: {  	s0 =	sor.u32 s1, s0  }
0xbc: {  	s0 =	sadd.s32 $0x8F2B, s0  }
0xbd: {  	[sflag:s0] =	ssyncadd.remote.s32 $0x1  }
0xbe: {  	_ =	sfence.sel $0xFFFF  }
0xbf: {  	[dreg:$0x0] =	wrdreg $0xFFFFFFFF;
	(pc) =	sbr.abs _section_cstart, $3  }
0xc0: {  	[dreg:$0x1] =	wrdreg $0xFFFFFFFF  }
0xc1: {  	_ =	task.clear_ibuf [dreg:s6], $0x2FFFF;
	_ =	strace $0x9FFFFFFF  }
0xc2: {  	(tm) =	ssettm $0x7FFFFFFF  }
0xc3: {  	_ =	shalt  }
tec
execute0_lowered:
.L_overlay_start_1:
0x0: {  	(tag) =	ssettag $0x1  }
0x1: {  	s5 =	rddreg [dreg:$0x0]  }
0x2: {  	s2 =	rddreg [dreg:$0x1]  }
0x3: {  	s0 =	rddreg [dreg:$0x2]  }
0x4: {  	s1 =	stileid.u32;
	s4 =	srdreg.scid;
	s3 =	simm.s32 $0x0  }
0x5: {  	s15 =	simm.s32 $0x80;
	s16 =	simm.s32 $0x5580;
	s17 =	simm.s32 $0x5600  }
0x6: {  	s19 =	simm.s32 $0x2;
	s20 =	simm.s32 $0x0;
	s6 =	smul.u32 $0x2780, s1  }
0x7: {  	s7 =	sand.u32 $0x1, s4;
	[smem:$0x7FF] =	sst s3;
	s9 =	sadd.s32 $0xCA00, s5  }
0x8: {  	s4 =	sadd.s32 $0x1B800, s5;
	s18 =	sshll.u32 s1, $0x6;
	s31 =	sshll.u32 s1, $0x4  }
0x9: {  	s8 =	smul.u32 $0x27800, s7;
	_ =	strace $0x80000047;
	s11 =	ssub.s32 $0x2, s7  }
0xa: {  	s7 =	sshll.u32 s7, $0x4;
	s10 =	sshrl.u32 s6, $0x3;
	s30 =	sshrl.u32 s11, $0x1  }
0xb: {  	s13 =	sor.u32 s1, s7;
	s14 =	sadd.s32 s6, s2;
	s8 =	sadd.s32 s6, s8  }
0xc: {  	s10 =	sadd.s32 s10, s5;
	s11 =	ssub.s32 s11, s30;
	s7 =	smul.u32 $0x4E0, s13  }
0xd: {  	s6 =	sor.u32 $0x1C01, s18;
	p0 =	sgt.u32 s13, $0x3;
	s8 =	sshrl.u32 s8, $0x3  }
0xe: {  	s13 =	simm.s32 $0x2F80;
	s18 =	sor.u32 $0x1C02, s18;
	s12 =	sadd.s32 s8, s5  }
0xf: {  	s5 =	sadd.s32 $0x16800, s10;
	s8 =	sadd.s32 s31, s9;
	s7 =	sadd.s32 s9, s7  }
0x10: {  	s10 =	smax.u32 s11, $0x1;
	s11 =	sshrl.u32 s14, $0x3;
	s14 =	simm.s32 $0x1  }
0x11: {  	s8 =	sadd.s32 $0x9C00, s8;
	s9 =	sadd.s32 $0x1BA00, s12;
	s12 =	simm.s32 $0x2780  }
.LBB2_1:
0x12: {  	[spmem:s11], [sflag:s6] =	dma.local [hbm:s5], $0x4F0  }
0x13: {  	[tilespmem:s12], [sflag:$0x1] =	stream.linear.gather [hbm4b:s4+s3], $0x800, $0x38;
	[tilespmem:$0x5700] =	vst v63  }
0x14: {  	_ = 	snop  }
0x15: {  	[tilespmem:s13], [sflag:$0x1] =	stream.linear.gather [hbm4b:s7+s3], $0x2700, $0x38;
	[tilespmem:$0x5700] =	vst v63  }
0x16: {  	s21 =	simm.s32 @!p0 $0x0;
	s22 =	simm.s32 @!p0 $0x5680  }
0x17: {  	[tilespmem:s22], [sflag:$0x2] =	stream.linear.gather @!p0 [hbm4b:s8+s21], $0x80, $0x38;
	[tilespmem:$0x5700] =	vst v63  }
0x18: {  	s21 =	simm.s32 @!p0 $0x2  }
0x19: {  	_ =	swait.ge @!p0 [sflag:s21], $0x80  }
0x1a: {  	[sflag:s21] =	ssyncset.done @!p0 $0x0  }
0x1b: {  	[sflag:s21] =	ssyncadd.s32 @!p0 $0xFFFFFF80  }
0x1c: {  	_ =	swait.ge [sflag:s14], $0x4F0  }
0x1d: {  	[sflag:s14] =	ssyncset.done $0x0  }
0x1e: {  	[sflag:s14] =	ssyncadd.s32 $0xFFFFFB10  }
0x1f: {  	_ =	swait.ge [sflag:s14], $0x800  }
0x20: {  	[sflag:s14] =	ssyncset.done $0x0  }
0x21: {  	[sflag:s14] =	ssyncadd.s32 $0xFFFFF800  }
0x22: {  	_ =	swait.ge [sflag:s14], $0x2700  }
0x23: {  	[sflag:s14] =	ssyncset.done $0x0  }
0x24: {  	[sflag:s14] =	ssyncadd.s32 $0xFFFFD900  }
0x25: {  	s28 =	simm.s32 $0x2F80;
	[bflag:$0x0] =	sbarrier.arrive $0xFFFF  }
0x26: {  	[spmem:s2] =	stream.indirect.scatter.add.f32 [tilespmem:s12], [sflag:$0x1], $0x10, s28, s15, $0xb8;
	[tilespmem:$0x5700] =	vst v63  }
0x27: {  	s29 =	simm.s32 $0x3000  }
0x28: {  	[spmem:s2] =	stream.indirect.scatter.add.f32 [tilespmem:s12], [sflag:$0x1], $0x10, s29, s15, $0xb8;
	[tilespmem:$0x5700] =	vst v63  }
0x29: {  	s30 =	simm.s32 $0x3080  }
0x2a: {  	[spmem:s2] =	stream.indirect.scatter.add.f32 [tilespmem:s12], [sflag:$0x1], $0x10, s30, s15, $0xb8;
	[tilespmem:$0x5700] =	vst v63  }
0x2b: {  	s31 =	simm.s32 $0x3100  }
0x2c: {  	[spmem:s2] =	stream.indirect.scatter.add.f32 [tilespmem:s12], [sflag:$0x1], $0x10, s31, s15, $0xb8;
	[tilespmem:$0x5700] =	vst v63  }
0x2d: {  	_ =	swait.ge [sflag:s14], $0x800  }
0x2e: {  	[sflag:s14] =	ssyncset.done $0x0  }
0x2f: {  	[sflag:s14] =	ssyncadd.s32 $0xFFFFF800  }
0x30: {  	_ =	swait.ge [sflag:s14], $0x800  }
0x31: {  	[sflag:s14] =	ssyncset.done $0x0  }
0x32: {  	[sflag:s14] =	ssyncadd.s32 $0xFFFFF800  }
0x33: {  	_ =	swait.ge [sflag:s14], $0x800  }
0x34: {  	[sflag:s14] =	ssyncset.done $0x0  }
0x35: {  	[sflag:s14] =	ssyncadd.s32 $0xFFFFF800  }
0x36: {  	_ =	swait.ge [sflag:s14], $0x800  }
0x37: {  	s22 =	simm.s32 $0x1000;
	s21 =	simm.s32 $0x200;
	[sflag:s14] =	ssyncset.done $0x0  }
.LBB2_2:
0x38: {  	s23 =	sadd.s32 $0x2F80, s21  }
0x39: {  	[sflag:s14] =	ssyncadd.s32 $0xFFFFF800;
	s24 =	smov.u32 s22;
	s25 =	sadd.s32 $0x800, s22  }
0x3a: {  	[spmem:s2] =	stream.indirect.scatter.add.f32 [tilespmem:s12], [sflag:$0x1], $0x10, s23, s15, $0xb8;
	[tilespmem:$0x5700] =	vst v63  }
0x3b: {  	p1 =	sne.s32 s22, $0x9000;
	s22 =	sadd.s32 $0x3000, s21  }
0x3c: {  	[spmem:s2] =	stream.indirect.scatter.add.f32 [tilespmem:s12], [sflag:$0x1], $0x10, s22, s15, $0xb8;
	[tilespmem:$0x5700] =	vst v63  }
0x3d: {  	s22 =	sadd.s32 $0x3080, s21  }
0x3e: {  	[spmem:s2] =	stream.indirect.scatter.add.f32 [tilespmem:s12], [sflag:$0x1], $0x10, s22, s15, $0xb8;
	[tilespmem:$0x5700] =	vst v63  }
0x3f: {  	s21 =	sadd.s32 $0x3100, s21  }
0x40: {  	[spmem:s2] =	stream.indirect.scatter.add.f32 [tilespmem:s12], [sflag:$0x1], $0x10, s21, s15, $0xb8;
	[tilespmem:$0x5700] =	vst v63  }
0x41: {  	_ =	swait.ge [sflag:s14], $0x800  }
0x42: {  	[sflag:s14] =	ssyncset.done $0x0  }
0x43: {  	[sflag:s14] =	ssyncadd.s32 $0xFFFFF800  }
0x44: {  	_ =	swait.ge [sflag:s14], $0x800  }
0x45: {  	[sflag:s14] =	ssyncset.done $0x0  }
0x46: {  	[sflag:s14] =	ssyncadd.s32 $0xFFFFF800  }
.Ltmp0:
0x47: {  	_ =	swait.ge [sflag:s14], $0x800;
	(pc) =	sbr.rel @p1 .LBB2_2-.Ltmp0, $4  }
0x48: {  	[sflag:s14] =	ssyncset.done $0x0  }
0x49: {  	[sflag:s14] =	ssyncadd.s32 $0xFFFFF800  }
0x4a: {  	_ =	swait.ge [sflag:s14], $0x800  }
0x4b: {  	s22 =	smov.u32 s25;
	s21 =	sshra.s32 s24, $0x2;
	[sflag:s14] =	ssyncset.done $0x0  }
0x4c: {  	s22 =	sadd.s32 $0x2F80, s21;
	[sflag:s14] =	ssyncadd.s32 $0xFFFFF800  }
0x4d: {  	[spmem:s2] =	stream.indirect.scatter.add.f32 [tilespmem:s12], [sflag:$0x1], $0x10, s22, s15, $0xb8;
	[tilespmem:$0x5700] =	vst v63  }
0x4e: {  	s29 =	sadd.s32 $0x3000, s21  }
0x4f: {  	[spmem:s2] =	stream.indirect.scatter.add.f32 [tilespmem:s12], [sflag:$0x1], $0x10, s29, s15, $0xb8;
	[tilespmem:$0x5700] =	vst v63  }
0x50: {  	s30 =	sadd.s32 $0x3080, s21  }
0x51: {  	[spmem:s2] =	stream.indirect.scatter.add.f32 [tilespmem:s12], [sflag:$0x1], $0x10, s30, s15, $0xb8;
	[tilespmem:$0x5700] =	vst v63  }
0x52: {  	s31 =	sadd.s32 $0x3100, s21  }
0x53: {  	[spmem:s2] =	stream.indirect.scatter.add.f32 [tilespmem:s12], [sflag:$0x1], $0x10, s31, s15, $0xb8;
	[tilespmem:$0x5700] =	vst v63  }
0x54: {  	_ =	swait.ge [sflag:s14], $0x800  }
0x55: {  	[sflag:s14] =	ssyncset.done $0x0  }
0x56: {  	[sflag:s14] =	ssyncadd.s32 $0xFFFFF800  }
0x57: {  	_ =	swait.ge [sflag:s14], $0x800  }
0x58: {  	[sflag:s14] =	ssyncset.done $0x0  }
0x59: {  	[sflag:s14] =	ssyncadd.s32 $0xFFFFF800  }
0x5a: {  	_ =	swait.ge [sflag:s14], $0x800  }
0x5b: {  	[sflag:s14] =	ssyncset.done $0x0  }
0x5c: {  	[sflag:s14] =	ssyncadd.s32 $0xFFFFF800  }
0x5d: {  	_ =	swait.ge [sflag:s14], $0x800  }
0x5e: {  	[sflag:s14] =	ssyncset.done $0x0  }
0x5f: {  	[sflag:s14] =	ssyncadd.s32 $0xFFFFF800  }
0x60: {  	[spmem:s2] =	stream.indirect.scatter.add.f32 [tilespmem:s12], [sflag:$0x1], $0x10, s16, s15, $0xb8;
	[tilespmem:$0x5700] =	vst v63  }
0x61: {  	_ = 	snop  }
0x62: {  	[spmem:s2] =	stream.indirect.scatter.add.f32 [tilespmem:s12], [sflag:$0x1], $0x10, s17, s15, $0xb8;
	[tilespmem:$0x5700] =	vst v63  }
0x63: {  	s21 =	simm.s32 @!p0 $0x80;
	s23 =	simm.s32 @!p0 $0x2780;
	s22 =	simm.s32 @!p0 $0x5680  }
0x64: {  	[spmem:s2] =	stream.indirect.scatter.add.f32 @!p0 [tilespmem:s23], [sflag:$0x1], $0x10, s22, s21, $0xb8;
	[tilespmem:$0x5700] =	vst v63  }
0x65: {  	s21 =	simm.s32 @!p0 $0x1  }
0x66: {  	_ =	swait.ge @!p0 [sflag:s21], $0x800  }
0x67: {  	[sflag:s21] =	ssyncset.done @!p0 $0x0  }
0x68: {  	[sflag:s21] =	ssyncadd.s32 @!p0 $0xFFFFF800  }
0x69: {  	_ =	swait.ge [sflag:s14], $0x800  }
0x6a: {  	[sflag:s14] =	ssyncset.done $0x0  }
0x6b: {  	[sflag:s14] =	ssyncadd.s32 $0xFFFFF800  }
0x6c: {  	_ =	swait.ge [sflag:s14], $0x800  }
0x6d: {  	s20 =	sadd.s32 $0x1, s20;
	[sflag:s14] =	ssyncset.done $0x0  }
0x6e: {  	p1 =	sne.s32 s20, s10;
	[sflag:s14] =	ssyncadd.s32 $0xFFFFF800  }
.Ltmp1:
0x6f: {  	[bflag:$0x0] =	sbarrier.arrive $0xFFFF;
	(pc) =	sbr.rel @p1 .LBB2_1-.Ltmp1, $4  }
0x70: {  	[hbm:s9], [sflag:s18] =	dma.local [spmem:s11], $0x4F0  }
0x71: {  	_ =	swait.ge [sflag:s19], $0x4F0  }
0x72: {  	[sflag:s19] =	ssyncset.done $0x0  }
0x73: {  	[sflag:s19] =	ssyncadd.s32 $0xFFFFFB10  }
0x74: {  	_ =	sfence.sel $0x180000  }
0x75: {  	[bflag:$0x0] =	sbarrier.arrive $0xFFFF  }
0x76: {  	p0 =	sne.s32 s1, $0x0;
	_ =	strace $0x90000047  }
0x77: {  	s0 =	sadd.s32 @!p0 $0x100000, s0;
	[bflag:$0x2] =	sbarrier.arrive $0xFFFF  }
0x78: {  	[sflag:s0] =	ssyncadd.tile.s32 @!p0 $0x1;
	_ =	shalt  }
.Lfunc_end2:
_tile_overlayer_lowered:
.L_overlay_start_2:
0x79: {  	(tag) =	ssettag $0x2  }
0x7a: {  	s0 =	rddreg [dreg:$0x0];
	s2 =	stileid.u32  }
0x7b: {  	s1 =	rddreg [dreg:$0x1];
	p0 =	sne.s32 s2, $0x0  }
0x7c: {  	s3 =	rddreg [dreg:$0x2];
	[bflag:$0x3] =	sbarrier.arrive $0xFFFF;
	s2 =	simm.s32 @!p0 $0x1C02  }
0x7d: {  	[timem:s3], [sflag:s2] =	dma.local @!p0 [hbm:s0], s1  }
0x7e: {  	s0 =	simm.s32 @!p0 $0x2  }
0x7f: {  	_ =	swait.ge @!p0 [sflag:s0], s1  }
0x80: {  	s1 =	ssub.s32 @!p0 $0x0, s1;
	[sflag:s0] =	ssyncset.done @!p0 $0x0  }
0x81: {  	[sflag:s0] =	ssyncadd.s32 @!p0 s1  }
0x82: {  	[bflag:$0x3] =	sbarrier.arrive $0xFFFF  }
0x83: {  	_ =	shalt  }

</sc_bundles>
